<compile_context>
chip_gen: v7x
topology: tpu7x:2x2x1
jax: 0.10.2.dev20260603
libtpu: 0.0.44.dev20260713+nightly
codegen_flags: <defaults>
</compile_context>

<pallas_src>
import functools

import jax
import jax.numpy as jnp
from jax import lax
from jax.experimental import pallas as pl
from jax.experimental.pallas import tpu as pltpu
from jax.experimental.pallas import tpu_sc as plsc

N = 10000
D = 128
E = 320000
NREL = 6

NC = 2
NS = 16
NW = NC * NS
IDXB = 128
ROWS_PER_W = 80
EDGES_PER_W = ROWS_PER_W * IDXB
E_PAD = NW * EDGES_PER_W
GROUP_ROWS = 4
GROUP_E = GROUP_ROWS * IDXB
N_GROUPS = ROWS_PER_W // GROUP_ROWS
SGROUP_ROWS = 2
SGROUP_E = SGROUP_ROWS * IDXB
SN_GROUPS = ROWS_PER_W // SGROUP_ROWS
ZROWS = 32

TE = 2048
TN = 2000
N_PAD = 10240
NPW = N_PAD // NS



def _pack_bf16(x):
    u = lax.bitcast_convert_type(x.astype(jnp.bfloat16),
                                 jnp.uint16).astype(jnp.uint32)
    w = u[:, :D // 2] | (u[:, D // 2:] << 16)
    return lax.bitcast_convert_type(w, jnp.float32)


def _unpack_bf16(x):
    w = lax.bitcast_convert_type(x, jnp.uint32)
    lo = lax.bitcast_convert_type((w & 0xFFFF).astype(jnp.uint16),
                                  jnp.bfloat16).astype(jnp.float32)
    hi = lax.bitcast_convert_type((w >> 16).astype(jnp.uint16),
                                  jnp.bfloat16).astype(jnp.float32)
    return jnp.concatenate([lo, hi], axis=1)


def _node_transform_body(h_ref, wa_ref, ga_ref, s_ref, zd_ref):
    x = h_ref[...]
    s_ref[...] = _pack_bf16(
        jnp.dot(x, wa_ref[...], preferred_element_type=jnp.float32))
    zd_ref[...] = _pack_bf16(
        jnp.dot(x, ga_ref[...], preferred_element_type=jnp.float32))


def _node_transform(h, wa, ga):
    return pl.pallas_call(
        _node_transform_body,
        grid=(N // TN,),
        in_specs=[
            pl.BlockSpec((TN, D), lambda i: (i, 0)),
            pl.BlockSpec((D, D), lambda i: (0, 0)),
            pl.BlockSpec((D, D), lambda i: (0, 0)),
        ],
        out_specs=[
            pl.BlockSpec((TN, D // 2), lambda i: (i, 0)),
            pl.BlockSpec((TN, D // 2), lambda i: (i, 0)),
        ],
        out_shape=[
            jax.ShapeDtypeStruct((N, D // 2), jnp.float32),
            jax.ShapeDtypeStruct((N, D // 2), jnp.float32),
        ],
    )(h, wa, ga)


def _gelu(x):
    return 0.5 * x * (1.0 + lax.erf(x * 0.7071067811865476))


def _edge_mlp_body(src_hbm, dst_hbm, rel_ref, reltab_ref, w2_ref, b2_ref,
                   g1b_ref, g2_ref, gb2_ref, out_ref,
                   src_v, dst_v, sems, semd):
    pid = pl.program_id(0)
    nb = pl.num_programs(0)

    def fetch(i, slot):
        pltpu.make_async_copy(src_hbm.at[pl.ds(i * TE, TE)], src_v.at[slot],
                              sems.at[slot]).start()
        pltpu.make_async_copy(dst_hbm.at[pl.ds(i * TE, TE)], dst_v.at[slot],
                              semd.at[slot]).start()

    @pl.when(pid == 0)
    def _():
        fetch(0, 0)

    @pl.when(pid + 1 < nb)
    def _():
        fetch(pid + 1, (pid + 1) % 2)

    slot = pid % 2
    pltpu.make_async_copy(src_hbm.at[pl.ds(0, TE)], src_v.at[slot],
                          sems.at[slot]).wait()
    pltpu.make_async_copy(dst_hbm.at[pl.ds(0, TE)], dst_v.at[slot],
                          semd.at[slot]).wait()

    src = _unpack_bf16(src_v[slot])
    dst = _unpack_bf16(dst_v[slot])
    rel = rel_ref[0, 0, :]
    onehot = jnp.where(
        lax.broadcasted_iota(jnp.int32, (TE, 8), 1) == rel[:, None],
        1.0, 0.0).astype(jnp.float32)
    relb = jnp.dot(onehot, reltab_ref[...],
                   preferred_element_type=jnp.float32)
    hid = _gelu(src + relb[:, :D])
    msg = jnp.dot(hid, w2_ref[...],
                  preferred_element_type=jnp.float32) + b2_ref[...]
    g1 = dst \
        + jnp.dot(msg, g1b_ref[...], preferred_element_type=jnp.float32) \
        + relb[:, D:]
    ghid = _gelu(g1)
    glog = jnp.sum(ghid * g2_ref[...], axis=1, keepdims=True) + gb2_ref[0, 0]
    out = jax.nn.sigmoid(glog) * msg
    eid = pid * TE + lax.broadcasted_iota(jnp.int32, (TE, 1), 0)
    out_ref[...] = jnp.where(eid < E, out, 0.0)


def _edge_mlp(src_g, dst_g, rel3d, reltab, w2, b2, g1b, g2row, gb2):
    return pl.pallas_call(
        _edge_mlp_body,
        grid=(E_PAD // TE,),
        in_specs=[
            pl.BlockSpec(memory_space=pl.ANY),
            pl.BlockSpec(memory_space=pl.ANY),
            pl.BlockSpec((1, 1, TE), lambda i: (i, 0, 0)),
            pl.BlockSpec((8, 2 * D), lambda i: (0, 0)),
            pl.BlockSpec((D, D), lambda i: (0, 0)),
            pl.BlockSpec((1, D), lambda i: (0, 0)),
            pl.BlockSpec((D, D), lambda i: (0, 0)),
            pl.BlockSpec((1, D), lambda i: (0, 0)),
            pl.BlockSpec((1, 1), lambda i: (0, 0), memory_space=pltpu.SMEM),
        ],
        out_specs=pl.BlockSpec((TE, D), lambda i: (i, 0)),
        out_shape=jax.ShapeDtypeStruct((E_PAD, D), jnp.float32),
        scratch_shapes=[
            pltpu.VMEM((2, TE, D // 2), jnp.float32),
            pltpu.VMEM((2, TE, D // 2), jnp.float32),
            pltpu.SemaphoreType.DMA((2,)),
            pltpu.SemaphoreType.DMA((2,)),
        ],
    )(src_g, dst_g, rel3d, reltab, w2, b2, g1b, g2row, gb2)


def _ln_body(h_ref, p0_ref, p1_ref, g_ref, b_ref, out_ref):
    x = h_ref[...] + p0_ref[...] + p1_ref[...]
    m = jnp.mean(x, axis=-1, keepdims=True)
    xc = x - m
    v = jnp.mean(xc * xc, axis=-1, keepdims=True)
    out_ref[...] = xc * lax.rsqrt(v + 1e-5) * g_ref[...] + b_ref[...]


def _residual_ln(h, p0, p1, gamma, beta):
    return pl.pallas_call(
        _ln_body,
        grid=(N // TN,),
        in_specs=[
            pl.BlockSpec((TN, D), lambda i: (i, 0)),
            pl.BlockSpec((TN, D), lambda i: (i, 0)),
            pl.BlockSpec((TN, D), lambda i: (i, 0)),
            pl.BlockSpec((1, D), lambda i: (0, 0)),
            pl.BlockSpec((1, D), lambda i: (0, 0)),
        ],
        out_specs=pl.BlockSpec((TN, D), lambda i: (i, 0)),
        out_shape=jax.ShapeDtypeStruct((N, D), jnp.float32),
    )(h, p0, p1, gamma, beta)



@functools.cache
def _sc_mesh():
    return plsc.VectorSubcoreMesh(core_axis_name="c", subcore_axis_name="s",
                                  num_cores=NC, num_subcores=NS)


KBUF = 4
NSTRIPE = N // NS


def _gather_kernel_body(s_hbm, zd_hbm, sidx_hbm, didx_hbm, srcg_hbm,
                        dstg_hbm, idxall_v, rows_v, tbl_s, tbl_z,
                        semg, semw):
    cid = lax.axis_index("c")
    sid = lax.axis_index("s")
    row0 = (cid * NS + sid) * ROWS_PER_W
    e0 = row0 * IDXB

    pltpu.sync_copy(s_hbm.at[pl.ds(sid * NSTRIPE, NSTRIPE)],
                    tbl_s.at[pl.ds(sid * NSTRIPE, NSTRIPE)])
    pltpu.sync_copy(zd_hbm.at[pl.ds(sid * NSTRIPE, NSTRIPE)],
                    tbl_z.at[pl.ds(sid * NSTRIPE, NSTRIPE)])
    plsc.subcore_barrier()

    def run(table_sh, idx2d_hbm, out_hbm):
        pltpu.sync_copy(idx2d_hbm.at[pl.ds(row0, ROWS_PER_W)], idxall_v)

        def fire_gather(step, b):
            pltpu.async_copy(table_sh.at[idxall_v.at[step]],
                             rows_v.at[b], semg.at[b])

        def wait_gather(b):
            pltpu.make_async_copy(srcg_hbm.at[pl.ds(0, IDXB)],
                                  rows_v.at[b], semg.at[b]).wait()

        def fire_wb(step, b):
            pltpu.async_copy(rows_v.at[b],
                             out_hbm.at[pl.ds(e0 + step * IDXB, IDXB)],
                             semw.at[b])

        def wait_wb(b):
            pltpu.make_async_copy(srcg_hbm.at[pl.ds(0, IDXB)],
                                  rows_v.at[b], semw.at[b]).wait()

        for b in range(KBUF):
            fire_gather(b, b)

        def body(k, carry):
            for j in range(KBUF):
                s = k * KBUF + j
                wait_gather(j)
                fire_wb(s, j)
                jp = (j - 1) % KBUF
                sp = s - 1

                @pl.when((sp >= 0) & (sp + KBUF < ROWS_PER_W))
                def _():
                    wait_wb(jp)
                    fire_gather(sp + KBUF, jp)
            return carry
        lax.fori_loop(0, ROWS_PER_W // KBUF, body, 0)

        for b in range(KBUF):
            wait_wb(b)

    run(tbl_s, sidx_hbm, srcg_hbm)
    run(tbl_z, didx_hbm, dstg_hbm)


@functools.cache
def _sc_gather_kernel():
    return pl.kernel(
        _gather_kernel_body,
        out_type=[
            jax.ShapeDtypeStruct((E_PAD, D // 2), jnp.float32),
            jax.ShapeDtypeStruct((E_PAD, D // 2), jnp.float32),
        ],
        mesh=_sc_mesh(),
        scratch_types=[
            pltpu.VMEM((ROWS_PER_W, IDXB), jnp.int32),
            pltpu.VMEM((KBUF, IDXB, D // 2), jnp.float32),
            pltpu.VMEM_SHARED((N, D // 2), jnp.float32),
            pltpu.VMEM_SHARED((N, D // 2), jnp.float32),
            pltpu.SemaphoreType.DMA((KBUF,)),
            pltpu.SemaphoreType.DMA((KBUF,)),
        ],
        compiler_params=pltpu.CompilerParams(use_tc_tiling_on_sc=False),
    )


def _sc_gather(s, zd, sidx, didx):
    return _sc_gather_kernel()(s, zd, sidx, didx)


def _scatter_kernel_body(eout_hbm, didx_hbm, out0_hbm, out1_hbm, idxall_v,
                         vals_v, zbuf_v, acc_shared, semv):
    cid = lax.axis_index("c")
    sid = lax.axis_index("s")
    wid = sid * NC + cid
    row0 = wid * ROWS_PER_W
    e0 = wid * EDGES_PER_W

    pltpu.async_copy(didx_hbm.at[pl.ds(row0, ROWS_PER_W)], idxall_v,
                     semv.at[0])

    def zrow(i, carry):
        for j in range(D // 16):
            zbuf_v[i, pl.ds(j * 16, 16)] = jnp.zeros((16,), jnp.float32)
        return carry
    lax.fori_loop(0, ZROWS, zrow, 0)
    for t in range(NPW // ZROWS):
        pltpu.sync_copy(zbuf_v,
                        acc_shared.at[pl.ds(sid * NPW + t * ZROWS, ZROWS)])
    pltpu.make_async_copy(didx_hbm.at[pl.ds(0, ROWS_PER_W)], idxall_v,
                          semv.at[0]).wait()
    plsc.subcore_barrier()

    def fire_load(step, b):
        pltpu.async_copy(eout_hbm.at[pl.ds(e0 + step * IDXB, IDXB)],
                         vals_v.at[b], semv.at[b])

    def wait_load(b):
        pltpu.make_async_copy(eout_hbm.at[pl.ds(0, IDXB)], vals_v.at[b],
                              semv.at[b]).wait()

    for b in range(2):
        fire_load(b, b)

    def group(k, carry):
        for j in range(2):
            s = 2 * k + j
            wait_load(j)
            pltpu.sync_copy(vals_v.at[j], acc_shared.at[idxall_v.at[s]],
                            add=True)

            @pl.when(s + 2 < ROWS_PER_W)
            def _():
                fire_load(s + 2, j)
        return carry
    lax.fori_loop(0, ROWS_PER_W // 2, group, 0)
    plsc.subcore_barrier()

    @pl.when(cid == 0)
    def _():
        pltpu.sync_copy(acc_shared.at[pl.ds(sid * NPW, NPW)],
                        out0_hbm.at[pl.ds(sid * NPW, NPW)])

    @pl.when(cid == 1)
    def _():
        pltpu.sync_copy(acc_shared.at[pl.ds(sid * NPW, NPW)],
                        out1_hbm.at[pl.ds(sid * NPW, NPW)])


@functools.cache
def _sc_scatter_kernel():
    return pl.kernel(
        _scatter_kernel_body,
        out_type=[
            jax.ShapeDtypeStruct((N_PAD, D), jnp.float32),
            jax.ShapeDtypeStruct((N_PAD, D), jnp.float32),
        ],
        mesh=_sc_mesh(),
        scratch_types=[
            pltpu.VMEM((ROWS_PER_W, IDXB), jnp.int32),
            pltpu.VMEM((2, IDXB, D), jnp.float32),
            pltpu.VMEM((ZROWS, D), jnp.float32),
            pltpu.VMEM_SHARED((N_PAD, D), jnp.float32),
            pltpu.SemaphoreType.DMA((2,)),
        ],
        compiler_params=pltpu.CompilerParams(use_tc_tiling_on_sc=False),
    )


def _sc_scatter(eout, didx):
    return _sc_scatter_kernel()(eout, didx)



def kernel(node_states, edge_index, rel_idx, rel_emb, msg_W1, msg_b1,
           msg_W2, msg_b2, gate_W1, gate_b1, gate_W2, gate_b2,
           ln_gamma, ln_beta):
    L = msg_W1.shape[0]

    pad = E_PAD - E
    sidx = jnp.pad(edge_index[0], (0, pad)).reshape(E_PAD // IDXB, IDXB)
    didx = jnp.pad(edge_index[1], (0, pad)).reshape(E_PAD // IDXB, IDXB)
    rel3d = jnp.pad(rel_idx, (0, pad)).reshape(E_PAD // TE, 1, TE)

    h = node_states
    for l in range(L):
        wa = msg_W1[l, :D]
        ga = gate_W1[l, :D]
        rel1 = rel_emb @ msg_W1[l, D:] + msg_b1[l]
        relg = rel_emb @ gate_W1[l, 2 * D:] + gate_b1[l]
        reltab = jnp.zeros((8, 2 * D), jnp.float32)
        reltab = reltab.at[:NREL, :D].set(rel1).at[:NREL, D:].set(relg)
        w2 = msg_W2[l]
        b2 = msg_b2[l][None, :]
        g1b = gate_W1[l, D:2 * D]
        g2row = gate_W2[l][:, 0][None, :]
        gb2 = gate_b2[l][None, :]

        s, zd = _node_transform(h, wa, ga)
        src_g, dst_g = _sc_gather(s, zd, sidx, didx)
        eout = _edge_mlp(src_g, dst_g, rel3d, reltab, w2, b2, g1b, g2row,
                         gb2)
        p0, p1 = _sc_scatter(eout, didx)
        h = _residual_ln(h, p0, p1, ln_gamma[l][None, :],
                         ln_beta[l][None, :])
    return h

# --- scband reference (transcript-rebuilt; emitter-appended) ---
"""Pipeline reference for scband-world-graph-encoder-63024350101874 (READ-ONLY COPY).

The authoritative reference and input builder live on the scoring server;
editing this copy changes nothing except your own understanding.
"""

import jax, jax.numpy as jnp
import numpy as np

N = 10000
D = 128
E = 320000
NREL = 6
L = 2

def _ln(x, g, b, eps=1e-5):
    m = x.mean(axis=-1, keepdims=True)
    v = ((x - m) ** 2).mean(axis=-1, keepdims=True)
    return (x - m) / jnp.sqrt(v + eps) * g + b

def setup_inputs(seed: int = 0) -> dict:
    key = jax.random.key(seed)
    ks = jax.random.split(key, 16)
    s = 0.02
    return {
        "node_states": jax.random.normal(ks[0], (N, D), dtype=jnp.float32),
        "edge_index": jax.random.randint(ks[1], (2, E), 0, N, dtype=jnp.int32),
        "rel_idx": jax.random.randint(ks[2], (E,), 0, NREL, dtype=jnp.int32),
        "rel_emb": jax.random.normal(ks[3], (NREL, D), dtype=jnp.float32) * s,
        "msg_W1": jax.random.normal(ks[4], (L, 2 * D, D), dtype=jnp.float32) * s,
        "msg_b1": jnp.zeros((L, D), dtype=jnp.float32),
        "msg_W2": jax.random.normal(ks[5], (L, D, D), dtype=jnp.float32) * s,
        "msg_b2": jnp.zeros((L, D), dtype=jnp.float32),
        "gate_W1": jax.random.normal(ks[6], (L, 3 * D, D), dtype=jnp.float32) * s,
        "gate_b1": jnp.zeros((L, D), dtype=jnp.float32),
        "gate_W2": jax.random.normal(ks[7], (L, D, 1), dtype=jnp.float32) * s,
        "gate_b2": jnp.zeros((L, 1), dtype=jnp.float32),
        "ln_gamma": jnp.ones((L, D), dtype=jnp.float32),
        "ln_beta": jnp.zeros((L, D), dtype=jnp.float32),
    }

def reference(node_states, edge_index, rel_idx, rel_emb, msg_W1, msg_b1, msg_W2, msg_b2, gate_W1, gate_b1, gate_W2, gate_b2, ln_gamma, ln_beta):
    src_idx = edge_index[0]
    dst_idx = edge_index[1]
    rel_states = jnp.take(rel_emb, rel_idx, axis=0)
    h = node_states
    n_layers = msg_W1.shape[0]
    for l in range(n_layers):
        src_states = jnp.take(h, src_idx, axis=0)
        dst_states = jnp.take(h, dst_idx, axis=0)
        msg_in = jnp.concatenate([src_states, rel_states], axis=-1)
        hid = jax.nn.gelu(msg_in @ msg_W1[l] + msg_b1[l], approximate=False)
        msg = hid @ msg_W2[l] + msg_b2[l]
        gate_in = jnp.concatenate([dst_states, msg, rel_states], axis=-1)
        ghid = jax.nn.gelu(gate_in @ gate_W1[l] + gate_b1[l], approximate=False)
        gate = jax.nn.sigmoid(ghid @ gate_W2[l] + gate_b2[l])
        agg = jnp.zeros_like(h).at[dst_idx].add(gate * msg)
        h = _ln(h + agg, ln_gamma[l], ln_beta[l])
    return h

if __name__ == "__main__":
    import jax
    _d = setup_inputs()
    print(jax.jit(kernel)(*tuple(_d.values())))

</pallas_src>

<mosaic_0001>
#map = affine_map<(d0, d1) -> (0, 0)>
module attributes {stable_mosaic.version = 14 : i64} {
  func.func @_scatter_kernel_body(%arg0: i32, %arg1: i32, %arg2: memref<327680x128xf32, #tpu.memory_space<hbm>>, %arg3: memref<2560x128xi32, #tpu.memory_space<hbm>>, %arg4: memref<10240x128xf32, #tpu.memory_space<hbm>>, %arg5: memref<10240x128xf32, #tpu.memory_space<hbm>>, %arg6: memref<80x128xi32, #tpu.memory_space<vmem>>, %arg7: memref<2x128x128xf32, #tpu.memory_space<vmem>>, %arg8: memref<32x128xf32, #tpu.memory_space<vmem>>, %arg9: memref<10240x128xf32, #tpu.memory_space<vmem_shared>>, %arg10: memref<2x!tpu.dma_semaphore, #tpu.memory_space<semaphore_mem>>) attributes {dimension_semantics = [#tpu.dimension_semantics<core_parallel>, #tpu.dimension_semantics<subcore_parallel>], iteration_bounds = array<i64: 2, 16>, scalar_prefetch = 0 : i64, scratch_operands = 5 : i64, tpu.core_type = #tpu.core_type<sc_vector_subcore>, window_params = [{transform_indices = #map}, {transform_indices = #map}, {transform_indices = #map}, {transform_indices = #map}]} {
    %mul3A = arith.constant 2 : i32
    %mul3A_0 = arith.muli %arg1, %mul3A : i32
    %add3A = arith.addi %mul3A_0, %arg0 : i32
    %mul3A_1 = arith.constant 80 : i32
    %mul3A_2 = arith.muli %add3A, %mul3A_1 : i32
    %mul3A_3 = arith.constant 10240 : i32
    %mul3A_4 = arith.muli %add3A, %mul3A_3 : i32
    %dma_start3A = arith.constant 0 : i32
    %dma_start3A_5 = arith.constant 0 : i32
    %dma_start3A_6 = tpu.memref_slice %arg3[%mul3A_2, %dma_start3A_5] : memref<2560x128xi32, #tpu.memory_space<hbm>> -> memref<80x128xi32, #tpu.memory_space<hbm>>
    %dma_start3A_7 = tpu.memref_slice %arg10[%dma_start3A] : memref<2x!tpu.dma_semaphore, #tpu.memory_space<semaphore_mem>> -> memref<1x!tpu.dma_semaphore, #tpu.memory_space<semaphore_mem>>
    %dma_start3A_8 = tpu.memref_squeeze %dma_start3A_7 : memref<1x!tpu.dma_semaphore, #tpu.memory_space<semaphore_mem>> -> memref<!tpu.dma_semaphore, #tpu.memory_space<semaphore_mem>>
    %dma_start3A_9 = arith.constant 0 : i32
    %dma_start3A_10 = tpu.memref_slice %arg3[%mul3A_2, %dma_start3A_9] : memref<2560x128xi32, #tpu.memory_space<hbm>> -> memref<80x128xi32, #tpu.memory_space<hbm>>
    tpu.enqueue_dma source(%dma_start3A_10 : memref<80x128xi32, #tpu.memory_space<hbm>>) target(%arg6 : memref<80x128xi32, #tpu.memory_space<vmem>>) target_semaphore(%dma_start3A_8 : memref<!tpu.dma_semaphore, #tpu.memory_space<semaphore_mem>>)
    %scan3A = arith.constant 0 : i32
    %scan3A_11 = arith.constant 0 : i32
    %scan3A_12 = arith.constant 32 : i32
    %scan3A_13 = arith.addi %scan3A_11, %scan3A_12 : i32
    %scan3A_14 = arith.constant 1 : i32
    scf.for %scan3A_154 = %scan3A_11 to %scan3A_13 step %scan3A_14  : i32 {
      %broadcast_in_dim3A = arith.constant 0.000000e+00 : f32
      %broadcast_in_dim3A_155 = vector.broadcast %broadcast_in_dim3A : f32 to vector<16xf32>
      %swap3A = arith.index_cast %scan3A_154 : i32 to index
      %swap3A_156 = arith.constant 0 : index
      %swap3A_157 = tpu.vector_load %arg8[%swap3A, %swap3A_156] {strides = array<i32>} : memref<32x128xf32, #tpu.memory_space<vmem>>, vector<1x16xf32>,
      %swap3A_158 = vector.shape_cast %swap3A_157 : vector<1x16xf32> to vector<16xf32>
      %swap3A_159 = vector.shape_cast %broadcast_in_dim3A_155 : vector<16xf32> to vector<1x16xf32>
      tpu.vector_store %arg8[%swap3A, %swap3A_156], %swap3A_159 {strides = array<i32>} : memref<32x128xf32, #tpu.memory_space<vmem>>, vector<1x16xf32>,
      %broadcast_in_dim3A_160 = arith.constant 0.000000e+00 : f32
      %broadcast_in_dim3A_161 = vector.broadcast %broadcast_in_dim3A_160 : f32 to vector<16xf32>
      %swap3A_162 = arith.index_cast %scan3A_154 : i32 to index
      %swap3A_163 = arith.constant 16 : index
      %swap3A_164 = tpu.vector_load %arg8[%swap3A_162, %swap3A_163] {strides = array<i32>} : memref<32x128xf32, #tpu.memory_space<vmem>>, vector<1x16xf32>,
      %swap3A_165 = vector.shape_cast %swap3A_164 : vector<1x16xf32> to vector<16xf32>
      %swap3A_166 = vector.shape_cast %broadcast_in_dim3A_161 : vector<16xf32> to vector<1x16xf32>
      tpu.vector_store %arg8[%swap3A_162, %swap3A_163], %swap3A_166 {strides = array<i32>} : memref<32x128xf32, #tpu.memory_space<vmem>>, vector<1x16xf32>,
      %broadcast_in_dim3A_167 = arith.constant 0.000000e+00 : f32
      %broadcast_in_dim3A_168 = vector.broadcast %broadcast_in_dim3A_167 : f32 to vector<16xf32>
      %swap3A_169 = arith.index_cast %scan3A_154 : i32 to index
      %swap3A_170 = arith.constant 32 : index
      %swap3A_171 = tpu.vector_load %arg8[%swap3A_169, %swap3A_170] {strides = array<i32>} : memref<32x128xf32, #tpu.memory_space<vmem>>, vector<1x16xf32>,
      %swap3A_172 = vector.shape_cast %swap3A_171 : vector<1x16xf32> to vector<16xf32>
      %swap3A_173 = vector.shape_cast %broadcast_in_dim3A_168 : vector<16xf32> to vector<1x16xf32>
      tpu.vector_store %arg8[%swap3A_169, %swap3A_170], %swap3A_173 {strides = array<i32>} : memref<32x128xf32, #tpu.memory_space<vmem>>, vector<1x16xf32>,
      %broadcast_in_dim3A_174 = arith.constant 0.000000e+00 : f32
      %broadcast_in_dim3A_175 = vector.broadcast %broadcast_in_dim3A_174 : f32 to vector<16xf32>
      %swap3A_176 = arith.index_cast %scan3A_154 : i32 to index
      %swap3A_177 = arith.constant 48 : index
      %swap3A_178 = tpu.vector_load %arg8[%swap3A_176, %swap3A_177] {strides = array<i32>} : memref<32x128xf32, #tpu.memory_space<vmem>>, vector<1x16xf32>,
      %swap3A_179 = vector.shape_cast %swap3A_178 : vector<1x16xf32> to vector<16xf32>
      %swap3A_180 = vector.shape_cast %broadcast_in_dim3A_175 : vector<16xf32> to vector<1x16xf32>
      tpu.vector_store %arg8[%swap3A_176, %swap3A_177], %swap3A_180 {strides = array<i32>} : memref<32x128xf32, #tpu.memory_space<vmem>>, vector<1x16xf32>,
      %broadcast_in_dim3A_181 = arith.constant 0.000000e+00 : f32
      %broadcast_in_dim3A_182 = vector.broadcast %broadcast_in_dim3A_181 : f32 to vector<16xf32>
      %swap3A_183 = arith.index_cast %scan3A_154 : i32 to index
      %swap3A_184 = arith.constant 64 : index
      %swap3A_185 = tpu.vector_load %arg8[%swap3A_183, %swap3A_184] {strides = array<i32>} : memref<32x128xf32, #tpu.memory_space<vmem>>, vector<1x16xf32>,
      %swap3A_186 = vector.shape_cast %swap3A_185 : vector<1x16xf32> to vector<16xf32>
      %swap3A_187 = vector.shape_cast %broadcast_in_dim3A_182 : vector<16xf32> to vector<1x16xf32>
      tpu.vector_store %arg8[%swap3A_183, %swap3A_184], %swap3A_187 {strides = array<i32>} : memref<32x128xf32, #tpu.memory_space<vmem>>, vector<1x16xf32>,
      %broadcast_in_dim3A_188 = arith.constant 0.000000e+00 : f32
      %broadcast_in_dim3A_189 = vector.broadcast %broadcast_in_dim3A_188 : f32 to vector<16xf32>
      %swap3A_190 = arith.index_cast %scan3A_154 : i32 to index
      %swap3A_191 = arith.constant 80 : index
      %swap3A_192 = tpu.vector_load %arg8[%swap3A_190, %swap3A_191] {strides = array<i32>} : memref<32x128xf32, #tpu.memory_space<vmem>>, vector<1x16xf32>,
      %swap3A_193 = vector.shape_cast %swap3A_192 : vector<1x16xf32> to vector<16xf32>
      %swap3A_194 = vector.shape_cast %broadcast_in_dim3A_189 : vector<16xf32> to vector<1x16xf32>
      tpu.vector_store %arg8[%swap3A_190, %swap3A_191], %swap3A_194 {strides = array<i32>} : memref<32x128xf32, #tpu.memory_space<vmem>>, vector<1x16xf32>,
      %broadcast_in_dim3A_195 = arith.constant 0.000000e+00 : f32
      %broadcast_in_dim3A_196 = vector.broadcast %broadcast_in_dim3A_195 : f32 to vector<16xf32>
      %swap3A_197 = arith.index_cast %scan3A_154 : i32 to index
      %swap3A_198 = arith.constant 96 : index
      %swap3A_199 = tpu.vector_load %arg8[%swap3A_197, %swap3A_198] {strides = array<i32>} : memref<32x128xf32, #tpu.memory_space<vmem>>, vector<1x16xf32>,
      %swap3A_200 = vector.shape_cast %swap3A_199 : vector<1x16xf32> to vector<16xf32>
      %swap3A_201 = vector.shape_cast %broadcast_in_dim3A_196 : vector<16xf32> to vector<1x16xf32>
      tpu.vector_store %arg8[%swap3A_197, %swap3A_198], %swap3A_201 {strides = array<i32>} : memref<32x128xf32, #tpu.memory_space<vmem>>, vector<1x16xf32>,
      %broadcast_in_dim3A_202 = arith.constant 0.000000e+00 : f32
      %broadcast_in_dim3A_203 = vector.broadcast %broadcast_in_dim3A_202 : f32 to vector<16xf32>
      %swap3A_204 = arith.index_cast %scan3A_154 : i32 to index
      %swap3A_205 = arith.constant 112 : index
      %swap3A_206 = tpu.vector_load %arg8[%swap3A_204, %swap3A_205] {strides = array<i32>} : memref<32x128xf32, #tpu.memory_space<vmem>>, vector<1x16xf32>,
      %swap3A_207 = vector.shape_cast %swap3A_206 : vector<1x16xf32> to vector<16xf32>
      %swap3A_208 = vector.shape_cast %broadcast_in_dim3A_203 : vector<16xf32> to vector<1x16xf32>
      tpu.vector_store %arg8[%swap3A_204, %swap3A_205], %swap3A_208 {strides = array<i32>} : memref<32x128xf32, #tpu.memory_space<vmem>>, vector<1x16xf32>,
    }
    %scan3A_15 = arith.constant 32 : i32
    %mul3A_16 = arith.constant 640 : i32
    %mul3A_17 = arith.muli %arg1, %mul3A_16 : i32
    %add3A_18 = arith.constant 0 : i32
    %add3A_19 = arith.addi %mul3A_17, %add3A_18 : i32
    "tpu.region"() ({
      %run_scoped3A = tpu.sem_alloc : memref<!tpu.dma_semaphore, #tpu.memory_space<semaphore_mem>>
      %dma_start3A_154 = arith.constant 0 : i32
      %dma_start3A_155 = tpu.memref_slice %arg9[%add3A_19, %dma_start3A_154] : memref<10240x128xf32, #tpu.memory_space<vmem_shared>> -> memref<32x128xf32, #tpu.memory_space<vmem_shared>>
      %dma_start3A_156 = arith.constant 0 : i32
      %dma_start3A_157 = tpu.memref_slice %arg9[%add3A_19, %dma_start3A_156] : memref<10240x128xf32, #tpu.memory_space<vmem_shared>> -> memref<32x128xf32, #tpu.memory_space<vmem_shared>>
      tpu.enqueue_dma source(%arg8 : memref<32x128xf32, #tpu.memory_space<vmem>>) target(%dma_start3A_157 : memref<32x128xf32, #tpu.memory_space<vmem_shared>>) target_semaphore(%run_scoped3A : memref<!tpu.dma_semaphore, #tpu.memory_space<semaphore_mem>>)
      %dma_wait3A_158 = arith.constant 0 : i32
      %dma_wait3A_159 = tpu.memref_slice %arg9[%add3A_19, %dma_wait3A_158] : memref<10240x128xf32, #tpu.memory_space<vmem_shared>> -> memref<32x128xf32, #tpu.memory_space<vmem_shared>>
      %dma_wait3A_160 = arith.constant 0 : i32
      %dma_wait3A_161 = tpu.memref_slice %arg9[%add3A_19, %dma_wait3A_160] : memref<10240x128xf32, #tpu.memory_space<vmem_shared>> -> memref<32x128xf32, #tpu.memory_space<vmem_shared>>
      tpu.wait_dma2 semaphore(%run_scoped3A : memref<!tpu.dma_semaphore, #tpu.memory_space<semaphore_mem>>) src(%arg8 : memref<32x128xf32, #tpu.memory_space<vmem>>) dst(%dma_wait3A_161 : memref<32x128xf32, #tpu.memory_space<vmem_shared>>)
      tpu.yield
    }) : () -> ()
    %mul3A_20 = arith.constant 640 : i32
    %mul3A_21 = arith.muli %arg1, %mul3A_20 : i32
    %add3A_22 = arith.constant 32 : i32
    %add3A_23 = arith.addi %mul3A_21, %add3A_22 : i32
    "tpu.region"() ({
      %run_scoped3A = tpu.sem_alloc : memref<!tpu.dma_semaphore, #tpu.memory_space<semaphore_mem>>
      %dma_start3A_154 = arith.constant 0 : i32
      %dma_start3A_155 = tpu.memref_slice %arg9[%add3A_23, %dma_start3A_154] : memref<10240x128xf32, #tpu.memory_space<vmem_shared>> -> memref<32x128xf32, #tpu.memory_space<vmem_shared>>
      %dma_start3A_156 = arith.constant 0 : i32
      %dma_start3A_157 = tpu.memref_slice %arg9[%add3A_23, %dma_start3A_156] : memref<10240x128xf32, #tpu.memory_space<vmem_shared>> -> memref<32x128xf32, #tpu.memory_space<vmem_shared>>
      tpu.enqueue_dma source(%arg8 : memref<32x128xf32, #tpu.memory_space<vmem>>) target(%dma_start3A_157 : memref<32x128xf32, #tpu.memory_space<vmem_shared>>) target_semaphore(%run_scoped3A : memref<!tpu.dma_semaphore, #tpu.memory_space<semaphore_mem>>)
      %dma_wait3A_158 = arith.constant 0 : i32
      %dma_wait3A_159 = tpu.memref_slice %arg9[%add3A_23, %dma_wait3A_158] : memref<10240x128xf32, #tpu.memory_space<vmem_shared>> -> memref<32x128xf32, #tpu.memory_space<vmem_shared>>
      %dma_wait3A_160 = arith.constant 0 : i32
      %dma_wait3A_161 = tpu.memref_slice %arg9[%add3A_23, %dma_wait3A_160] : memref<10240x128xf32, #tpu.memory_space<vmem_shared>> -> memref<32x128xf32, #tpu.memory_space<vmem_shared>>
      tpu.wait_dma2 semaphore(%run_scoped3A : memref<!tpu.dma_semaphore, #tpu.memory_space<semaphore_mem>>) src(%arg8 : memref<32x128xf32, #tpu.memory_space<vmem>>) dst(%dma_wait3A_161 : memref<32x128xf32, #tpu.memory_space<vmem_shared>>)
      tpu.yield
    }) : () -> ()
    %mul3A_24 = arith.constant 640 : i32
    %mul3A_25 = arith.muli %arg1, %mul3A_24 : i32
    %add3A_26 = arith.constant 64 : i32
    %add3A_27 = arith.addi %mul3A_25, %add3A_26 : i32
    "tpu.region"() ({
      %run_scoped3A = tpu.sem_alloc : memref<!tpu.dma_semaphore, #tpu.memory_space<semaphore_mem>>
      %dma_start3A_154 = arith.constant 0 : i32
      %dma_start3A_155 = tpu.memref_slice %arg9[%add3A_27, %dma_start3A_154] : memref<10240x128xf32, #tpu.memory_space<vmem_shared>> -> memref<32x128xf32, #tpu.memory_space<vmem_shared>>
      %dma_start3A_156 = arith.constant 0 : i32
      %dma_start3A_157 = tpu.memref_slice %arg9[%add3A_27, %dma_start3A_156] : memref<10240x128xf32, #tpu.memory_space<vmem_shared>> -> memref<32x128xf32, #tpu.memory_space<vmem_shared>>
      tpu.enqueue_dma source(%arg8 : memref<32x128xf32, #tpu.memory_space<vmem>>) target(%dma_start3A_157 : memref<32x128xf32, #tpu.memory_space<vmem_shared>>) target_semaphore(%run_scoped3A : memref<!tpu.dma_semaphore, #tpu.memory_space<semaphore_mem>>)
      %dma_wait3A_158 = arith.constant 0 : i32
      %dma_wait3A_159 = tpu.memref_slice %arg9[%add3A_27, %dma_wait3A_158] : memref<10240x128xf32, #tpu.memory_space<vmem_shared>> -> memref<32x128xf32, #tpu.memory_space<vmem_shared>>
      %dma_wait3A_160 = arith.constant 0 : i32
      %dma_wait3A_161 = tpu.memref_slice %arg9[%add3A_27, %dma_wait3A_160] : memref<10240x128xf32, #tpu.memory_space<vmem_shared>> -> memref<32x128xf32, #tpu.memory_space<vmem_shared>>
      tpu.wait_dma2 semaphore(%run_scoped3A : memref<!tpu.dma_semaphore, #tpu.memory_space<semaphore_mem>>) src(%arg8 : memref<32x128xf32, #tpu.memory_space<vmem>>) dst(%dma_wait3A_161 : memref<32x128xf32, #tpu.memory_space<vmem_shared>>)
      tpu.yield
    }) : () -> ()
    %mul3A_28 = arith.constant 640 : i32
    %mul3A_29 = arith.muli %arg1, %mul3A_28 : i32
    %add3A_30 = arith.constant 96 : i32
    %add3A_31 = arith.addi %mul3A_29, %add3A_30 : i32
    "tpu.region"() ({
      %run_scoped3A = tpu.sem_alloc : memref<!tpu.dma_semaphore, #tpu.memory_space<semaphore_mem>>
      %dma_start3A_154 = arith.constant 0 : i32
      %dma_start3A_155 = tpu.memref_slice %arg9[%add3A_31, %dma_start3A_154] : memref<10240x128xf32, #tpu.memory_space<vmem_shared>> -> memref<32x128xf32, #tpu.memory_space<vmem_shared>>
      %dma_start3A_156 = arith.constant 0 : i32
      %dma_start3A_157 = tpu.memref_slice %arg9[%add3A_31, %dma_start3A_156] : memref<10240x128xf32, #tpu.memory_space<vmem_shared>> -> memref<32x128xf32, #tpu.memory_space<vmem_shared>>
      tpu.enqueue_dma source(%arg8 : memref<32x128xf32, #tpu.memory_space<vmem>>) target(%dma_start3A_157 : memref<32x128xf32, #tpu.memory_space<vmem_shared>>) target_semaphore(%run_scoped3A : memref<!tpu.dma_semaphore, #tpu.memory_space<semaphore_mem>>)
      %dma_wait3A_158 = arith.constant 0 : i32
      %dma_wait3A_159 = tpu.memref_slice %arg9[%add3A_31, %dma_wait3A_158] : memref<10240x128xf32, #tpu.memory_space<vmem_shared>> -> memref<32x128xf32, #tpu.memory_space<vmem_shared>>
      %dma_wait3A_160 = arith.constant 0 : i32
      %dma_wait3A_161 = tpu.memref_slice %arg9[%add3A_31, %dma_wait3A_160] : memref<10240x128xf32, #tpu.memory_space<vmem_shared>> -> memref<32x128xf32, #tpu.memory_space<vmem_shared>>
      tpu.wait_dma2 semaphore(%run_scoped3A : memref<!tpu.dma_semaphore, #tpu.memory_space<semaphore_mem>>) src(%arg8 : memref<32x128xf32, #tpu.memory_space<vmem>>) dst(%dma_wait3A_161 : memref<32x128xf32, #tpu.memory_space<vmem_shared>>)
      tpu.yield
    }) : () -> ()
    %mul3A_32 = arith.constant 640 : i32
    %mul3A_33 = arith.muli %arg1, %mul3A_32 : i32
    %add3A_34 = arith.constant 128 : i32
    %add3A_35 = arith.addi %mul3A_33, %add3A_34 : i32
    "tpu.region"() ({
      %run_scoped3A = tpu.sem_alloc : memref<!tpu.dma_semaphore, #tpu.memory_space<semaphore_mem>>
      %dma_start3A_154 = arith.constant 0 : i32
      %dma_start3A_155 = tpu.memref_slice %arg9[%add3A_35, %dma_start3A_154] : memref<10240x128xf32, #tpu.memory_space<vmem_shared>> -> memref<32x128xf32, #tpu.memory_space<vmem_shared>>
      %dma_start3A_156 = arith.constant 0 : i32
      %dma_start3A_157 = tpu.memref_slice %arg9[%add3A_35, %dma_start3A_156] : memref<10240x128xf32, #tpu.memory_space<vmem_shared>> -> memref<32x128xf32, #tpu.memory_space<vmem_shared>>
      tpu.enqueue_dma source(%arg8 : memref<32x128xf32, #tpu.memory_space<vmem>>) target(%dma_start3A_157 : memref<32x128xf32, #tpu.memory_space<vmem_shared>>) target_semaphore(%run_scoped3A : memref<!tpu.dma_semaphore, #tpu.memory_space<semaphore_mem>>)
      %dma_wait3A_158 = arith.constant 0 : i32
      %dma_wait3A_159 = tpu.memref_slice %arg9[%add3A_35, %dma_wait3A_158] : memref<10240x128xf32, #tpu.memory_space<vmem_shared>> -> memref<32x128xf32, #tpu.memory_space<vmem_shared>>
      %dma_wait3A_160 = arith.constant 0 : i32
      %dma_wait3A_161 = tpu.memref_slice %arg9[%add3A_35, %dma_wait3A_160] : memref<10240x128xf32, #tpu.memory_space<vmem_shared>> -> memref<32x128xf32, #tpu.memory_space<vmem_shared>>
      tpu.wait_dma2 semaphore(%run_scoped3A : memref<!tpu.dma_semaphore, #tpu.memory_space<semaphore_mem>>) src(%arg8 : memref<32x128xf32, #tpu.memory_space<vmem>>) dst(%dma_wait3A_161 : memref<32x128xf32, #tpu.memory_space<vmem_shared>>)
      tpu.yield
    }) : () -> ()
    %mul3A_36 = arith.constant 640 : i32
    %mul3A_37 = arith.muli %arg1, %mul3A_36 : i32
    %add3A_38 = arith.constant 160 : i32
    %add3A_39 = arith.addi %mul3A_37, %add3A_38 : i32
    "tpu.region"() ({
      %run_scoped3A = tpu.sem_alloc : memref<!tpu.dma_semaphore, #tpu.memory_space<semaphore_mem>>
      %dma_start3A_154 = arith.constant 0 : i32
      %dma_start3A_155 = tpu.memref_slice %arg9[%add3A_39, %dma_start3A_154] : memref<10240x128xf32, #tpu.memory_space<vmem_shared>> -> memref<32x128xf32, #tpu.memory_space<vmem_shared>>
      %dma_start3A_156 = arith.constant 0 : i32
      %dma_start3A_157 = tpu.memref_slice %arg9[%add3A_39, %dma_start3A_156] : memref<10240x128xf32, #tpu.memory_space<vmem_shared>> -> memref<32x128xf32, #tpu.memory_space<vmem_shared>>
      tpu.enqueue_dma source(%arg8 : memref<32x128xf32, #tpu.memory_space<vmem>>) target(%dma_start3A_157 : memref<32x128xf32, #tpu.memory_space<vmem_shared>>) target_semaphore(%run_scoped3A : memref<!tpu.dma_semaphore, #tpu.memory_space<semaphore_mem>>)
      %dma_wait3A_158 = arith.constant 0 : i32
      %dma_wait3A_159 = tpu.memref_slice %arg9[%add3A_39, %dma_wait3A_158] : memref<10240x128xf32, #tpu.memory_space<vmem_shared>> -> memref<32x128xf32, #tpu.memory_space<vmem_shared>>
      %dma_wait3A_160 = arith.constant 0 : i32
      %dma_wait3A_161 = tpu.memref_slice %arg9[%add3A_39, %dma_wait3A_160] : memref<10240x128xf32, #tpu.memory_space<vmem_shared>> -> memref<32x128xf32, #tpu.memory_space<vmem_shared>>
      tpu.wait_dma2 semaphore(%run_scoped3A : memref<!tpu.dma_semaphore, #tpu.memory_space<semaphore_mem>>) src(%arg8 : memref<32x128xf32, #tpu.memory_space<vmem>>) dst(%dma_wait3A_161 : memref<32x128xf32, #tpu.memory_space<vmem_shared>>)
      tpu.yield
    }) : () -> ()
    %mul3A_40 = arith.constant 640 : i32
    %mul3A_41 = arith.muli %arg1, %mul3A_40 : i32
    %add3A_42 = arith.constant 192 : i32
    %add3A_43 = arith.addi %mul3A_41, %add3A_42 : i32
    "tpu.region"() ({
      %run_scoped3A = tpu.sem_alloc : memref<!tpu.dma_semaphore, #tpu.memory_space<semaphore_mem>>
      %dma_start3A_154 = arith.constant 0 : i32
      %dma_start3A_155 = tpu.memref_slice %arg9[%add3A_43, %dma_start3A_154] : memref<10240x128xf32, #tpu.memory_space<vmem_shared>> -> memref<32x128xf32, #tpu.memory_space<vmem_shared>>
      %dma_start3A_156 = arith.constant 0 : i32
      %dma_start3A_157 = tpu.memref_slice %arg9[%add3A_43, %dma_start3A_156] : memref<10240x128xf32, #tpu.memory_space<vmem_shared>> -> memref<32x128xf32, #tpu.memory_space<vmem_shared>>
      tpu.enqueue_dma source(%arg8 : memref<32x128xf32, #tpu.memory_space<vmem>>) target(%dma_start3A_157 : memref<32x128xf32, #tpu.memory_space<vmem_shared>>) target_semaphore(%run_scoped3A : memref<!tpu.dma_semaphore, #tpu.memory_space<semaphore_mem>>)
      %dma_wait3A_158 = arith.constant 0 : i32
      %dma_wait3A_159 = tpu.memref_slice %arg9[%add3A_43, %dma_wait3A_158] : memref<10240x128xf32, #tpu.memory_space<vmem_shared>> -> memref<32x128xf32, #tpu.memory_space<vmem_shared>>
      %dma_wait3A_160 = arith.constant 0 : i32
      %dma_wait3A_161 = tpu.memref_slice %arg9[%add3A_43, %dma_wait3A_160] : memref<10240x128xf32, #tpu.memory_space<vmem_shared>> -> memref<32x128xf32, #tpu.memory_space<vmem_shared>>
      tpu.wait_dma2 semaphore(%run_scoped3A : memref<!tpu.dma_semaphore, #tpu.memory_space<semaphore_mem>>) src(%arg8 : memref<32x128xf32, #tpu.memory_space<vmem>>) dst(%dma_wait3A_161 : memref<32x128xf32, #tpu.memory_space<vmem_shared>>)
      tpu.yield
    }) : () -> ()
    %mul3A_44 = arith.constant 640 : i32
    %mul3A_45 = arith.muli %arg1, %mul3A_44 : i32
    %add3A_46 = arith.constant 224 : i32
    %add3A_47 = arith.addi %mul3A_45, %add3A_46 : i32
    "tpu.region"() ({
      %run_scoped3A = tpu.sem_alloc : memref<!tpu.dma_semaphore, #tpu.memory_space<semaphore_mem>>
      %dma_start3A_154 = arith.constant 0 : i32
      %dma_start3A_155 = tpu.memref_slice %arg9[%add3A_47, %dma_start3A_154] : memref<10240x128xf32, #tpu.memory_space<vmem_shared>> -> memref<32x128xf32, #tpu.memory_space<vmem_shared>>
      %dma_start3A_156 = arith.constant 0 : i32
      %dma_start3A_157 = tpu.memref_slice %arg9[%add3A_47, %dma_start3A_156] : memref<10240x128xf32, #tpu.memory_space<vmem_shared>> -> memref<32x128xf32, #tpu.memory_space<vmem_shared>>
      tpu.enqueue_dma source(%arg8 : memref<32x128xf32, #tpu.memory_space<vmem>>) target(%dma_start3A_157 : memref<32x128xf32, #tpu.memory_space<vmem_shared>>) target_semaphore(%run_scoped3A : memref<!tpu.dma_semaphore, #tpu.memory_space<semaphore_mem>>)
      %dma_wait3A_158 = arith.constant 0 : i32
      %dma_wait3A_159 = tpu.memref_slice %arg9[%add3A_47, %dma_wait3A_158] : memref<10240x128xf32, #tpu.memory_space<vmem_shared>> -> memref<32x128xf32, #tpu.memory_space<vmem_shared>>
      %dma_wait3A_160 = arith.constant 0 : i32
      %dma_wait3A_161 = tpu.memref_slice %arg9[%add3A_47, %dma_wait3A_160] : memref<10240x128xf32, #tpu.memory_space<vmem_shared>> -> memref<32x128xf32, #tpu.memory_space<vmem_shared>>
      tpu.wait_dma2 semaphore(%run_scoped3A : memref<!tpu.dma_semaphore, #tpu.memory_space<semaphore_mem>>) src(%arg8 : memref<32x128xf32, #tpu.memory_space<vmem>>) dst(%dma_wait3A_161 : memref<32x128xf32, #tpu.memory_space<vmem_shared>>)
      tpu.yield
    }) : () -> ()
    %mul3A_48 = arith.constant 640 : i32
    %mul3A_49 = arith.muli %arg1, %mul3A_48 : i32
    %add3A_50 = arith.constant 256 : i32
    %add3A_51 = arith.addi %mul3A_49, %add3A_50 : i32
    "tpu.region"() ({
      %run_scoped3A = tpu.sem_alloc : memref<!tpu.dma_semaphore, #tpu.memory_space<semaphore_mem>>
      %dma_start3A_154 = arith.constant 0 : i32
      %dma_start3A_155 = tpu.memref_slice %arg9[%add3A_51, %dma_start3A_154] : memref<10240x128xf32, #tpu.memory_space<vmem_shared>> -> memref<32x128xf32, #tpu.memory_space<vmem_shared>>
      %dma_start3A_156 = arith.constant 0 : i32
      %dma_start3A_157 = tpu.memref_slice %arg9[%add3A_51, %dma_start3A_156] : memref<10240x128xf32, #tpu.memory_space<vmem_shared>> -> memref<32x128xf32, #tpu.memory_space<vmem_shared>>
      tpu.enqueue_dma source(%arg8 : memref<32x128xf32, #tpu.memory_space<vmem>>) target(%dma_start3A_157 : memref<32x128xf32, #tpu.memory_space<vmem_shared>>) target_semaphore(%run_scoped3A : memref<!tpu.dma_semaphore, #tpu.memory_space<semaphore_mem>>)
      %dma_wait3A_158 = arith.constant 0 : i32
      %dma_wait3A_159 = tpu.memref_slice %arg9[%add3A_51, %dma_wait3A_158] : memref<10240x128xf32, #tpu.memory_space<vmem_shared>> -> memref<32x128xf32, #tpu.memory_space<vmem_shared>>
      %dma_wait3A_160 = arith.constant 0 : i32
      %dma_wait3A_161 = tpu.memref_slice %arg9[%add3A_51, %dma_wait3A_160] : memref<10240x128xf32, #tpu.memory_space<vmem_shared>> -> memref<32x128xf32, #tpu.memory_space<vmem_shared>>
      tpu.wait_dma2 semaphore(%run_scoped3A : memref<!tpu.dma_semaphore, #tpu.memory_space<semaphore_mem>>) src(%arg8 : memref<32x128xf32, #tpu.memory_space<vmem>>) dst(%dma_wait3A_161 : memref<32x128xf32, #tpu.memory_space<vmem_shared>>)
      tpu.yield
    }) : () -> ()
    %mul3A_52 = arith.constant 640 : i32
    %mul3A_53 = arith.muli %arg1, %mul3A_52 : i32
    %add3A_54 = arith.constant 288 : i32
    %add3A_55 = arith.addi %mul3A_53, %add3A_54 : i32
    "tpu.region"() ({
      %run_scoped3A = tpu.sem_alloc : memref<!tpu.dma_semaphore, #tpu.memory_space<semaphore_mem>>
      %dma_start3A_154 = arith.constant 0 : i32
      %dma_start3A_155 = tpu.memref_slice %arg9[%add3A_55, %dma_start3A_154] : memref<10240x128xf32, #tpu.memory_space<vmem_shared>> -> memref<32x128xf32, #tpu.memory_space<vmem_shared>>
      %dma_start3A_156 = arith.constant 0 : i32
      %dma_start3A_157 = tpu.memref_slice %arg9[%add3A_55, %dma_start3A_156] : memref<10240x128xf32, #tpu.memory_space<vmem_shared>> -> memref<32x128xf32, #tpu.memory_space<vmem_shared>>
      tpu.enqueue_dma source(%arg8 : memref<32x128xf32, #tpu.memory_space<vmem>>) target(%dma_start3A_157 : memref<32x128xf32, #tpu.memory_space<vmem_shared>>) target_semaphore(%run_scoped3A : memref<!tpu.dma_semaphore, #tpu.memory_space<semaphore_mem>>)
      %dma_wait3A_158 = arith.constant 0 : i32
      %dma_wait3A_159 = tpu.memref_slice %arg9[%add3A_55, %dma_wait3A_158] : memref<10240x128xf32, #tpu.memory_space<vmem_shared>> -> memref<32x128xf32, #tpu.memory_space<vmem_shared>>
      %dma_wait3A_160 = arith.constant 0 : i32
      %dma_wait3A_161 = tpu.memref_slice %arg9[%add3A_55, %dma_wait3A_160] : memref<10240x128xf32, #tpu.memory_space<vmem_shared>> -> memref<32x128xf32, #tpu.memory_space<vmem_shared>>
      tpu.wait_dma2 semaphore(%run_scoped3A : memref<!tpu.dma_semaphore, #tpu.memory_space<semaphore_mem>>) src(%arg8 : memref<32x128xf32, #tpu.memory_space<vmem>>) dst(%dma_wait3A_161 : memref<32x128xf32, #tpu.memory_space<vmem_shared>>)
      tpu.yield
    }) : () -> ()
    %mul3A_56 = arith.constant 640 : i32
    %mul3A_57 = arith.muli %arg1, %mul3A_56 : i32
    %add3A_58 = arith.constant 320 : i32
    %add3A_59 = arith.addi %mul3A_57, %add3A_58 : i32
    "tpu.region"() ({
      %run_scoped3A = tpu.sem_alloc : memref<!tpu.dma_semaphore, #tpu.memory_space<semaphore_mem>>
      %dma_start3A_154 = arith.constant 0 : i32
      %dma_start3A_155 = tpu.memref_slice %arg9[%add3A_59, %dma_start3A_154] : memref<10240x128xf32, #tpu.memory_space<vmem_shared>> -> memref<32x128xf32, #tpu.memory_space<vmem_shared>>
      %dma_start3A_156 = arith.constant 0 : i32
      %dma_start3A_157 = tpu.memref_slice %arg9[%add3A_59, %dma_start3A_156] : memref<10240x128xf32, #tpu.memory_space<vmem_shared>> -> memref<32x128xf32, #tpu.memory_space<vmem_shared>>
      tpu.enqueue_dma source(%arg8 : memref<32x128xf32, #tpu.memory_space<vmem>>) target(%dma_start3A_157 : memref<32x128xf32, #tpu.memory_space<vmem_shared>>) target_semaphore(%run_scoped3A : memref<!tpu.dma_semaphore, #tpu.memory_space<semaphore_mem>>)
      %dma_wait3A_158 = arith.constant 0 : i32
      %dma_wait3A_159 = tpu.memref_slice %arg9[%add3A_59, %dma_wait3A_158] : memref<10240x128xf32, #tpu.memory_space<vmem_shared>> -> memref<32x128xf32, #tpu.memory_space<vmem_shared>>
      %dma_wait3A_160 = arith.constant 0 : i32
      %dma_wait3A_161 = tpu.memref_slice %arg9[%add3A_59, %dma_wait3A_160] : memref<10240x128xf32, #tpu.memory_space<vmem_shared>> -> memref<32x128xf32, #tpu.memory_space<vmem_shared>>
      tpu.wait_dma2 semaphore(%run_scoped3A : memref<!tpu.dma_semaphore, #tpu.memory_space<semaphore_mem>>) src(%arg8 : memref<32x128xf32, #tpu.memory_space<vmem>>) dst(%dma_wait3A_161 : memref<32x128xf32, #tpu.memory_space<vmem_shared>>)
      tpu.yield
    }) : () -> ()
    %mul3A_60 = arith.constant 640 : i32
    %mul3A_61 = arith.muli %arg1, %mul3A_60 : i32
    %add3A_62 = arith.constant 352 : i32
    %add3A_63 = arith.addi %mul3A_61, %add3A_62 : i32
    "tpu.region"() ({
      %run_scoped3A = tpu.sem_alloc : memref<!tpu.dma_semaphore, #tpu.memory_space<semaphore_mem>>
      %dma_start3A_154 = arith.constant 0 : i32
      %dma_start3A_155 = tpu.memref_slice %arg9[%add3A_63, %dma_start3A_154] : memref<10240x128xf32, #tpu.memory_space<vmem_shared>> -> memref<32x128xf32, #tpu.memory_space<vmem_shared>>
      %dma_start3A_156 = arith.constant 0 : i32
      %dma_start3A_157 = tpu.memref_slice %arg9[%add3A_63, %dma_start3A_156] : memref<10240x128xf32, #tpu.memory_space<vmem_shared>> -> memref<32x128xf32, #tpu.memory_space<vmem_shared>>
      tpu.enqueue_dma source(%arg8 : memref<32x128xf32, #tpu.memory_space<vmem>>) target(%dma_start3A_157 : memref<32x128xf32, #tpu.memory_space<vmem_shared>>) target_semaphore(%run_scoped3A : memref<!tpu.dma_semaphore, #tpu.memory_space<semaphore_mem>>)
      %dma_wait3A_158 = arith.constant 0 : i32
      %dma_wait3A_159 = tpu.memref_slice %arg9[%add3A_63, %dma_wait3A_158] : memref<10240x128xf32, #tpu.memory_space<vmem_shared>> -> memref<32x128xf32, #tpu.memory_space<vmem_shared>>
      %dma_wait3A_160 = arith.constant 0 : i32
      %dma_wait3A_161 = tpu.memref_slice %arg9[%add3A_63, %dma_wait3A_160] : memref<10240x128xf32, #tpu.memory_space<vmem_shared>> -> memref<32x128xf32, #tpu.memory_space<vmem_shared>>
      tpu.wait_dma2 semaphore(%run_scoped3A : memref<!tpu.dma_semaphore, #tpu.memory_space<semaphore_mem>>) src(%arg8 : memref<32x128xf32, #tpu.memory_space<vmem>>) dst(%dma_wait3A_161 : memref<32x128xf32, #tpu.memory_space<vmem_shared>>)
      tpu.yield
    }) : () -> ()
    %mul3A_64 = arith.constant 640 : i32
    %mul3A_65 = arith.muli %arg1, %mul3A_64 : i32
    %add3A_66 = arith.constant 384 : i32
    %add3A_67 = arith.addi %mul3A_65, %add3A_66 : i32
    "tpu.region"() ({
      %run_scoped3A = tpu.sem_alloc : memref<!tpu.dma_semaphore, #tpu.memory_space<semaphore_mem>>
      %dma_start3A_154 = arith.constant 0 : i32
      %dma_start3A_155 = tpu.memref_slice %arg9[%add3A_67, %dma_start3A_154] : memref<10240x128xf32, #tpu.memory_space<vmem_shared>> -> memref<32x128xf32, #tpu.memory_space<vmem_shared>>
      %dma_start3A_156 = arith.constant 0 : i32
      %dma_start3A_157 = tpu.memref_slice %arg9[%add3A_67, %dma_start3A_156] : memref<10240x128xf32, #tpu.memory_space<vmem_shared>> -> memref<32x128xf32, #tpu.memory_space<vmem_shared>>
      tpu.enqueue_dma source(%arg8 : memref<32x128xf32, #tpu.memory_space<vmem>>) target(%dma_start3A_157 : memref<32x128xf32, #tpu.memory_space<vmem_shared>>) target_semaphore(%run_scoped3A : memref<!tpu.dma_semaphore, #tpu.memory_space<semaphore_mem>>)
      %dma_wait3A_158 = arith.constant 0 : i32
      %dma_wait3A_159 = tpu.memref_slice %arg9[%add3A_67, %dma_wait3A_158] : memref<10240x128xf32, #tpu.memory_space<vmem_shared>> -> memref<32x128xf32, #tpu.memory_space<vmem_shared>>
      %dma_wait3A_160 = arith.constant 0 : i32
      %dma_wait3A_161 = tpu.memref_slice %arg9[%add3A_67, %dma_wait3A_160] : memref<10240x128xf32, #tpu.memory_space<vmem_shared>> -> memref<32x128xf32, #tpu.memory_space<vmem_shared>>
      tpu.wait_dma2 semaphore(%run_scoped3A : memref<!tpu.dma_semaphore, #tpu.memory_space<semaphore_mem>>) src(%arg8 : memref<32x128xf32, #tpu.memory_space<vmem>>) dst(%dma_wait3A_161 : memref<32x128xf32, #tpu.memory_space<vmem_shared>>)
      tpu.yield
    }) : () -> ()
    %mul3A_68 = arith.constant 640 : i32
    %mul3A_69 = arith.muli %arg1, %mul3A_68 : i32
    %add3A_70 = arith.constant 416 : i32
    %add3A_71 = arith.addi %mul3A_69, %add3A_70 : i32
    "tpu.region"() ({
      %run_scoped3A = tpu.sem_alloc : memref<!tpu.dma_semaphore, #tpu.memory_space<semaphore_mem>>
      %dma_start3A_154 = arith.constant 0 : i32
      %dma_start3A_155 = tpu.memref_slice %arg9[%add3A_71, %dma_start3A_154] : memref<10240x128xf32, #tpu.memory_space<vmem_shared>> -> memref<32x128xf32, #tpu.memory_space<vmem_shared>>
      %dma_start3A_156 = arith.constant 0 : i32
      %dma_start3A_157 = tpu.memref_slice %arg9[%add3A_71, %dma_start3A_156] : memref<10240x128xf32, #tpu.memory_space<vmem_shared>> -> memref<32x128xf32, #tpu.memory_space<vmem_shared>>
      tpu.enqueue_dma source(%arg8 : memref<32x128xf32, #tpu.memory_space<vmem>>) target(%dma_start3A_157 : memref<32x128xf32, #tpu.memory_space<vmem_shared>>) target_semaphore(%run_scoped3A : memref<!tpu.dma_semaphore, #tpu.memory_space<semaphore_mem>>)
      %dma_wait3A_158 = arith.constant 0 : i32
      %dma_wait3A_159 = tpu.memref_slice %arg9[%add3A_71, %dma_wait3A_158] : memref<10240x128xf32, #tpu.memory_space<vmem_shared>> -> memref<32x128xf32, #tpu.memory_space<vmem_shared>>
      %dma_wait3A_160 = arith.constant 0 : i32
      %dma_wait3A_161 = tpu.memref_slice %arg9[%add3A_71, %dma_wait3A_160] : memref<10240x128xf32, #tpu.memory_space<vmem_shared>> -> memref<32x128xf32, #tpu.memory_space<vmem_shared>>
      tpu.wait_dma2 semaphore(%run_scoped3A : memref<!tpu.dma_semaphore, #tpu.memory_space<semaphore_mem>>) src(%arg8 : memref<32x128xf32, #tpu.memory_space<vmem>>) dst(%dma_wait3A_161 : memref<32x128xf32, #tpu.memory_space<vmem_shared>>)
      tpu.yield
    }) : () -> ()
    %mul3A_72 = arith.constant 640 : i32
    %mul3A_73 = arith.muli %arg1, %mul3A_72 : i32
    %add3A_74 = arith.constant 448 : i32
    %add3A_75 = arith.addi %mul3A_73, %add3A_74 : i32
    "tpu.region"() ({
      %run_scoped3A = tpu.sem_alloc : memref<!tpu.dma_semaphore, #tpu.memory_space<semaphore_mem>>
      %dma_start3A_154 = arith.constant 0 : i32
      %dma_start3A_155 = tpu.memref_slice %arg9[%add3A_75, %dma_start3A_154] : memref<10240x128xf32, #tpu.memory_space<vmem_shared>> -> memref<32x128xf32, #tpu.memory_space<vmem_shared>>
      %dma_start3A_156 = arith.constant 0 : i32
      %dma_start3A_157 = tpu.memref_slice %arg9[%add3A_75, %dma_start3A_156] : memref<10240x128xf32, #tpu.memory_space<vmem_shared>> -> memref<32x128xf32, #tpu.memory_space<vmem_shared>>
      tpu.enqueue_dma source(%arg8 : memref<32x128xf32, #tpu.memory_space<vmem>>) target(%dma_start3A_157 : memref<32x128xf32, #tpu.memory_space<vmem_shared>>) target_semaphore(%run_scoped3A : memref<!tpu.dma_semaphore, #tpu.memory_space<semaphore_mem>>)
      %dma_wait3A_158 = arith.constant 0 : i32
      %dma_wait3A_159 = tpu.memref_slice %arg9[%add3A_75, %dma_wait3A_158] : memref<10240x128xf32, #tpu.memory_space<vmem_shared>> -> memref<32x128xf32, #tpu.memory_space<vmem_shared>>
      %dma_wait3A_160 = arith.constant 0 : i32
      %dma_wait3A_161 = tpu.memref_slice %arg9[%add3A_75, %dma_wait3A_160] : memref<10240x128xf32, #tpu.memory_space<vmem_shared>> -> memref<32x128xf32, #tpu.memory_space<vmem_shared>>
      tpu.wait_dma2 semaphore(%run_scoped3A : memref<!tpu.dma_semaphore, #tpu.memory_space<semaphore_mem>>) src(%arg8 : memref<32x128xf32, #tpu.memory_space<vmem>>) dst(%dma_wait3A_161 : memref<32x128xf32, #tpu.memory_space<vmem_shared>>)
      tpu.yield
    }) : () -> ()
    %mul3A_76 = arith.constant 640 : i32
    %mul3A_77 = arith.muli %arg1, %mul3A_76 : i32
    %add3A_78 = arith.constant 480 : i32
    %add3A_79 = arith.addi %mul3A_77, %add3A_78 : i32
    "tpu.region"() ({
      %run_scoped3A = tpu.sem_alloc : memref<!tpu.dma_semaphore, #tpu.memory_space<semaphore_mem>>
      %dma_start3A_154 = arith.constant 0 : i32
      %dma_start3A_155 = tpu.memref_slice %arg9[%add3A_79, %dma_start3A_154] : memref<10240x128xf32, #tpu.memory_space<vmem_shared>> -> memref<32x128xf32, #tpu.memory_space<vmem_shared>>
      %dma_start3A_156 = arith.constant 0 : i32
      %dma_start3A_157 = tpu.memref_slice %arg9[%add3A_79, %dma_start3A_156] : memref<10240x128xf32, #tpu.memory_space<vmem_shared>> -> memref<32x128xf32, #tpu.memory_space<vmem_shared>>
      tpu.enqueue_dma source(%arg8 : memref<32x128xf32, #tpu.memory_space<vmem>>) target(%dma_start3A_157 : memref<32x128xf32, #tpu.memory_space<vmem_shared>>) target_semaphore(%run_scoped3A : memref<!tpu.dma_semaphore, #tpu.memory_space<semaphore_mem>>)
      %dma_wait3A_158 = arith.constant 0 : i32
      %dma_wait3A_159 = tpu.memref_slice %arg9[%add3A_79, %dma_wait3A_158] : memref<10240x128xf32, #tpu.memory_space<vmem_shared>> -> memref<32x128xf32, #tpu.memory_space<vmem_shared>>
      %dma_wait3A_160 = arith.constant 0 : i32
      %dma_wait3A_161 = tpu.memref_slice %arg9[%add3A_79, %dma_wait3A_160] : memref<10240x128xf32, #tpu.memory_space<vmem_shared>> -> memref<32x128xf32, #tpu.memory_space<vmem_shared>>
      tpu.wait_dma2 semaphore(%run_scoped3A : memref<!tpu.dma_semaphore, #tpu.memory_space<semaphore_mem>>) src(%arg8 : memref<32x128xf32, #tpu.memory_space<vmem>>) dst(%dma_wait3A_161 : memref<32x128xf32, #tpu.memory_space<vmem_shared>>)
      tpu.yield
    }) : () -> ()
    %mul3A_80 = arith.constant 640 : i32
    %mul3A_81 = arith.muli %arg1, %mul3A_80 : i32
    %add3A_82 = arith.constant 512 : i32
    %add3A_83 = arith.addi %mul3A_81, %add3A_82 : i32
    "tpu.region"() ({
      %run_scoped3A = tpu.sem_alloc : memref<!tpu.dma_semaphore, #tpu.memory_space<semaphore_mem>>
      %dma_start3A_154 = arith.constant 0 : i32
      %dma_start3A_155 = tpu.memref_slice %arg9[%add3A_83, %dma_start3A_154] : memref<10240x128xf32, #tpu.memory_space<vmem_shared>> -> memref<32x128xf32, #tpu.memory_space<vmem_shared>>
      %dma_start3A_156 = arith.constant 0 : i32
      %dma_start3A_157 = tpu.memref_slice %arg9[%add3A_83, %dma_start3A_156] : memref<10240x128xf32, #tpu.memory_space<vmem_shared>> -> memref<32x128xf32, #tpu.memory_space<vmem_shared>>
      tpu.enqueue_dma source(%arg8 : memref<32x128xf32, #tpu.memory_space<vmem>>) target(%dma_start3A_157 : memref<32x128xf32, #tpu.memory_space<vmem_shared>>) target_semaphore(%run_scoped3A : memref<!tpu.dma_semaphore, #tpu.memory_space<semaphore_mem>>)
      %dma_wait3A_158 = arith.constant 0 : i32
      %dma_wait3A_159 = tpu.memref_slice %arg9[%add3A_83, %dma_wait3A_158] : memref<10240x128xf32, #tpu.memory_space<vmem_shared>> -> memref<32x128xf32, #tpu.memory_space<vmem_shared>>
      %dma_wait3A_160 = arith.constant 0 : i32
      %dma_wait3A_161 = tpu.memref_slice %arg9[%add3A_83, %dma_wait3A_160] : memref<10240x128xf32, #tpu.memory_space<vmem_shared>> -> memref<32x128xf32, #tpu.memory_space<vmem_shared>>
      tpu.wait_dma2 semaphore(%run_scoped3A : memref<!tpu.dma_semaphore, #tpu.memory_space<semaphore_mem>>) src(%arg8 : memref<32x128xf32, #tpu.memory_space<vmem>>) dst(%dma_wait3A_161 : memref<32x128xf32, #tpu.memory_space<vmem_shared>>)
      tpu.yield
    }) : () -> ()
    %mul3A_84 = arith.constant 640 : i32
    %mul3A_85 = arith.muli %arg1, %mul3A_84 : i32
    %add3A_86 = arith.constant 544 : i32
    %add3A_87 = arith.addi %mul3A_85, %add3A_86 : i32
    "tpu.region"() ({
      %run_scoped3A = tpu.sem_alloc : memref<!tpu.dma_semaphore, #tpu.memory_space<semaphore_mem>>
      %dma_start3A_154 = arith.constant 0 : i32
      %dma_start3A_155 = tpu.memref_slice %arg9[%add3A_87, %dma_start3A_154] : memref<10240x128xf32, #tpu.memory_space<vmem_shared>> -> memref<32x128xf32, #tpu.memory_space<vmem_shared>>
      %dma_start3A_156 = arith.constant 0 : i32
      %dma_start3A_157 = tpu.memref_slice %arg9[%add3A_87, %dma_start3A_156] : memref<10240x128xf32, #tpu.memory_space<vmem_shared>> -> memref<32x128xf32, #tpu.memory_space<vmem_shared>>
      tpu.enqueue_dma source(%arg8 : memref<32x128xf32, #tpu.memory_space<vmem>>) target(%dma_start3A_157 : memref<32x128xf32, #tpu.memory_space<vmem_shared>>) target_semaphore(%run_scoped3A : memref<!tpu.dma_semaphore, #tpu.memory_space<semaphore_mem>>)
      %dma_wait3A_158 = arith.constant 0 : i32
      %dma_wait3A_159 = tpu.memref_slice %arg9[%add3A_87, %dma_wait3A_158] : memref<10240x128xf32, #tpu.memory_space<vmem_shared>> -> memref<32x128xf32, #tpu.memory_space<vmem_shared>>
      %dma_wait3A_160 = arith.constant 0 : i32
      %dma_wait3A_161 = tpu.memref_slice %arg9[%add3A_87, %dma_wait3A_160] : memref<10240x128xf32, #tpu.memory_space<vmem_shared>> -> memref<32x128xf32, #tpu.memory_space<vmem_shared>>
      tpu.wait_dma2 semaphore(%run_scoped3A : memref<!tpu.dma_semaphore, #tpu.memory_space<semaphore_mem>>) src(%arg8 : memref<32x128xf32, #tpu.memory_space<vmem>>) dst(%dma_wait3A_161 : memref<32x128xf32, #tpu.memory_space<vmem_shared>>)
      tpu.yield
    }) : () -> ()
    %mul3A_88 = arith.constant 640 : i32
    %mul3A_89 = arith.muli %arg1, %mul3A_88 : i32
    %add3A_90 = arith.constant 576 : i32
    %add3A_91 = arith.addi %mul3A_89, %add3A_90 : i32
    "tpu.region"() ({
      %run_scoped3A = tpu.sem_alloc : memref<!tpu.dma_semaphore, #tpu.memory_space<semaphore_mem>>
      %dma_start3A_154 = arith.constant 0 : i32
      %dma_start3A_155 = tpu.memref_slice %arg9[%add3A_91, %dma_start3A_154] : memref<10240x128xf32, #tpu.memory_space<vmem_shared>> -> memref<32x128xf32, #tpu.memory_space<vmem_shared>>
      %dma_start3A_156 = arith.constant 0 : i32
      %dma_start3A_157 = tpu.memref_slice %arg9[%add3A_91, %dma_start3A_156] : memref<10240x128xf32, #tpu.memory_space<vmem_shared>> -> memref<32x128xf32, #tpu.memory_space<vmem_shared>>
      tpu.enqueue_dma source(%arg8 : memref<32x128xf32, #tpu.memory_space<vmem>>) target(%dma_start3A_157 : memref<32x128xf32, #tpu.memory_space<vmem_shared>>) target_semaphore(%run_scoped3A : memref<!tpu.dma_semaphore, #tpu.memory_space<semaphore_mem>>)
      %dma_wait3A_158 = arith.constant 0 : i32
      %dma_wait3A_159 = tpu.memref_slice %arg9[%add3A_91, %dma_wait3A_158] : memref<10240x128xf32, #tpu.memory_space<vmem_shared>> -> memref<32x128xf32, #tpu.memory_space<vmem_shared>>
      %dma_wait3A_160 = arith.constant 0 : i32
      %dma_wait3A_161 = tpu.memref_slice %arg9[%add3A_91, %dma_wait3A_160] : memref<10240x128xf32, #tpu.memory_space<vmem_shared>> -> memref<32x128xf32, #tpu.memory_space<vmem_shared>>
      tpu.wait_dma2 semaphore(%run_scoped3A : memref<!tpu.dma_semaphore, #tpu.memory_space<semaphore_mem>>) src(%arg8 : memref<32x128xf32, #tpu.memory_space<vmem>>) dst(%dma_wait3A_161 : memref<32x128xf32, #tpu.memory_space<vmem_shared>>)
      tpu.yield
    }) : () -> ()
    %mul3A_92 = arith.constant 640 : i32
    %mul3A_93 = arith.muli %arg1, %mul3A_92 : i32
    %add3A_94 = arith.constant 608 : i32
    %add3A_95 = arith.addi %mul3A_93, %add3A_94 : i32
    "tpu.region"() ({
      %run_scoped3A = tpu.sem_alloc : memref<!tpu.dma_semaphore, #tpu.memory_space<semaphore_mem>>
      %dma_start3A_154 = arith.constant 0 : i32
      %dma_start3A_155 = tpu.memref_slice %arg9[%add3A_95, %dma_start3A_154] : memref<10240x128xf32, #tpu.memory_space<vmem_shared>> -> memref<32x128xf32, #tpu.memory_space<vmem_shared>>
      %dma_start3A_156 = arith.constant 0 : i32
      %dma_start3A_157 = tpu.memref_slice %arg9[%add3A_95, %dma_start3A_156] : memref<10240x128xf32, #tpu.memory_space<vmem_shared>> -> memref<32x128xf32, #tpu.memory_space<vmem_shared>>
      tpu.enqueue_dma source(%arg8 : memref<32x128xf32, #tpu.memory_space<vmem>>) target(%dma_start3A_157 : memref<32x128xf32, #tpu.memory_space<vmem_shared>>) target_semaphore(%run_scoped3A : memref<!tpu.dma_semaphore, #tpu.memory_space<semaphore_mem>>)
      %dma_wait3A_158 = arith.constant 0 : i32
      %dma_wait3A_159 = tpu.memref_slice %arg9[%add3A_95, %dma_wait3A_158] : memref<10240x128xf32, #tpu.memory_space<vmem_shared>> -> memref<32x128xf32, #tpu.memory_space<vmem_shared>>
      %dma_wait3A_160 = arith.constant 0 : i32
      %dma_wait3A_161 = tpu.memref_slice %arg9[%add3A_95, %dma_wait3A_160] : memref<10240x128xf32, #tpu.memory_space<vmem_shared>> -> memref<32x128xf32, #tpu.memory_space<vmem_shared>>
      tpu.wait_dma2 semaphore(%run_scoped3A : memref<!tpu.dma_semaphore, #tpu.memory_space<semaphore_mem>>) src(%arg8 : memref<32x128xf32, #tpu.memory_space<vmem>>) dst(%dma_wait3A_161 : memref<32x128xf32, #tpu.memory_space<vmem_shared>>)
      tpu.yield
    }) : () -> ()
    %dma_wait3A = arith.constant 0 : i32
    %dma_wait3A_96 = arith.constant 0 : i32
    %dma_wait3A_97 = arith.constant 0 : i32
    %dma_wait3A_98 = tpu.memref_slice %arg3[%dma_wait3A_96, %dma_wait3A_97] : memref<2560x128xi32, #tpu.memory_space<hbm>> -> memref<80x128xi32, #tpu.memory_space<hbm>>
    %dma_wait3A_99 = tpu.memref_slice %arg10[%dma_wait3A] : memref<2x!tpu.dma_semaphore, #tpu.memory_space<semaphore_mem>> -> memref<1x!tpu.dma_semaphore, #tpu.memory_space<semaphore_mem>>
    %dma_wait3A_100 = tpu.memref_squeeze %dma_wait3A_99 : memref<1x!tpu.dma_semaphore, #tpu.memory_space<semaphore_mem>> -> memref<!tpu.dma_semaphore, #tpu.memory_space<semaphore_mem>>
    %dma_wait3A_101 = arith.constant 0 : i32
    %dma_wait3A_102 = arith.constant 0 : i32
    %dma_wait3A_103 = tpu.memref_slice %arg3[%dma_wait3A_101, %dma_wait3A_102] : memref<2560x128xi32, #tpu.memory_space<hbm>> -> memref<80x128xi32, #tpu.memory_space<hbm>>
    tpu.wait_dma2 semaphore(%dma_wait3A_100 : memref<!tpu.dma_semaphore, #tpu.memory_space<semaphore_mem>>) src(%dma_wait3A_103 : memref<80x128xi32, #tpu.memory_space<hbm>>) dst(%arg6 : memref<80x128xi32, #tpu.memory_space<vmem>>)
    %barrier3A = arith.constant 0 : index
    tpu.barrier barrier_id(%barrier3A)
    %add3A_104 = arith.constant 0 : i32
    %add3A_105 = arith.addi %mul3A_4, %add3A_104 : i32
    %dma_start3A_106 = arith.constant 0 : i32
    %dma_start3A_107 = arith.constant 0 : i32
    %dma_start3A_108 = arith.constant 0 : i32
    %dma_start3A_109 = arith.constant 0 : i32
    %dma_start3A_110 = tpu.memref_slice %arg7[%dma_start3A_106, %dma_start3A_108, %dma_start3A_109] : memref<2x128x128xf32, #tpu.memory_space<vmem>> -> memref<1x128x128xf32, #tpu.memory_space<vmem>>
    %dma_start3A_111 = tpu.memref_squeeze %dma_start3A_110 : memref<1x128x128xf32, #tpu.memory_space<vmem>> -> memref<128x128xf32, #tpu.memory_space<vmem>>
    %dma_start3A_112 = arith.constant 0 : i32
    %dma_start3A_113 = tpu.memref_slice %arg2[%add3A_105, %dma_start3A_112] : memref<327680x128xf32, #tpu.memory_space<hbm>> -> memref<128x128xf32, #tpu.memory_space<hbm>>
    %dma_start3A_114 = tpu.memref_slice %arg10[%dma_start3A_107] : memref<2x!tpu.dma_semaphore, #tpu.memory_space<semaphore_mem>> -> memref<1x!tpu.dma_semaphore, #tpu.memory_space<semaphore_mem>>
    %dma_start3A_115 = tpu.memref_squeeze %dma_start3A_114 : memref<1x!tpu.dma_semaphore, #tpu.memory_space<semaphore_mem>> -> memref<!tpu.dma_semaphore, #tpu.memory_space<semaphore_mem>>
    %dma_start3A_116 = arith.constant 0 : i32
    %dma_start3A_117 = arith.constant 0 : i32
    %dma_start3A_118 = tpu.memref_slice %arg7[%dma_start3A_106, %dma_start3A_116, %dma_start3A_117] : memref<2x128x128xf32, #tpu.memory_space<vmem>> -> memref<1x128x128xf32, #tpu.memory_space<vmem>>
    %dma_start3A_119 = tpu.memref_squeeze %dma_start3A_118 : memref<1x128x128xf32, #tpu.memory_space<vmem>> -> memref<128x128xf32, #tpu.memory_space<vmem>>
    %dma_start3A_120 = arith.constant 0 : i32
    %dma_start3A_121 = tpu.memref_slice %arg2[%add3A_105, %dma_start3A_120] : memref<327680x128xf32, #tpu.memory_space<hbm>> -> memref<128x128xf32, #tpu.memory_space<hbm>>
    tpu.enqueue_dma source(%dma_start3A_121 : memref<128x128xf32, #tpu.memory_space<hbm>>) target(%dma_start3A_119 : memref<128x128xf32, #tpu.memory_space<vmem>>) target_semaphore(%dma_start3A_115 : memref<!tpu.dma_semaphore, #tpu.memory_space<semaphore_mem>>)
    %add3A_122 = arith.constant 128 : i32
    %add3A_123 = arith.addi %mul3A_4, %add3A_122 : i32
    %dma_start3A_124 = arith.constant 1 : i32
    %dma_start3A_125 = arith.constant 1 : i32
    %dma_start3A_126 = arith.constant 0 : i32
    %dma_start3A_127 = arith.constant 0 : i32
    %dma_start3A_128 = tpu.memref_slice %arg7[%dma_start3A_124, %dma_start3A_126, %dma_start3A_127] : memref<2x128x128xf32, #tpu.memory_space<vmem>> -> memref<1x128x128xf32, #tpu.memory_space<vmem>>
    %dma_start3A_129 = tpu.memref_squeeze %dma_start3A_128 : memref<1x128x128xf32, #tpu.memory_space<vmem>> -> memref<128x128xf32, #tpu.memory_space<vmem>>
    %dma_start3A_130 = arith.constant 0 : i32
    %dma_start3A_131 = tpu.memref_slice %arg2[%add3A_123, %dma_start3A_130] : memref<327680x128xf32, #tpu.memory_space<hbm>> -> memref<128x128xf32, #tpu.memory_space<hbm>>
    %dma_start3A_132 = tpu.memref_slice %arg10[%dma_start3A_125] : memref<2x!tpu.dma_semaphore, #tpu.memory_space<semaphore_mem>> -> memref<1x!tpu.dma_semaphore, #tpu.memory_space<semaphore_mem>>
    %dma_start3A_133 = tpu.memref_squeeze %dma_start3A_132 : memref<1x!tpu.dma_semaphore, #tpu.memory_space<semaphore_mem>> -> memref<!tpu.dma_semaphore, #tpu.memory_space<semaphore_mem>>
    %dma_start3A_134 = arith.constant 0 : i32
    %dma_start3A_135 = arith.constant 0 : i32
    %dma_start3A_136 = tpu.memref_slice %arg7[%dma_start3A_124, %dma_start3A_134, %dma_start3A_135] : memref<2x128x128xf32, #tpu.memory_space<vmem>> -> memref<1x128x128xf32, #tpu.memory_space<vmem>>
    %dma_start3A_137 = tpu.memref_squeeze %dma_start3A_136 : memref<1x128x128xf32, #tpu.memory_space<vmem>> -> memref<128x128xf32, #tpu.memory_space<vmem>>
    %dma_start3A_138 = arith.constant 0 : i32
    %dma_start3A_139 = tpu.memref_slice %arg2[%add3A_123, %dma_start3A_138] : memref<327680x128xf32, #tpu.memory_space<hbm>> -> memref<128x128xf32, #tpu.memory_space<hbm>>
    tpu.enqueue_dma source(%dma_start3A_139 : memref<128x128xf32, #tpu.memory_space<hbm>>) target(%dma_start3A_137 : memref<128x128xf32, #tpu.memory_space<vmem>>) target_semaphore(%dma_start3A_133 : memref<!tpu.dma_semaphore, #tpu.memory_space<semaphore_mem>>)
    %scan3A_140 = arith.constant 0 : i32
    %scan3A_141 = arith.constant 0 : i32
    %scan3A_142 = arith.constant 40 : i32
    %scan3A_143 = arith.addi %scan3A_141, %scan3A_142 : i32
    %scan3A_144 = arith.constant 1 : i32
    scf.for %scan3A_154 = %scan3A_141 to %scan3A_143 step %scan3A_144  : i32 {
      %mul3A_155 = arith.constant 2 : i32
      %mul3A_156 = arith.muli %mul3A_155, %scan3A_154 : i32
      %add3A_157 = arith.constant 0 : i32
      %add3A_158 = arith.addi %mul3A_156, %add3A_157 : i32
      %dma_wait3A_159 = arith.constant 0 : i32
      %dma_wait3A_160 = arith.constant 0 : i32
      %dma_wait3A_161 = arith.constant 0 : i32
      %dma_wait3A_162 = arith.constant 0 : i32
      %dma_wait3A_163 = tpu.memref_slice %arg7[%dma_wait3A_159, %dma_wait3A_161, %dma_wait3A_162] : memref<2x128x128xf32, #tpu.memory_space<vmem>> -> memref<1x128x128xf32, #tpu.memory_space<vmem>>
      %dma_wait3A_164 = tpu.memref_squeeze %dma_wait3A_163 : memref<1x128x128xf32, #tpu.memory_space<vmem>> -> memref<128x128xf32, #tpu.memory_space<vmem>>
      %dma_wait3A_165 = arith.constant 0 : i32
      %dma_wait3A_166 = arith.constant 0 : i32
      %dma_wait3A_167 = tpu.memref_slice %arg2[%dma_wait3A_165, %dma_wait3A_166] : memref<327680x128xf32, #tpu.memory_space<hbm>> -> memref<128x128xf32, #tpu.memory_space<hbm>>
      %dma_wait3A_168 = tpu.memref_slice %arg10[%dma_wait3A_160] : memref<2x!tpu.dma_semaphore, #tpu.memory_space<semaphore_mem>> -> memref<1x!tpu.dma_semaphore, #tpu.memory_space<semaphore_mem>>
      %dma_wait3A_169 = tpu.memref_squeeze %dma_wait3A_168 : memref<1x!tpu.dma_semaphore, #tpu.memory_space<semaphore_mem>> -> memref<!tpu.dma_semaphore, #tpu.memory_space<semaphore_mem>>
      %dma_wait3A_170 = arith.constant 0 : i32
      %dma_wait3A_171 = arith.constant 0 : i32
      %dma_wait3A_172 = tpu.memref_slice %arg7[%dma_wait3A_159, %dma_wait3A_170, %dma_wait3A_171] : memref<2x128x128xf32, #tpu.memory_space<vmem>> -> memref<1x128x128xf32, #tpu.memory_space<vmem>>
      %dma_wait3A_173 = tpu.memref_squeeze %dma_wait3A_172 : memref<1x128x128xf32, #tpu.memory_space<vmem>> -> memref<128x128xf32, #tpu.memory_space<vmem>>
      %dma_wait3A_174 = arith.constant 0 : i32
      %dma_wait3A_175 = arith.constant 0 : i32
      %dma_wait3A_176 = tpu.memref_slice %arg2[%dma_wait3A_174, %dma_wait3A_175] : memref<327680x128xf32, #tpu.memory_space<hbm>> -> memref<128x128xf32, #tpu.memory_space<hbm>>
      tpu.wait_dma2 semaphore(%dma_wait3A_169 : memref<!tpu.dma_semaphore, #tpu.memory_space<semaphore_mem>>) src(%dma_wait3A_176 : memref<128x128xf32, #tpu.memory_space<hbm>>) dst(%dma_wait3A_173 : memref<128x128xf32, #tpu.memory_space<vmem>>)
      %run_scoped3A = arith.constant 0 : i32
      "tpu.region"() ({
        %run_scoped3A_213 = tpu.sem_alloc : memref<!tpu.dma_semaphore, #tpu.memory_space<semaphore_mem>>
        %dma_start3A_214 = arith.constant 0 : i32
        %dma_start3A_215 = arith.constant 0 : i32
        %dma_start3A_216 = tpu.memref_slice %arg7[%run_scoped3A, %dma_start3A_214, %dma_start3A_215] : memref<2x128x128xf32, #tpu.memory_space<vmem>> -> memref<1x128x128xf32, #tpu.memory_space<vmem>>
        %dma_start3A_217 = tpu.memref_squeeze %dma_start3A_216 : memref<1x128x128xf32, #tpu.memory_space<vmem>> -> memref<128x128xf32, #tpu.memory_space<vmem>>
        %dma_start3A_218 = arith.constant 0 : i32
        %dma_start3A_219 = tpu.memref_slice %arg6[%add3A_158, %dma_start3A_218] : memref<80x128xi32, #tpu.memory_space<vmem>> -> memref<1x128xi32, #tpu.memory_space<vmem>>
        %dma_start3A_220 = tpu.memref_squeeze %dma_start3A_219 : memref<1x128xi32, #tpu.memory_space<vmem>> -> memref<128xi32, #tpu.memory_space<vmem>>
        %dma_start3A_221 = arith.constant 0 : i32
        %dma_start3A_222 = arith.constant 0 : i32
        %dma_start3A_223 = tpu.memref_slice %arg9[%dma_start3A_221, %dma_start3A_222] : memref<10240x128xf32, #tpu.memory_space<vmem_shared>> -> memref<10240x128xf32, #tpu.memory_space<vmem_shared>>
        tpu.enqueue_indirect_dma source(%dma_start3A_217 : memref<128x128xf32, #tpu.memory_space<vmem>>) target(%dma_start3A_223 : memref<10240x128xf32, #tpu.memory_space<vmem_shared>>) offsets(%dma_start3A_220 : memref<128xi32, #tpu.memory_space<vmem>>) semaphore(%run_scoped3A_213 : memref<!tpu.dma_semaphore, #tpu.memory_space<semaphore_mem>>) {add = true}
        %dma_wait3A_224 = arith.constant 0 : i32
        %dma_wait3A_225 = arith.constant 0 : i32
        %dma_wait3A_226 = tpu.memref_slice %arg7[%run_scoped3A, %dma_wait3A_224, %dma_wait3A_225] : memref<2x128x128xf32, #tpu.memory_space<vmem>> -> memref<1x128x128xf32, #tpu.memory_space<vmem>>
        %dma_wait3A_227 = tpu.memref_squeeze %dma_wait3A_226 : memref<1x128x128xf32, #tpu.memory_space<vmem>> -> memref<128x128xf32, #tpu.memory_space<vmem>>
        %dma_wait3A_228 = arith.constant 0 : i32
        %dma_wait3A_229 = tpu.memref_slice %arg6[%add3A_158, %dma_wait3A_228] : memref<80x128xi32, #tpu.memory_space<vmem>> -> memref<1x128xi32, #tpu.memory_space<vmem>>
        %dma_wait3A_230 = tpu.memref_squeeze %dma_wait3A_229 : memref<1x128xi32, #tpu.memory_space<vmem>> -> memref<128xi32, #tpu.memory_space<vmem>>
        %dma_wait3A_231 = arith.constant 0 : i32
        %dma_wait3A_232 = arith.constant 0 : i32
        %dma_wait3A_233 = tpu.memref_slice %arg9[%dma_wait3A_231, %dma_wait3A_232] : memref<10240x128xf32, #tpu.memory_space<vmem_shared>> -> memref<10240x128xf32, #tpu.memory_space<vmem_shared>>
        tpu.wait_indirect_dma semaphore(%run_scoped3A_213 : memref<!tpu.dma_semaphore, #tpu.memory_space<semaphore_mem>>) src(%dma_wait3A_227 : memref<128x128xf32, #tpu.memory_space<vmem>>) dst(%dma_wait3A_233 : memref<10240x128xf32, #tpu.memory_space<vmem_shared>>)
        tpu.yield
      }) : () -> ()
      %add3A_177 = arith.constant 2 : i32
      %add3A_178 = arith.addi %add3A_158, %add3A_177 : i32
      %lt3A = arith.constant 80 : i32
      %lt3A_179 = arith.cmpi slt, %add3A_178, %lt3A : i32
      %convert_element_type3A_180 = arith.extui %lt3A_179 : i1 to i32
      %cond3A_181 = arith.constant 0 : i32
      %cond3A_182 = arith.cmpi ne, %convert_element_type3A_180, %cond3A_181 : i32
      scf.if %cond3A_182 {
        %add3A_213 = arith.constant 2 : i32
        %add3A_214 = arith.addi %add3A_158, %add3A_213 : i32
        %mul3A_215 = arith.constant 128 : i32
        %mul3A_216 = arith.muli %add3A_214, %mul3A_215 : i32
        %add3A_217 = arith.addi %mul3A_4, %mul3A_216 : i32
        %dma_start3A_218 = arith.constant 0 : i32
        %dma_start3A_219 = arith.constant 0 : i32
        %dma_start3A_220 = arith.constant 0 : i32
        %dma_start3A_221 = arith.constant 0 : i32
        %dma_start3A_222 = tpu.memref_slice %arg7[%dma_start3A_218, %dma_start3A_220, %dma_start3A_221] : memref<2x128x128xf32, #tpu.memory_space<vmem>> -> memref<1x128x128xf32, #tpu.memory_space<vmem>>
        %dma_start3A_223 = tpu.memref_squeeze %dma_start3A_222 : memref<1x128x128xf32, #tpu.memory_space<vmem>> -> memref<128x128xf32, #tpu.memory_space<vmem>>
        %dma_start3A_224 = arith.constant 0 : i32
        %dma_start3A_225 = tpu.memref_slice %arg2[%add3A_217, %dma_start3A_224] : memref<327680x128xf32, #tpu.memory_space<hbm>> -> memref<128x128xf32, #tpu.memory_space<hbm>>
        %dma_start3A_226 = tpu.memref_slice %arg10[%dma_start3A_219] : memref<2x!tpu.dma_semaphore, #tpu.memory_space<semaphore_mem>> -> memref<1x!tpu.dma_semaphore, #tpu.memory_space<semaphore_mem>>
        %dma_start3A_227 = tpu.memref_squeeze %dma_start3A_226 : memref<1x!tpu.dma_semaphore, #tpu.memory_space<semaphore_mem>> -> memref<!tpu.dma_semaphore, #tpu.memory_space<semaphore_mem>>
        %dma_start3A_228 = arith.constant 0 : i32
        %dma_start3A_229 = arith.constant 0 : i32
        %dma_start3A_230 = tpu.memref_slice %arg7[%dma_start3A_218, %dma_start3A_228, %dma_start3A_229] : memref<2x128x128xf32, #tpu.memory_space<vmem>> -> memref<1x128x128xf32, #tpu.memory_space<vmem>>
        %dma_start3A_231 = tpu.memref_squeeze %dma_start3A_230 : memref<1x128x128xf32, #tpu.memory_space<vmem>> -> memref<128x128xf32, #tpu.memory_space<vmem>>
        %dma_start3A_232 = arith.constant 0 : i32
        %dma_start3A_233 = tpu.memref_slice %arg2[%add3A_217, %dma_start3A_232] : memref<327680x128xf32, #tpu.memory_space<hbm>> -> memref<128x128xf32, #tpu.memory_space<hbm>>
        tpu.enqueue_dma source(%dma_start3A_233 : memref<128x128xf32, #tpu.memory_space<hbm>>) target(%dma_start3A_231 : memref<128x128xf32, #tpu.memory_space<vmem>>) target_semaphore(%dma_start3A_227 : memref<!tpu.dma_semaphore, #tpu.memory_space<semaphore_mem>>)
      } else {
      }
      %mul3A_183 = arith.constant 2 : i32
      %mul3A_184 = arith.muli %mul3A_183, %scan3A_154 : i32
      %add3A_185 = arith.constant 1 : i32
      %add3A_186 = arith.addi %mul3A_184, %add3A_185 : i32
      %dma_wait3A_187 = arith.constant 1 : i32
      %dma_wait3A_188 = arith.constant 1 : i32
      %dma_wait3A_189 = arith.constant 0 : i32
      %dma_wait3A_190 = arith.constant 0 : i32
      %dma_wait3A_191 = tpu.memref_slice %arg7[%dma_wait3A_187, %dma_wait3A_189, %dma_wait3A_190] : memref<2x128x128xf32, #tpu.memory_space<vmem>> -> memref<1x128x128xf32, #tpu.memory_space<vmem>>
      %dma_wait3A_192 = tpu.memref_squeeze %dma_wait3A_191 : memref<1x128x128xf32, #tpu.memory_space<vmem>> -> memref<128x128xf32, #tpu.memory_space<vmem>>
      %dma_wait3A_193 = arith.constant 0 : i32
      %dma_wait3A_194 = arith.constant 0 : i32
      %dma_wait3A_195 = tpu.memref_slice %arg2[%dma_wait3A_193, %dma_wait3A_194] : memref<327680x128xf32, #tpu.memory_space<hbm>> -> memref<128x128xf32, #tpu.memory_space<hbm>>
      %dma_wait3A_196 = tpu.memref_slice %arg10[%dma_wait3A_188] : memref<2x!tpu.dma_semaphore, #tpu.memory_space<semaphore_mem>> -> memref<1x!tpu.dma_semaphore, #tpu.memory_space<semaphore_mem>>
      %dma_wait3A_197 = tpu.memref_squeeze %dma_wait3A_196 : memref<1x!tpu.dma_semaphore, #tpu.memory_space<semaphore_mem>> -> memref<!tpu.dma_semaphore, #tpu.memory_space<semaphore_mem>>
      %dma_wait3A_198 = arith.constant 0 : i32
      %dma_wait3A_199 = arith.constant 0 : i32
      %dma_wait3A_200 = tpu.memref_slice %arg7[%dma_wait3A_187, %dma_wait3A_198, %dma_wait3A_199] : memref<2x128x128xf32, #tpu.memory_space<vmem>> -> memref<1x128x128xf32, #tpu.memory_space<vmem>>
      %dma_wait3A_201 = tpu.memref_squeeze %dma_wait3A_200 : memref<1x128x128xf32, #tpu.memory_space<vmem>> -> memref<128x128xf32, #tpu.memory_space<vmem>>
      %dma_wait3A_202 = arith.constant 0 : i32
      %dma_wait3A_203 = arith.constant 0 : i32
      %dma_wait3A_204 = tpu.memref_slice %arg2[%dma_wait3A_202, %dma_wait3A_203] : memref<327680x128xf32, #tpu.memory_space<hbm>> -> memref<128x128xf32, #tpu.memory_space<hbm>>
      tpu.wait_dma2 semaphore(%dma_wait3A_197 : memref<!tpu.dma_semaphore, #tpu.memory_space<semaphore_mem>>) src(%dma_wait3A_204 : memref<128x128xf32, #tpu.memory_space<hbm>>) dst(%dma_wait3A_201 : memref<128x128xf32, #tpu.memory_space<vmem>>)
      %run_scoped3A_205 = arith.constant 1 : i32
      "tpu.region"() ({
        %run_scoped3A_213 = tpu.sem_alloc : memref<!tpu.dma_semaphore, #tpu.memory_space<semaphore_mem>>
        %dma_start3A_214 = arith.constant 0 : i32
        %dma_start3A_215 = arith.constant 0 : i32
        %dma_start3A_216 = tpu.memref_slice %arg7[%run_scoped3A_205, %dma_start3A_214, %dma_start3A_215] : memref<2x128x128xf32, #tpu.memory_space<vmem>> -> memref<1x128x128xf32, #tpu.memory_space<vmem>>
        %dma_start3A_217 = tpu.memref_squeeze %dma_start3A_216 : memref<1x128x128xf32, #tpu.memory_space<vmem>> -> memref<128x128xf32, #tpu.memory_space<vmem>>
        %dma_start3A_218 = arith.constant 0 : i32
        %dma_start3A_219 = tpu.memref_slice %arg6[%add3A_186, %dma_start3A_218] : memref<80x128xi32, #tpu.memory_space<vmem>> -> memref<1x128xi32, #tpu.memory_space<vmem>>
        %dma_start3A_220 = tpu.memref_squeeze %dma_start3A_219 : memref<1x128xi32, #tpu.memory_space<vmem>> -> memref<128xi32, #tpu.memory_space<vmem>>
        %dma_start3A_221 = arith.constant 0 : i32
        %dma_start3A_222 = arith.constant 0 : i32
        %dma_start3A_223 = tpu.memref_slice %arg9[%dma_start3A_221, %dma_start3A_222] : memref<10240x128xf32, #tpu.memory_space<vmem_shared>> -> memref<10240x128xf32, #tpu.memory_space<vmem_shared>>
        tpu.enqueue_indirect_dma source(%dma_start3A_217 : memref<128x128xf32, #tpu.memory_space<vmem>>) target(%dma_start3A_223 : memref<10240x128xf32, #tpu.memory_space<vmem_shared>>) offsets(%dma_start3A_220 : memref<128xi32, #tpu.memory_space<vmem>>) semaphore(%run_scoped3A_213 : memref<!tpu.dma_semaphore, #tpu.memory_space<semaphore_mem>>) {add = true}
        %dma_wait3A_224 = arith.constant 0 : i32
        %dma_wait3A_225 = arith.constant 0 : i32
        %dma_wait3A_226 = tpu.memref_slice %arg7[%run_scoped3A_205, %dma_wait3A_224, %dma_wait3A_225] : memref<2x128x128xf32, #tpu.memory_space<vmem>> -> memref<1x128x128xf32, #tpu.memory_space<vmem>>
        %dma_wait3A_227 = tpu.memref_squeeze %dma_wait3A_226 : memref<1x128x128xf32, #tpu.memory_space<vmem>> -> memref<128x128xf32, #tpu.memory_space<vmem>>
        %dma_wait3A_228 = arith.constant 0 : i32
        %dma_wait3A_229 = tpu.memref_slice %arg6[%add3A_186, %dma_wait3A_228] : memref<80x128xi32, #tpu.memory_space<vmem>> -> memref<1x128xi32, #tpu.memory_space<vmem>>
        %dma_wait3A_230 = tpu.memref_squeeze %dma_wait3A_229 : memref<1x128xi32, #tpu.memory_space<vmem>> -> memref<128xi32, #tpu.memory_space<vmem>>
        %dma_wait3A_231 = arith.constant 0 : i32
        %dma_wait3A_232 = arith.constant 0 : i32
        %dma_wait3A_233 = tpu.memref_slice %arg9[%dma_wait3A_231, %dma_wait3A_232] : memref<10240x128xf32, #tpu.memory_space<vmem_shared>> -> memref<10240x128xf32, #tpu.memory_space<vmem_shared>>
        tpu.wait_indirect_dma semaphore(%run_scoped3A_213 : memref<!tpu.dma_semaphore, #tpu.memory_space<semaphore_mem>>) src(%dma_wait3A_227 : memref<128x128xf32, #tpu.memory_space<vmem>>) dst(%dma_wait3A_233 : memref<10240x128xf32, #tpu.memory_space<vmem_shared>>)
        tpu.yield
      }) : () -> ()
      %add3A_206 = arith.constant 2 : i32
      %add3A_207 = arith.addi %add3A_186, %add3A_206 : i32
      %lt3A_208 = arith.constant 80 : i32
      %lt3A_209 = arith.cmpi slt, %add3A_207, %lt3A_208 : i32
      %convert_element_type3A_210 = arith.extui %lt3A_209 : i1 to i32
      %cond3A_211 = arith.constant 0 : i32
      %cond3A_212 = arith.cmpi ne, %convert_element_type3A_210, %cond3A_211 : i32
      scf.if %cond3A_212 {
        %add3A_213 = arith.constant 2 : i32
        %add3A_214 = arith.addi %add3A_186, %add3A_213 : i32
        %mul3A_215 = arith.constant 128 : i32
        %mul3A_216 = arith.muli %add3A_214, %mul3A_215 : i32
        %add3A_217 = arith.addi %mul3A_4, %mul3A_216 : i32
        %dma_start3A_218 = arith.constant 1 : i32
        %dma_start3A_219 = arith.constant 1 : i32
        %dma_start3A_220 = arith.constant 0 : i32
        %dma_start3A_221 = arith.constant 0 : i32
        %dma_start3A_222 = tpu.memref_slice %arg7[%dma_start3A_218, %dma_start3A_220, %dma_start3A_221] : memref<2x128x128xf32, #tpu.memory_space<vmem>> -> memref<1x128x128xf32, #tpu.memory_space<vmem>>
        %dma_start3A_223 = tpu.memref_squeeze %dma_start3A_222 : memref<1x128x128xf32, #tpu.memory_space<vmem>> -> memref<128x128xf32, #tpu.memory_space<vmem>>
        %dma_start3A_224 = arith.constant 0 : i32
        %dma_start3A_225 = tpu.memref_slice %arg2[%add3A_217, %dma_start3A_224] : memref<327680x128xf32, #tpu.memory_space<hbm>> -> memref<128x128xf32, #tpu.memory_space<hbm>>
        %dma_start3A_226 = tpu.memref_slice %arg10[%dma_start3A_219] : memref<2x!tpu.dma_semaphore, #tpu.memory_space<semaphore_mem>> -> memref<1x!tpu.dma_semaphore, #tpu.memory_space<semaphore_mem>>
        %dma_start3A_227 = tpu.memref_squeeze %dma_start3A_226 : memref<1x!tpu.dma_semaphore, #tpu.memory_space<semaphore_mem>> -> memref<!tpu.dma_semaphore, #tpu.memory_space<semaphore_mem>>
        %dma_start3A_228 = arith.constant 0 : i32
        %dma_start3A_229 = arith.constant 0 : i32
        %dma_start3A_230 = tpu.memref_slice %arg7[%dma_start3A_218, %dma_start3A_228, %dma_start3A_229] : memref<2x128x128xf32, #tpu.memory_space<vmem>> -> memref<1x128x128xf32, #tpu.memory_space<vmem>>
        %dma_start3A_231 = tpu.memref_squeeze %dma_start3A_230 : memref<1x128x128xf32, #tpu.memory_space<vmem>> -> memref<128x128xf32, #tpu.memory_space<vmem>>
        %dma_start3A_232 = arith.constant 0 : i32
        %dma_start3A_233 = tpu.memref_slice %arg2[%add3A_217, %dma_start3A_232] : memref<327680x128xf32, #tpu.memory_space<hbm>> -> memref<128x128xf32, #tpu.memory_space<hbm>>
        tpu.enqueue_dma source(%dma_start3A_233 : memref<128x128xf32, #tpu.memory_space<hbm>>) target(%dma_start3A_231 : memref<128x128xf32, #tpu.memory_space<vmem>>) target_semaphore(%dma_start3A_227 : memref<!tpu.dma_semaphore, #tpu.memory_space<semaphore_mem>>)
      } else {
      }
    }
    %scan3A_145 = arith.constant 40 : i32
    %barrier3A_146 = arith.constant 0 : index
    tpu.barrier barrier_id(%barrier3A_146)
    %eq3A = arith.constant 0 : i32
    %eq3A_147 = arith.cmpi eq, %arg0, %eq3A : i32
    %convert_element_type3A = arith.extui %eq3A_147 : i1 to i32
    %cond3A = arith.constant 0 : i32
    %cond3A_148 = arith.cmpi ne, %convert_element_type3A, %cond3A : i32
    scf.if %cond3A_148 {
      %mul3A_154 = arith.constant 640 : i32
      %mul3A_155 = arith.muli %arg1, %mul3A_154 : i32
      %mul3A_156 = arith.constant 640 : i32
      %mul3A_157 = arith.muli %arg1, %mul3A_156 : i32
      "tpu.region"() ({
        %run_scoped3A = tpu.sem_alloc : memref<!tpu.dma_semaphore, #tpu.memory_space<semaphore_mem>>
        %dma_start3A_158 = arith.constant 0 : i32
        %dma_start3A_159 = tpu.memref_slice %arg4[%mul3A_157, %dma_start3A_158] : memref<10240x128xf32, #tpu.memory_space<hbm>> -> memref<640x128xf32, #tpu.memory_space<hbm>>
        %dma_start3A_160 = arith.constant 0 : i32
        %dma_start3A_161 = tpu.memref_slice %arg9[%mul3A_155, %dma_start3A_160] : memref<10240x128xf32, #tpu.memory_space<vmem_shared>> -> memref<640x128xf32, #tpu.memory_space<vmem_shared>>
        tpu.enqueue_dma source(%dma_start3A_161 : memref<640x128xf32, #tpu.memory_space<vmem_shared>>) target(%dma_start3A_159 : memref<640x128xf32, #tpu.memory_space<hbm>>) target_semaphore(%run_scoped3A : memref<!tpu.dma_semaphore, #tpu.memory_space<semaphore_mem>>)
        %dma_wait3A_162 = arith.constant 0 : i32
        %dma_wait3A_163 = tpu.memref_slice %arg4[%mul3A_157, %dma_wait3A_162] : memref<10240x128xf32, #tpu.memory_space<hbm>> -> memref<640x128xf32, #tpu.memory_space<hbm>>
        %dma_wait3A_164 = arith.constant 0 : i32
        %dma_wait3A_165 = tpu.memref_slice %arg9[%mul3A_155, %dma_wait3A_164] : memref<10240x128xf32, #tpu.memory_space<vmem_shared>> -> memref<640x128xf32, #tpu.memory_space<vmem_shared>>
        tpu.wait_dma2 semaphore(%run_scoped3A : memref<!tpu.dma_semaphore, #tpu.memory_space<semaphore_mem>>) src(%dma_wait3A_165 : memref<640x128xf32, #tpu.memory_space<vmem_shared>>) dst(%dma_wait3A_163 : memref<640x128xf32, #tpu.memory_space<hbm>>)
        tpu.yield
      }) : () -> ()
    } else {
    }
    %eq3A_149 = arith.constant 1 : i32
    %eq3A_150 = arith.cmpi eq, %arg0, %eq3A_149 : i32
    %convert_element_type3A_151 = arith.extui %eq3A_150 : i1 to i32
    %cond3A_152 = arith.constant 0 : i32
    %cond3A_153 = arith.cmpi ne, %convert_element_type3A_151, %cond3A_152 : i32
    scf.if %cond3A_153 {
      %mul3A_154 = arith.constant 640 : i32
      %mul3A_155 = arith.muli %arg1, %mul3A_154 : i32
      %mul3A_156 = arith.constant 640 : i32
      %mul3A_157 = arith.muli %arg1, %mul3A_156 : i32
      "tpu.region"() ({
        %run_scoped3A = tpu.sem_alloc : memref<!tpu.dma_semaphore, #tpu.memory_space<semaphore_mem>>
        %dma_start3A_158 = arith.constant 0 : i32
        %dma_start3A_159 = tpu.memref_slice %arg5[%mul3A_157, %dma_start3A_158] : memref<10240x128xf32, #tpu.memory_space<hbm>> -> memref<640x128xf32, #tpu.memory_space<hbm>>
        %dma_start3A_160 = arith.constant 0 : i32
        %dma_start3A_161 = tpu.memref_slice %arg9[%mul3A_155, %dma_start3A_160] : memref<10240x128xf32, #tpu.memory_space<vmem_shared>> -> memref<640x128xf32, #tpu.memory_space<vmem_shared>>
        tpu.enqueue_dma source(%dma_start3A_161 : memref<640x128xf32, #tpu.memory_space<vmem_shared>>) target(%dma_start3A_159 : memref<640x128xf32, #tpu.memory_space<hbm>>) target_semaphore(%run_scoped3A : memref<!tpu.dma_semaphore, #tpu.memory_space<semaphore_mem>>)
        %dma_wait3A_162 = arith.constant 0 : i32
        %dma_wait3A_163 = tpu.memref_slice %arg5[%mul3A_157, %dma_wait3A_162] : memref<10240x128xf32, #tpu.memory_space<hbm>> -> memref<640x128xf32, #tpu.memory_space<hbm>>
        %dma_wait3A_164 = arith.constant 0 : i32
        %dma_wait3A_165 = tpu.memref_slice %arg9[%mul3A_155, %dma_wait3A_164] : memref<10240x128xf32, #tpu.memory_space<vmem_shared>> -> memref<640x128xf32, #tpu.memory_space<vmem_shared>>
        tpu.wait_dma2 semaphore(%run_scoped3A : memref<!tpu.dma_semaphore, #tpu.memory_space<semaphore_mem>>) src(%dma_wait3A_165 : memref<640x128xf32, #tpu.memory_space<vmem_shared>>) dst(%dma_wait3A_163 : memref<640x128xf32, #tpu.memory_space<hbm>>)
        tpu.yield
      }) : () -> ()
    } else {
    }
    return
  }
}

#map = affine_map<(d0, d1) -> (0, 0)>
module attributes {stable_mosaic.version = 14 : i64} {
  func.func @_gather_kernel_body(%arg0: i32, %arg1: i32, %arg2: memref<10000x64xf32, #tpu.memory_space<hbm>>, %arg3: memref<10000x64xf32, #tpu.memory_space<hbm>>, %arg4: memref<2560x128xi32, #tpu.memory_space<hbm>>, %arg5: memref<2560x128xi32, #tpu.memory_space<hbm>>, %arg6: memref<327680x64xf32, #tpu.memory_space<hbm>>, %arg7: memref<327680x64xf32, #tpu.memory_space<hbm>>, %arg8: memref<80x128xi32, #tpu.memory_space<vmem>>, %arg9: memref<4x128x64xf32, #tpu.memory_space<vmem>>, %arg10: memref<10000x64xf32, #tpu.memory_space<vmem_shared>>, %arg11: memref<10000x64xf32, #tpu.memory_space<vmem_shared>>, %arg12: memref<4x!tpu.dma_semaphore, #tpu.memory_space<semaphore_mem>>, %arg13: memref<4x!tpu.dma_semaphore, #tpu.memory_space<semaphore_mem>>) attributes {dimension_semantics = [#tpu.dimension_semantics<core_parallel>, #tpu.dimension_semantics<subcore_parallel>], iteration_bounds = array<i64: 2, 16>, scalar_prefetch = 0 : i64, scratch_operands = 6 : i64, tpu.core_type = #tpu.core_type<sc_vector_subcore>, window_params = [{transform_indices = #map}, {transform_indices = #map}, {transform_indices = #map}, {transform_indices = #map}, {transform_indices = #map}, {transform_indices = #map}]} {
    %mul3A = arith.constant 16 : i32
    %mul3A_0 = arith.muli %arg0, %mul3A : i32
    %add3A = arith.addi %mul3A_0, %arg1 : i32
    %mul3A_1 = arith.constant 80 : i32
    %mul3A_2 = arith.muli %add3A, %mul3A_1 : i32
    %mul3A_3 = arith.constant 128 : i32
    %mul3A_4 = arith.muli %mul3A_2, %mul3A_3 : i32
    %mul3A_5 = arith.constant 625 : i32
    %mul3A_6 = arith.muli %arg1, %mul3A_5 : i32
    %mul3A_7 = arith.constant 625 : i32
    %mul3A_8 = arith.muli %arg1, %mul3A_7 : i32
    "tpu.region"() ({
      %run_scoped3A = tpu.sem_alloc : memref<!tpu.dma_semaphore, #tpu.memory_space<semaphore_mem>>
      %dma_start3A_286 = arith.constant 0 : i32
      %dma_start3A_287 = tpu.memref_slice %arg10[%mul3A_8, %dma_start3A_286] : memref<10000x64xf32, #tpu.memory_space<vmem_shared>> -> memref<625x64xf32, #tpu.memory_space<vmem_shared>>
      %dma_start3A_288 = arith.constant 0 : i32
      %dma_start3A_289 = tpu.memref_slice %arg2[%mul3A_6, %dma_start3A_288] : memref<10000x64xf32, #tpu.memory_space<hbm>> -> memref<625x64xf32, #tpu.memory_space<hbm>>
      tpu.enqueue_dma source(%dma_start3A_289 : memref<625x64xf32, #tpu.memory_space<hbm>>) target(%dma_start3A_287 : memref<625x64xf32, #tpu.memory_space<vmem_shared>>) target_semaphore(%run_scoped3A : memref<!tpu.dma_semaphore, #tpu.memory_space<semaphore_mem>>)
      %dma_wait3A_290 = arith.constant 0 : i32
      %dma_wait3A_291 = tpu.memref_slice %arg10[%mul3A_8, %dma_wait3A_290] : memref<10000x64xf32, #tpu.memory_space<vmem_shared>> -> memref<625x64xf32, #tpu.memory_space<vmem_shared>>
      %dma_wait3A_292 = arith.constant 0 : i32
      %dma_wait3A_293 = tpu.memref_slice %arg2[%mul3A_6, %dma_wait3A_292] : memref<10000x64xf32, #tpu.memory_space<hbm>> -> memref<625x64xf32, #tpu.memory_space<hbm>>
      tpu.wait_dma2 semaphore(%run_scoped3A : memref<!tpu.dma_semaphore, #tpu.memory_space<semaphore_mem>>) src(%dma_wait3A_293 : memref<625x64xf32, #tpu.memory_space<hbm>>) dst(%dma_wait3A_291 : memref<625x64xf32, #tpu.memory_space<vmem_shared>>)
      tpu.yield
    }) : () -> ()
    %mul3A_9 = arith.constant 625 : i32
    %mul3A_10 = arith.muli %arg1, %mul3A_9 : i32
    %mul3A_11 = arith.constant 625 : i32
    %mul3A_12 = arith.muli %arg1, %mul3A_11 : i32
    "tpu.region"() ({
      %run_scoped3A = tpu.sem_alloc : memref<!tpu.dma_semaphore, #tpu.memory_space<semaphore_mem>>
      %dma_start3A_286 = arith.constant 0 : i32
      %dma_start3A_287 = tpu.memref_slice %arg11[%mul3A_12, %dma_start3A_286] : memref<10000x64xf32, #tpu.memory_space<vmem_shared>> -> memref<625x64xf32, #tpu.memory_space<vmem_shared>>
      %dma_start3A_288 = arith.constant 0 : i32
      %dma_start3A_289 = tpu.memref_slice %arg3[%mul3A_10, %dma_start3A_288] : memref<10000x64xf32, #tpu.memory_space<hbm>> -> memref<625x64xf32, #tpu.memory_space<hbm>>
      tpu.enqueue_dma source(%dma_start3A_289 : memref<625x64xf32, #tpu.memory_space<hbm>>) target(%dma_start3A_287 : memref<625x64xf32, #tpu.memory_space<vmem_shared>>) target_semaphore(%run_scoped3A : memref<!tpu.dma_semaphore, #tpu.memory_space<semaphore_mem>>)
      %dma_wait3A_290 = arith.constant 0 : i32
      %dma_wait3A_291 = tpu.memref_slice %arg11[%mul3A_12, %dma_wait3A_290] : memref<10000x64xf32, #tpu.memory_space<vmem_shared>> -> memref<625x64xf32, #tpu.memory_space<vmem_shared>>
      %dma_wait3A_292 = arith.constant 0 : i32
      %dma_wait3A_293 = tpu.memref_slice %arg3[%mul3A_10, %dma_wait3A_292] : memref<10000x64xf32, #tpu.memory_space<hbm>> -> memref<625x64xf32, #tpu.memory_space<hbm>>
      tpu.wait_dma2 semaphore(%run_scoped3A : memref<!tpu.dma_semaphore, #tpu.memory_space<semaphore_mem>>) src(%dma_wait3A_293 : memref<625x64xf32, #tpu.memory_space<hbm>>) dst(%dma_wait3A_291 : memref<625x64xf32, #tpu.memory_space<vmem_shared>>)
      tpu.yield
    }) : () -> ()
    %barrier3A = arith.constant 0 : index
    tpu.barrier barrier_id(%barrier3A)
    "tpu.region"() ({
      %run_scoped3A = tpu.sem_alloc : memref<!tpu.dma_semaphore, #tpu.memory_space<semaphore_mem>>
      %dma_start3A_286 = arith.constant 0 : i32
      %dma_start3A_287 = tpu.memref_slice %arg4[%mul3A_2, %dma_start3A_286] : memref<2560x128xi32, #tpu.memory_space<hbm>> -> memref<80x128xi32, #tpu.memory_space<hbm>>
      %dma_start3A_288 = arith.constant 0 : i32
      %dma_start3A_289 = tpu.memref_slice %arg4[%mul3A_2, %dma_start3A_288] : memref<2560x128xi32, #tpu.memory_space<hbm>> -> memref<80x128xi32, #tpu.memory_space<hbm>>
      tpu.enqueue_dma source(%dma_start3A_289 : memref<80x128xi32, #tpu.memory_space<hbm>>) target(%arg8 : memref<80x128xi32, #tpu.memory_space<vmem>>) target_semaphore(%run_scoped3A : memref<!tpu.dma_semaphore, #tpu.memory_space<semaphore_mem>>)
      %dma_wait3A_290 = arith.constant 0 : i32
      %dma_wait3A_291 = tpu.memref_slice %arg4[%mul3A_2, %dma_wait3A_290] : memref<2560x128xi32, #tpu.memory_space<hbm>> -> memref<80x128xi32, #tpu.memory_space<hbm>>
      %dma_wait3A_292 = arith.constant 0 : i32
      %dma_wait3A_293 = tpu.memref_slice %arg4[%mul3A_2, %dma_wait3A_292] : memref<2560x128xi32, #tpu.memory_space<hbm>> -> memref<80x128xi32, #tpu.memory_space<hbm>>
      tpu.wait_dma2 semaphore(%run_scoped3A : memref<!tpu.dma_semaphore, #tpu.memory_space<semaphore_mem>>) src(%dma_wait3A_293 : memref<80x128xi32, #tpu.memory_space<hbm>>) dst(%arg8 : memref<80x128xi32, #tpu.memory_space<vmem>>)
      tpu.yield
    }) : () -> ()
    %dma_start3A = arith.constant 0 : i32
    %dma_start3A_13 = arith.constant 0 : i32
    %dma_start3A_14 = arith.constant 0 : i32
    %dma_start3A_15 = arith.constant 0 : i32
    %dma_start3A_16 = arith.constant 0 : i32
    %dma_start3A_17 = tpu.memref_slice %arg9[%dma_start3A_13, %dma_start3A_15, %dma_start3A_16] : memref<4x128x64xf32, #tpu.memory_space<vmem>> -> memref<1x128x64xf32, #tpu.memory_space<vmem>>
    %dma_start3A_18 = tpu.memref_squeeze %dma_start3A_17 : memref<1x128x64xf32, #tpu.memory_space<vmem>> -> memref<128x64xf32, #tpu.memory_space<vmem>>
    %dma_start3A_19 = arith.constant 0 : i32
    %dma_start3A_20 = tpu.memref_slice %arg8[%dma_start3A, %dma_start3A_19] : memref<80x128xi32, #tpu.memory_space<vmem>> -> memref<1x128xi32, #tpu.memory_space<vmem>>
    %dma_start3A_21 = tpu.memref_squeeze %dma_start3A_20 : memref<1x128xi32, #tpu.memory_space<vmem>> -> memref<128xi32, #tpu.memory_space<vmem>>
    %dma_start3A_22 = arith.constant 0 : i32
    %dma_start3A_23 = arith.constant 0 : i32
    %dma_start3A_24 = tpu.memref_slice %arg10[%dma_start3A_22, %dma_start3A_23] : memref<10000x64xf32, #tpu.memory_space<vmem_shared>> -> memref<10000x64xf32, #tpu.memory_space<vmem_shared>>
    %dma_start3A_25 = tpu.memref_slice %arg12[%dma_start3A_14] : memref<4x!tpu.dma_semaphore, #tpu.memory_space<semaphore_mem>> -> memref<1x!tpu.dma_semaphore, #tpu.memory_space<semaphore_mem>>
    %dma_start3A_26 = tpu.memref_squeeze %dma_start3A_25 : memref<1x!tpu.dma_semaphore, #tpu.memory_space<semaphore_mem>> -> memref<!tpu.dma_semaphore, #tpu.memory_space<semaphore_mem>>
    tpu.enqueue_indirect_dma source(%dma_start3A_24 : memref<10000x64xf32, #tpu.memory_space<vmem_shared>>) target(%dma_start3A_18 : memref<128x64xf32, #tpu.memory_space<vmem>>) offsets(%dma_start3A_21 : memref<128xi32, #tpu.memory_space<vmem>>) semaphore(%dma_start3A_26 : memref<!tpu.dma_semaphore, #tpu.memory_space<semaphore_mem>>)
    %dma_start3A_27 = arith.constant 1 : i32
    %dma_start3A_28 = arith.constant 1 : i32
    %dma_start3A_29 = arith.constant 1 : i32
    %dma_start3A_30 = arith.constant 0 : i32
    %dma_start3A_31 = arith.constant 0 : i32
    %dma_start3A_32 = tpu.memref_slice %arg9[%dma_start3A_28, %dma_start3A_30, %dma_start3A_31] : memref<4x128x64xf32, #tpu.memory_space<vmem>> -> memref<1x128x64xf32, #tpu.memory_space<vmem>>
    %dma_start3A_33 = tpu.memref_squeeze %dma_start3A_32 : memref<1x128x64xf32, #tpu.memory_space<vmem>> -> memref<128x64xf32, #tpu.memory_space<vmem>>
    %dma_start3A_34 = arith.constant 0 : i32
    %dma_start3A_35 = tpu.memref_slice %arg8[%dma_start3A_27, %dma_start3A_34] : memref<80x128xi32, #tpu.memory_space<vmem>> -> memref<1x128xi32, #tpu.memory_space<vmem>>
    %dma_start3A_36 = tpu.memref_squeeze %dma_start3A_35 : memref<1x128xi32, #tpu.memory_space<vmem>> -> memref<128xi32, #tpu.memory_space<vmem>>
    %dma_start3A_37 = arith.constant 0 : i32
    %dma_start3A_38 = arith.constant 0 : i32
    %dma_start3A_39 = tpu.memref_slice %arg10[%dma_start3A_37, %dma_start3A_38] : memref<10000x64xf32, #tpu.memory_space<vmem_shared>> -> memref<10000x64xf32, #tpu.memory_space<vmem_shared>>
    %dma_start3A_40 = tpu.memref_slice %arg12[%dma_start3A_29] : memref<4x!tpu.dma_semaphore, #tpu.memory_space<semaphore_mem>> -> memref<1x!tpu.dma_semaphore, #tpu.memory_space<semaphore_mem>>
    %dma_start3A_41 = tpu.memref_squeeze %dma_start3A_40 : memref<1x!tpu.dma_semaphore, #tpu.memory_space<semaphore_mem>> -> memref<!tpu.dma_semaphore, #tpu.memory_space<semaphore_mem>>
    tpu.enqueue_indirect_dma source(%dma_start3A_39 : memref<10000x64xf32, #tpu.memory_space<vmem_shared>>) target(%dma_start3A_33 : memref<128x64xf32, #tpu.memory_space<vmem>>) offsets(%dma_start3A_36 : memref<128xi32, #tpu.memory_space<vmem>>) semaphore(%dma_start3A_41 : memref<!tpu.dma_semaphore, #tpu.memory_space<semaphore_mem>>)
    %dma_start3A_42 = arith.constant 2 : i32
    %dma_start3A_43 = arith.constant 2 : i32
    %dma_start3A_44 = arith.constant 2 : i32
    %dma_start3A_45 = arith.constant 0 : i32
    %dma_start3A_46 = arith.constant 0 : i32
    %dma_start3A_47 = tpu.memref_slice %arg9[%dma_start3A_43, %dma_start3A_45, %dma_start3A_46] : memref<4x128x64xf32, #tpu.memory_space<vmem>> -> memref<1x128x64xf32, #tpu.memory_space<vmem>>
    %dma_start3A_48 = tpu.memref_squeeze %dma_start3A_47 : memref<1x128x64xf32, #tpu.memory_space<vmem>> -> memref<128x64xf32, #tpu.memory_space<vmem>>
    %dma_start3A_49 = arith.constant 0 : i32
    %dma_start3A_50 = tpu.memref_slice %arg8[%dma_start3A_42, %dma_start3A_49] : memref<80x128xi32, #tpu.memory_space<vmem>> -> memref<1x128xi32, #tpu.memory_space<vmem>>
    %dma_start3A_51 = tpu.memref_squeeze %dma_start3A_50 : memref<1x128xi32, #tpu.memory_space<vmem>> -> memref<128xi32, #tpu.memory_space<vmem>>
    %dma_start3A_52 = arith.constant 0 : i32
    %dma_start3A_53 = arith.constant 0 : i32
    %dma_start3A_54 = tpu.memref_slice %arg10[%dma_start3A_52, %dma_start3A_53] : memref<10000x64xf32, #tpu.memory_space<vmem_shared>> -> memref<10000x64xf32, #tpu.memory_space<vmem_shared>>
    %dma_start3A_55 = tpu.memref_slice %arg12[%dma_start3A_44] : memref<4x!tpu.dma_semaphore, #tpu.memory_space<semaphore_mem>> -> memref<1x!tpu.dma_semaphore, #tpu.memory_space<semaphore_mem>>
    %dma_start3A_56 = tpu.memref_squeeze %dma_start3A_55 : memref<1x!tpu.dma_semaphore, #tpu.memory_space<semaphore_mem>> -> memref<!tpu.dma_semaphore, #tpu.memory_space<semaphore_mem>>
    tpu.enqueue_indirect_dma source(%dma_start3A_54 : memref<10000x64xf32, #tpu.memory_space<vmem_shared>>) target(%dma_start3A_48 : memref<128x64xf32, #tpu.memory_space<vmem>>) offsets(%dma_start3A_51 : memref<128xi32, #tpu.memory_space<vmem>>) semaphore(%dma_start3A_56 : memref<!tpu.dma_semaphore, #tpu.memory_space<semaphore_mem>>)
    %dma_start3A_57 = arith.constant 3 : i32
    %dma_start3A_58 = arith.constant 3 : i32
    %dma_start3A_59 = arith.constant 3 : i32
    %dma_start3A_60 = arith.constant 0 : i32
    %dma_start3A_61 = arith.constant 0 : i32
    %dma_start3A_62 = tpu.memref_slice %arg9[%dma_start3A_58, %dma_start3A_60, %dma_start3A_61] : memref<4x128x64xf32, #tpu.memory_space<vmem>> -> memref<1x128x64xf32, #tpu.memory_space<vmem>>
    %dma_start3A_63 = tpu.memref_squeeze %dma_start3A_62 : memref<1x128x64xf32, #tpu.memory_space<vmem>> -> memref<128x64xf32, #tpu.memory_space<vmem>>
    %dma_start3A_64 = arith.constant 0 : i32
    %dma_start3A_65 = tpu.memref_slice %arg8[%dma_start3A_57, %dma_start3A_64] : memref<80x128xi32, #tpu.memory_space<vmem>> -> memref<1x128xi32, #tpu.memory_space<vmem>>
    %dma_start3A_66 = tpu.memref_squeeze %dma_start3A_65 : memref<1x128xi32, #tpu.memory_space<vmem>> -> memref<128xi32, #tpu.memory_space<vmem>>
    %dma_start3A_67 = arith.constant 0 : i32
    %dma_start3A_68 = arith.constant 0 : i32
    %dma_start3A_69 = tpu.memref_slice %arg10[%dma_start3A_67, %dma_start3A_68] : memref<10000x64xf32, #tpu.memory_space<vmem_shared>> -> memref<10000x64xf32, #tpu.memory_space<vmem_shared>>
    %dma_start3A_70 = tpu.memref_slice %arg12[%dma_start3A_59] : memref<4x!tpu.dma_semaphore, #tpu.memory_space<semaphore_mem>> -> memref<1x!tpu.dma_semaphore, #tpu.memory_space<semaphore_mem>>
    %dma_start3A_71 = tpu.memref_squeeze %dma_start3A_70 : memref<1x!tpu.dma_semaphore, #tpu.memory_space<semaphore_mem>> -> memref<!tpu.dma_semaphore, #tpu.memory_space<semaphore_mem>>
    tpu.enqueue_indirect_dma source(%dma_start3A_69 : memref<10000x64xf32, #tpu.memory_space<vmem_shared>>) target(%dma_start3A_63 : memref<128x64xf32, #tpu.memory_space<vmem>>) offsets(%dma_start3A_66 : memref<128xi32, #tpu.memory_space<vmem>>) semaphore(%dma_start3A_71 : memref<!tpu.dma_semaphore, #tpu.memory_space<semaphore_mem>>)
    %scan3A = arith.constant 0 : i32
    %scan3A_72 = arith.constant 0 : i32
    %scan3A_73 = arith.constant 20 : i32
    %scan3A_74 = arith.addi %scan3A_72, %scan3A_73 : i32
    %scan3A_75 = arith.constant 1 : i32
    scf.for %scan3A_286 = %scan3A_72 to %scan3A_74 step %scan3A_75  : i32 {
      %mul3A_287 = arith.constant 4 : i32
      %mul3A_288 = arith.muli %scan3A_286, %mul3A_287 : i32
      %add3A_289 = arith.constant 0 : i32
      %add3A_290 = arith.addi %mul3A_288, %add3A_289 : i32
      %dma_wait3A_291 = arith.constant 0 : i32
      %dma_wait3A_292 = arith.constant 0 : i32
      %dma_wait3A_293 = arith.constant 0 : i32
      %dma_wait3A_294 = arith.constant 0 : i32
      %dma_wait3A_295 = tpu.memref_slice %arg9[%dma_wait3A_291, %dma_wait3A_293, %dma_wait3A_294] : memref<4x128x64xf32, #tpu.memory_space<vmem>> -> memref<1x128x64xf32, #tpu.memory_space<vmem>>
      %dma_wait3A_296 = tpu.memref_squeeze %dma_wait3A_295 : memref<1x128x64xf32, #tpu.memory_space<vmem>> -> memref<128x64xf32, #tpu.memory_space<vmem>>
      %dma_wait3A_297 = arith.constant 0 : i32
      %dma_wait3A_298 = arith.constant 0 : i32
      %dma_wait3A_299 = tpu.memref_slice %arg6[%dma_wait3A_297, %dma_wait3A_298] : memref<327680x64xf32, #tpu.memory_space<hbm>> -> memref<128x64xf32, #tpu.memory_space<hbm>>
      %dma_wait3A_300 = tpu.memref_slice %arg12[%dma_wait3A_292] : memref<4x!tpu.dma_semaphore, #tpu.memory_space<semaphore_mem>> -> memref<1x!tpu.dma_semaphore, #tpu.memory_space<semaphore_mem>>
      %dma_wait3A_301 = tpu.memref_squeeze %dma_wait3A_300 : memref<1x!tpu.dma_semaphore, #tpu.memory_space<semaphore_mem>> -> memref<!tpu.dma_semaphore, #tpu.memory_space<semaphore_mem>>
      %dma_wait3A_302 = arith.constant 0 : i32
      %dma_wait3A_303 = arith.constant 0 : i32
      %dma_wait3A_304 = tpu.memref_slice %arg9[%dma_wait3A_291, %dma_wait3A_302, %dma_wait3A_303] : memref<4x128x64xf32, #tpu.memory_space<vmem>> -> memref<1x128x64xf32, #tpu.memory_space<vmem>>
      %dma_wait3A_305 = tpu.memref_squeeze %dma_wait3A_304 : memref<1x128x64xf32, #tpu.memory_space<vmem>> -> memref<128x64xf32, #tpu.memory_space<vmem>>
      %dma_wait3A_306 = arith.constant 0 : i32
      %dma_wait3A_307 = arith.constant 0 : i32
      %dma_wait3A_308 = tpu.memref_slice %arg6[%dma_wait3A_306, %dma_wait3A_307] : memref<327680x64xf32, #tpu.memory_space<hbm>> -> memref<128x64xf32, #tpu.memory_space<hbm>>
      tpu.wait_dma2 semaphore(%dma_wait3A_301 : memref<!tpu.dma_semaphore, #tpu.memory_space<semaphore_mem>>) src(%dma_wait3A_308 : memref<128x64xf32, #tpu.memory_space<hbm>>) dst(%dma_wait3A_305 : memref<128x64xf32, #tpu.memory_space<vmem>>)
      %mul3A_309 = arith.constant 128 : i32
      %mul3A_310 = arith.muli %add3A_290, %mul3A_309 : i32
      %add3A_311 = arith.addi %mul3A_4, %mul3A_310 : i32
      %dma_start3A_312 = arith.constant 0 : i32
      %dma_start3A_313 = arith.constant 0 : i32
      %dma_start3A_314 = arith.constant 0 : i32
      %dma_start3A_315 = arith.constant 0 : i32
      %dma_start3A_316 = tpu.memref_slice %arg9[%dma_start3A_312, %dma_start3A_314, %dma_start3A_315] : memref<4x128x64xf32, #tpu.memory_space<vmem>> -> memref<1x128x64xf32, #tpu.memory_space<vmem>>
      %dma_start3A_317 = tpu.memref_squeeze %dma_start3A_316 : memref<1x128x64xf32, #tpu.memory_space<vmem>> -> memref<128x64xf32, #tpu.memory_space<vmem>>
      %dma_start3A_318 = arith.constant 0 : i32
      %dma_start3A_319 = tpu.memref_slice %arg6[%add3A_311, %dma_start3A_318] : memref<327680x64xf32, #tpu.memory_space<hbm>> -> memref<128x64xf32, #tpu.memory_space<hbm>>
      %dma_start3A_320 = tpu.memref_slice %arg13[%dma_start3A_313] : memref<4x!tpu.dma_semaphore, #tpu.memory_space<semaphore_mem>> -> memref<1x!tpu.dma_semaphore, #tpu.memory_space<semaphore_mem>>
      %dma_start3A_321 = tpu.memref_squeeze %dma_start3A_320 : memref<1x!tpu.dma_semaphore, #tpu.memory_space<semaphore_mem>> -> memref<!tpu.dma_semaphore, #tpu.memory_space<semaphore_mem>>
      %dma_start3A_322 = arith.constant 0 : i32
      %dma_start3A_323 = tpu.memref_slice %arg6[%add3A_311, %dma_start3A_322] : memref<327680x64xf32, #tpu.memory_space<hbm>> -> memref<128x64xf32, #tpu.memory_space<hbm>>
      %dma_start3A_324 = arith.constant 0 : i32
      %dma_start3A_325 = arith.constant 0 : i32
      %dma_start3A_326 = tpu.memref_slice %arg9[%dma_start3A_312, %dma_start3A_324, %dma_start3A_325] : memref<4x128x64xf32, #tpu.memory_space<vmem>> -> memref<1x128x64xf32, #tpu.memory_space<vmem>>
      %dma_start3A_327 = tpu.memref_squeeze %dma_start3A_326 : memref<1x128x64xf32, #tpu.memory_space<vmem>> -> memref<128x64xf32, #tpu.memory_space<vmem>>
      tpu.enqueue_dma source(%dma_start3A_327 : memref<128x64xf32, #tpu.memory_space<vmem>>) target(%dma_start3A_323 : memref<128x64xf32, #tpu.memory_space<hbm>>) target_semaphore(%dma_start3A_321 : memref<!tpu.dma_semaphore, #tpu.memory_space<semaphore_mem>>)
      %sub3A = arith.constant 1 : i32
      %sub3A_328 = arith.subi %add3A_290, %sub3A : i32
      %ge3A = arith.constant 0 : i32
      %ge3A_329 = arith.cmpi sge, %sub3A_328, %ge3A : i32
      %add3A_330 = arith.constant 4 : i32
      %add3A_331 = arith.addi %sub3A_328, %add3A_330 : i32
      %lt3A = arith.constant 80 : i32
      %lt3A_332 = arith.cmpi slt, %add3A_331, %lt3A : i32
      %and3A = arith.andi %ge3A_329, %lt3A_332 : i1
      %convert_element_type3A = arith.extui %and3A : i1 to i32
      %cond3A = arith.constant 0 : i32
      %cond3A_333 = arith.cmpi ne, %convert_element_type3A, %cond3A : i32
      scf.if %cond3A_333 {
        %dma_wait3A_493 = arith.constant 3 : i32
        %dma_wait3A_494 = arith.constant 3 : i32
        %dma_wait3A_495 = arith.constant 0 : i32
        %dma_wait3A_496 = arith.constant 0 : i32
        %dma_wait3A_497 = tpu.memref_slice %arg9[%dma_wait3A_493, %dma_wait3A_495, %dma_wait3A_496] : memref<4x128x64xf32, #tpu.memory_space<vmem>> -> memref<1x128x64xf32, #tpu.memory_space<vmem>>
        %dma_wait3A_498 = tpu.memref_squeeze %dma_wait3A_497 : memref<1x128x64xf32, #tpu.memory_space<vmem>> -> memref<128x64xf32, #tpu.memory_space<vmem>>
        %dma_wait3A_499 = arith.constant 0 : i32
        %dma_wait3A_500 = arith.constant 0 : i32
        %dma_wait3A_501 = tpu.memref_slice %arg6[%dma_wait3A_499, %dma_wait3A_500] : memref<327680x64xf32, #tpu.memory_space<hbm>> -> memref<128x64xf32, #tpu.memory_space<hbm>>
        %dma_wait3A_502 = tpu.memref_slice %arg13[%dma_wait3A_494] : memref<4x!tpu.dma_semaphore, #tpu.memory_space<semaphore_mem>> -> memref<1x!tpu.dma_semaphore, #tpu.memory_space<semaphore_mem>>
        %dma_wait3A_503 = tpu.memref_squeeze %dma_wait3A_502 : memref<1x!tpu.dma_semaphore, #tpu.memory_space<semaphore_mem>> -> memref<!tpu.dma_semaphore, #tpu.memory_space<semaphore_mem>>
        %dma_wait3A_504 = arith.constant 0 : i32
        %dma_wait3A_505 = arith.constant 0 : i32
        %dma_wait3A_506 = tpu.memref_slice %arg9[%dma_wait3A_493, %dma_wait3A_504, %dma_wait3A_505] : memref<4x128x64xf32, #tpu.memory_space<vmem>> -> memref<1x128x64xf32, #tpu.memory_space<vmem>>
        %dma_wait3A_507 = tpu.memref_squeeze %dma_wait3A_506 : memref<1x128x64xf32, #tpu.memory_space<vmem>> -> memref<128x64xf32, #tpu.memory_space<vmem>>
        %dma_wait3A_508 = arith.constant 0 : i32
        %dma_wait3A_509 = arith.constant 0 : i32
        %dma_wait3A_510 = tpu.memref_slice %arg6[%dma_wait3A_508, %dma_wait3A_509] : memref<327680x64xf32, #tpu.memory_space<hbm>> -> memref<128x64xf32, #tpu.memory_space<hbm>>
        tpu.wait_dma2 semaphore(%dma_wait3A_503 : memref<!tpu.dma_semaphore, #tpu.memory_space<semaphore_mem>>) src(%dma_wait3A_510 : memref<128x64xf32, #tpu.memory_space<hbm>>) dst(%dma_wait3A_507 : memref<128x64xf32, #tpu.memory_space<vmem>>)
        %add3A_511 = arith.constant 4 : i32
        %add3A_512 = arith.addi %sub3A_328, %add3A_511 : i32
        %dma_start3A_513 = arith.constant 3 : i32
        %dma_start3A_514 = arith.constant 3 : i32
        %dma_start3A_515 = arith.constant 0 : i32
        %dma_start3A_516 = arith.constant 0 : i32
        %dma_start3A_517 = tpu.memref_slice %arg9[%dma_start3A_513, %dma_start3A_515, %dma_start3A_516] : memref<4x128x64xf32, #tpu.memory_space<vmem>> -> memref<1x128x64xf32, #tpu.memory_space<vmem>>
        %dma_start3A_518 = tpu.memref_squeeze %dma_start3A_517 : memref<1x128x64xf32, #tpu.memory_space<vmem>> -> memref<128x64xf32, #tpu.memory_space<vmem>>
        %dma_start3A_519 = arith.constant 0 : i32
        %dma_start3A_520 = tpu.memref_slice %arg8[%add3A_512, %dma_start3A_519] : memref<80x128xi32, #tpu.memory_space<vmem>> -> memref<1x128xi32, #tpu.memory_space<vmem>>
        %dma_start3A_521 = tpu.memref_squeeze %dma_start3A_520 : memref<1x128xi32, #tpu.memory_space<vmem>> -> memref<128xi32, #tpu.memory_space<vmem>>
        %dma_start3A_522 = arith.constant 0 : i32
        %dma_start3A_523 = arith.constant 0 : i32
        %dma_start3A_524 = tpu.memref_slice %arg10[%dma_start3A_522, %dma_start3A_523] : memref<10000x64xf32, #tpu.memory_space<vmem_shared>> -> memref<10000x64xf32, #tpu.memory_space<vmem_shared>>
        %dma_start3A_525 = tpu.memref_slice %arg12[%dma_start3A_514] : memref<4x!tpu.dma_semaphore, #tpu.memory_space<semaphore_mem>> -> memref<1x!tpu.dma_semaphore, #tpu.memory_space<semaphore_mem>>
        %dma_start3A_526 = tpu.memref_squeeze %dma_start3A_525 : memref<1x!tpu.dma_semaphore, #tpu.memory_space<semaphore_mem>> -> memref<!tpu.dma_semaphore, #tpu.memory_space<semaphore_mem>>
        tpu.enqueue_indirect_dma source(%dma_start3A_524 : memref<10000x64xf32, #tpu.memory_space<vmem_shared>>) target(%dma_start3A_518 : memref<128x64xf32, #tpu.memory_space<vmem>>) offsets(%dma_start3A_521 : memref<128xi32, #tpu.memory_space<vmem>>) semaphore(%dma_start3A_526 : memref<!tpu.dma_semaphore, #tpu.memory_space<semaphore_mem>>)
      } else {
      }
      %mul3A_334 = arith.constant 4 : i32
      %mul3A_335 = arith.muli %scan3A_286, %mul3A_334 : i32
      %add3A_336 = arith.constant 1 : i32
      %add3A_337 = arith.addi %mul3A_335, %add3A_336 : i32
      %dma_wait3A_338 = arith.constant 1 : i32
      %dma_wait3A_339 = arith.constant 1 : i32
      %dma_wait3A_340 = arith.constant 0 : i32
      %dma_wait3A_341 = arith.constant 0 : i32
      %dma_wait3A_342 = tpu.memref_slice %arg9[%dma_wait3A_338, %dma_wait3A_340, %dma_wait3A_341] : memref<4x128x64xf32, #tpu.memory_space<vmem>> -> memref<1x128x64xf32, #tpu.memory_space<vmem>>
      %dma_wait3A_343 = tpu.memref_squeeze %dma_wait3A_342 : memref<1x128x64xf32, #tpu.memory_space<vmem>> -> memref<128x64xf32, #tpu.memory_space<vmem>>
      %dma_wait3A_344 = arith.constant 0 : i32
      %dma_wait3A_345 = arith.constant 0 : i32
      %dma_wait3A_346 = tpu.memref_slice %arg6[%dma_wait3A_344, %dma_wait3A_345] : memref<327680x64xf32, #tpu.memory_space<hbm>> -> memref<128x64xf32, #tpu.memory_space<hbm>>
      %dma_wait3A_347 = tpu.memref_slice %arg12[%dma_wait3A_339] : memref<4x!tpu.dma_semaphore, #tpu.memory_space<semaphore_mem>> -> memref<1x!tpu.dma_semaphore, #tpu.memory_space<semaphore_mem>>
      %dma_wait3A_348 = tpu.memref_squeeze %dma_wait3A_347 : memref<1x!tpu.dma_semaphore, #tpu.memory_space<semaphore_mem>> -> memref<!tpu.dma_semaphore, #tpu.memory_space<semaphore_mem>>
      %dma_wait3A_349 = arith.constant 0 : i32
      %dma_wait3A_350 = arith.constant 0 : i32
      %dma_wait3A_351 = tpu.memref_slice %arg9[%dma_wait3A_338, %dma_wait3A_349, %dma_wait3A_350] : memref<4x128x64xf32, #tpu.memory_space<vmem>> -> memref<1x128x64xf32, #tpu.memory_space<vmem>>
      %dma_wait3A_352 = tpu.memref_squeeze %dma_wait3A_351 : memref<1x128x64xf32, #tpu.memory_space<vmem>> -> memref<128x64xf32, #tpu.memory_space<vmem>>
      %dma_wait3A_353 = arith.constant 0 : i32
      %dma_wait3A_354 = arith.constant 0 : i32
      %dma_wait3A_355 = tpu.memref_slice %arg6[%dma_wait3A_353, %dma_wait3A_354] : memref<327680x64xf32, #tpu.memory_space<hbm>> -> memref<128x64xf32, #tpu.memory_space<hbm>>
      tpu.wait_dma2 semaphore(%dma_wait3A_348 : memref<!tpu.dma_semaphore, #tpu.memory_space<semaphore_mem>>) src(%dma_wait3A_355 : memref<128x64xf32, #tpu.memory_space<hbm>>) dst(%dma_wait3A_352 : memref<128x64xf32, #tpu.memory_space<vmem>>)
      %mul3A_356 = arith.constant 128 : i32
      %mul3A_357 = arith.muli %add3A_337, %mul3A_356 : i32
      %add3A_358 = arith.addi %mul3A_4, %mul3A_357 : i32
      %dma_start3A_359 = arith.constant 1 : i32
      %dma_start3A_360 = arith.constant 1 : i32
      %dma_start3A_361 = arith.constant 0 : i32
      %dma_start3A_362 = arith.constant 0 : i32
      %dma_start3A_363 = tpu.memref_slice %arg9[%dma_start3A_359, %dma_start3A_361, %dma_start3A_362] : memref<4x128x64xf32, #tpu.memory_space<vmem>> -> memref<1x128x64xf32, #tpu.memory_space<vmem>>
      %dma_start3A_364 = tpu.memref_squeeze %dma_start3A_363 : memref<1x128x64xf32, #tpu.memory_space<vmem>> -> memref<128x64xf32, #tpu.memory_space<vmem>>
      %dma_start3A_365 = arith.constant 0 : i32
      %dma_start3A_366 = tpu.memref_slice %arg6[%add3A_358, %dma_start3A_365] : memref<327680x64xf32, #tpu.memory_space<hbm>> -> memref<128x64xf32, #tpu.memory_space<hbm>>
      %dma_start3A_367 = tpu.memref_slice %arg13[%dma_start3A_360] : memref<4x!tpu.dma_semaphore, #tpu.memory_space<semaphore_mem>> -> memref<1x!tpu.dma_semaphore, #tpu.memory_space<semaphore_mem>>
      %dma_start3A_368 = tpu.memref_squeeze %dma_start3A_367 : memref<1x!tpu.dma_semaphore, #tpu.memory_space<semaphore_mem>> -> memref<!tpu.dma_semaphore, #tpu.memory_space<semaphore_mem>>
      %dma_start3A_369 = arith.constant 0 : i32
      %dma_start3A_370 = tpu.memref_slice %arg6[%add3A_358, %dma_start3A_369] : memref<327680x64xf32, #tpu.memory_space<hbm>> -> memref<128x64xf32, #tpu.memory_space<hbm>>
      %dma_start3A_371 = arith.constant 0 : i32
      %dma_start3A_372 = arith.constant 0 : i32
      %dma_start3A_373 = tpu.memref_slice %arg9[%dma_start3A_359, %dma_start3A_371, %dma_start3A_372] : memref<4x128x64xf32, #tpu.memory_space<vmem>> -> memref<1x128x64xf32, #tpu.memory_space<vmem>>
      %dma_start3A_374 = tpu.memref_squeeze %dma_start3A_373 : memref<1x128x64xf32, #tpu.memory_space<vmem>> -> memref<128x64xf32, #tpu.memory_space<vmem>>
      tpu.enqueue_dma source(%dma_start3A_374 : memref<128x64xf32, #tpu.memory_space<vmem>>) target(%dma_start3A_370 : memref<128x64xf32, #tpu.memory_space<hbm>>) target_semaphore(%dma_start3A_368 : memref<!tpu.dma_semaphore, #tpu.memory_space<semaphore_mem>>)
      %sub3A_375 = arith.constant 1 : i32
      %sub3A_376 = arith.subi %add3A_337, %sub3A_375 : i32
      %ge3A_377 = arith.constant 0 : i32
      %ge3A_378 = arith.cmpi sge, %sub3A_376, %ge3A_377 : i32
      %add3A_379 = arith.constant 4 : i32
      %add3A_380 = arith.addi %sub3A_376, %add3A_379 : i32
      %lt3A_381 = arith.constant 80 : i32
      %lt3A_382 = arith.cmpi slt, %add3A_380, %lt3A_381 : i32
      %and3A_383 = arith.andi %ge3A_378, %lt3A_382 : i1
      %convert_element_type3A_384 = arith.extui %and3A_383 : i1 to i32
      %cond3A_385 = arith.constant 0 : i32
      %cond3A_386 = arith.cmpi ne, %convert_element_type3A_384, %cond3A_385 : i32
      scf.if %cond3A_386 {
        %dma_wait3A_493 = arith.constant 0 : i32
        %dma_wait3A_494 = arith.constant 0 : i32
        %dma_wait3A_495 = arith.constant 0 : i32
        %dma_wait3A_496 = arith.constant 0 : i32
        %dma_wait3A_497 = tpu.memref_slice %arg9[%dma_wait3A_493, %dma_wait3A_495, %dma_wait3A_496] : memref<4x128x64xf32, #tpu.memory_space<vmem>> -> memref<1x128x64xf32, #tpu.memory_space<vmem>>
        %dma_wait3A_498 = tpu.memref_squeeze %dma_wait3A_497 : memref<1x128x64xf32, #tpu.memory_space<vmem>> -> memref<128x64xf32, #tpu.memory_space<vmem>>
        %dma_wait3A_499 = arith.constant 0 : i32
        %dma_wait3A_500 = arith.constant 0 : i32
        %dma_wait3A_501 = tpu.memref_slice %arg6[%dma_wait3A_499, %dma_wait3A_500] : memref<327680x64xf32, #tpu.memory_space<hbm>> -> memref<128x64xf32, #tpu.memory_space<hbm>>
        %dma_wait3A_502 = tpu.memref_slice %arg13[%dma_wait3A_494] : memref<4x!tpu.dma_semaphore, #tpu.memory_space<semaphore_mem>> -> memref<1x!tpu.dma_semaphore, #tpu.memory_space<semaphore_mem>>
        %dma_wait3A_503 = tpu.memref_squeeze %dma_wait3A_502 : memref<1x!tpu.dma_semaphore, #tpu.memory_space<semaphore_mem>> -> memref<!tpu.dma_semaphore, #tpu.memory_space<semaphore_mem>>
        %dma_wait3A_504 = arith.constant 0 : i32
        %dma_wait3A_505 = arith.constant 0 : i32
        %dma_wait3A_506 = tpu.memref_slice %arg9[%dma_wait3A_493, %dma_wait3A_504, %dma_wait3A_505] : memref<4x128x64xf32, #tpu.memory_space<vmem>> -> memref<1x128x64xf32, #tpu.memory_space<vmem>>
        %dma_wait3A_507 = tpu.memref_squeeze %dma_wait3A_506 : memref<1x128x64xf32, #tpu.memory_space<vmem>> -> memref<128x64xf32, #tpu.memory_space<vmem>>
        %dma_wait3A_508 = arith.constant 0 : i32
        %dma_wait3A_509 = arith.constant 0 : i32
        %dma_wait3A_510 = tpu.memref_slice %arg6[%dma_wait3A_508, %dma_wait3A_509] : memref<327680x64xf32, #tpu.memory_space<hbm>> -> memref<128x64xf32, #tpu.memory_space<hbm>>
        tpu.wait_dma2 semaphore(%dma_wait3A_503 : memref<!tpu.dma_semaphore, #tpu.memory_space<semaphore_mem>>) src(%dma_wait3A_510 : memref<128x64xf32, #tpu.memory_space<hbm>>) dst(%dma_wait3A_507 : memref<128x64xf32, #tpu.memory_space<vmem>>)
        %add3A_511 = arith.constant 4 : i32
        %add3A_512 = arith.addi %sub3A_376, %add3A_511 : i32
        %dma_start3A_513 = arith.constant 0 : i32
        %dma_start3A_514 = arith.constant 0 : i32
        %dma_start3A_515 = arith.constant 0 : i32
        %dma_start3A_516 = arith.constant 0 : i32
        %dma_start3A_517 = tpu.memref_slice %arg9[%dma_start3A_513, %dma_start3A_515, %dma_start3A_516] : memref<4x128x64xf32, #tpu.memory_space<vmem>> -> memref<1x128x64xf32, #tpu.memory_space<vmem>>
        %dma_start3A_518 = tpu.memref_squeeze %dma_start3A_517 : memref<1x128x64xf32, #tpu.memory_space<vmem>> -> memref<128x64xf32, #tpu.memory_space<vmem>>
        %dma_start3A_519 = arith.constant 0 : i32
        %dma_start3A_520 = tpu.memref_slice %arg8[%add3A_512, %dma_start3A_519] : memref<80x128xi32, #tpu.memory_space<vmem>> -> memref<1x128xi32, #tpu.memory_space<vmem>>
        %dma_start3A_521 = tpu.memref_squeeze %dma_start3A_520 : memref<1x128xi32, #tpu.memory_space<vmem>> -> memref<128xi32, #tpu.memory_space<vmem>>
        %dma_start3A_522 = arith.constant 0 : i32
        %dma_start3A_523 = arith.constant 0 : i32
        %dma_start3A_524 = tpu.memref_slice %arg10[%dma_start3A_522, %dma_start3A_523] : memref<10000x64xf32, #tpu.memory_space<vmem_shared>> -> memref<10000x64xf32, #tpu.memory_space<vmem_shared>>
        %dma_start3A_525 = tpu.memref_slice %arg12[%dma_start3A_514] : memref<4x!tpu.dma_semaphore, #tpu.memory_space<semaphore_mem>> -> memref<1x!tpu.dma_semaphore, #tpu.memory_space<semaphore_mem>>
        %dma_start3A_526 = tpu.memref_squeeze %dma_start3A_525 : memref<1x!tpu.dma_semaphore, #tpu.memory_space<semaphore_mem>> -> memref<!tpu.dma_semaphore, #tpu.memory_space<semaphore_mem>>
        tpu.enqueue_indirect_dma source(%dma_start3A_524 : memref<10000x64xf32, #tpu.memory_space<vmem_shared>>) target(%dma_start3A_518 : memref<128x64xf32, #tpu.memory_space<vmem>>) offsets(%dma_start3A_521 : memref<128xi32, #tpu.memory_space<vmem>>) semaphore(%dma_start3A_526 : memref<!tpu.dma_semaphore, #tpu.memory_space<semaphore_mem>>)
      } else {
      }
      %mul3A_387 = arith.constant 4 : i32
      %mul3A_388 = arith.muli %scan3A_286, %mul3A_387 : i32
      %add3A_389 = arith.constant 2 : i32
      %add3A_390 = arith.addi %mul3A_388, %add3A_389 : i32
      %dma_wait3A_391 = arith.constant 2 : i32
      %dma_wait3A_392 = arith.constant 2 : i32
      %dma_wait3A_393 = arith.constant 0 : i32
      %dma_wait3A_394 = arith.constant 0 : i32
      %dma_wait3A_395 = tpu.memref_slice %arg9[%dma_wait3A_391, %dma_wait3A_393, %dma_wait3A_394] : memref<4x128x64xf32, #tpu.memory_space<vmem>> -> memref<1x128x64xf32, #tpu.memory_space<vmem>>
      %dma_wait3A_396 = tpu.memref_squeeze %dma_wait3A_395 : memref<1x128x64xf32, #tpu.memory_space<vmem>> -> memref<128x64xf32, #tpu.memory_space<vmem>>
      %dma_wait3A_397 = arith.constant 0 : i32
      %dma_wait3A_398 = arith.constant 0 : i32
      %dma_wait3A_399 = tpu.memref_slice %arg6[%dma_wait3A_397, %dma_wait3A_398] : memref<327680x64xf32, #tpu.memory_space<hbm>> -> memref<128x64xf32, #tpu.memory_space<hbm>>
      %dma_wait3A_400 = tpu.memref_slice %arg12[%dma_wait3A_392] : memref<4x!tpu.dma_semaphore, #tpu.memory_space<semaphore_mem>> -> memref<1x!tpu.dma_semaphore, #tpu.memory_space<semaphore_mem>>
      %dma_wait3A_401 = tpu.memref_squeeze %dma_wait3A_400 : memref<1x!tpu.dma_semaphore, #tpu.memory_space<semaphore_mem>> -> memref<!tpu.dma_semaphore, #tpu.memory_space<semaphore_mem>>
      %dma_wait3A_402 = arith.constant 0 : i32
      %dma_wait3A_403 = arith.constant 0 : i32
      %dma_wait3A_404 = tpu.memref_slice %arg9[%dma_wait3A_391, %dma_wait3A_402, %dma_wait3A_403] : memref<4x128x64xf32, #tpu.memory_space<vmem>> -> memref<1x128x64xf32, #tpu.memory_space<vmem>>
      %dma_wait3A_405 = tpu.memref_squeeze %dma_wait3A_404 : memref<1x128x64xf32, #tpu.memory_space<vmem>> -> memref<128x64xf32, #tpu.memory_space<vmem>>
      %dma_wait3A_406 = arith.constant 0 : i32
      %dma_wait3A_407 = arith.constant 0 : i32
      %dma_wait3A_408 = tpu.memref_slice %arg6[%dma_wait3A_406, %dma_wait3A_407] : memref<327680x64xf32, #tpu.memory_space<hbm>> -> memref<128x64xf32, #tpu.memory_space<hbm>>
      tpu.wait_dma2 semaphore(%dma_wait3A_401 : memref<!tpu.dma_semaphore, #tpu.memory_space<semaphore_mem>>) src(%dma_wait3A_408 : memref<128x64xf32, #tpu.memory_space<hbm>>) dst(%dma_wait3A_405 : memref<128x64xf32, #tpu.memory_space<vmem>>)
      %mul3A_409 = arith.constant 128 : i32
      %mul3A_410 = arith.muli %add3A_390, %mul3A_409 : i32
      %add3A_411 = arith.addi %mul3A_4, %mul3A_410 : i32
      %dma_start3A_412 = arith.constant 2 : i32
      %dma_start3A_413 = arith.constant 2 : i32
      %dma_start3A_414 = arith.constant 0 : i32
      %dma_start3A_415 = arith.constant 0 : i32
      %dma_start3A_416 = tpu.memref_slice %arg9[%dma_start3A_412, %dma_start3A_414, %dma_start3A_415] : memref<4x128x64xf32, #tpu.memory_space<vmem>> -> memref<1x128x64xf32, #tpu.memory_space<vmem>>
      %dma_start3A_417 = tpu.memref_squeeze %dma_start3A_416 : memref<1x128x64xf32, #tpu.memory_space<vmem>> -> memref<128x64xf32, #tpu.memory_space<vmem>>
      %dma_start3A_418 = arith.constant 0 : i32
      %dma_start3A_419 = tpu.memref_slice %arg6[%add3A_411, %dma_start3A_418] : memref<327680x64xf32, #tpu.memory_space<hbm>> -> memref<128x64xf32, #tpu.memory_space<hbm>>
      %dma_start3A_420 = tpu.memref_slice %arg13[%dma_start3A_413] : memref<4x!tpu.dma_semaphore, #tpu.memory_space<semaphore_mem>> -> memref<1x!tpu.dma_semaphore, #tpu.memory_space<semaphore_mem>>
      %dma_start3A_421 = tpu.memref_squeeze %dma_start3A_420 : memref<1x!tpu.dma_semaphore, #tpu.memory_space<semaphore_mem>> -> memref<!tpu.dma_semaphore, #tpu.memory_space<semaphore_mem>>
      %dma_start3A_422 = arith.constant 0 : i32
      %dma_start3A_423 = tpu.memref_slice %arg6[%add3A_411, %dma_start3A_422] : memref<327680x64xf32, #tpu.memory_space<hbm>> -> memref<128x64xf32, #tpu.memory_space<hbm>>
      %dma_start3A_424 = arith.constant 0 : i32
      %dma_start3A_425 = arith.constant 0 : i32
      %dma_start3A_426 = tpu.memref_slice %arg9[%dma_start3A_412, %dma_start3A_424, %dma_start3A_425] : memref<4x128x64xf32, #tpu.memory_space<vmem>> -> memref<1x128x64xf32, #tpu.memory_space<vmem>>
      %dma_start3A_427 = tpu.memref_squeeze %dma_start3A_426 : memref<1x128x64xf32, #tpu.memory_space<vmem>> -> memref<128x64xf32, #tpu.memory_space<vmem>>
      tpu.enqueue_dma source(%dma_start3A_427 : memref<128x64xf32, #tpu.memory_space<vmem>>) target(%dma_start3A_423 : memref<128x64xf32, #tpu.memory_space<hbm>>) target_semaphore(%dma_start3A_421 : memref<!tpu.dma_semaphore, #tpu.memory_space<semaphore_mem>>)
      %sub3A_428 = arith.constant 1 : i32
      %sub3A_429 = arith.subi %add3A_390, %sub3A_428 : i32
      %ge3A_430 = arith.constant 0 : i32
      %ge3A_431 = arith.cmpi sge, %sub3A_429, %ge3A_430 : i32
      %add3A_432 = arith.constant 4 : i32
      %add3A_433 = arith.addi %sub3A_429, %add3A_432 : i32
      %lt3A_434 = arith.constant 80 : i32
      %lt3A_435 = arith.cmpi slt, %add3A_433, %lt3A_434 : i32
      %and3A_436 = arith.andi %ge3A_431, %lt3A_435 : i1
      %convert_element_type3A_437 = arith.extui %and3A_436 : i1 to i32
      %cond3A_438 = arith.constant 0 : i32
      %cond3A_439 = arith.cmpi ne, %convert_element_type3A_437, %cond3A_438 : i32
      scf.if %cond3A_439 {
        %dma_wait3A_493 = arith.constant 1 : i32
        %dma_wait3A_494 = arith.constant 1 : i32
        %dma_wait3A_495 = arith.constant 0 : i32
        %dma_wait3A_496 = arith.constant 0 : i32
        %dma_wait3A_497 = tpu.memref_slice %arg9[%dma_wait3A_493, %dma_wait3A_495, %dma_wait3A_496] : memref<4x128x64xf32, #tpu.memory_space<vmem>> -> memref<1x128x64xf32, #tpu.memory_space<vmem>>
        %dma_wait3A_498 = tpu.memref_squeeze %dma_wait3A_497 : memref<1x128x64xf32, #tpu.memory_space<vmem>> -> memref<128x64xf32, #tpu.memory_space<vmem>>
        %dma_wait3A_499 = arith.constant 0 : i32
        %dma_wait3A_500 = arith.constant 0 : i32
        %dma_wait3A_501 = tpu.memref_slice %arg6[%dma_wait3A_499, %dma_wait3A_500] : memref<327680x64xf32, #tpu.memory_space<hbm>> -> memref<128x64xf32, #tpu.memory_space<hbm>>
        %dma_wait3A_502 = tpu.memref_slice %arg13[%dma_wait3A_494] : memref<4x!tpu.dma_semaphore, #tpu.memory_space<semaphore_mem>> -> memref<1x!tpu.dma_semaphore, #tpu.memory_space<semaphore_mem>>
        %dma_wait3A_503 = tpu.memref_squeeze %dma_wait3A_502 : memref<1x!tpu.dma_semaphore, #tpu.memory_space<semaphore_mem>> -> memref<!tpu.dma_semaphore, #tpu.memory_space<semaphore_mem>>
        %dma_wait3A_504 = arith.constant 0 : i32
        %dma_wait3A_505 = arith.constant 0 : i32
        %dma_wait3A_506 = tpu.memref_slice %arg9[%dma_wait3A_493, %dma_wait3A_504, %dma_wait3A_505] : memref<4x128x64xf32, #tpu.memory_space<vmem>> -> memref<1x128x64xf32, #tpu.memory_space<vmem>>
        %dma_wait3A_507 = tpu.memref_squeeze %dma_wait3A_506 : memref<1x128x64xf32, #tpu.memory_space<vmem>> -> memref<128x64xf32, #tpu.memory_space<vmem>>
        %dma_wait3A_508 = arith.constant 0 : i32
        %dma_wait3A_509 = arith.constant 0 : i32
        %dma_wait3A_510 = tpu.memref_slice %arg6[%dma_wait3A_508, %dma_wait3A_509] : memref<327680x64xf32, #tpu.memory_space<hbm>> -> memref<128x64xf32, #tpu.memory_space<hbm>>
        tpu.wait_dma2 semaphore(%dma_wait3A_503 : memref<!tpu.dma_semaphore, #tpu.memory_space<semaphore_mem>>) src(%dma_wait3A_510 : memref<128x64xf32, #tpu.memory_space<hbm>>) dst(%dma_wait3A_507 : memref<128x64xf32, #tpu.memory_space<vmem>>)
        %add3A_511 = arith.constant 4 : i32
        %add3A_512 = arith.addi %sub3A_429, %add3A_511 : i32
        %dma_start3A_513 = arith.constant 1 : i32
        %dma_start3A_514 = arith.constant 1 : i32
        %dma_start3A_515 = arith.constant 0 : i32
        %dma_start3A_516 = arith.constant 0 : i32
        %dma_start3A_517 = tpu.memref_slice %arg9[%dma_start3A_513, %dma_start3A_515, %dma_start3A_516] : memref<4x128x64xf32, #tpu.memory_space<vmem>> -> memref<1x128x64xf32, #tpu.memory_space<vmem>>
        %dma_start3A_518 = tpu.memref_squeeze %dma_start3A_517 : memref<1x128x64xf32, #tpu.memory_space<vmem>> -> memref<128x64xf32, #tpu.memory_space<vmem>>
        %dma_start3A_519 = arith.constant 0 : i32
        %dma_start3A_520 = tpu.memref_slice %arg8[%add3A_512, %dma_start3A_519] : memref<80x128xi32, #tpu.memory_space<vmem>> -> memref<1x128xi32, #tpu.memory_space<vmem>>
        %dma_start3A_521 = tpu.memref_squeeze %dma_start3A_520 : memref<1x128xi32, #tpu.memory_space<vmem>> -> memref<128xi32, #tpu.memory_space<vmem>>
        %dma_start3A_522 = arith.constant 0 : i32
        %dma_start3A_523 = arith.constant 0 : i32
        %dma_start3A_524 = tpu.memref_slice %arg10[%dma_start3A_522, %dma_start3A_523] : memref<10000x64xf32, #tpu.memory_space<vmem_shared>> -> memref<10000x64xf32, #tpu.memory_space<vmem_shared>>
        %dma_start3A_525 = tpu.memref_slice %arg12[%dma_start3A_514] : memref<4x!tpu.dma_semaphore, #tpu.memory_space<semaphore_mem>> -> memref<1x!tpu.dma_semaphore, #tpu.memory_space<semaphore_mem>>
        %dma_start3A_526 = tpu.memref_squeeze %dma_start3A_525 : memref<1x!tpu.dma_semaphore, #tpu.memory_space<semaphore_mem>> -> memref<!tpu.dma_semaphore, #tpu.memory_space<semaphore_mem>>
        tpu.enqueue_indirect_dma source(%dma_start3A_524 : memref<10000x64xf32, #tpu.memory_space<vmem_shared>>) target(%dma_start3A_518 : memref<128x64xf32, #tpu.memory_space<vmem>>) offsets(%dma_start3A_521 : memref<128xi32, #tpu.memory_space<vmem>>) semaphore(%dma_start3A_526 : memref<!tpu.dma_semaphore, #tpu.memory_space<semaphore_mem>>)
      } else {
      }
      %mul3A_440 = arith.constant 4 : i32
      %mul3A_441 = arith.muli %scan3A_286, %mul3A_440 : i32
      %add3A_442 = arith.constant 3 : i32
      %add3A_443 = arith.addi %mul3A_441, %add3A_442 : i32
      %dma_wait3A_444 = arith.constant 3 : i32
      %dma_wait3A_445 = arith.constant 3 : i32
      %dma_wait3A_446 = arith.constant 0 : i32
      %dma_wait3A_447 = arith.constant 0 : i32
      %dma_wait3A_448 = tpu.memref_slice %arg9[%dma_wait3A_444, %dma_wait3A_446, %dma_wait3A_447] : memref<4x128x64xf32, #tpu.memory_space<vmem>> -> memref<1x128x64xf32, #tpu.memory_space<vmem>>
      %dma_wait3A_449 = tpu.memref_squeeze %dma_wait3A_448 : memref<1x128x64xf32, #tpu.memory_space<vmem>> -> memref<128x64xf32, #tpu.memory_space<vmem>>
      %dma_wait3A_450 = arith.constant 0 : i32
      %dma_wait3A_451 = arith.constant 0 : i32
      %dma_wait3A_452 = tpu.memref_slice %arg6[%dma_wait3A_450, %dma_wait3A_451] : memref<327680x64xf32, #tpu.memory_space<hbm>> -> memref<128x64xf32, #tpu.memory_space<hbm>>
      %dma_wait3A_453 = tpu.memref_slice %arg12[%dma_wait3A_445] : memref<4x!tpu.dma_semaphore, #tpu.memory_space<semaphore_mem>> -> memref<1x!tpu.dma_semaphore, #tpu.memory_space<semaphore_mem>>
      %dma_wait3A_454 = tpu.memref_squeeze %dma_wait3A_453 : memref<1x!tpu.dma_semaphore, #tpu.memory_space<semaphore_mem>> -> memref<!tpu.dma_semaphore, #tpu.memory_space<semaphore_mem>>
      %dma_wait3A_455 = arith.constant 0 : i32
      %dma_wait3A_456 = arith.constant 0 : i32
      %dma_wait3A_457 = tpu.memref_slice %arg9[%dma_wait3A_444, %dma_wait3A_455, %dma_wait3A_456] : memref<4x128x64xf32, #tpu.memory_space<vmem>> -> memref<1x128x64xf32, #tpu.memory_space<vmem>>
      %dma_wait3A_458 = tpu.memref_squeeze %dma_wait3A_457 : memref<1x128x64xf32, #tpu.memory_space<vmem>> -> memref<128x64xf32, #tpu.memory_space<vmem>>
      %dma_wait3A_459 = arith.constant 0 : i32
      %dma_wait3A_460 = arith.constant 0 : i32
      %dma_wait3A_461 = tpu.memref_slice %arg6[%dma_wait3A_459, %dma_wait3A_460] : memref<327680x64xf32, #tpu.memory_space<hbm>> -> memref<128x64xf32, #tpu.memory_space<hbm>>
      tpu.wait_dma2 semaphore(%dma_wait3A_454 : memref<!tpu.dma_semaphore, #tpu.memory_space<semaphore_mem>>) src(%dma_wait3A_461 : memref<128x64xf32, #tpu.memory_space<hbm>>) dst(%dma_wait3A_458 : memref<128x64xf32, #tpu.memory_space<vmem>>)
      %mul3A_462 = arith.constant 128 : i32
      %mul3A_463 = arith.muli %add3A_443, %mul3A_462 : i32
      %add3A_464 = arith.addi %mul3A_4, %mul3A_463 : i32
      %dma_start3A_465 = arith.constant 3 : i32
      %dma_start3A_466 = arith.constant 3 : i32
      %dma_start3A_467 = arith.constant 0 : i32
      %dma_start3A_468 = arith.constant 0 : i32
      %dma_start3A_469 = tpu.memref_slice %arg9[%dma_start3A_465, %dma_start3A_467, %dma_start3A_468] : memref<4x128x64xf32, #tpu.memory_space<vmem>> -> memref<1x128x64xf32, #tpu.memory_space<vmem>>
      %dma_start3A_470 = tpu.memref_squeeze %dma_start3A_469 : memref<1x128x64xf32, #tpu.memory_space<vmem>> -> memref<128x64xf32, #tpu.memory_space<vmem>>
      %dma_start3A_471 = arith.constant 0 : i32
      %dma_start3A_472 = tpu.memref_slice %arg6[%add3A_464, %dma_start3A_471] : memref<327680x64xf32, #tpu.memory_space<hbm>> -> memref<128x64xf32, #tpu.memory_space<hbm>>
      %dma_start3A_473 = tpu.memref_slice %arg13[%dma_start3A_466] : memref<4x!tpu.dma_semaphore, #tpu.memory_space<semaphore_mem>> -> memref<1x!tpu.dma_semaphore, #tpu.memory_space<semaphore_mem>>
      %dma_start3A_474 = tpu.memref_squeeze %dma_start3A_473 : memref<1x!tpu.dma_semaphore, #tpu.memory_space<semaphore_mem>> -> memref<!tpu.dma_semaphore, #tpu.memory_space<semaphore_mem>>
      %dma_start3A_475 = arith.constant 0 : i32
      %dma_start3A_476 = tpu.memref_slice %arg6[%add3A_464, %dma_start3A_475] : memref<327680x64xf32, #tpu.memory_space<hbm>> -> memref<128x64xf32, #tpu.memory_space<hbm>>
      %dma_start3A_477 = arith.constant 0 : i32
      %dma_start3A_478 = arith.constant 0 : i32
      %dma_start3A_479 = tpu.memref_slice %arg9[%dma_start3A_465, %dma_start3A_477, %dma_start3A_478] : memref<4x128x64xf32, #tpu.memory_space<vmem>> -> memref<1x128x64xf32, #tpu.memory_space<vmem>>
      %dma_start3A_480 = tpu.memref_squeeze %dma_start3A_479 : memref<1x128x64xf32, #tpu.memory_space<vmem>> -> memref<128x64xf32, #tpu.memory_space<vmem>>
      tpu.enqueue_dma source(%dma_start3A_480 : memref<128x64xf32, #tpu.memory_space<vmem>>) target(%dma_start3A_476 : memref<128x64xf32, #tpu.memory_space<hbm>>) target_semaphore(%dma_start3A_474 : memref<!tpu.dma_semaphore, #tpu.memory_space<semaphore_mem>>)
      %sub3A_481 = arith.constant 1 : i32
      %sub3A_482 = arith.subi %add3A_443, %sub3A_481 : i32
      %ge3A_483 = arith.constant 0 : i32
      %ge3A_484 = arith.cmpi sge, %sub3A_482, %ge3A_483 : i32
      %add3A_485 = arith.constant 4 : i32
      %add3A_486 = arith.addi %sub3A_482, %add3A_485 : i32
      %lt3A_487 = arith.constant 80 : i32
      %lt3A_488 = arith.cmpi slt, %add3A_486, %lt3A_487 : i32
      %and3A_489 = arith.andi %ge3A_484, %lt3A_488 : i1
      %convert_element_type3A_490 = arith.extui %and3A_489 : i1 to i32
      %cond3A_491 = arith.constant 0 : i32
      %cond3A_492 = arith.cmpi ne, %convert_element_type3A_490, %cond3A_491 : i32
      scf.if %cond3A_492 {
        %dma_wait3A_493 = arith.constant 2 : i32
        %dma_wait3A_494 = arith.constant 2 : i32
        %dma_wait3A_495 = arith.constant 0 : i32
        %dma_wait3A_496 = arith.constant 0 : i32
        %dma_wait3A_497 = tpu.memref_slice %arg9[%dma_wait3A_493, %dma_wait3A_495, %dma_wait3A_496] : memref<4x128x64xf32, #tpu.memory_space<vmem>> -> memref<1x128x64xf32, #tpu.memory_space<vmem>>
        %dma_wait3A_498 = tpu.memref_squeeze %dma_wait3A_497 : memref<1x128x64xf32, #tpu.memory_space<vmem>> -> memref<128x64xf32, #tpu.memory_space<vmem>>
        %dma_wait3A_499 = arith.constant 0 : i32
        %dma_wait3A_500 = arith.constant 0 : i32
        %dma_wait3A_501 = tpu.memref_slice %arg6[%dma_wait3A_499, %dma_wait3A_500] : memref<327680x64xf32, #tpu.memory_space<hbm>> -> memref<128x64xf32, #tpu.memory_space<hbm>>
        %dma_wait3A_502 = tpu.memref_slice %arg13[%dma_wait3A_494] : memref<4x!tpu.dma_semaphore, #tpu.memory_space<semaphore_mem>> -> memref<1x!tpu.dma_semaphore, #tpu.memory_space<semaphore_mem>>
        %dma_wait3A_503 = tpu.memref_squeeze %dma_wait3A_502 : memref<1x!tpu.dma_semaphore, #tpu.memory_space<semaphore_mem>> -> memref<!tpu.dma_semaphore, #tpu.memory_space<semaphore_mem>>
        %dma_wait3A_504 = arith.constant 0 : i32
        %dma_wait3A_505 = arith.constant 0 : i32
        %dma_wait3A_506 = tpu.memref_slice %arg9[%dma_wait3A_493, %dma_wait3A_504, %dma_wait3A_505] : memref<4x128x64xf32, #tpu.memory_space<vmem>> -> memref<1x128x64xf32, #tpu.memory_space<vmem>>
        %dma_wait3A_507 = tpu.memref_squeeze %dma_wait3A_506 : memref<1x128x64xf32, #tpu.memory_space<vmem>> -> memref<128x64xf32, #tpu.memory_space<vmem>>
        %dma_wait3A_508 = arith.constant 0 : i32
        %dma_wait3A_509 = arith.constant 0 : i32
        %dma_wait3A_510 = tpu.memref_slice %arg6[%dma_wait3A_508, %dma_wait3A_509] : memref<327680x64xf32, #tpu.memory_space<hbm>> -> memref<128x64xf32, #tpu.memory_space<hbm>>
        tpu.wait_dma2 semaphore(%dma_wait3A_503 : memref<!tpu.dma_semaphore, #tpu.memory_space<semaphore_mem>>) src(%dma_wait3A_510 : memref<128x64xf32, #tpu.memory_space<hbm>>) dst(%dma_wait3A_507 : memref<128x64xf32, #tpu.memory_space<vmem>>)
        %add3A_511 = arith.constant 4 : i32
        %add3A_512 = arith.addi %sub3A_482, %add3A_511 : i32
        %dma_start3A_513 = arith.constant 2 : i32
        %dma_start3A_514 = arith.constant 2 : i32
        %dma_start3A_515 = arith.constant 0 : i32
        %dma_start3A_516 = arith.constant 0 : i32
        %dma_start3A_517 = tpu.memref_slice %arg9[%dma_start3A_513, %dma_start3A_515, %dma_start3A_516] : memref<4x128x64xf32, #tpu.memory_space<vmem>> -> memref<1x128x64xf32, #tpu.memory_space<vmem>>
        %dma_start3A_518 = tpu.memref_squeeze %dma_start3A_517 : memref<1x128x64xf32, #tpu.memory_space<vmem>> -> memref<128x64xf32, #tpu.memory_space<vmem>>
        %dma_start3A_519 = arith.constant 0 : i32
        %dma_start3A_520 = tpu.memref_slice %arg8[%add3A_512, %dma_start3A_519] : memref<80x128xi32, #tpu.memory_space<vmem>> -> memref<1x128xi32, #tpu.memory_space<vmem>>
        %dma_start3A_521 = tpu.memref_squeeze %dma_start3A_520 : memref<1x128xi32, #tpu.memory_space<vmem>> -> memref<128xi32, #tpu.memory_space<vmem>>
        %dma_start3A_522 = arith.constant 0 : i32
        %dma_start3A_523 = arith.constant 0 : i32
        %dma_start3A_524 = tpu.memref_slice %arg10[%dma_start3A_522, %dma_start3A_523] : memref<10000x64xf32, #tpu.memory_space<vmem_shared>> -> memref<10000x64xf32, #tpu.memory_space<vmem_shared>>
        %dma_start3A_525 = tpu.memref_slice %arg12[%dma_start3A_514] : memref<4x!tpu.dma_semaphore, #tpu.memory_space<semaphore_mem>> -> memref<1x!tpu.dma_semaphore, #tpu.memory_space<semaphore_mem>>
        %dma_start3A_526 = tpu.memref_squeeze %dma_start3A_525 : memref<1x!tpu.dma_semaphore, #tpu.memory_space<semaphore_mem>> -> memref<!tpu.dma_semaphore, #tpu.memory_space<semaphore_mem>>
        tpu.enqueue_indirect_dma source(%dma_start3A_524 : memref<10000x64xf32, #tpu.memory_space<vmem_shared>>) target(%dma_start3A_518 : memref<128x64xf32, #tpu.memory_space<vmem>>) offsets(%dma_start3A_521 : memref<128xi32, #tpu.memory_space<vmem>>) semaphore(%dma_start3A_526 : memref<!tpu.dma_semaphore, #tpu.memory_space<semaphore_mem>>)
      } else {
      }
    }
    %scan3A_76 = arith.constant 20 : i32
    %dma_wait3A = arith.constant 0 : i32
    %dma_wait3A_77 = arith.constant 0 : i32
    %dma_wait3A_78 = arith.constant 0 : i32
    %dma_wait3A_79 = arith.constant 0 : i32
    %dma_wait3A_80 = tpu.memref_slice %arg9[%dma_wait3A, %dma_wait3A_78, %dma_wait3A_79] : memref<4x128x64xf32, #tpu.memory_space<vmem>> -> memref<1x128x64xf32, #tpu.memory_space<vmem>>
    %dma_wait3A_81 = tpu.memref_squeeze %dma_wait3A_80 : memref<1x128x64xf32, #tpu.memory_space<vmem>> -> memref<128x64xf32, #tpu.memory_space<vmem>>
    %dma_wait3A_82 = arith.constant 0 : i32
    %dma_wait3A_83 = arith.constant 0 : i32
    %dma_wait3A_84 = tpu.memref_slice %arg6[%dma_wait3A_82, %dma_wait3A_83] : memref<327680x64xf32, #tpu.memory_space<hbm>> -> memref<128x64xf32, #tpu.memory_space<hbm>>
    %dma_wait3A_85 = tpu.memref_slice %arg13[%dma_wait3A_77] : memref<4x!tpu.dma_semaphore, #tpu.memory_space<semaphore_mem>> -> memref<1x!tpu.dma_semaphore, #tpu.memory_space<semaphore_mem>>
    %dma_wait3A_86 = tpu.memref_squeeze %dma_wait3A_85 : memref<1x!tpu.dma_semaphore, #tpu.memory_space<semaphore_mem>> -> memref<!tpu.dma_semaphore, #tpu.memory_space<semaphore_mem>>
    %dma_wait3A_87 = arith.constant 0 : i32
    %dma_wait3A_88 = arith.constant 0 : i32
    %dma_wait3A_89 = tpu.memref_slice %arg9[%dma_wait3A, %dma_wait3A_87, %dma_wait3A_88] : memref<4x128x64xf32, #tpu.memory_space<vmem>> -> memref<1x128x64xf32, #tpu.memory_space<vmem>>
    %dma_wait3A_90 = tpu.memref_squeeze %dma_wait3A_89 : memref<1x128x64xf32, #tpu.memory_space<vmem>> -> memref<128x64xf32, #tpu.memory_space<vmem>>
    %dma_wait3A_91 = arith.constant 0 : i32
    %dma_wait3A_92 = arith.constant 0 : i32
    %dma_wait3A_93 = tpu.memref_slice %arg6[%dma_wait3A_91, %dma_wait3A_92] : memref<327680x64xf32, #tpu.memory_space<hbm>> -> memref<128x64xf32, #tpu.memory_space<hbm>>
    tpu.wait_dma2 semaphore(%dma_wait3A_86 : memref<!tpu.dma_semaphore, #tpu.memory_space<semaphore_mem>>) src(%dma_wait3A_93 : memref<128x64xf32, #tpu.memory_space<hbm>>) dst(%dma_wait3A_90 : memref<128x64xf32, #tpu.memory_space<vmem>>)
    %dma_wait3A_94 = arith.constant 1 : i32
    %dma_wait3A_95 = arith.constant 1 : i32
    %dma_wait3A_96 = arith.constant 0 : i32
    %dma_wait3A_97 = arith.constant 0 : i32
    %dma_wait3A_98 = tpu.memref_slice %arg9[%dma_wait3A_94, %dma_wait3A_96, %dma_wait3A_97] : memref<4x128x64xf32, #tpu.memory_space<vmem>> -> memref<1x128x64xf32, #tpu.memory_space<vmem>>
    %dma_wait3A_99 = tpu.memref_squeeze %dma_wait3A_98 : memref<1x128x64xf32, #tpu.memory_space<vmem>> -> memref<128x64xf32, #tpu.memory_space<vmem>>
    %dma_wait3A_100 = arith.constant 0 : i32
    %dma_wait3A_101 = arith.constant 0 : i32
    %dma_wait3A_102 = tpu.memref_slice %arg6[%dma_wait3A_100, %dma_wait3A_101] : memref<327680x64xf32, #tpu.memory_space<hbm>> -> memref<128x64xf32, #tpu.memory_space<hbm>>
    %dma_wait3A_103 = tpu.memref_slice %arg13[%dma_wait3A_95] : memref<4x!tpu.dma_semaphore, #tpu.memory_space<semaphore_mem>> -> memref<1x!tpu.dma_semaphore, #tpu.memory_space<semaphore_mem>>
    %dma_wait3A_104 = tpu.memref_squeeze %dma_wait3A_103 : memref<1x!tpu.dma_semaphore, #tpu.memory_space<semaphore_mem>> -> memref<!tpu.dma_semaphore, #tpu.memory_space<semaphore_mem>>
    %dma_wait3A_105 = arith.constant 0 : i32
    %dma_wait3A_106 = arith.constant 0 : i32
    %dma_wait3A_107 = tpu.memref_slice %arg9[%dma_wait3A_94, %dma_wait3A_105, %dma_wait3A_106] : memref<4x128x64xf32, #tpu.memory_space<vmem>> -> memref<1x128x64xf32, #tpu.memory_space<vmem>>
    %dma_wait3A_108 = tpu.memref_squeeze %dma_wait3A_107 : memref<1x128x64xf32, #tpu.memory_space<vmem>> -> memref<128x64xf32, #tpu.memory_space<vmem>>
    %dma_wait3A_109 = arith.constant 0 : i32
    %dma_wait3A_110 = arith.constant 0 : i32
    %dma_wait3A_111 = tpu.memref_slice %arg6[%dma_wait3A_109, %dma_wait3A_110] : memref<327680x64xf32, #tpu.memory_space<hbm>> -> memref<128x64xf32, #tpu.memory_space<hbm>>
    tpu.wait_dma2 semaphore(%dma_wait3A_104 : memref<!tpu.dma_semaphore, #tpu.memory_space<semaphore_mem>>) src(%dma_wait3A_111 : memref<128x64xf32, #tpu.memory_space<hbm>>) dst(%dma_wait3A_108 : memref<128x64xf32, #tpu.memory_space<vmem>>)
    %dma_wait3A_112 = arith.constant 2 : i32
    %dma_wait3A_113 = arith.constant 2 : i32
    %dma_wait3A_114 = arith.constant 0 : i32
    %dma_wait3A_115 = arith.constant 0 : i32
    %dma_wait3A_116 = tpu.memref_slice %arg9[%dma_wait3A_112, %dma_wait3A_114, %dma_wait3A_115] : memref<4x128x64xf32, #tpu.memory_space<vmem>> -> memref<1x128x64xf32, #tpu.memory_space<vmem>>
    %dma_wait3A_117 = tpu.memref_squeeze %dma_wait3A_116 : memref<1x128x64xf32, #tpu.memory_space<vmem>> -> memref<128x64xf32, #tpu.memory_space<vmem>>
    %dma_wait3A_118 = arith.constant 0 : i32
    %dma_wait3A_119 = arith.constant 0 : i32
    %dma_wait3A_120 = tpu.memref_slice %arg6[%dma_wait3A_118, %dma_wait3A_119] : memref<327680x64xf32, #tpu.memory_space<hbm>> -> memref<128x64xf32, #tpu.memory_space<hbm>>
    %dma_wait3A_121 = tpu.memref_slice %arg13[%dma_wait3A_113] : memref<4x!tpu.dma_semaphore, #tpu.memory_space<semaphore_mem>> -> memref<1x!tpu.dma_semaphore, #tpu.memory_space<semaphore_mem>>
    %dma_wait3A_122 = tpu.memref_squeeze %dma_wait3A_121 : memref<1x!tpu.dma_semaphore, #tpu.memory_space<semaphore_mem>> -> memref<!tpu.dma_semaphore, #tpu.memory_space<semaphore_mem>>
    %dma_wait3A_123 = arith.constant 0 : i32
    %dma_wait3A_124 = arith.constant 0 : i32
    %dma_wait3A_125 = tpu.memref_slice %arg9[%dma_wait3A_112, %dma_wait3A_123, %dma_wait3A_124] : memref<4x128x64xf32, #tpu.memory_space<vmem>> -> memref<1x128x64xf32, #tpu.memory_space<vmem>>
    %dma_wait3A_126 = tpu.memref_squeeze %dma_wait3A_125 : memref<1x128x64xf32, #tpu.memory_space<vmem>> -> memref<128x64xf32, #tpu.memory_space<vmem>>
    %dma_wait3A_127 = arith.constant 0 : i32
    %dma_wait3A_128 = arith.constant 0 : i32
    %dma_wait3A_129 = tpu.memref_slice %arg6[%dma_wait3A_127, %dma_wait3A_128] : memref<327680x64xf32, #tpu.memory_space<hbm>> -> memref<128x64xf32, #tpu.memory_space<hbm>>
    tpu.wait_dma2 semaphore(%dma_wait3A_122 : memref<!tpu.dma_semaphore, #tpu.memory_space<semaphore_mem>>) src(%dma_wait3A_129 : memref<128x64xf32, #tpu.memory_space<hbm>>) dst(%dma_wait3A_126 : memref<128x64xf32, #tpu.memory_space<vmem>>)
    %dma_wait3A_130 = arith.constant 3 : i32
    %dma_wait3A_131 = arith.constant 3 : i32
    %dma_wait3A_132 = arith.constant 0 : i32
    %dma_wait3A_133 = arith.constant 0 : i32
    %dma_wait3A_134 = tpu.memref_slice %arg9[%dma_wait3A_130, %dma_wait3A_132, %dma_wait3A_133] : memref<4x128x64xf32, #tpu.memory_space<vmem>> -> memref<1x128x64xf32, #tpu.memory_space<vmem>>
    %dma_wait3A_135 = tpu.memref_squeeze %dma_wait3A_134 : memref<1x128x64xf32, #tpu.memory_space<vmem>> -> memref<128x64xf32, #tpu.memory_space<vmem>>
    %dma_wait3A_136 = arith.constant 0 : i32
    %dma_wait3A_137 = arith.constant 0 : i32
    %dma_wait3A_138 = tpu.memref_slice %arg6[%dma_wait3A_136, %dma_wait3A_137] : memref<327680x64xf32, #tpu.memory_space<hbm>> -> memref<128x64xf32, #tpu.memory_space<hbm>>
    %dma_wait3A_139 = tpu.memref_slice %arg13[%dma_wait3A_131] : memref<4x!tpu.dma_semaphore, #tpu.memory_space<semaphore_mem>> -> memref<1x!tpu.dma_semaphore, #tpu.memory_space<semaphore_mem>>
    %dma_wait3A_140 = tpu.memref_squeeze %dma_wait3A_139 : memref<1x!tpu.dma_semaphore, #tpu.memory_space<semaphore_mem>> -> memref<!tpu.dma_semaphore, #tpu.memory_space<semaphore_mem>>
    %dma_wait3A_141 = arith.constant 0 : i32
    %dma_wait3A_142 = arith.constant 0 : i32
    %dma_wait3A_143 = tpu.memref_slice %arg9[%dma_wait3A_130, %dma_wait3A_141, %dma_wait3A_142] : memref<4x128x64xf32, #tpu.memory_space<vmem>> -> memref<1x128x64xf32, #tpu.memory_space<vmem>>
    %dma_wait3A_144 = tpu.memref_squeeze %dma_wait3A_143 : memref<1x128x64xf32, #tpu.memory_space<vmem>> -> memref<128x64xf32, #tpu.memory_space<vmem>>
    %dma_wait3A_145 = arith.constant 0 : i32
    %dma_wait3A_146 = arith.constant 0 : i32
    %dma_wait3A_147 = tpu.memref_slice %arg6[%dma_wait3A_145, %dma_wait3A_146] : memref<327680x64xf32, #tpu.memory_space<hbm>> -> memref<128x64xf32, #tpu.memory_space<hbm>>
    tpu.wait_dma2 semaphore(%dma_wait3A_140 : memref<!tpu.dma_semaphore, #tpu.memory_space<semaphore_mem>>) src(%dma_wait3A_147 : memref<128x64xf32, #tpu.memory_space<hbm>>) dst(%dma_wait3A_144 : memref<128x64xf32, #tpu.memory_space<vmem>>)
    "tpu.region"() ({
      %run_scoped3A = tpu.sem_alloc : memref<!tpu.dma_semaphore, #tpu.memory_space<semaphore_mem>>
      %dma_start3A_286 = arith.constant 0 : i32
      %dma_start3A_287 = tpu.memref_slice %arg5[%mul3A_2, %dma_start3A_286] : memref<2560x128xi32, #tpu.memory_space<hbm>> -> memref<80x128xi32, #tpu.memory_space<hbm>>
      %dma_start3A_288 = arith.constant 0 : i32
      %dma_start3A_289 = tpu.memref_slice %arg5[%mul3A_2, %dma_start3A_288] : memref<2560x128xi32, #tpu.memory_space<hbm>> -> memref<80x128xi32, #tpu.memory_space<hbm>>
      tpu.enqueue_dma source(%dma_start3A_289 : memref<80x128xi32, #tpu.memory_space<hbm>>) target(%arg8 : memref<80x128xi32, #tpu.memory_space<vmem>>) target_semaphore(%run_scoped3A : memref<!tpu.dma_semaphore, #tpu.memory_space<semaphore_mem>>)
      %dma_wait3A_290 = arith.constant 0 : i32
      %dma_wait3A_291 = tpu.memref_slice %arg5[%mul3A_2, %dma_wait3A_290] : memref<2560x128xi32, #tpu.memory_space<hbm>> -> memref<80x128xi32, #tpu.memory_space<hbm>>
      %dma_wait3A_292 = arith.constant 0 : i32
      %dma_wait3A_293 = tpu.memref_slice %arg5[%mul3A_2, %dma_wait3A_292] : memref<2560x128xi32, #tpu.memory_space<hbm>> -> memref<80x128xi32, #tpu.memory_space<hbm>>
      tpu.wait_dma2 semaphore(%run_scoped3A : memref<!tpu.dma_semaphore, #tpu.memory_space<semaphore_mem>>) src(%dma_wait3A_293 : memref<80x128xi32, #tpu.memory_space<hbm>>) dst(%arg8 : memref<80x128xi32, #tpu.memory_space<vmem>>)
      tpu.yield
    }) : () -> ()
    %dma_start3A_148 = arith.constant 0 : i32
    %dma_start3A_149 = arith.constant 0 : i32
    %dma_start3A_150 = arith.constant 0 : i32
    %dma_start3A_151 = arith.constant 0 : i32
    %dma_start3A_152 = arith.constant 0 : i32
    %dma_start3A_153 = tpu.memref_slice %arg9[%dma_start3A_149, %dma_start3A_151, %dma_start3A_152] : memref<4x128x64xf32, #tpu.memory_space<vmem>> -> memref<1x128x64xf32, #tpu.memory_space<vmem>>
    %dma_start3A_154 = tpu.memref_squeeze %dma_start3A_153 : memref<1x128x64xf32, #tpu.memory_space<vmem>> -> memref<128x64xf32, #tpu.memory_space<vmem>>
    %dma_start3A_155 = arith.constant 0 : i32
    %dma_start3A_156 = tpu.memref_slice %arg8[%dma_start3A_148, %dma_start3A_155] : memref<80x128xi32, #tpu.memory_space<vmem>> -> memref<1x128xi32, #tpu.memory_space<vmem>>
    %dma_start3A_157 = tpu.memref_squeeze %dma_start3A_156 : memref<1x128xi32, #tpu.memory_space<vmem>> -> memref<128xi32, #tpu.memory_space<vmem>>
    %dma_start3A_158 = arith.constant 0 : i32
    %dma_start3A_159 = arith.constant 0 : i32
    %dma_start3A_160 = tpu.memref_slice %arg11[%dma_start3A_158, %dma_start3A_159] : memref<10000x64xf32, #tpu.memory_space<vmem_shared>> -> memref<10000x64xf32, #tpu.memory_space<vmem_shared>>
    %dma_start3A_161 = tpu.memref_slice %arg12[%dma_start3A_150] : memref<4x!tpu.dma_semaphore, #tpu.memory_space<semaphore_mem>> -> memref<1x!tpu.dma_semaphore, #tpu.memory_space<semaphore_mem>>
    %dma_start3A_162 = tpu.memref_squeeze %dma_start3A_161 : memref<1x!tpu.dma_semaphore, #tpu.memory_space<semaphore_mem>> -> memref<!tpu.dma_semaphore, #tpu.memory_space<semaphore_mem>>
    tpu.enqueue_indirect_dma source(%dma_start3A_160 : memref<10000x64xf32, #tpu.memory_space<vmem_shared>>) target(%dma_start3A_154 : memref<128x64xf32, #tpu.memory_space<vmem>>) offsets(%dma_start3A_157 : memref<128xi32, #tpu.memory_space<vmem>>) semaphore(%dma_start3A_162 : memref<!tpu.dma_semaphore, #tpu.memory_space<semaphore_mem>>)
    %dma_start3A_163 = arith.constant 1 : i32
    %dma_start3A_164 = arith.constant 1 : i32
    %dma_start3A_165 = arith.constant 1 : i32
    %dma_start3A_166 = arith.constant 0 : i32
    %dma_start3A_167 = arith.constant 0 : i32
    %dma_start3A_168 = tpu.memref_slice %arg9[%dma_start3A_164, %dma_start3A_166, %dma_start3A_167] : memref<4x128x64xf32, #tpu.memory_space<vmem>> -> memref<1x128x64xf32, #tpu.memory_space<vmem>>
    %dma_start3A_169 = tpu.memref_squeeze %dma_start3A_168 : memref<1x128x64xf32, #tpu.memory_space<vmem>> -> memref<128x64xf32, #tpu.memory_space<vmem>>
    %dma_start3A_170 = arith.constant 0 : i32
    %dma_start3A_171 = tpu.memref_slice %arg8[%dma_start3A_163, %dma_start3A_170] : memref<80x128xi32, #tpu.memory_space<vmem>> -> memref<1x128xi32, #tpu.memory_space<vmem>>
    %dma_start3A_172 = tpu.memref_squeeze %dma_start3A_171 : memref<1x128xi32, #tpu.memory_space<vmem>> -> memref<128xi32, #tpu.memory_space<vmem>>
    %dma_start3A_173 = arith.constant 0 : i32
    %dma_start3A_174 = arith.constant 0 : i32
    %dma_start3A_175 = tpu.memref_slice %arg11[%dma_start3A_173, %dma_start3A_174] : memref<10000x64xf32, #tpu.memory_space<vmem_shared>> -> memref<10000x64xf32, #tpu.memory_space<vmem_shared>>
    %dma_start3A_176 = tpu.memref_slice %arg12[%dma_start3A_165] : memref<4x!tpu.dma_semaphore, #tpu.memory_space<semaphore_mem>> -> memref<1x!tpu.dma_semaphore, #tpu.memory_space<semaphore_mem>>
    %dma_start3A_177 = tpu.memref_squeeze %dma_start3A_176 : memref<1x!tpu.dma_semaphore, #tpu.memory_space<semaphore_mem>> -> memref<!tpu.dma_semaphore, #tpu.memory_space<semaphore_mem>>
    tpu.enqueue_indirect_dma source(%dma_start3A_175 : memref<10000x64xf32, #tpu.memory_space<vmem_shared>>) target(%dma_start3A_169 : memref<128x64xf32, #tpu.memory_space<vmem>>) offsets(%dma_start3A_172 : memref<128xi32, #tpu.memory_space<vmem>>) semaphore(%dma_start3A_177 : memref<!tpu.dma_semaphore, #tpu.memory_space<semaphore_mem>>)
    %dma_start3A_178 = arith.constant 2 : i32
    %dma_start3A_179 = arith.constant 2 : i32
    %dma_start3A_180 = arith.constant 2 : i32
    %dma_start3A_181 = arith.constant 0 : i32
    %dma_start3A_182 = arith.constant 0 : i32
    %dma_start3A_183 = tpu.memref_slice %arg9[%dma_start3A_179, %dma_start3A_181, %dma_start3A_182] : memref<4x128x64xf32, #tpu.memory_space<vmem>> -> memref<1x128x64xf32, #tpu.memory_space<vmem>>
    %dma_start3A_184 = tpu.memref_squeeze %dma_start3A_183 : memref<1x128x64xf32, #tpu.memory_space<vmem>> -> memref<128x64xf32, #tpu.memory_space<vmem>>
    %dma_start3A_185 = arith.constant 0 : i32
    %dma_start3A_186 = tpu.memref_slice %arg8[%dma_start3A_178, %dma_start3A_185] : memref<80x128xi32, #tpu.memory_space<vmem>> -> memref<1x128xi32, #tpu.memory_space<vmem>>
    %dma_start3A_187 = tpu.memref_squeeze %dma_start3A_186 : memref<1x128xi32, #tpu.memory_space<vmem>> -> memref<128xi32, #tpu.memory_space<vmem>>
    %dma_start3A_188 = arith.constant 0 : i32
    %dma_start3A_189 = arith.constant 0 : i32
    %dma_start3A_190 = tpu.memref_slice %arg11[%dma_start3A_188, %dma_start3A_189] : memref<10000x64xf32, #tpu.memory_space<vmem_shared>> -> memref<10000x64xf32, #tpu.memory_space<vmem_shared>>
    %dma_start3A_191 = tpu.memref_slice %arg12[%dma_start3A_180] : memref<4x!tpu.dma_semaphore, #tpu.memory_space<semaphore_mem>> -> memref<1x!tpu.dma_semaphore, #tpu.memory_space<semaphore_mem>>
    %dma_start3A_192 = tpu.memref_squeeze %dma_start3A_191 : memref<1x!tpu.dma_semaphore, #tpu.memory_space<semaphore_mem>> -> memref<!tpu.dma_semaphore, #tpu.memory_space<semaphore_mem>>
    tpu.enqueue_indirect_dma source(%dma_start3A_190 : memref<10000x64xf32, #tpu.memory_space<vmem_shared>>) target(%dma_start3A_184 : memref<128x64xf32, #tpu.memory_space<vmem>>) offsets(%dma_start3A_187 : memref<128xi32, #tpu.memory_space<vmem>>) semaphore(%dma_start3A_192 : memref<!tpu.dma_semaphore, #tpu.memory_space<semaphore_mem>>)
    %dma_start3A_193 = arith.constant 3 : i32
    %dma_start3A_194 = arith.constant 3 : i32
    %dma_start3A_195 = arith.constant 3 : i32
    %dma_start3A_196 = arith.constant 0 : i32
    %dma_start3A_197 = arith.constant 0 : i32
    %dma_start3A_198 = tpu.memref_slice %arg9[%dma_start3A_194, %dma_start3A_196, %dma_start3A_197] : memref<4x128x64xf32, #tpu.memory_space<vmem>> -> memref<1x128x64xf32, #tpu.memory_space<vmem>>
    %dma_start3A_199 = tpu.memref_squeeze %dma_start3A_198 : memref<1x128x64xf32, #tpu.memory_space<vmem>> -> memref<128x64xf32, #tpu.memory_space<vmem>>
    %dma_start3A_200 = arith.constant 0 : i32
    %dma_start3A_201 = tpu.memref_slice %arg8[%dma_start3A_193, %dma_start3A_200] : memref<80x128xi32, #tpu.memory_space<vmem>> -> memref<1x128xi32, #tpu.memory_space<vmem>>
    %dma_start3A_202 = tpu.memref_squeeze %dma_start3A_201 : memref<1x128xi32, #tpu.memory_space<vmem>> -> memref<128xi32, #tpu.memory_space<vmem>>
    %dma_start3A_203 = arith.constant 0 : i32
    %dma_start3A_204 = arith.constant 0 : i32
    %dma_start3A_205 = tpu.memref_slice %arg11[%dma_start3A_203, %dma_start3A_204] : memref<10000x64xf32, #tpu.memory_space<vmem_shared>> -> memref<10000x64xf32, #tpu.memory_space<vmem_shared>>
    %dma_start3A_206 = tpu.memref_slice %arg12[%dma_start3A_195] : memref<4x!tpu.dma_semaphore, #tpu.memory_space<semaphore_mem>> -> memref<1x!tpu.dma_semaphore, #tpu.memory_space<semaphore_mem>>
    %dma_start3A_207 = tpu.memref_squeeze %dma_start3A_206 : memref<1x!tpu.dma_semaphore, #tpu.memory_space<semaphore_mem>> -> memref<!tpu.dma_semaphore, #tpu.memory_space<semaphore_mem>>
    tpu.enqueue_indirect_dma source(%dma_start3A_205 : memref<10000x64xf32, #tpu.memory_space<vmem_shared>>) target(%dma_start3A_199 : memref<128x64xf32, #tpu.memory_space<vmem>>) offsets(%dma_start3A_202 : memref<128xi32, #tpu.memory_space<vmem>>) semaphore(%dma_start3A_207 : memref<!tpu.dma_semaphore, #tpu.memory_space<semaphore_mem>>)
    %scan3A_208 = arith.constant 0 : i32
    %scan3A_209 = arith.constant 0 : i32
    %scan3A_210 = arith.constant 20 : i32
    %scan3A_211 = arith.addi %scan3A_209, %scan3A_210 : i32
    %scan3A_212 = arith.constant 1 : i32
    scf.for %scan3A_286 = %scan3A_209 to %scan3A_211 step %scan3A_212  : i32 {
      %mul3A_287 = arith.constant 4 : i32
      %mul3A_288 = arith.muli %scan3A_286, %mul3A_287 : i32
      %add3A_289 = arith.constant 0 : i32
      %add3A_290 = arith.addi %mul3A_288, %add3A_289 : i32
      %dma_wait3A_291 = arith.constant 0 : i32
      %dma_wait3A_292 = arith.constant 0 : i32
      %dma_wait3A_293 = arith.constant 0 : i32
      %dma_wait3A_294 = arith.constant 0 : i32
      %dma_wait3A_295 = tpu.memref_slice %arg9[%dma_wait3A_291, %dma_wait3A_293, %dma_wait3A_294] : memref<4x128x64xf32, #tpu.memory_space<vmem>> -> memref<1x128x64xf32, #tpu.memory_space<vmem>>
      %dma_wait3A_296 = tpu.memref_squeeze %dma_wait3A_295 : memref<1x128x64xf32, #tpu.memory_space<vmem>> -> memref<128x64xf32, #tpu.memory_space<vmem>>
      %dma_wait3A_297 = arith.constant 0 : i32
      %dma_wait3A_298 = arith.constant 0 : i32
      %dma_wait3A_299 = tpu.memref_slice %arg6[%dma_wait3A_297, %dma_wait3A_298] : memref<327680x64xf32, #tpu.memory_space<hbm>> -> memref<128x64xf32, #tpu.memory_space<hbm>>
      %dma_wait3A_300 = tpu.memref_slice %arg12[%dma_wait3A_292] : memref<4x!tpu.dma_semaphore, #tpu.memory_space<semaphore_mem>> -> memref<1x!tpu.dma_semaphore, #tpu.memory_space<semaphore_mem>>
      %dma_wait3A_301 = tpu.memref_squeeze %dma_wait3A_300 : memref<1x!tpu.dma_semaphore, #tpu.memory_space<semaphore_mem>> -> memref<!tpu.dma_semaphore, #tpu.memory_space<semaphore_mem>>
      %dma_wait3A_302 = arith.constant 0 : i32
      %dma_wait3A_303 = arith.constant 0 : i32
      %dma_wait3A_304 = tpu.memref_slice %arg9[%dma_wait3A_291, %dma_wait3A_302, %dma_wait3A_303] : memref<4x128x64xf32, #tpu.memory_space<vmem>> -> memref<1x128x64xf32, #tpu.memory_space<vmem>>
      %dma_wait3A_305 = tpu.memref_squeeze %dma_wait3A_304 : memref<1x128x64xf32, #tpu.memory_space<vmem>> -> memref<128x64xf32, #tpu.memory_space<vmem>>
      %dma_wait3A_306 = arith.constant 0 : i32
      %dma_wait3A_307 = arith.constant 0 : i32
      %dma_wait3A_308 = tpu.memref_slice %arg6[%dma_wait3A_306, %dma_wait3A_307] : memref<327680x64xf32, #tpu.memory_space<hbm>> -> memref<128x64xf32, #tpu.memory_space<hbm>>
      tpu.wait_dma2 semaphore(%dma_wait3A_301 : memref<!tpu.dma_semaphore, #tpu.memory_space<semaphore_mem>>) src(%dma_wait3A_308 : memref<128x64xf32, #tpu.memory_space<hbm>>) dst(%dma_wait3A_305 : memref<128x64xf32, #tpu.memory_space<vmem>>)
      %mul3A_309 = arith.constant 128 : i32
      %mul3A_310 = arith.muli %add3A_290, %mul3A_309 : i32
      %add3A_311 = arith.addi %mul3A_4, %mul3A_310 : i32
      %dma_start3A_312 = arith.constant 0 : i32
      %dma_start3A_313 = arith.constant 0 : i32
      %dma_start3A_314 = arith.constant 0 : i32
      %dma_start3A_315 = arith.constant 0 : i32
      %dma_start3A_316 = tpu.memref_slice %arg9[%dma_start3A_312, %dma_start3A_314, %dma_start3A_315] : memref<4x128x64xf32, #tpu.memory_space<vmem>> -> memref<1x128x64xf32, #tpu.memory_space<vmem>>
      %dma_start3A_317 = tpu.memref_squeeze %dma_start3A_316 : memref<1x128x64xf32, #tpu.memory_space<vmem>> -> memref<128x64xf32, #tpu.memory_space<vmem>>
      %dma_start3A_318 = arith.constant 0 : i32
      %dma_start3A_319 = tpu.memref_slice %arg7[%add3A_311, %dma_start3A_318] : memref<327680x64xf32, #tpu.memory_space<hbm>> -> memref<128x64xf32, #tpu.memory_space<hbm>>
      %dma_start3A_320 = tpu.memref_slice %arg13[%dma_start3A_313] : memref<4x!tpu.dma_semaphore, #tpu.memory_space<semaphore_mem>> -> memref<1x!tpu.dma_semaphore, #tpu.memory_space<semaphore_mem>>
      %dma_start3A_321 = tpu.memref_squeeze %dma_start3A_320 : memref<1x!tpu.dma_semaphore, #tpu.memory_space<semaphore_mem>> -> memref<!tpu.dma_semaphore, #tpu.memory_space<semaphore_mem>>
      %dma_start3A_322 = arith.constant 0 : i32
      %dma_start3A_323 = tpu.memref_slice %arg7[%add3A_311, %dma_start3A_322] : memref<327680x64xf32, #tpu.memory_space<hbm>> -> memref<128x64xf32, #tpu.memory_space<hbm>>
      %dma_start3A_324 = arith.constant 0 : i32
      %dma_start3A_325 = arith.constant 0 : i32
      %dma_start3A_326 = tpu.memref_slice %arg9[%dma_start3A_312, %dma_start3A_324, %dma_start3A_325] : memref<4x128x64xf32, #tpu.memory_space<vmem>> -> memref<1x128x64xf32, #tpu.memory_space<vmem>>
      %dma_start3A_327 = tpu.memref_squeeze %dma_start3A_326 : memref<1x128x64xf32, #tpu.memory_space<vmem>> -> memref<128x64xf32, #tpu.memory_space<vmem>>
      tpu.enqueue_dma source(%dma_start3A_327 : memref<128x64xf32, #tpu.memory_space<vmem>>) target(%dma_start3A_323 : memref<128x64xf32, #tpu.memory_space<hbm>>) target_semaphore(%dma_start3A_321 : memref<!tpu.dma_semaphore, #tpu.memory_space<semaphore_mem>>)
      %sub3A = arith.constant 1 : i32
      %sub3A_328 = arith.subi %add3A_290, %sub3A : i32
      %ge3A = arith.constant 0 : i32
      %ge3A_329 = arith.cmpi sge, %sub3A_328, %ge3A : i32
      %add3A_330 = arith.constant 4 : i32
      %add3A_331 = arith.addi %sub3A_328, %add3A_330 : i32
      %lt3A = arith.constant 80 : i32
      %lt3A_332 = arith.cmpi slt, %add3A_331, %lt3A : i32
      %and3A = arith.andi %ge3A_329, %lt3A_332 : i1
      %convert_element_type3A = arith.extui %and3A : i1 to i32
      %cond3A = arith.constant 0 : i32
      %cond3A_333 = arith.cmpi ne, %convert_element_type3A, %cond3A : i32
      scf.if %cond3A_333 {
        %dma_wait3A_493 = arith.constant 3 : i32
        %dma_wait3A_494 = arith.constant 3 : i32
        %dma_wait3A_495 = arith.constant 0 : i32
        %dma_wait3A_496 = arith.constant 0 : i32
        %dma_wait3A_497 = tpu.memref_slice %arg9[%dma_wait3A_493, %dma_wait3A_495, %dma_wait3A_496] : memref<4x128x64xf32, #tpu.memory_space<vmem>> -> memref<1x128x64xf32, #tpu.memory_space<vmem>>
        %dma_wait3A_498 = tpu.memref_squeeze %dma_wait3A_497 : memref<1x128x64xf32, #tpu.memory_space<vmem>> -> memref<128x64xf32, #tpu.memory_space<vmem>>
        %dma_wait3A_499 = arith.constant 0 : i32
        %dma_wait3A_500 = arith.constant 0 : i32
        %dma_wait3A_501 = tpu.memref_slice %arg6[%dma_wait3A_499, %dma_wait3A_500] : memref<327680x64xf32, #tpu.memory_space<hbm>> -> memref<128x64xf32, #tpu.memory_space<hbm>>
        %dma_wait3A_502 = tpu.memref_slice %arg13[%dma_wait3A_494] : memref<4x!tpu.dma_semaphore, #tpu.memory_space<semaphore_mem>> -> memref<1x!tpu.dma_semaphore, #tpu.memory_space<semaphore_mem>>
        %dma_wait3A_503 = tpu.memref_squeeze %dma_wait3A_502 : memref<1x!tpu.dma_semaphore, #tpu.memory_space<semaphore_mem>> -> memref<!tpu.dma_semaphore, #tpu.memory_space<semaphore_mem>>
        %dma_wait3A_504 = arith.constant 0 : i32
        %dma_wait3A_505 = arith.constant 0 : i32
        %dma_wait3A_506 = tpu.memref_slice %arg9[%dma_wait3A_493, %dma_wait3A_504, %dma_wait3A_505] : memref<4x128x64xf32, #tpu.memory_space<vmem>> -> memref<1x128x64xf32, #tpu.memory_space<vmem>>
        %dma_wait3A_507 = tpu.memref_squeeze %dma_wait3A_506 : memref<1x128x64xf32, #tpu.memory_space<vmem>> -> memref<128x64xf32, #tpu.memory_space<vmem>>
        %dma_wait3A_508 = arith.constant 0 : i32
        %dma_wait3A_509 = arith.constant 0 : i32
        %dma_wait3A_510 = tpu.memref_slice %arg6[%dma_wait3A_508, %dma_wait3A_509] : memref<327680x64xf32, #tpu.memory_space<hbm>> -> memref<128x64xf32, #tpu.memory_space<hbm>>
        tpu.wait_dma2 semaphore(%dma_wait3A_503 : memref<!tpu.dma_semaphore, #tpu.memory_space<semaphore_mem>>) src(%dma_wait3A_510 : memref<128x64xf32, #tpu.memory_space<hbm>>) dst(%dma_wait3A_507 : memref<128x64xf32, #tpu.memory_space<vmem>>)
        %add3A_511 = arith.constant 4 : i32
        %add3A_512 = arith.addi %sub3A_328, %add3A_511 : i32
        %dma_start3A_513 = arith.constant 3 : i32
        %dma_start3A_514 = arith.constant 3 : i32
        %dma_start3A_515 = arith.constant 0 : i32
        %dma_start3A_516 = arith.constant 0 : i32
        %dma_start3A_517 = tpu.memref_slice %arg9[%dma_start3A_513, %dma_start3A_515, %dma_start3A_516] : memref<4x128x64xf32, #tpu.memory_space<vmem>> -> memref<1x128x64xf32, #tpu.memory_space<vmem>>
        %dma_start3A_518 = tpu.memref_squeeze %dma_start3A_517 : memref<1x128x64xf32, #tpu.memory_space<vmem>> -> memref<128x64xf32, #tpu.memory_space<vmem>>
        %dma_start3A_519 = arith.constant 0 : i32
        %dma_start3A_520 = tpu.memref_slice %arg8[%add3A_512, %dma_start3A_519] : memref<80x128xi32, #tpu.memory_space<vmem>> -> memref<1x128xi32, #tpu.memory_space<vmem>>
        %dma_start3A_521 = tpu.memref_squeeze %dma_start3A_520 : memref<1x128xi32, #tpu.memory_space<vmem>> -> memref<128xi32, #tpu.memory_space<vmem>>
        %dma_start3A_522 = arith.constant 0 : i32
        %dma_start3A_523 = arith.constant 0 : i32
        %dma_start3A_524 = tpu.memref_slice %arg11[%dma_start3A_522, %dma_start3A_523] : memref<10000x64xf32, #tpu.memory_space<vmem_shared>> -> memref<10000x64xf32, #tpu.memory_space<vmem_shared>>
        %dma_start3A_525 = tpu.memref_slice %arg12[%dma_start3A_514] : memref<4x!tpu.dma_semaphore, #tpu.memory_space<semaphore_mem>> -> memref<1x!tpu.dma_semaphore, #tpu.memory_space<semaphore_mem>>
        %dma_start3A_526 = tpu.memref_squeeze %dma_start3A_525 : memref<1x!tpu.dma_semaphore, #tpu.memory_space<semaphore_mem>> -> memref<!tpu.dma_semaphore, #tpu.memory_space<semaphore_mem>>
        tpu.enqueue_indirect_dma source(%dma_start3A_524 : memref<10000x64xf32, #tpu.memory_space<vmem_shared>>) target(%dma_start3A_518 : memref<128x64xf32, #tpu.memory_space<vmem>>) offsets(%dma_start3A_521 : memref<128xi32, #tpu.memory_space<vmem>>) semaphore(%dma_start3A_526 : memref<!tpu.dma_semaphore, #tpu.memory_space<semaphore_mem>>)
      } else {
      }
      %mul3A_334 = arith.constant 4 : i32
      %mul3A_335 = arith.muli %scan3A_286, %mul3A_334 : i32
      %add3A_336 = arith.constant 1 : i32
      %add3A_337 = arith.addi %mul3A_335, %add3A_336 : i32
      %dma_wait3A_338 = arith.constant 1 : i32
      %dma_wait3A_339 = arith.constant 1 : i32
      %dma_wait3A_340 = arith.constant 0 : i32
      %dma_wait3A_341 = arith.constant 0 : i32
      %dma_wait3A_342 = tpu.memref_slice %arg9[%dma_wait3A_338, %dma_wait3A_340, %dma_wait3A_341] : memref<4x128x64xf32, #tpu.memory_space<vmem>> -> memref<1x128x64xf32, #tpu.memory_space<vmem>>
      %dma_wait3A_343 = tpu.memref_squeeze %dma_wait3A_342 : memref<1x128x64xf32, #tpu.memory_space<vmem>> -> memref<128x64xf32, #tpu.memory_space<vmem>>
      %dma_wait3A_344 = arith.constant 0 : i32
      %dma_wait3A_345 = arith.constant 0 : i32
      %dma_wait3A_346 = tpu.memref_slice %arg6[%dma_wait3A_344, %dma_wait3A_345] : memref<327680x64xf32, #tpu.memory_space<hbm>> -> memref<128x64xf32, #tpu.memory_space<hbm>>
      %dma_wait3A_347 = tpu.memref_slice %arg12[%dma_wait3A_339] : memref<4x!tpu.dma_semaphore, #tpu.memory_space<semaphore_mem>> -> memref<1x!tpu.dma_semaphore, #tpu.memory_space<semaphore_mem>>
      %dma_wait3A_348 = tpu.memref_squeeze %dma_wait3A_347 : memref<1x!tpu.dma_semaphore, #tpu.memory_space<semaphore_mem>> -> memref<!tpu.dma_semaphore, #tpu.memory_space<semaphore_mem>>
      %dma_wait3A_349 = arith.constant 0 : i32
      %dma_wait3A_350 = arith.constant 0 : i32
      %dma_wait3A_351 = tpu.memref_slice %arg9[%dma_wait3A_338, %dma_wait3A_349, %dma_wait3A_350] : memref<4x128x64xf32, #tpu.memory_space<vmem>> -> memref<1x128x64xf32, #tpu.memory_space<vmem>>
      %dma_wait3A_352 = tpu.memref_squeeze %dma_wait3A_351 : memref<1x128x64xf32, #tpu.memory_space<vmem>> -> memref<128x64xf32, #tpu.memory_space<vmem>>
      %dma_wait3A_353 = arith.constant 0 : i32
      %dma_wait3A_354 = arith.constant 0 : i32
      %dma_wait3A_355 = tpu.memref_slice %arg6[%dma_wait3A_353, %dma_wait3A_354] : memref<327680x64xf32, #tpu.memory_space<hbm>> -> memref<128x64xf32, #tpu.memory_space<hbm>>
      tpu.wait_dma2 semaphore(%dma_wait3A_348 : memref<!tpu.dma_semaphore, #tpu.memory_space<semaphore_mem>>) src(%dma_wait3A_355 : memref<128x64xf32, #tpu.memory_space<hbm>>) dst(%dma_wait3A_352 : memref<128x64xf32, #tpu.memory_space<vmem>>)
      %mul3A_356 = arith.constant 128 : i32
      %mul3A_357 = arith.muli %add3A_337, %mul3A_356 : i32
      %add3A_358 = arith.addi %mul3A_4, %mul3A_357 : i32
      %dma_start3A_359 = arith.constant 1 : i32
      %dma_start3A_360 = arith.constant 1 : i32
      %dma_start3A_361 = arith.constant 0 : i32
      %dma_start3A_362 = arith.constant 0 : i32
      %dma_start3A_363 = tpu.memref_slice %arg9[%dma_start3A_359, %dma_start3A_361, %dma_start3A_362] : memref<4x128x64xf32, #tpu.memory_space<vmem>> -> memref<1x128x64xf32, #tpu.memory_space<vmem>>
      %dma_start3A_364 = tpu.memref_squeeze %dma_start3A_363 : memref<1x128x64xf32, #tpu.memory_space<vmem>> -> memref<128x64xf32, #tpu.memory_space<vmem>>
      %dma_start3A_365 = arith.constant 0 : i32
      %dma_start3A_366 = tpu.memref_slice %arg7[%add3A_358, %dma_start3A_365] : memref<327680x64xf32, #tpu.memory_space<hbm>> -> memref<128x64xf32, #tpu.memory_space<hbm>>
      %dma_start3A_367 = tpu.memref_slice %arg13[%dma_start3A_360] : memref<4x!tpu.dma_semaphore, #tpu.memory_space<semaphore_mem>> -> memref<1x!tpu.dma_semaphore, #tpu.memory_space<semaphore_mem>>
      %dma_start3A_368 = tpu.memref_squeeze %dma_start3A_367 : memref<1x!tpu.dma_semaphore, #tpu.memory_space<semaphore_mem>> -> memref<!tpu.dma_semaphore, #tpu.memory_space<semaphore_mem>>
      %dma_start3A_369 = arith.constant 0 : i32
      %dma_start3A_370 = tpu.memref_slice %arg7[%add3A_358, %dma_start3A_369] : memref<327680x64xf32, #tpu.memory_space<hbm>> -> memref<128x64xf32, #tpu.memory_space<hbm>>
      %dma_start3A_371 = arith.constant 0 : i32
      %dma_start3A_372 = arith.constant 0 : i32
      %dma_start3A_373 = tpu.memref_slice %arg9[%dma_start3A_359, %dma_start3A_371, %dma_start3A_372] : memref<4x128x64xf32, #tpu.memory_space<vmem>> -> memref<1x128x64xf32, #tpu.memory_space<vmem>>
      %dma_start3A_374 = tpu.memref_squeeze %dma_start3A_373 : memref<1x128x64xf32, #tpu.memory_space<vmem>> -> memref<128x64xf32, #tpu.memory_space<vmem>>
      tpu.enqueue_dma source(%dma_start3A_374 : memref<128x64xf32, #tpu.memory_space<vmem>>) target(%dma_start3A_370 : memref<128x64xf32, #tpu.memory_space<hbm>>) target_semaphore(%dma_start3A_368 : memref<!tpu.dma_semaphore, #tpu.memory_space<semaphore_mem>>)
      %sub3A_375 = arith.constant 1 : i32
      %sub3A_376 = arith.subi %add3A_337, %sub3A_375 : i32
      %ge3A_377 = arith.constant 0 : i32
      %ge3A_378 = arith.cmpi sge, %sub3A_376, %ge3A_377 : i32
      %add3A_379 = arith.constant 4 : i32
      %add3A_380 = arith.addi %sub3A_376, %add3A_379 : i32
      %lt3A_381 = arith.constant 80 : i32
      %lt3A_382 = arith.cmpi slt, %add3A_380, %lt3A_381 : i32
      %and3A_383 = arith.andi %ge3A_378, %lt3A_382 : i1
      %convert_element_type3A_384 = arith.extui %and3A_383 : i1 to i32
      %cond3A_385 = arith.constant 0 : i32
      %cond3A_386 = arith.cmpi ne, %convert_element_type3A_384, %cond3A_385 : i32
      scf.if %cond3A_386 {
        %dma_wait3A_493 = arith.constant 0 : i32
        %dma_wait3A_494 = arith.constant 0 : i32
        %dma_wait3A_495 = arith.constant 0 : i32
        %dma_wait3A_496 = arith.constant 0 : i32
        %dma_wait3A_497 = tpu.memref_slice %arg9[%dma_wait3A_493, %dma_wait3A_495, %dma_wait3A_496] : memref<4x128x64xf32, #tpu.memory_space<vmem>> -> memref<1x128x64xf32, #tpu.memory_space<vmem>>
        %dma_wait3A_498 = tpu.memref_squeeze %dma_wait3A_497 : memref<1x128x64xf32, #tpu.memory_space<vmem>> -> memref<128x64xf32, #tpu.memory_space<vmem>>
        %dma_wait3A_499 = arith.constant 0 : i32
        %dma_wait3A_500 = arith.constant 0 : i32
        %dma_wait3A_501 = tpu.memref_slice %arg6[%dma_wait3A_499, %dma_wait3A_500] : memref<327680x64xf32, #tpu.memory_space<hbm>> -> memref<128x64xf32, #tpu.memory_space<hbm>>
        %dma_wait3A_502 = tpu.memref_slice %arg13[%dma_wait3A_494] : memref<4x!tpu.dma_semaphore, #tpu.memory_space<semaphore_mem>> -> memref<1x!tpu.dma_semaphore, #tpu.memory_space<semaphore_mem>>
        %dma_wait3A_503 = tpu.memref_squeeze %dma_wait3A_502 : memref<1x!tpu.dma_semaphore, #tpu.memory_space<semaphore_mem>> -> memref<!tpu.dma_semaphore, #tpu.memory_space<semaphore_mem>>
        %dma_wait3A_504 = arith.constant 0 : i32
        %dma_wait3A_505 = arith.constant 0 : i32
        %dma_wait3A_506 = tpu.memref_slice %arg9[%dma_wait3A_493, %dma_wait3A_504, %dma_wait3A_505] : memref<4x128x64xf32, #tpu.memory_space<vmem>> -> memref<1x128x64xf32, #tpu.memory_space<vmem>>
        %dma_wait3A_507 = tpu.memref_squeeze %dma_wait3A_506 : memref<1x128x64xf32, #tpu.memory_space<vmem>> -> memref<128x64xf32, #tpu.memory_space<vmem>>
        %dma_wait3A_508 = arith.constant 0 : i32
        %dma_wait3A_509 = arith.constant 0 : i32
        %dma_wait3A_510 = tpu.memref_slice %arg6[%dma_wait3A_508, %dma_wait3A_509] : memref<327680x64xf32, #tpu.memory_space<hbm>> -> memref<128x64xf32, #tpu.memory_space<hbm>>
        tpu.wait_dma2 semaphore(%dma_wait3A_503 : memref<!tpu.dma_semaphore, #tpu.memory_space<semaphore_mem>>) src(%dma_wait3A_510 : memref<128x64xf32, #tpu.memory_space<hbm>>) dst(%dma_wait3A_507 : memref<128x64xf32, #tpu.memory_space<vmem>>)
        %add3A_511 = arith.constant 4 : i32
        %add3A_512 = arith.addi %sub3A_376, %add3A_511 : i32
        %dma_start3A_513 = arith.constant 0 : i32
        %dma_start3A_514 = arith.constant 0 : i32
        %dma_start3A_515 = arith.constant 0 : i32
        %dma_start3A_516 = arith.constant 0 : i32
        %dma_start3A_517 = tpu.memref_slice %arg9[%dma_start3A_513, %dma_start3A_515, %dma_start3A_516] : memref<4x128x64xf32, #tpu.memory_space<vmem>> -> memref<1x128x64xf32, #tpu.memory_space<vmem>>
        %dma_start3A_518 = tpu.memref_squeeze %dma_start3A_517 : memref<1x128x64xf32, #tpu.memory_space<vmem>> -> memref<128x64xf32, #tpu.memory_space<vmem>>
        %dma_start3A_519 = arith.constant 0 : i32
        %dma_start3A_520 = tpu.memref_slice %arg8[%add3A_512, %dma_start3A_519] : memref<80x128xi32, #tpu.memory_space<vmem>> -> memref<1x128xi32, #tpu.memory_space<vmem>>
        %dma_start3A_521 = tpu.memref_squeeze %dma_start3A_520 : memref<1x128xi32, #tpu.memory_space<vmem>> -> memref<128xi32, #tpu.memory_space<vmem>>
        %dma_start3A_522 = arith.constant 0 : i32
        %dma_start3A_523 = arith.constant 0 : i32
        %dma_start3A_524 = tpu.memref_slice %arg11[%dma_start3A_522, %dma_start3A_523] : memref<10000x64xf32, #tpu.memory_space<vmem_shared>> -> memref<10000x64xf32, #tpu.memory_space<vmem_shared>>
        %dma_start3A_525 = tpu.memref_slice %arg12[%dma_start3A_514] : memref<4x!tpu.dma_semaphore, #tpu.memory_space<semaphore_mem>> -> memref<1x!tpu.dma_semaphore, #tpu.memory_space<semaphore_mem>>
        %dma_start3A_526 = tpu.memref_squeeze %dma_start3A_525 : memref<1x!tpu.dma_semaphore, #tpu.memory_space<semaphore_mem>> -> memref<!tpu.dma_semaphore, #tpu.memory_space<semaphore_mem>>
        tpu.enqueue_indirect_dma source(%dma_start3A_524 : memref<10000x64xf32, #tpu.memory_space<vmem_shared>>) target(%dma_start3A_518 : memref<128x64xf32, #tpu.memory_space<vmem>>) offsets(%dma_start3A_521 : memref<128xi32, #tpu.memory_space<vmem>>) semaphore(%dma_start3A_526 : memref<!tpu.dma_semaphore, #tpu.memory_space<semaphore_mem>>)
      } else {
      }
      %mul3A_387 = arith.constant 4 : i32
      %mul3A_388 = arith.muli %scan3A_286, %mul3A_387 : i32
      %add3A_389 = arith.constant 2 : i32
      %add3A_390 = arith.addi %mul3A_388, %add3A_389 : i32
      %dma_wait3A_391 = arith.constant 2 : i32
      %dma_wait3A_392 = arith.constant 2 : i32
      %dma_wait3A_393 = arith.constant 0 : i32
      %dma_wait3A_394 = arith.constant 0 : i32
      %dma_wait3A_395 = tpu.memref_slice %arg9[%dma_wait3A_391, %dma_wait3A_393, %dma_wait3A_394] : memref<4x128x64xf32, #tpu.memory_space<vmem>> -> memref<1x128x64xf32, #tpu.memory_space<vmem>>
      %dma_wait3A_396 = tpu.memref_squeeze %dma_wait3A_395 : memref<1x128x64xf32, #tpu.memory_space<vmem>> -> memref<128x64xf32, #tpu.memory_space<vmem>>
      %dma_wait3A_397 = arith.constant 0 : i32
      %dma_wait3A_398 = arith.constant 0 : i32
      %dma_wait3A_399 = tpu.memref_slice %arg6[%dma_wait3A_397, %dma_wait3A_398] : memref<327680x64xf32, #tpu.memory_space<hbm>> -> memref<128x64xf32, #tpu.memory_space<hbm>>
      %dma_wait3A_400 = tpu.memref_slice %arg12[%dma_wait3A_392] : memref<4x!tpu.dma_semaphore, #tpu.memory_space<semaphore_mem>> -> memref<1x!tpu.dma_semaphore, #tpu.memory_space<semaphore_mem>>
      %dma_wait3A_401 = tpu.memref_squeeze %dma_wait3A_400 : memref<1x!tpu.dma_semaphore, #tpu.memory_space<semaphore_mem>> -> memref<!tpu.dma_semaphore, #tpu.memory_space<semaphore_mem>>
      %dma_wait3A_402 = arith.constant 0 : i32
      %dma_wait3A_403 = arith.constant 0 : i32
      %dma_wait3A_404 = tpu.memref_slice %arg9[%dma_wait3A_391, %dma_wait3A_402, %dma_wait3A_403] : memref<4x128x64xf32, #tpu.memory_space<vmem>> -> memref<1x128x64xf32, #tpu.memory_space<vmem>>
      %dma_wait3A_405 = tpu.memref_squeeze %dma_wait3A_404 : memref<1x128x64xf32, #tpu.memory_space<vmem>> -> memref<128x64xf32, #tpu.memory_space<vmem>>
      %dma_wait3A_406 = arith.constant 0 : i32
      %dma_wait3A_407 = arith.constant 0 : i32
      %dma_wait3A_408 = tpu.memref_slice %arg6[%dma_wait3A_406, %dma_wait3A_407] : memref<327680x64xf32, #tpu.memory_space<hbm>> -> memref<128x64xf32, #tpu.memory_space<hbm>>
      tpu.wait_dma2 semaphore(%dma_wait3A_401 : memref<!tpu.dma_semaphore, #tpu.memory_space<semaphore_mem>>) src(%dma_wait3A_408 : memref<128x64xf32, #tpu.memory_space<hbm>>) dst(%dma_wait3A_405 : memref<128x64xf32, #tpu.memory_space<vmem>>)
      %mul3A_409 = arith.constant 128 : i32
      %mul3A_410 = arith.muli %add3A_390, %mul3A_409 : i32
      %add3A_411 = arith.addi %mul3A_4, %mul3A_410 : i32
      %dma_start3A_412 = arith.constant 2 : i32
      %dma_start3A_413 = arith.constant 2 : i32
      %dma_start3A_414 = arith.constant 0 : i32
      %dma_start3A_415 = arith.constant 0 : i32
      %dma_start3A_416 = tpu.memref_slice %arg9[%dma_start3A_412, %dma_start3A_414, %dma_start3A_415] : memref<4x128x64xf32, #tpu.memory_space<vmem>> -> memref<1x128x64xf32, #tpu.memory_space<vmem>>
      %dma_start3A_417 = tpu.memref_squeeze %dma_start3A_416 : memref<1x128x64xf32, #tpu.memory_space<vmem>> -> memref<128x64xf32, #tpu.memory_space<vmem>>
      %dma_start3A_418 = arith.constant 0 : i32
      %dma_start3A_419 = tpu.memref_slice %arg7[%add3A_411, %dma_start3A_418] : memref<327680x64xf32, #tpu.memory_space<hbm>> -> memref<128x64xf32, #tpu.memory_space<hbm>>
      %dma_start3A_420 = tpu.memref_slice %arg13[%dma_start3A_413] : memref<4x!tpu.dma_semaphore, #tpu.memory_space<semaphore_mem>> -> memref<1x!tpu.dma_semaphore, #tpu.memory_space<semaphore_mem>>
      %dma_start3A_421 = tpu.memref_squeeze %dma_start3A_420 : memref<1x!tpu.dma_semaphore, #tpu.memory_space<semaphore_mem>> -> memref<!tpu.dma_semaphore, #tpu.memory_space<semaphore_mem>>
      %dma_start3A_422 = arith.constant 0 : i32
      %dma_start3A_423 = tpu.memref_slice %arg7[%add3A_411, %dma_start3A_422] : memref<327680x64xf32, #tpu.memory_space<hbm>> -> memref<128x64xf32, #tpu.memory_space<hbm>>
      %dma_start3A_424 = arith.constant 0 : i32
      %dma_start3A_425 = arith.constant 0 : i32
      %dma_start3A_426 = tpu.memref_slice %arg9[%dma_start3A_412, %dma_start3A_424, %dma_start3A_425] : memref<4x128x64xf32, #tpu.memory_space<vmem>> -> memref<1x128x64xf32, #tpu.memory_space<vmem>>
      %dma_start3A_427 = tpu.memref_squeeze %dma_start3A_426 : memref<1x128x64xf32, #tpu.memory_space<vmem>> -> memref<128x64xf32, #tpu.memory_space<vmem>>
      tpu.enqueue_dma source(%dma_start3A_427 : memref<128x64xf32, #tpu.memory_space<vmem>>) target(%dma_start3A_423 : memref<128x64xf32, #tpu.memory_space<hbm>>) target_semaphore(%dma_start3A_421 : memref<!tpu.dma_semaphore, #tpu.memory_space<semaphore_mem>>)
      %sub3A_428 = arith.constant 1 : i32
      %sub3A_429 = arith.subi %add3A_390, %sub3A_428 : i32
      %ge3A_430 = arith.constant 0 : i32
      %ge3A_431 = arith.cmpi sge, %sub3A_429, %ge3A_430 : i32
      %add3A_432 = arith.constant 4 : i32
      %add3A_433 = arith.addi %sub3A_429, %add3A_432 : i32
      %lt3A_434 = arith.constant 80 : i32
      %lt3A_435 = arith.cmpi slt, %add3A_433, %lt3A_434 : i32
      %and3A_436 = arith.andi %ge3A_431, %lt3A_435 : i1
      %convert_element_type3A_437 = arith.extui %and3A_436 : i1 to i32
      %cond3A_438 = arith.constant 0 : i32
      %cond3A_439 = arith.cmpi ne, %convert_element_type3A_437, %cond3A_438 : i32
      scf.if %cond3A_439 {
        %dma_wait3A_493 = arith.constant 1 : i32
        %dma_wait3A_494 = arith.constant 1 : i32
        %dma_wait3A_495 = arith.constant 0 : i32
        %dma_wait3A_496 = arith.constant 0 : i32
        %dma_wait3A_497 = tpu.memref_slice %arg9[%dma_wait3A_493, %dma_wait3A_495, %dma_wait3A_496] : memref<4x128x64xf32, #tpu.memory_space<vmem>> -> memref<1x128x64xf32, #tpu.memory_space<vmem>>
        %dma_wait3A_498 = tpu.memref_squeeze %dma_wait3A_497 : memref<1x128x64xf32, #tpu.memory_space<vmem>> -> memref<128x64xf32, #tpu.memory_space<vmem>>
        %dma_wait3A_499 = arith.constant 0 : i32
        %dma_wait3A_500 = arith.constant 0 : i32
        %dma_wait3A_501 = tpu.memref_slice %arg6[%dma_wait3A_499, %dma_wait3A_500] : memref<327680x64xf32, #tpu.memory_space<hbm>> -> memref<128x64xf32, #tpu.memory_space<hbm>>
        %dma_wait3A_502 = tpu.memref_slice %arg13[%dma_wait3A_494] : memref<4x!tpu.dma_semaphore, #tpu.memory_space<semaphore_mem>> -> memref<1x!tpu.dma_semaphore, #tpu.memory_space<semaphore_mem>>
        %dma_wait3A_503 = tpu.memref_squeeze %dma_wait3A_502 : memref<1x!tpu.dma_semaphore, #tpu.memory_space<semaphore_mem>> -> memref<!tpu.dma_semaphore, #tpu.memory_space<semaphore_mem>>
        %dma_wait3A_504 = arith.constant 0 : i32
        %dma_wait3A_505 = arith.constant 0 : i32
        %dma_wait3A_506 = tpu.memref_slice %arg9[%dma_wait3A_493, %dma_wait3A_504, %dma_wait3A_505] : memref<4x128x64xf32, #tpu.memory_space<vmem>> -> memref<1x128x64xf32, #tpu.memory_space<vmem>>
        %dma_wait3A_507 = tpu.memref_squeeze %dma_wait3A_506 : memref<1x128x64xf32, #tpu.memory_space<vmem>> -> memref<128x64xf32, #tpu.memory_space<vmem>>
        %dma_wait3A_508 = arith.constant 0 : i32
        %dma_wait3A_509 = arith.constant 0 : i32
        %dma_wait3A_510 = tpu.memref_slice %arg6[%dma_wait3A_508, %dma_wait3A_509] : memref<327680x64xf32, #tpu.memory_space<hbm>> -> memref<128x64xf32, #tpu.memory_space<hbm>>
        tpu.wait_dma2 semaphore(%dma_wait3A_503 : memref<!tpu.dma_semaphore, #tpu.memory_space<semaphore_mem>>) src(%dma_wait3A_510 : memref<128x64xf32, #tpu.memory_space<hbm>>) dst(%dma_wait3A_507 : memref<128x64xf32, #tpu.memory_space<vmem>>)
        %add3A_511 = arith.constant 4 : i32
        %add3A_512 = arith.addi %sub3A_429, %add3A_511 : i32
        %dma_start3A_513 = arith.constant 1 : i32
        %dma_start3A_514 = arith.constant 1 : i32
        %dma_start3A_515 = arith.constant 0 : i32
        %dma_start3A_516 = arith.constant 0 : i32
        %dma_start3A_517 = tpu.memref_slice %arg9[%dma_start3A_513, %dma_start3A_515, %dma_start3A_516] : memref<4x128x64xf32, #tpu.memory_space<vmem>> -> memref<1x128x64xf32, #tpu.memory_space<vmem>>
        %dma_start3A_518 = tpu.memref_squeeze %dma_start3A_517 : memref<1x128x64xf32, #tpu.memory_space<vmem>> -> memref<128x64xf32, #tpu.memory_space<vmem>>
        %dma_start3A_519 = arith.constant 0 : i32
        %dma_start3A_520 = tpu.memref_slice %arg8[%add3A_512, %dma_start3A_519] : memref<80x128xi32, #tpu.memory_space<vmem>> -> memref<1x128xi32, #tpu.memory_space<vmem>>
        %dma_start3A_521 = tpu.memref_squeeze %dma_start3A_520 : memref<1x128xi32, #tpu.memory_space<vmem>> -> memref<128xi32, #tpu.memory_space<vmem>>
        %dma_start3A_522 = arith.constant 0 : i32
        %dma_start3A_523 = arith.constant 0 : i32
        %dma_start3A_524 = tpu.memref_slice %arg11[%dma_start3A_522, %dma_start3A_523] : memref<10000x64xf32, #tpu.memory_space<vmem_shared>> -> memref<10000x64xf32, #tpu.memory_space<vmem_shared>>
        %dma_start3A_525 = tpu.memref_slice %arg12[%dma_start3A_514] : memref<4x!tpu.dma_semaphore, #tpu.memory_space<semaphore_mem>> -> memref<1x!tpu.dma_semaphore, #tpu.memory_space<semaphore_mem>>
        %dma_start3A_526 = tpu.memref_squeeze %dma_start3A_525 : memref<1x!tpu.dma_semaphore, #tpu.memory_space<semaphore_mem>> -> memref<!tpu.dma_semaphore, #tpu.memory_space<semaphore_mem>>
        tpu.enqueue_indirect_dma source(%dma_start3A_524 : memref<10000x64xf32, #tpu.memory_space<vmem_shared>>) target(%dma_start3A_518 : memref<128x64xf32, #tpu.memory_space<vmem>>) offsets(%dma_start3A_521 : memref<128xi32, #tpu.memory_space<vmem>>) semaphore(%dma_start3A_526 : memref<!tpu.dma_semaphore, #tpu.memory_space<semaphore_mem>>)
      } else {
      }
      %mul3A_440 = arith.constant 4 : i32
      %mul3A_441 = arith.muli %scan3A_286, %mul3A_440 : i32
      %add3A_442 = arith.constant 3 : i32
      %add3A_443 = arith.addi %mul3A_441, %add3A_442 : i32
      %dma_wait3A_444 = arith.constant 3 : i32
      %dma_wait3A_445 = arith.constant 3 : i32
      %dma_wait3A_446 = arith.constant 0 : i32
      %dma_wait3A_447 = arith.constant 0 : i32
      %dma_wait3A_448 = tpu.memref_slice %arg9[%dma_wait3A_444, %dma_wait3A_446, %dma_wait3A_447] : memref<4x128x64xf32, #tpu.memory_space<vmem>> -> memref<1x128x64xf32, #tpu.memory_space<vmem>>
      %dma_wait3A_449 = tpu.memref_squeeze %dma_wait3A_448 : memref<1x128x64xf32, #tpu.memory_space<vmem>> -> memref<128x64xf32, #tpu.memory_space<vmem>>
      %dma_wait3A_450 = arith.constant 0 : i32
      %dma_wait3A_451 = arith.constant 0 : i32
      %dma_wait3A_452 = tpu.memref_slice %arg6[%dma_wait3A_450, %dma_wait3A_451] : memref<327680x64xf32, #tpu.memory_space<hbm>> -> memref<128x64xf32, #tpu.memory_space<hbm>>
      %dma_wait3A_453 = tpu.memref_slice %arg12[%dma_wait3A_445] : memref<4x!tpu.dma_semaphore, #tpu.memory_space<semaphore_mem>> -> memref<1x!tpu.dma_semaphore, #tpu.memory_space<semaphore_mem>>
      %dma_wait3A_454 = tpu.memref_squeeze %dma_wait3A_453 : memref<1x!tpu.dma_semaphore, #tpu.memory_space<semaphore_mem>> -> memref<!tpu.dma_semaphore, #tpu.memory_space<semaphore_mem>>
      %dma_wait3A_455 = arith.constant 0 : i32
      %dma_wait3A_456 = arith.constant 0 : i32
      %dma_wait3A_457 = tpu.memref_slice %arg9[%dma_wait3A_444, %dma_wait3A_455, %dma_wait3A_456] : memref<4x128x64xf32, #tpu.memory_space<vmem>> -> memref<1x128x64xf32, #tpu.memory_space<vmem>>
      %dma_wait3A_458 = tpu.memref_squeeze %dma_wait3A_457 : memref<1x128x64xf32, #tpu.memory_space<vmem>> -> memref<128x64xf32, #tpu.memory_space<vmem>>
      %dma_wait3A_459 = arith.constant 0 : i32
      %dma_wait3A_460 = arith.constant 0 : i32
      %dma_wait3A_461 = tpu.memref_slice %arg6[%dma_wait3A_459, %dma_wait3A_460] : memref<327680x64xf32, #tpu.memory_space<hbm>> -> memref<128x64xf32, #tpu.memory_space<hbm>>
      tpu.wait_dma2 semaphore(%dma_wait3A_454 : memref<!tpu.dma_semaphore, #tpu.memory_space<semaphore_mem>>) src(%dma_wait3A_461 : memref<128x64xf32, #tpu.memory_space<hbm>>) dst(%dma_wait3A_458 : memref<128x64xf32, #tpu.memory_space<vmem>>)
      %mul3A_462 = arith.constant 128 : i32
      %mul3A_463 = arith.muli %add3A_443, %mul3A_462 : i32
      %add3A_464 = arith.addi %mul3A_4, %mul3A_463 : i32
      %dma_start3A_465 = arith.constant 3 : i32
      %dma_start3A_466 = arith.constant 3 : i32
      %dma_start3A_467 = arith.constant 0 : i32
      %dma_start3A_468 = arith.constant 0 : i32
      %dma_start3A_469 = tpu.memref_slice %arg9[%dma_start3A_465, %dma_start3A_467, %dma_start3A_468] : memref<4x128x64xf32, #tpu.memory_space<vmem>> -> memref<1x128x64xf32, #tpu.memory_space<vmem>>
      %dma_start3A_470 = tpu.memref_squeeze %dma_start3A_469 : memref<1x128x64xf32, #tpu.memory_space<vmem>> -> memref<128x64xf32, #tpu.memory_space<vmem>>
      %dma_start3A_471 = arith.constant 0 : i32
      %dma_start3A_472 = tpu.memref_slice %arg7[%add3A_464, %dma_start3A_471] : memref<327680x64xf32, #tpu.memory_space<hbm>> -> memref<128x64xf32, #tpu.memory_space<hbm>>
      %dma_start3A_473 = tpu.memref_slice %arg13[%dma_start3A_466] : memref<4x!tpu.dma_semaphore, #tpu.memory_space<semaphore_mem>> -> memref<1x!tpu.dma_semaphore, #tpu.memory_space<semaphore_mem>>
      %dma_start3A_474 = tpu.memref_squeeze %dma_start3A_473 : memref<1x!tpu.dma_semaphore, #tpu.memory_space<semaphore_mem>> -> memref<!tpu.dma_semaphore, #tpu.memory_space<semaphore_mem>>
      %dma_start3A_475 = arith.constant 0 : i32
      %dma_start3A_476 = tpu.memref_slice %arg7[%add3A_464, %dma_start3A_475] : memref<327680x64xf32, #tpu.memory_space<hbm>> -> memref<128x64xf32, #tpu.memory_space<hbm>>
      %dma_start3A_477 = arith.constant 0 : i32
      %dma_start3A_478 = arith.constant 0 : i32
      %dma_start3A_479 = tpu.memref_slice %arg9[%dma_start3A_465, %dma_start3A_477, %dma_start3A_478] : memref<4x128x64xf32, #tpu.memory_space<vmem>> -> memref<1x128x64xf32, #tpu.memory_space<vmem>>
      %dma_start3A_480 = tpu.memref_squeeze %dma_start3A_479 : memref<1x128x64xf32, #tpu.memory_space<vmem>> -> memref<128x64xf32, #tpu.memory_space<vmem>>
      tpu.enqueue_dma source(%dma_start3A_480 : memref<128x64xf32, #tpu.memory_space<vmem>>) target(%dma_start3A_476 : memref<128x64xf32, #tpu.memory_space<hbm>>) target_semaphore(%dma_start3A_474 : memref<!tpu.dma_semaphore, #tpu.memory_space<semaphore_mem>>)
      %sub3A_481 = arith.constant 1 : i32
      %sub3A_482 = arith.subi %add3A_443, %sub3A_481 : i32
      %ge3A_483 = arith.constant 0 : i32
      %ge3A_484 = arith.cmpi sge, %sub3A_482, %ge3A_483 : i32
      %add3A_485 = arith.constant 4 : i32
      %add3A_486 = arith.addi %sub3A_482, %add3A_485 : i32
      %lt3A_487 = arith.constant 80 : i32
      %lt3A_488 = arith.cmpi slt, %add3A_486, %lt3A_487 : i32
      %and3A_489 = arith.andi %ge3A_484, %lt3A_488 : i1
      %convert_element_type3A_490 = arith.extui %and3A_489 : i1 to i32
      %cond3A_491 = arith.constant 0 : i32
      %cond3A_492 = arith.cmpi ne, %convert_element_type3A_490, %cond3A_491 : i32
      scf.if %cond3A_492 {
        %dma_wait3A_493 = arith.constant 2 : i32
        %dma_wait3A_494 = arith.constant 2 : i32
        %dma_wait3A_495 = arith.constant 0 : i32
        %dma_wait3A_496 = arith.constant 0 : i32
        %dma_wait3A_497 = tpu.memref_slice %arg9[%dma_wait3A_493, %dma_wait3A_495, %dma_wait3A_496] : memref<4x128x64xf32, #tpu.memory_space<vmem>> -> memref<1x128x64xf32, #tpu.memory_space<vmem>>
        %dma_wait3A_498 = tpu.memref_squeeze %dma_wait3A_497 : memref<1x128x64xf32, #tpu.memory_space<vmem>> -> memref<128x64xf32, #tpu.memory_space<vmem>>
        %dma_wait3A_499 = arith.constant 0 : i32
        %dma_wait3A_500 = arith.constant 0 : i32
        %dma_wait3A_501 = tpu.memref_slice %arg6[%dma_wait3A_499, %dma_wait3A_500] : memref<327680x64xf32, #tpu.memory_space<hbm>> -> memref<128x64xf32, #tpu.memory_space<hbm>>
        %dma_wait3A_502 = tpu.memref_slice %arg13[%dma_wait3A_494] : memref<4x!tpu.dma_semaphore, #tpu.memory_space<semaphore_mem>> -> memref<1x!tpu.dma_semaphore, #tpu.memory_space<semaphore_mem>>
        %dma_wait3A_503 = tpu.memref_squeeze %dma_wait3A_502 : memref<1x!tpu.dma_semaphore, #tpu.memory_space<semaphore_mem>> -> memref<!tpu.dma_semaphore, #tpu.memory_space<semaphore_mem>>
        %dma_wait3A_504 = arith.constant 0 : i32
        %dma_wait3A_505 = arith.constant 0 : i32
        %dma_wait3A_506 = tpu.memref_slice %arg9[%dma_wait3A_493, %dma_wait3A_504, %dma_wait3A_505] : memref<4x128x64xf32, #tpu.memory_space<vmem>> -> memref<1x128x64xf32, #tpu.memory_space<vmem>>
        %dma_wait3A_507 = tpu.memref_squeeze %dma_wait3A_506 : memref<1x128x64xf32, #tpu.memory_space<vmem>> -> memref<128x64xf32, #tpu.memory_space<vmem>>
        %dma_wait3A_508 = arith.constant 0 : i32
        %dma_wait3A_509 = arith.constant 0 : i32
        %dma_wait3A_510 = tpu.memref_slice %arg6[%dma_wait3A_508, %dma_wait3A_509] : memref<327680x64xf32, #tpu.memory_space<hbm>> -> memref<128x64xf32, #tpu.memory_space<hbm>>
        tpu.wait_dma2 semaphore(%dma_wait3A_503 : memref<!tpu.dma_semaphore, #tpu.memory_space<semaphore_mem>>) src(%dma_wait3A_510 : memref<128x64xf32, #tpu.memory_space<hbm>>) dst(%dma_wait3A_507 : memref<128x64xf32, #tpu.memory_space<vmem>>)
        %add3A_511 = arith.constant 4 : i32
        %add3A_512 = arith.addi %sub3A_482, %add3A_511 : i32
        %dma_start3A_513 = arith.constant 2 : i32
        %dma_start3A_514 = arith.constant 2 : i32
        %dma_start3A_515 = arith.constant 0 : i32
        %dma_start3A_516 = arith.constant 0 : i32
        %dma_start3A_517 = tpu.memref_slice %arg9[%dma_start3A_513, %dma_start3A_515, %dma_start3A_516] : memref<4x128x64xf32, #tpu.memory_space<vmem>> -> memref<1x128x64xf32, #tpu.memory_space<vmem>>
        %dma_start3A_518 = tpu.memref_squeeze %dma_start3A_517 : memref<1x128x64xf32, #tpu.memory_space<vmem>> -> memref<128x64xf32, #tpu.memory_space<vmem>>
        %dma_start3A_519 = arith.constant 0 : i32
        %dma_start3A_520 = tpu.memref_slice %arg8[%add3A_512, %dma_start3A_519] : memref<80x128xi32, #tpu.memory_space<vmem>> -> memref<1x128xi32, #tpu.memory_space<vmem>>
        %dma_start3A_521 = tpu.memref_squeeze %dma_start3A_520 : memref<1x128xi32, #tpu.memory_space<vmem>> -> memref<128xi32, #tpu.memory_space<vmem>>
        %dma_start3A_522 = arith.constant 0 : i32
        %dma_start3A_523 = arith.constant 0 : i32
        %dma_start3A_524 = tpu.memref_slice %arg11[%dma_start3A_522, %dma_start3A_523] : memref<10000x64xf32, #tpu.memory_space<vmem_shared>> -> memref<10000x64xf32, #tpu.memory_space<vmem_shared>>
        %dma_start3A_525 = tpu.memref_slice %arg12[%dma_start3A_514] : memref<4x!tpu.dma_semaphore, #tpu.memory_space<semaphore_mem>> -> memref<1x!tpu.dma_semaphore, #tpu.memory_space<semaphore_mem>>
        %dma_start3A_526 = tpu.memref_squeeze %dma_start3A_525 : memref<1x!tpu.dma_semaphore, #tpu.memory_space<semaphore_mem>> -> memref<!tpu.dma_semaphore, #tpu.memory_space<semaphore_mem>>
        tpu.enqueue_indirect_dma source(%dma_start3A_524 : memref<10000x64xf32, #tpu.memory_space<vmem_shared>>) target(%dma_start3A_518 : memref<128x64xf32, #tpu.memory_space<vmem>>) offsets(%dma_start3A_521 : memref<128xi32, #tpu.memory_space<vmem>>) semaphore(%dma_start3A_526 : memref<!tpu.dma_semaphore, #tpu.memory_space<semaphore_mem>>)
      } else {
      }
    }
    %scan3A_213 = arith.constant 20 : i32
    %dma_wait3A_214 = arith.constant 0 : i32
    %dma_wait3A_215 = arith.constant 0 : i32
    %dma_wait3A_216 = arith.constant 0 : i32
    %dma_wait3A_217 = arith.constant 0 : i32
    %dma_wait3A_218 = tpu.memref_slice %arg9[%dma_wait3A_214, %dma_wait3A_216, %dma_wait3A_217] : memref<4x128x64xf32, #tpu.memory_space<vmem>> -> memref<1x128x64xf32, #tpu.memory_space<vmem>>
    %dma_wait3A_219 = tpu.memref_squeeze %dma_wait3A_218 : memref<1x128x64xf32, #tpu.memory_space<vmem>> -> memref<128x64xf32, #tpu.memory_space<vmem>>
    %dma_wait3A_220 = arith.constant 0 : i32
    %dma_wait3A_221 = arith.constant 0 : i32
    %dma_wait3A_222 = tpu.memref_slice %arg6[%dma_wait3A_220, %dma_wait3A_221] : memref<327680x64xf32, #tpu.memory_space<hbm>> -> memref<128x64xf32, #tpu.memory_space<hbm>>
    %dma_wait3A_223 = tpu.memref_slice %arg13[%dma_wait3A_215] : memref<4x!tpu.dma_semaphore, #tpu.memory_space<semaphore_mem>> -> memref<1x!tpu.dma_semaphore, #tpu.memory_space<semaphore_mem>>
    %dma_wait3A_224 = tpu.memref_squeeze %dma_wait3A_223 : memref<1x!tpu.dma_semaphore, #tpu.memory_space<semaphore_mem>> -> memref<!tpu.dma_semaphore, #tpu.memory_space<semaphore_mem>>
    %dma_wait3A_225 = arith.constant 0 : i32
    %dma_wait3A_226 = arith.constant 0 : i32
    %dma_wait3A_227 = tpu.memref_slice %arg9[%dma_wait3A_214, %dma_wait3A_225, %dma_wait3A_226] : memref<4x128x64xf32, #tpu.memory_space<vmem>> -> memref<1x128x64xf32, #tpu.memory_space<vmem>>
    %dma_wait3A_228 = tpu.memref_squeeze %dma_wait3A_227 : memref<1x128x64xf32, #tpu.memory_space<vmem>> -> memref<128x64xf32, #tpu.memory_space<vmem>>
    %dma_wait3A_229 = arith.constant 0 : i32
    %dma_wait3A_230 = arith.constant 0 : i32
    %dma_wait3A_231 = tpu.memref_slice %arg6[%dma_wait3A_229, %dma_wait3A_230] : memref<327680x64xf32, #tpu.memory_space<hbm>> -> memref<128x64xf32, #tpu.memory_space<hbm>>
    tpu.wait_dma2 semaphore(%dma_wait3A_224 : memref<!tpu.dma_semaphore, #tpu.memory_space<semaphore_mem>>) src(%dma_wait3A_231 : memref<128x64xf32, #tpu.memory_space<hbm>>) dst(%dma_wait3A_228 : memref<128x64xf32, #tpu.memory_space<vmem>>)
    %dma_wait3A_232 = arith.constant 1 : i32
    %dma_wait3A_233 = arith.constant 1 : i32
    %dma_wait3A_234 = arith.constant 0 : i32
    %dma_wait3A_235 = arith.constant 0 : i32
    %dma_wait3A_236 = tpu.memref_slice %arg9[%dma_wait3A_232, %dma_wait3A_234, %dma_wait3A_235] : memref<4x128x64xf32, #tpu.memory_space<vmem>> -> memref<1x128x64xf32, #tpu.memory_space<vmem>>
    %dma_wait3A_237 = tpu.memref_squeeze %dma_wait3A_236 : memref<1x128x64xf32, #tpu.memory_space<vmem>> -> memref<128x64xf32, #tpu.memory_space<vmem>>
    %dma_wait3A_238 = arith.constant 0 : i32
    %dma_wait3A_239 = arith.constant 0 : i32
    %dma_wait3A_240 = tpu.memref_slice %arg6[%dma_wait3A_238, %dma_wait3A_239] : memref<327680x64xf32, #tpu.memory_space<hbm>> -> memref<128x64xf32, #tpu.memory_space<hbm>>
    %dma_wait3A_241 = tpu.memref_slice %arg13[%dma_wait3A_233] : memref<4x!tpu.dma_semaphore, #tpu.memory_space<semaphore_mem>> -> memref<1x!tpu.dma_semaphore, #tpu.memory_space<semaphore_mem>>
    %dma_wait3A_242 = tpu.memref_squeeze %dma_wait3A_241 : memref<1x!tpu.dma_semaphore, #tpu.memory_space<semaphore_mem>> -> memref<!tpu.dma_semaphore, #tpu.memory_space<semaphore_mem>>
    %dma_wait3A_243 = arith.constant 0 : i32
    %dma_wait3A_244 = arith.constant 0 : i32
    %dma_wait3A_245 = tpu.memref_slice %arg9[%dma_wait3A_232, %dma_wait3A_243, %dma_wait3A_244] : memref<4x128x64xf32, #tpu.memory_space<vmem>> -> memref<1x128x64xf32, #tpu.memory_space<vmem>>
    %dma_wait3A_246 = tpu.memref_squeeze %dma_wait3A_245 : memref<1x128x64xf32, #tpu.memory_space<vmem>> -> memref<128x64xf32, #tpu.memory_space<vmem>>
    %dma_wait3A_247 = arith.constant 0 : i32
    %dma_wait3A_248 = arith.constant 0 : i32
    %dma_wait3A_249 = tpu.memref_slice %arg6[%dma_wait3A_247, %dma_wait3A_248] : memref<327680x64xf32, #tpu.memory_space<hbm>> -> memref<128x64xf32, #tpu.memory_space<hbm>>
    tpu.wait_dma2 semaphore(%dma_wait3A_242 : memref<!tpu.dma_semaphore, #tpu.memory_space<semaphore_mem>>) src(%dma_wait3A_249 : memref<128x64xf32, #tpu.memory_space<hbm>>) dst(%dma_wait3A_246 : memref<128x64xf32, #tpu.memory_space<vmem>>)
    %dma_wait3A_250 = arith.constant 2 : i32
    %dma_wait3A_251 = arith.constant 2 : i32
    %dma_wait3A_252 = arith.constant 0 : i32
    %dma_wait3A_253 = arith.constant 0 : i32
    %dma_wait3A_254 = tpu.memref_slice %arg9[%dma_wait3A_250, %dma_wait3A_252, %dma_wait3A_253] : memref<4x128x64xf32, #tpu.memory_space<vmem>> -> memref<1x128x64xf32, #tpu.memory_space<vmem>>
    %dma_wait3A_255 = tpu.memref_squeeze %dma_wait3A_254 : memref<1x128x64xf32, #tpu.memory_space<vmem>> -> memref<128x64xf32, #tpu.memory_space<vmem>>
    %dma_wait3A_256 = arith.constant 0 : i32
    %dma_wait3A_257 = arith.constant 0 : i32
    %dma_wait3A_258 = tpu.memref_slice %arg6[%dma_wait3A_256, %dma_wait3A_257] : memref<327680x64xf32, #tpu.memory_space<hbm>> -> memref<128x64xf32, #tpu.memory_space<hbm>>
    %dma_wait3A_259 = tpu.memref_slice %arg13[%dma_wait3A_251] : memref<4x!tpu.dma_semaphore, #tpu.memory_space<semaphore_mem>> -> memref<1x!tpu.dma_semaphore, #tpu.memory_space<semaphore_mem>>
    %dma_wait3A_260 = tpu.memref_squeeze %dma_wait3A_259 : memref<1x!tpu.dma_semaphore, #tpu.memory_space<semaphore_mem>> -> memref<!tpu.dma_semaphore, #tpu.memory_space<semaphore_mem>>
    %dma_wait3A_261 = arith.constant 0 : i32
    %dma_wait3A_262 = arith.constant 0 : i32
    %dma_wait3A_263 = tpu.memref_slice %arg9[%dma_wait3A_250, %dma_wait3A_261, %dma_wait3A_262] : memref<4x128x64xf32, #tpu.memory_space<vmem>> -> memref<1x128x64xf32, #tpu.memory_space<vmem>>
    %dma_wait3A_264 = tpu.memref_squeeze %dma_wait3A_263 : memref<1x128x64xf32, #tpu.memory_space<vmem>> -> memref<128x64xf32, #tpu.memory_space<vmem>>
    %dma_wait3A_265 = arith.constant 0 : i32
    %dma_wait3A_266 = arith.constant 0 : i32
    %dma_wait3A_267 = tpu.memref_slice %arg6[%dma_wait3A_265, %dma_wait3A_266] : memref<327680x64xf32, #tpu.memory_space<hbm>> -> memref<128x64xf32, #tpu.memory_space<hbm>>
    tpu.wait_dma2 semaphore(%dma_wait3A_260 : memref<!tpu.dma_semaphore, #tpu.memory_space<semaphore_mem>>) src(%dma_wait3A_267 : memref<128x64xf32, #tpu.memory_space<hbm>>) dst(%dma_wait3A_264 : memref<128x64xf32, #tpu.memory_space<vmem>>)
    %dma_wait3A_268 = arith.constant 3 : i32
    %dma_wait3A_269 = arith.constant 3 : i32
    %dma_wait3A_270 = arith.constant 0 : i32
    %dma_wait3A_271 = arith.constant 0 : i32
    %dma_wait3A_272 = tpu.memref_slice %arg9[%dma_wait3A_268, %dma_wait3A_270, %dma_wait3A_271] : memref<4x128x64xf32, #tpu.memory_space<vmem>> -> memref<1x128x64xf32, #tpu.memory_space<vmem>>
    %dma_wait3A_273 = tpu.memref_squeeze %dma_wait3A_272 : memref<1x128x64xf32, #tpu.memory_space<vmem>> -> memref<128x64xf32, #tpu.memory_space<vmem>>
    %dma_wait3A_274 = arith.constant 0 : i32
    %dma_wait3A_275 = arith.constant 0 : i32
    %dma_wait3A_276 = tpu.memref_slice %arg6[%dma_wait3A_274, %dma_wait3A_275] : memref<327680x64xf32, #tpu.memory_space<hbm>> -> memref<128x64xf32, #tpu.memory_space<hbm>>
    %dma_wait3A_277 = tpu.memref_slice %arg13[%dma_wait3A_269] : memref<4x!tpu.dma_semaphore, #tpu.memory_space<semaphore_mem>> -> memref<1x!tpu.dma_semaphore, #tpu.memory_space<semaphore_mem>>
    %dma_wait3A_278 = tpu.memref_squeeze %dma_wait3A_277 : memref<1x!tpu.dma_semaphore, #tpu.memory_space<semaphore_mem>> -> memref<!tpu.dma_semaphore, #tpu.memory_space<semaphore_mem>>
    %dma_wait3A_279 = arith.constant 0 : i32
    %dma_wait3A_280 = arith.constant 0 : i32
    %dma_wait3A_281 = tpu.memref_slice %arg9[%dma_wait3A_268, %dma_wait3A_279, %dma_wait3A_280] : memref<4x128x64xf32, #tpu.memory_space<vmem>> -> memref<1x128x64xf32, #tpu.memory_space<vmem>>
    %dma_wait3A_282 = tpu.memref_squeeze %dma_wait3A_281 : memref<1x128x64xf32, #tpu.memory_space<vmem>> -> memref<128x64xf32, #tpu.memory_space<vmem>>
    %dma_wait3A_283 = arith.constant 0 : i32
    %dma_wait3A_284 = arith.constant 0 : i32
    %dma_wait3A_285 = tpu.memref_slice %arg6[%dma_wait3A_283, %dma_wait3A_284] : memref<327680x64xf32, #tpu.memory_space<hbm>> -> memref<128x64xf32, #tpu.memory_space<hbm>>
    tpu.wait_dma2 semaphore(%dma_wait3A_278 : memref<!tpu.dma_semaphore, #tpu.memory_space<semaphore_mem>>) src(%dma_wait3A_285 : memref<128x64xf32, #tpu.memory_space<hbm>>) dst(%dma_wait3A_282 : memref<128x64xf32, #tpu.memory_space<vmem>>)
    return
  }
}

#map = affine_map<(d0, d1) -> (0, 0)>
module attributes {stable_mosaic.version = 14 : i64} {
  func.func @_gather_kernel_body(%arg0: i32, %arg1: i32, %arg2: memref<10000x64xf32, #tpu.memory_space<hbm>>, %arg3: memref<10000x64xf32, #tpu.memory_space<hbm>>, %arg4: memref<2560x128xi32, #tpu.memory_space<hbm>>, %arg5: memref<2560x128xi32, #tpu.memory_space<hbm>>, %arg6: memref<327680x64xf32, #tpu.memory_space<hbm>>, %arg7: memref<327680x64xf32, #tpu.memory_space<hbm>>, %arg8: memref<80x128xi32, #tpu.memory_space<vmem>>, %arg9: memref<4x128x64xf32, #tpu.memory_space<vmem>>, %arg10: memref<10000x64xf32, #tpu.memory_space<vmem_shared>>, %arg11: memref<10000x64xf32, #tpu.memory_space<vmem_shared>>, %arg12: memref<4x!tpu.dma_semaphore, #tpu.memory_space<semaphore_mem>>, %arg13: memref<4x!tpu.dma_semaphore, #tpu.memory_space<semaphore_mem>>) attributes {dimension_semantics = [#tpu.dimension_semantics<core_parallel>, #tpu.dimension_semantics<subcore_parallel>], iteration_bounds = array<i64: 2, 16>, scalar_prefetch = 0 : i64, scratch_operands = 6 : i64, tpu.core_type = #tpu.core_type<sc_vector_subcore>, window_params = [{transform_indices = #map}, {transform_indices = #map}, {transform_indices = #map}, {transform_indices = #map}, {transform_indices = #map}, {transform_indices = #map}]} {
    %mul3A = arith.constant 16 : i32
    %mul3A_0 = arith.muli %arg0, %mul3A : i32
    %add3A = arith.addi %mul3A_0, %arg1 : i32
    %mul3A_1 = arith.constant 80 : i32
    %mul3A_2 = arith.muli %add3A, %mul3A_1 : i32
    %mul3A_3 = arith.constant 128 : i32
    %mul3A_4 = arith.muli %mul3A_2, %mul3A_3 : i32
    %mul3A_5 = arith.constant 625 : i32
    %mul3A_6 = arith.muli %arg1, %mul3A_5 : i32
    %mul3A_7 = arith.constant 625 : i32
    %mul3A_8 = arith.muli %arg1, %mul3A_7 : i32
    "tpu.region"() ({
      %run_scoped3A = tpu.sem_alloc : memref<!tpu.dma_semaphore, #tpu.memory_space<semaphore_mem>>
      %dma_start3A_286 = arith.constant 0 : i32
      %dma_start3A_287 = tpu.memref_slice %arg10[%mul3A_8, %dma_start3A_286] : memref<10000x64xf32, #tpu.memory_space<vmem_shared>> -> memref<625x64xf32, #tpu.memory_space<vmem_shared>>
      %dma_start3A_288 = arith.constant 0 : i32
      %dma_start3A_289 = tpu.memref_slice %arg2[%mul3A_6, %dma_start3A_288] : memref<10000x64xf32, #tpu.memory_space<hbm>> -> memref<625x64xf32, #tpu.memory_space<hbm>>
      tpu.enqueue_dma source(%dma_start3A_289 : memref<625x64xf32, #tpu.memory_space<hbm>>) target(%dma_start3A_287 : memref<625x64xf32, #tpu.memory_space<vmem_shared>>) target_semaphore(%run_scoped3A : memref<!tpu.dma_semaphore, #tpu.memory_space<semaphore_mem>>)
      %dma_wait3A_290 = arith.constant 0 : i32
      %dma_wait3A_291 = tpu.memref_slice %arg10[%mul3A_8, %dma_wait3A_290] : memref<10000x64xf32, #tpu.memory_space<vmem_shared>> -> memref<625x64xf32, #tpu.memory_space<vmem_shared>>
      %dma_wait3A_292 = arith.constant 0 : i32
      %dma_wait3A_293 = tpu.memref_slice %arg2[%mul3A_6, %dma_wait3A_292] : memref<10000x64xf32, #tpu.memory_space<hbm>> -> memref<625x64xf32, #tpu.memory_space<hbm>>
      tpu.wait_dma2 semaphore(%run_scoped3A : memref<!tpu.dma_semaphore, #tpu.memory_space<semaphore_mem>>) src(%dma_wait3A_293 : memref<625x64xf32, #tpu.memory_space<hbm>>) dst(%dma_wait3A_291 : memref<625x64xf32, #tpu.memory_space<vmem_shared>>)
      tpu.yield
    }) : () -> ()
    %mul3A_9 = arith.constant 625 : i32
    %mul3A_10 = arith.muli %arg1, %mul3A_9 : i32
    %mul3A_11 = arith.constant 625 : i32
    %mul3A_12 = arith.muli %arg1, %mul3A_11 : i32
    "tpu.region"() ({
      %run_scoped3A = tpu.sem_alloc : memref<!tpu.dma_semaphore, #tpu.memory_space<semaphore_mem>>
      %dma_start3A_286 = arith.constant 0 : i32
      %dma_start3A_287 = tpu.memref_slice %arg11[%mul3A_12, %dma_start3A_286] : memref<10000x64xf32, #tpu.memory_space<vmem_shared>> -> memref<625x64xf32, #tpu.memory_space<vmem_shared>>
      %dma_start3A_288 = arith.constant 0 : i32
      %dma_start3A_289 = tpu.memref_slice %arg3[%mul3A_10, %dma_start3A_288] : memref<10000x64xf32, #tpu.memory_space<hbm>> -> memref<625x64xf32, #tpu.memory_space<hbm>>
      tpu.enqueue_dma source(%dma_start3A_289 : memref<625x64xf32, #tpu.memory_space<hbm>>) target(%dma_start3A_287 : memref<625x64xf32, #tpu.memory_space<vmem_shared>>) target_semaphore(%run_scoped3A : memref<!tpu.dma_semaphore, #tpu.memory_space<semaphore_mem>>)
      %dma_wait3A_290 = arith.constant 0 : i32
      %dma_wait3A_291 = tpu.memref_slice %arg11[%mul3A_12, %dma_wait3A_290] : memref<10000x64xf32, #tpu.memory_space<vmem_shared>> -> memref<625x64xf32, #tpu.memory_space<vmem_shared>>
      %dma_wait3A_292 = arith.constant 0 : i32
      %dma_wait3A_293 = tpu.memref_slice %arg3[%mul3A_10, %dma_wait3A_292] : memref<10000x64xf32, #tpu.memory_space<hbm>> -> memref<625x64xf32, #tpu.memory_space<hbm>>
      tpu.wait_dma2 semaphore(%run_scoped3A : memref<!tpu.dma_semaphore, #tpu.memory_space<semaphore_mem>>) src(%dma_wait3A_293 : memref<625x64xf32, #tpu.memory_space<hbm>>) dst(%dma_wait3A_291 : memref<625x64xf32, #tpu.memory_space<vmem_shared>>)
      tpu.yield
    }) : () -> ()
    %barrier3A = arith.constant 0 : index
    tpu.barrier barrier_id(%barrier3A)
    "tpu.region"() ({
      %run_scoped3A = tpu.sem_alloc : memref<!tpu.dma_semaphore, #tpu.memory_space<semaphore_mem>>
      %dma_start3A_286 = arith.constant 0 : i32
      %dma_start3A_287 = tpu.memref_slice %arg4[%mul3A_2, %dma_start3A_286] : memref<2560x128xi32, #tpu.memory_space<hbm>> -> memref<80x128xi32, #tpu.memory_space<hbm>>
      %dma_start3A_288 = arith.constant 0 : i32
      %dma_start3A_289 = tpu.memref_slice %arg4[%mul3A_2, %dma_start3A_288] : memref<2560x128xi32, #tpu.memory_space<hbm>> -> memref<80x128xi32, #tpu.memory_space<hbm>>
      tpu.enqueue_dma source(%dma_start3A_289 : memref<80x128xi32, #tpu.memory_space<hbm>>) target(%arg8 : memref<80x128xi32, #tpu.memory_space<vmem>>) target_semaphore(%run_scoped3A : memref<!tpu.dma_semaphore, #tpu.memory_space<semaphore_mem>>)
      %dma_wait3A_290 = arith.constant 0 : i32
      %dma_wait3A_291 = tpu.memref_slice %arg4[%mul3A_2, %dma_wait3A_290] : memref<2560x128xi32, #tpu.memory_space<hbm>> -> memref<80x128xi32, #tpu.memory_space<hbm>>
      %dma_wait3A_292 = arith.constant 0 : i32
      %dma_wait3A_293 = tpu.memref_slice %arg4[%mul3A_2, %dma_wait3A_292] : memref<2560x128xi32, #tpu.memory_space<hbm>> -> memref<80x128xi32, #tpu.memory_space<hbm>>
      tpu.wait_dma2 semaphore(%run_scoped3A : memref<!tpu.dma_semaphore, #tpu.memory_space<semaphore_mem>>) src(%dma_wait3A_293 : memref<80x128xi32, #tpu.memory_space<hbm>>) dst(%arg8 : memref<80x128xi32, #tpu.memory_space<vmem>>)
      tpu.yield
    }) : () -> ()
    %dma_start3A = arith.constant 0 : i32
    %dma_start3A_13 = arith.constant 0 : i32
    %dma_start3A_14 = arith.constant 0 : i32
    %dma_start3A_15 = arith.constant 0 : i32
    %dma_start3A_16 = arith.constant 0 : i32
    %dma_start3A_17 = tpu.memref_slice %arg9[%dma_start3A_13, %dma_start3A_15, %dma_start3A_16] : memref<4x128x64xf32, #tpu.memory_space<vmem>> -> memref<1x128x64xf32, #tpu.memory_space<vmem>>
    %dma_start3A_18 = tpu.memref_squeeze %dma_start3A_17 : memref<1x128x64xf32, #tpu.memory_space<vmem>> -> memref<128x64xf32, #tpu.memory_space<vmem>>
    %dma_start3A_19 = arith.constant 0 : i32
    %dma_start3A_20 = tpu.memref_slice %arg8[%dma_start3A, %dma_start3A_19] : memref<80x128xi32, #tpu.memory_space<vmem>> -> memref<1x128xi32, #tpu.memory_space<vmem>>
    %dma_start3A_21 = tpu.memref_squeeze %dma_start3A_20 : memref<1x128xi32, #tpu.memory_space<vmem>> -> memref<128xi32, #tpu.memory_space<vmem>>
    %dma_start3A_22 = arith.constant 0 : i32
    %dma_start3A_23 = arith.constant 0 : i32
    %dma_start3A_24 = tpu.memref_slice %arg10[%dma_start3A_22, %dma_start3A_23] : memref<10000x64xf32, #tpu.memory_space<vmem_shared>> -> memref<10000x64xf32, #tpu.memory_space<vmem_shared>>
    %dma_start3A_25 = tpu.memref_slice %arg12[%dma_start3A_14] : memref<4x!tpu.dma_semaphore, #tpu.memory_space<semaphore_mem>> -> memref<1x!tpu.dma_semaphore, #tpu.memory_space<semaphore_mem>>
    %dma_start3A_26 = tpu.memref_squeeze %dma_start3A_25 : memref<1x!tpu.dma_semaphore, #tpu.memory_space<semaphore_mem>> -> memref<!tpu.dma_semaphore, #tpu.memory_space<semaphore_mem>>
    tpu.enqueue_indirect_dma source(%dma_start3A_24 : memref<10000x64xf32, #tpu.memory_space<vmem_shared>>) target(%dma_start3A_18 : memref<128x64xf32, #tpu.memory_space<vmem>>) offsets(%dma_start3A_21 : memref<128xi32, #tpu.memory_space<vmem>>) semaphore(%dma_start3A_26 : memref<!tpu.dma_semaphore, #tpu.memory_space<semaphore_mem>>)
    %dma_start3A_27 = arith.constant 1 : i32
    %dma_start3A_28 = arith.constant 1 : i32
    %dma_start3A_29 = arith.constant 1 : i32
    %dma_start3A_30 = arith.constant 0 : i32
    %dma_start3A_31 = arith.constant 0 : i32
    %dma_start3A_32 = tpu.memref_slice %arg9[%dma_start3A_28, %dma_start3A_30, %dma_start3A_31] : memref<4x128x64xf32, #tpu.memory_space<vmem>> -> memref<1x128x64xf32, #tpu.memory_space<vmem>>
    %dma_start3A_33 = tpu.memref_squeeze %dma_start3A_32 : memref<1x128x64xf32, #tpu.memory_space<vmem>> -> memref<128x64xf32, #tpu.memory_space<vmem>>
    %dma_start3A_34 = arith.constant 0 : i32
    %dma_start3A_35 = tpu.memref_slice %arg8[%dma_start3A_27, %dma_start3A_34] : memref<80x128xi32, #tpu.memory_space<vmem>> -> memref<1x128xi32, #tpu.memory_space<vmem>>
    %dma_start3A_36 = tpu.memref_squeeze %dma_start3A_35 : memref<1x128xi32, #tpu.memory_space<vmem>> -> memref<128xi32, #tpu.memory_space<vmem>>
    %dma_start3A_37 = arith.constant 0 : i32
    %dma_start3A_38 = arith.constant 0 : i32
    %dma_start3A_39 = tpu.memref_slice %arg10[%dma_start3A_37, %dma_start3A_38] : memref<10000x64xf32, #tpu.memory_space<vmem_shared>> -> memref<10000x64xf32, #tpu.memory_space<vmem_shared>>
    %dma_start3A_40 = tpu.memref_slice %arg12[%dma_start3A_29] : memref<4x!tpu.dma_semaphore, #tpu.memory_space<semaphore_mem>> -> memref<1x!tpu.dma_semaphore, #tpu.memory_space<semaphore_mem>>
    %dma_start3A_41 = tpu.memref_squeeze %dma_start3A_40 : memref<1x!tpu.dma_semaphore, #tpu.memory_space<semaphore_mem>> -> memref<!tpu.dma_semaphore, #tpu.memory_space<semaphore_mem>>
    tpu.enqueue_indirect_dma source(%dma_start3A_39 : memref<10000x64xf32, #tpu.memory_space<vmem_shared>>) target(%dma_start3A_33 : memref<128x64xf32, #tpu.memory_space<vmem>>) offsets(%dma_start3A_36 : memref<128xi32, #tpu.memory_space<vmem>>) semaphore(%dma_start3A_41 : memref<!tpu.dma_semaphore, #tpu.memory_space<semaphore_mem>>)
    %dma_start3A_42 = arith.constant 2 : i32
    %dma_start3A_43 = arith.constant 2 : i32
    %dma_start3A_44 = arith.constant 2 : i32
    %dma_start3A_45 = arith.constant 0 : i32
    %dma_start3A_46 = arith.constant 0 : i32
    %dma_start3A_47 = tpu.memref_slice %arg9[%dma_start3A_43, %dma_start3A_45, %dma_start3A_46] : memref<4x128x64xf32, #tpu.memory_space<vmem>> -> memref<1x128x64xf32, #tpu.memory_space<vmem>>
    %dma_start3A_48 = tpu.memref_squeeze %dma_start3A_47 : memref<1x128x64xf32, #tpu.memory_space<vmem>> -> memref<128x64xf32, #tpu.memory_space<vmem>>
    %dma_start3A_49 = arith.constant 0 : i32
    %dma_start3A_50 = tpu.memref_slice %arg8[%dma_start3A_42, %dma_start3A_49] : memref<80x128xi32, #tpu.memory_space<vmem>> -> memref<1x128xi32, #tpu.memory_space<vmem>>
    %dma_start3A_51 = tpu.memref_squeeze %dma_start3A_50 : memref<1x128xi32, #tpu.memory_space<vmem>> -> memref<128xi32, #tpu.memory_space<vmem>>
    %dma_start3A_52 = arith.constant 0 : i32
    %dma_start3A_53 = arith.constant 0 : i32
    %dma_start3A_54 = tpu.memref_slice %arg10[%dma_start3A_52, %dma_start3A_53] : memref<10000x64xf32, #tpu.memory_space<vmem_shared>> -> memref<10000x64xf32, #tpu.memory_space<vmem_shared>>
    %dma_start3A_55 = tpu.memref_slice %arg12[%dma_start3A_44] : memref<4x!tpu.dma_semaphore, #tpu.memory_space<semaphore_mem>> -> memref<1x!tpu.dma_semaphore, #tpu.memory_space<semaphore_mem>>
    %dma_start3A_56 = tpu.memref_squeeze %dma_start3A_55 : memref<1x!tpu.dma_semaphore, #tpu.memory_space<semaphore_mem>> -> memref<!tpu.dma_semaphore, #tpu.memory_space<semaphore_mem>>
    tpu.enqueue_indirect_dma source(%dma_start3A_54 : memref<10000x64xf32, #tpu.memory_space<vmem_shared>>) target(%dma_start3A_48 : memref<128x64xf32, #tpu.memory_space<vmem>>) offsets(%dma_start3A_51 : memref<128xi32, #tpu.memory_space<vmem>>) semaphore(%dma_start3A_56 : memref<!tpu.dma_semaphore, #tpu.memory_space<semaphore_mem>>)
    %dma_start3A_57 = arith.constant 3 : i32
    %dma_start3A_58 = arith.constant 3 : i32
    %dma_start3A_59 = arith.constant 3 : i32
    %dma_start3A_60 = arith.constant 0 : i32
    %dma_start3A_61 = arith.constant 0 : i32
    %dma_start3A_62 = tpu.memref_slice %arg9[%dma_start3A_58, %dma_start3A_60, %dma_start3A_61] : memref<4x128x64xf32, #tpu.memory_space<vmem>> -> memref<1x128x64xf32, #tpu.memory_space<vmem>>
    %dma_start3A_63 = tpu.memref_squeeze %dma_start3A_62 : memref<1x128x64xf32, #tpu.memory_space<vmem>> -> memref<128x64xf32, #tpu.memory_space<vmem>>
    %dma_start3A_64 = arith.constant 0 : i32
    %dma_start3A_65 = tpu.memref_slice %arg8[%dma_start3A_57, %dma_start3A_64] : memref<80x128xi32, #tpu.memory_space<vmem>> -> memref<1x128xi32, #tpu.memory_space<vmem>>
    %dma_start3A_66 = tpu.memref_squeeze %dma_start3A_65 : memref<1x128xi32, #tpu.memory_space<vmem>> -> memref<128xi32, #tpu.memory_space<vmem>>
    %dma_start3A_67 = arith.constant 0 : i32
    %dma_start3A_68 = arith.constant 0 : i32
    %dma_start3A_69 = tpu.memref_slice %arg10[%dma_start3A_67, %dma_start3A_68] : memref<10000x64xf32, #tpu.memory_space<vmem_shared>> -> memref<10000x64xf32, #tpu.memory_space<vmem_shared>>
    %dma_start3A_70 = tpu.memref_slice %arg12[%dma_start3A_59] : memref<4x!tpu.dma_semaphore, #tpu.memory_space<semaphore_mem>> -> memref<1x!tpu.dma_semaphore, #tpu.memory_space<semaphore_mem>>
    %dma_start3A_71 = tpu.memref_squeeze %dma_start3A_70 : memref<1x!tpu.dma_semaphore, #tpu.memory_space<semaphore_mem>> -> memref<!tpu.dma_semaphore, #tpu.memory_space<semaphore_mem>>
    tpu.enqueue_indirect_dma source(%dma_start3A_69 : memref<10000x64xf32, #tpu.memory_space<vmem_shared>>) target(%dma_start3A_63 : memref<128x64xf32, #tpu.memory_space<vmem>>) offsets(%dma_start3A_66 : memref<128xi32, #tpu.memory_space<vmem>>) semaphore(%dma_start3A_71 : memref<!tpu.dma_semaphore, #tpu.memory_space<semaphore_mem>>)
    %scan3A = arith.constant 0 : i32
    %scan3A_72 = arith.constant 0 : i32
    %scan3A_73 = arith.constant 20 : i32
    %scan3A_74 = arith.addi %scan3A_72, %scan3A_73 : i32
    %scan3A_75 = arith.constant 1 : i32
    scf.for %scan3A_286 = %scan3A_72 to %scan3A_74 step %scan3A_75  : i32 {
      %mul3A_287 = arith.constant 4 : i32
      %mul3A_288 = arith.muli %scan3A_286, %mul3A_287 : i32
      %add3A_289 = arith.constant 0 : i32
      %add3A_290 = arith.addi %mul3A_288, %add3A_289 : i32
      %dma_wait3A_291 = arith.constant 0 : i32
      %dma_wait3A_292 = arith.constant 0 : i32
      %dma_wait3A_293 = arith.constant 0 : i32
      %dma_wait3A_294 = arith.constant 0 : i32
      %dma_wait3A_295 = tpu.memref_slice %arg9[%dma_wait3A_291, %dma_wait3A_293, %dma_wait3A_294] : memref<4x128x64xf32, #tpu.memory_space<vmem>> -> memref<1x128x64xf32, #tpu.memory_space<vmem>>
      %dma_wait3A_296 = tpu.memref_squeeze %dma_wait3A_295 : memref<1x128x64xf32, #tpu.memory_space<vmem>> -> memref<128x64xf32, #tpu.memory_space<vmem>>
      %dma_wait3A_297 = arith.constant 0 : i32
      %dma_wait3A_298 = arith.constant 0 : i32
      %dma_wait3A_299 = tpu.memref_slice %arg6[%dma_wait3A_297, %dma_wait3A_298] : memref<327680x64xf32, #tpu.memory_space<hbm>> -> memref<128x64xf32, #tpu.memory_space<hbm>>
      %dma_wait3A_300 = tpu.memref_slice %arg12[%dma_wait3A_292] : memref<4x!tpu.dma_semaphore, #tpu.memory_space<semaphore_mem>> -> memref<1x!tpu.dma_semaphore, #tpu.memory_space<semaphore_mem>>
      %dma_wait3A_301 = tpu.memref_squeeze %dma_wait3A_300 : memref<1x!tpu.dma_semaphore, #tpu.memory_space<semaphore_mem>> -> memref<!tpu.dma_semaphore, #tpu.memory_space<semaphore_mem>>
      %dma_wait3A_302 = arith.constant 0 : i32
      %dma_wait3A_303 = arith.constant 0 : i32
      %dma_wait3A_304 = tpu.memref_slice %arg9[%dma_wait3A_291, %dma_wait3A_302, %dma_wait3A_303] : memref<4x128x64xf32, #tpu.memory_space<vmem>> -> memref<1x128x64xf32, #tpu.memory_space<vmem>>
      %dma_wait3A_305 = tpu.memref_squeeze %dma_wait3A_304 : memref<1x128x64xf32, #tpu.memory_space<vmem>> -> memref<128x64xf32, #tpu.memory_space<vmem>>
      %dma_wait3A_306 = arith.constant 0 : i32
      %dma_wait3A_307 = arith.constant 0 : i32
      %dma_wait3A_308 = tpu.memref_slice %arg6[%dma_wait3A_306, %dma_wait3A_307] : memref<327680x64xf32, #tpu.memory_space<hbm>> -> memref<128x64xf32, #tpu.memory_space<hbm>>
      tpu.wait_dma2 semaphore(%dma_wait3A_301 : memref<!tpu.dma_semaphore, #tpu.memory_space<semaphore_mem>>) src(%dma_wait3A_308 : memref<128x64xf32, #tpu.memory_space<hbm>>) dst(%dma_wait3A_305 : memref<128x64xf32, #tpu.memory_space<vmem>>)
      %mul3A_309 = arith.constant 128 : i32
      %mul3A_310 = arith.muli %add3A_290, %mul3A_309 : i32
      %add3A_311 = arith.addi %mul3A_4, %mul3A_310 : i32
      %dma_start3A_312 = arith.constant 0 : i32
      %dma_start3A_313 = arith.constant 0 : i32
      %dma_start3A_314 = arith.constant 0 : i32
      %dma_start3A_315 = arith.constant 0 : i32
      %dma_start3A_316 = tpu.memref_slice %arg9[%dma_start3A_312, %dma_start3A_314, %dma_start3A_315] : memref<4x128x64xf32, #tpu.memory_space<vmem>> -> memref<1x128x64xf32, #tpu.memory_space<vmem>>
      %dma_start3A_317 = tpu.memref_squeeze %dma_start3A_316 : memref<1x128x64xf32, #tpu.memory_space<vmem>> -> memref<128x64xf32, #tpu.memory_space<vmem>>
      %dma_start3A_318 = arith.constant 0 : i32
      %dma_start3A_319 = tpu.memref_slice %arg6[%add3A_311, %dma_start3A_318] : memref<327680x64xf32, #tpu.memory_space<hbm>> -> memref<128x64xf32, #tpu.memory_space<hbm>>
      %dma_start3A_320 = tpu.memref_slice %arg13[%dma_start3A_313] : memref<4x!tpu.dma_semaphore, #tpu.memory_space<semaphore_mem>> -> memref<1x!tpu.dma_semaphore, #tpu.memory_space<semaphore_mem>>
      %dma_start3A_321 = tpu.memref_squeeze %dma_start3A_320 : memref<1x!tpu.dma_semaphore, #tpu.memory_space<semaphore_mem>> -> memref<!tpu.dma_semaphore, #tpu.memory_space<semaphore_mem>>
      %dma_start3A_322 = arith.constant 0 : i32
      %dma_start3A_323 = tpu.memref_slice %arg6[%add3A_311, %dma_start3A_322] : memref<327680x64xf32, #tpu.memory_space<hbm>> -> memref<128x64xf32, #tpu.memory_space<hbm>>
      %dma_start3A_324 = arith.constant 0 : i32
      %dma_start3A_325 = arith.constant 0 : i32
      %dma_start3A_326 = tpu.memref_slice %arg9[%dma_start3A_312, %dma_start3A_324, %dma_start3A_325] : memref<4x128x64xf32, #tpu.memory_space<vmem>> -> memref<1x128x64xf32, #tpu.memory_space<vmem>>
      %dma_start3A_327 = tpu.memref_squeeze %dma_start3A_326 : memref<1x128x64xf32, #tpu.memory_space<vmem>> -> memref<128x64xf32, #tpu.memory_space<vmem>>
      tpu.enqueue_dma source(%dma_start3A_327 : memref<128x64xf32, #tpu.memory_space<vmem>>) target(%dma_start3A_323 : memref<128x64xf32, #tpu.memory_space<hbm>>) target_semaphore(%dma_start3A_321 : memref<!tpu.dma_semaphore, #tpu.memory_space<semaphore_mem>>)
      %sub3A = arith.constant 1 : i32
      %sub3A_328 = arith.subi %add3A_290, %sub3A : i32
      %ge3A = arith.constant 0 : i32
      %ge3A_329 = arith.cmpi sge, %sub3A_328, %ge3A : i32
      %add3A_330 = arith.constant 4 : i32
      %add3A_331 = arith.addi %sub3A_328, %add3A_330 : i32
      %lt3A = arith.constant 80 : i32
      %lt3A_332 = arith.cmpi slt, %add3A_331, %lt3A : i32
      %and3A = arith.andi %ge3A_329, %lt3A_332 : i1
      %convert_element_type3A = arith.extui %and3A : i1 to i32
      %cond3A = arith.constant 0 : i32
      %cond3A_333 = arith.cmpi ne, %convert_element_type3A, %cond3A : i32
      scf.if %cond3A_333 {
        %dma_wait3A_493 = arith.constant 3 : i32
        %dma_wait3A_494 = arith.constant 3 : i32
        %dma_wait3A_495 = arith.constant 0 : i32
        %dma_wait3A_496 = arith.constant 0 : i32
        %dma_wait3A_497 = tpu.memref_slice %arg9[%dma_wait3A_493, %dma_wait3A_495, %dma_wait3A_496] : memref<4x128x64xf32, #tpu.memory_space<vmem>> -> memref<1x128x64xf32, #tpu.memory_space<vmem>>
        %dma_wait3A_498 = tpu.memref_squeeze %dma_wait3A_497 : memref<1x128x64xf32, #tpu.memory_space<vmem>> -> memref<128x64xf32, #tpu.memory_space<vmem>>
        %dma_wait3A_499 = arith.constant 0 : i32
        %dma_wait3A_500 = arith.constant 0 : i32
        %dma_wait3A_501 = tpu.memref_slice %arg6[%dma_wait3A_499, %dma_wait3A_500] : memref<327680x64xf32, #tpu.memory_space<hbm>> -> memref<128x64xf32, #tpu.memory_space<hbm>>
        %dma_wait3A_502 = tpu.memref_slice %arg13[%dma_wait3A_494] : memref<4x!tpu.dma_semaphore, #tpu.memory_space<semaphore_mem>> -> memref<1x!tpu.dma_semaphore, #tpu.memory_space<semaphore_mem>>
        %dma_wait3A_503 = tpu.memref_squeeze %dma_wait3A_502 : memref<1x!tpu.dma_semaphore, #tpu.memory_space<semaphore_mem>> -> memref<!tpu.dma_semaphore, #tpu.memory_space<semaphore_mem>>
        %dma_wait3A_504 = arith.constant 0 : i32
        %dma_wait3A_505 = arith.constant 0 : i32
        %dma_wait3A_506 = tpu.memref_slice %arg9[%dma_wait3A_493, %dma_wait3A_504, %dma_wait3A_505] : memref<4x128x64xf32, #tpu.memory_space<vmem>> -> memref<1x128x64xf32, #tpu.memory_space<vmem>>
        %dma_wait3A_507 = tpu.memref_squeeze %dma_wait3A_506 : memref<1x128x64xf32, #tpu.memory_space<vmem>> -> memref<128x64xf32, #tpu.memory_space<vmem>>
        %dma_wait3A_508 = arith.constant 0 : i32
        %dma_wait3A_509 = arith.constant 0 : i32
        %dma_wait3A_510 = tpu.memref_slice %arg6[%dma_wait3A_508, %dma_wait3A_509] : memref<327680x64xf32, #tpu.memory_space<hbm>> -> memref<128x64xf32, #tpu.memory_space<hbm>>
        tpu.wait_dma2 semaphore(%dma_wait3A_503 : memref<!tpu.dma_semaphore, #tpu.memory_space<semaphore_mem>>) src(%dma_wait3A_510 : memref<128x64xf32, #tpu.memory_space<hbm>>) dst(%dma_wait3A_507 : memref<128x64xf32, #tpu.memory_space<vmem>>)
        %add3A_511 = arith.constant 4 : i32
        %add3A_512 = arith.addi %sub3A_328, %add3A_511 : i32
        %dma_start3A_513 = arith.constant 3 : i32
        %dma_start3A_514 = arith.constant 3 : i32
        %dma_start3A_515 = arith.constant 0 : i32
        %dma_start3A_516 = arith.constant 0 : i32
        %dma_start3A_517 = tpu.memref_slice %arg9[%dma_start3A_513, %dma_start3A_515, %dma_start3A_516] : memref<4x128x64xf32, #tpu.memory_space<vmem>> -> memref<1x128x64xf32, #tpu.memory_space<vmem>>
        %dma_start3A_518 = tpu.memref_squeeze %dma_start3A_517 : memref<1x128x64xf32, #tpu.memory_space<vmem>> -> memref<128x64xf32, #tpu.memory_space<vmem>>
        %dma_start3A_519 = arith.constant 0 : i32
        %dma_start3A_520 = tpu.memref_slice %arg8[%add3A_512, %dma_start3A_519] : memref<80x128xi32, #tpu.memory_space<vmem>> -> memref<1x128xi32, #tpu.memory_space<vmem>>
        %dma_start3A_521 = tpu.memref_squeeze %dma_start3A_520 : memref<1x128xi32, #tpu.memory_space<vmem>> -> memref<128xi32, #tpu.memory_space<vmem>>
        %dma_start3A_522 = arith.constant 0 : i32
        %dma_start3A_523 = arith.constant 0 : i32
        %dma_start3A_524 = tpu.memref_slice %arg10[%dma_start3A_522, %dma_start3A_523] : memref<10000x64xf32, #tpu.memory_space<vmem_shared>> -> memref<10000x64xf32, #tpu.memory_space<vmem_shared>>
        %dma_start3A_525 = tpu.memref_slice %arg12[%dma_start3A_514] : memref<4x!tpu.dma_semaphore, #tpu.memory_space<semaphore_mem>> -> memref<1x!tpu.dma_semaphore, #tpu.memory_space<semaphore_mem>>
        %dma_start3A_526 = tpu.memref_squeeze %dma_start3A_525 : memref<1x!tpu.dma_semaphore, #tpu.memory_space<semaphore_mem>> -> memref<!tpu.dma_semaphore, #tpu.memory_space<semaphore_mem>>
        tpu.enqueue_indirect_dma source(%dma_start3A_524 : memref<10000x64xf32, #tpu.memory_space<vmem_shared>>) target(%dma_start3A_518 : memref<128x64xf32, #tpu.memory_space<vmem>>) offsets(%dma_start3A_521 : memref<128xi32, #tpu.memory_space<vmem>>) semaphore(%dma_start3A_526 : memref<!tpu.dma_semaphore, #tpu.memory_space<semaphore_mem>>)
      } else {
      }
      %mul3A_334 = arith.constant 4 : i32
      %mul3A_335 = arith.muli %scan3A_286, %mul3A_334 : i32
      %add3A_336 = arith.constant 1 : i32
      %add3A_337 = arith.addi %mul3A_335, %add3A_336 : i32
      %dma_wait3A_338 = arith.constant 1 : i32
      %dma_wait3A_339 = arith.constant 1 : i32
      %dma_wait3A_340 = arith.constant 0 : i32
      %dma_wait3A_341 = arith.constant 0 : i32
      %dma_wait3A_342 = tpu.memref_slice %arg9[%dma_wait3A_338, %dma_wait3A_340, %dma_wait3A_341] : memref<4x128x64xf32, #tpu.memory_space<vmem>> -> memref<1x128x64xf32, #tpu.memory_space<vmem>>
      %dma_wait3A_343 = tpu.memref_squeeze %dma_wait3A_342 : memref<1x128x64xf32, #tpu.memory_space<vmem>> -> memref<128x64xf32, #tpu.memory_space<vmem>>
      %dma_wait3A_344 = arith.constant 0 : i32
      %dma_wait3A_345 = arith.constant 0 : i32
      %dma_wait3A_346 = tpu.memref_slice %arg6[%dma_wait3A_344, %dma_wait3A_345] : memref<327680x64xf32, #tpu.memory_space<hbm>> -> memref<128x64xf32, #tpu.memory_space<hbm>>
      %dma_wait3A_347 = tpu.memref_slice %arg12[%dma_wait3A_339] : memref<4x!tpu.dma_semaphore, #tpu.memory_space<semaphore_mem>> -> memref<1x!tpu.dma_semaphore, #tpu.memory_space<semaphore_mem>>
      %dma_wait3A_348 = tpu.memref_squeeze %dma_wait3A_347 : memref<1x!tpu.dma_semaphore, #tpu.memory_space<semaphore_mem>> -> memref<!tpu.dma_semaphore, #tpu.memory_space<semaphore_mem>>
      %dma_wait3A_349 = arith.constant 0 : i32
      %dma_wait3A_350 = arith.constant 0 : i32
      %dma_wait3A_351 = tpu.memref_slice %arg9[%dma_wait3A_338, %dma_wait3A_349, %dma_wait3A_350] : memref<4x128x64xf32, #tpu.memory_space<vmem>> -> memref<1x128x64xf32, #tpu.memory_space<vmem>>
      %dma_wait3A_352 = tpu.memref_squeeze %dma_wait3A_351 : memref<1x128x64xf32, #tpu.memory_space<vmem>> -> memref<128x64xf32, #tpu.memory_space<vmem>>
      %dma_wait3A_353 = arith.constant 0 : i32
      %dma_wait3A_354 = arith.constant 0 : i32
      %dma_wait3A_355 = tpu.memref_slice %arg6[%dma_wait3A_353, %dma_wait3A_354] : memref<327680x64xf32, #tpu.memory_space<hbm>> -> memref<128x64xf32, #tpu.memory_space<hbm>>
      tpu.wait_dma2 semaphore(%dma_wait3A_348 : memref<!tpu.dma_semaphore, #tpu.memory_space<semaphore_mem>>) src(%dma_wait3A_355 : memref<128x64xf32, #tpu.memory_space<hbm>>) dst(%dma_wait3A_352 : memref<128x64xf32, #tpu.memory_space<vmem>>)
      %mul3A_356 = arith.constant 128 : i32
      %mul3A_357 = arith.muli %add3A_337, %mul3A_356 : i32
      %add3A_358 = arith.addi %mul3A_4, %mul3A_357 : i32
      %dma_start3A_359 = arith.constant 1 : i32
      %dma_start3A_360 = arith.constant 1 : i32
      %dma_start3A_361 = arith.constant 0 : i32
      %dma_start3A_362 = arith.constant 0 : i32
      %dma_start3A_363 = tpu.memref_slice %arg9[%dma_start3A_359, %dma_start3A_361, %dma_start3A_362] : memref<4x128x64xf32, #tpu.memory_space<vmem>> -> memref<1x128x64xf32, #tpu.memory_space<vmem>>
      %dma_start3A_364 = tpu.memref_squeeze %dma_start3A_363 : memref<1x128x64xf32, #tpu.memory_space<vmem>> -> memref<128x64xf32, #tpu.memory_space<vmem>>
      %dma_start3A_365 = arith.constant 0 : i32
      %dma_start3A_366 = tpu.memref_slice %arg6[%add3A_358, %dma_start3A_365] : memref<327680x64xf32, #tpu.memory_space<hbm>> -> memref<128x64xf32, #tpu.memory_space<hbm>>
      %dma_start3A_367 = tpu.memref_slice %arg13[%dma_start3A_360] : memref<4x!tpu.dma_semaphore, #tpu.memory_space<semaphore_mem>> -> memref<1x!tpu.dma_semaphore, #tpu.memory_space<semaphore_mem>>
      %dma_start3A_368 = tpu.memref_squeeze %dma_start3A_367 : memref<1x!tpu.dma_semaphore, #tpu.memory_space<semaphore_mem>> -> memref<!tpu.dma_semaphore, #tpu.memory_space<semaphore_mem>>
      %dma_start3A_369 = arith.constant 0 : i32
      %dma_start3A_370 = tpu.memref_slice %arg6[%add3A_358, %dma_start3A_369] : memref<327680x64xf32, #tpu.memory_space<hbm>> -> memref<128x64xf32, #tpu.memory_space<hbm>>
      %dma_start3A_371 = arith.constant 0 : i32
      %dma_start3A_372 = arith.constant 0 : i32
      %dma_start3A_373 = tpu.memref_slice %arg9[%dma_start3A_359, %dma_start3A_371, %dma_start3A_372] : memref<4x128x64xf32, #tpu.memory_space<vmem>> -> memref<1x128x64xf32, #tpu.memory_space<vmem>>
      %dma_start3A_374 = tpu.memref_squeeze %dma_start3A_373 : memref<1x128x64xf32, #tpu.memory_space<vmem>> -> memref<128x64xf32, #tpu.memory_space<vmem>>
      tpu.enqueue_dma source(%dma_start3A_374 : memref<128x64xf32, #tpu.memory_space<vmem>>) target(%dma_start3A_370 : memref<128x64xf32, #tpu.memory_space<hbm>>) target_semaphore(%dma_start3A_368 : memref<!tpu.dma_semaphore, #tpu.memory_space<semaphore_mem>>)
      %sub3A_375 = arith.constant 1 : i32
      %sub3A_376 = arith.subi %add3A_337, %sub3A_375 : i32
      %ge3A_377 = arith.constant 0 : i32
      %ge3A_378 = arith.cmpi sge, %sub3A_376, %ge3A_377 : i32
      %add3A_379 = arith.constant 4 : i32
      %add3A_380 = arith.addi %sub3A_376, %add3A_379 : i32
      %lt3A_381 = arith.constant 80 : i32
      %lt3A_382 = arith.cmpi slt, %add3A_380, %lt3A_381 : i32
      %and3A_383 = arith.andi %ge3A_378, %lt3A_382 : i1
      %convert_element_type3A_384 = arith.extui %and3A_383 : i1 to i32
      %cond3A_385 = arith.constant 0 : i32
      %cond3A_386 = arith.cmpi ne, %convert_element_type3A_384, %cond3A_385 : i32
      scf.if %cond3A_386 {
        %dma_wait3A_493 = arith.constant 0 : i32
        %dma_wait3A_494 = arith.constant 0 : i32
        %dma_wait3A_495 = arith.constant 0 : i32
        %dma_wait3A_496 = arith.constant 0 : i32
        %dma_wait3A_497 = tpu.memref_slice %arg9[%dma_wait3A_493, %dma_wait3A_495, %dma_wait3A_496] : memref<4x128x64xf32, #tpu.memory_space<vmem>> -> memref<1x128x64xf32, #tpu.memory_space<vmem>>
        %dma_wait3A_498 = tpu.memref_squeeze %dma_wait3A_497 : memref<1x128x64xf32, #tpu.memory_space<vmem>> -> memref<128x64xf32, #tpu.memory_space<vmem>>
        %dma_wait3A_499 = arith.constant 0 : i32
        %dma_wait3A_500 = arith.constant 0 : i32
        %dma_wait3A_501 = tpu.memref_slice %arg6[%dma_wait3A_499, %dma_wait3A_500] : memref<327680x64xf32, #tpu.memory_space<hbm>> -> memref<128x64xf32, #tpu.memory_space<hbm>>
        %dma_wait3A_502 = tpu.memref_slice %arg13[%dma_wait3A_494] : memref<4x!tpu.dma_semaphore, #tpu.memory_space<semaphore_mem>> -> memref<1x!tpu.dma_semaphore, #tpu.memory_space<semaphore_mem>>
        %dma_wait3A_503 = tpu.memref_squeeze %dma_wait3A_502 : memref<1x!tpu.dma_semaphore, #tpu.memory_space<semaphore_mem>> -> memref<!tpu.dma_semaphore, #tpu.memory_space<semaphore_mem>>
        %dma_wait3A_504 = arith.constant 0 : i32
        %dma_wait3A_505 = arith.constant 0 : i32
        %dma_wait3A_506 = tpu.memref_slice %arg9[%dma_wait3A_493, %dma_wait3A_504, %dma_wait3A_505] : memref<4x128x64xf32, #tpu.memory_space<vmem>> -> memref<1x128x64xf32, #tpu.memory_space<vmem>>
        %dma_wait3A_507 = tpu.memref_squeeze %dma_wait3A_506 : memref<1x128x64xf32, #tpu.memory_space<vmem>> -> memref<128x64xf32, #tpu.memory_space<vmem>>
        %dma_wait3A_508 = arith.constant 0 : i32
        %dma_wait3A_509 = arith.constant 0 : i32
        %dma_wait3A_510 = tpu.memref_slice %arg6[%dma_wait3A_508, %dma_wait3A_509] : memref<327680x64xf32, #tpu.memory_space<hbm>> -> memref<128x64xf32, #tpu.memory_space<hbm>>
        tpu.wait_dma2 semaphore(%dma_wait3A_503 : memref<!tpu.dma_semaphore, #tpu.memory_space<semaphore_mem>>) src(%dma_wait3A_510 : memref<128x64xf32, #tpu.memory_space<hbm>>) dst(%dma_wait3A_507 : memref<128x64xf32, #tpu.memory_space<vmem>>)
        %add3A_511 = arith.constant 4 : i32
        %add3A_512 = arith.addi %sub3A_376, %add3A_511 : i32
        %dma_start3A_513 = arith.constant 0 : i32
        %dma_start3A_514 = arith.constant 0 : i32
        %dma_start3A_515 = arith.constant 0 : i32
        %dma_start3A_516 = arith.constant 0 : i32
        %dma_start3A_517 = tpu.memref_slice %arg9[%dma_start3A_513, %dma_start3A_515, %dma_start3A_516] : memref<4x128x64xf32, #tpu.memory_space<vmem>> -> memref<1x128x64xf32, #tpu.memory_space<vmem>>
        %dma_start3A_518 = tpu.memref_squeeze %dma_start3A_517 : memref<1x128x64xf32, #tpu.memory_space<vmem>> -> memref<128x64xf32, #tpu.memory_space<vmem>>
        %dma_start3A_519 = arith.constant 0 : i32
        %dma_start3A_520 = tpu.memref_slice %arg8[%add3A_512, %dma_start3A_519] : memref<80x128xi32, #tpu.memory_space<vmem>> -> memref<1x128xi32, #tpu.memory_space<vmem>>
        %dma_start3A_521 = tpu.memref_squeeze %dma_start3A_520 : memref<1x128xi32, #tpu.memory_space<vmem>> -> memref<128xi32, #tpu.memory_space<vmem>>
        %dma_start3A_522 = arith.constant 0 : i32
        %dma_start3A_523 = arith.constant 0 : i32
        %dma_start3A_524 = tpu.memref_slice %arg10[%dma_start3A_522, %dma_start3A_523] : memref<10000x64xf32, #tpu.memory_space<vmem_shared>> -> memref<10000x64xf32, #tpu.memory_space<vmem_shared>>
        %dma_start3A_525 = tpu.memref_slice %arg12[%dma_start3A_514] : memref<4x!tpu.dma_semaphore, #tpu.memory_space<semaphore_mem>> -> memref<1x!tpu.dma_semaphore, #tpu.memory_space<semaphore_mem>>
        %dma_start3A_526 = tpu.memref_squeeze %dma_start3A_525 : memref<1x!tpu.dma_semaphore, #tpu.memory_space<semaphore_mem>> -> memref<!tpu.dma_semaphore, #tpu.memory_space<semaphore_mem>>
        tpu.enqueue_indirect_dma source(%dma_start3A_524 : memref<10000x64xf32, #tpu.memory_space<vmem_shared>>) target(%dma_start3A_518 : memref<128x64xf32, #tpu.memory_space<vmem>>) offsets(%dma_start3A_521 : memref<128xi32, #tpu.memory_space<vmem>>) semaphore(%dma_start3A_526 : memref<!tpu.dma_semaphore, #tpu.memory_space<semaphore_mem>>)
      } else {
      }
      %mul3A_387 = arith.constant 4 : i32
      %mul3A_388 = arith.muli %scan3A_286, %mul3A_387 : i32
      %add3A_389 = arith.constant 2 : i32
      %add3A_390 = arith.addi %mul3A_388, %add3A_389 : i32
      %dma_wait3A_391 = arith.constant 2 : i32
      %dma_wait3A_392 = arith.constant 2 : i32
      %dma_wait3A_393 = arith.constant 0 : i32
      %dma_wait3A_394 = arith.constant 0 : i32
      %dma_wait3A_395 = tpu.memref_slice %arg9[%dma_wait3A_391, %dma_wait3A_393, %dma_wait3A_394] : memref<4x128x64xf32, #tpu.memory_space<vmem>> -> memref<1x128x64xf32, #tpu.memory_space<vmem>>
      %dma_wait3A_396 = tpu.memref_squeeze %dma_wait3A_395 : memref<1x128x64xf32, #tpu.memory_space<vmem>> -> memref<128x64xf32, #tpu.memory_space<vmem>>
      %dma_wait3A_397 = arith.constant 0 : i32
      %dma_wait3A_398 = arith.constant 0 : i32
      %dma_wait3A_399 = tpu.memref_slice %arg6[%dma_wait3A_397, %dma_wait3A_398] : memref<327680x64xf32, #tpu.memory_space<hbm>> -> memref<128x64xf32, #tpu.memory_space<hbm>>
      %dma_wait3A_400 = tpu.memref_slice %arg12[%dma_wait3A_392] : memref<4x!tpu.dma_semaphore, #tpu.memory_space<semaphore_mem>> -> memref<1x!tpu.dma_semaphore, #tpu.memory_space<semaphore_mem>>
      %dma_wait3A_401 = tpu.memref_squeeze %dma_wait3A_400 : memref<1x!tpu.dma_semaphore, #tpu.memory_space<semaphore_mem>> -> memref<!tpu.dma_semaphore, #tpu.memory_space<semaphore_mem>>
      %dma_wait3A_402 = arith.constant 0 : i32
      %dma_wait3A_403 = arith.constant 0 : i32
      %dma_wait3A_404 = tpu.memref_slice %arg9[%dma_wait3A_391, %dma_wait3A_402, %dma_wait3A_403] : memref<4x128x64xf32, #tpu.memory_space<vmem>> -> memref<1x128x64xf32, #tpu.memory_space<vmem>>
      %dma_wait3A_405 = tpu.memref_squeeze %dma_wait3A_404 : memref<1x128x64xf32, #tpu.memory_space<vmem>> -> memref<128x64xf32, #tpu.memory_space<vmem>>
      %dma_wait3A_406 = arith.constant 0 : i32
      %dma_wait3A_407 = arith.constant 0 : i32
      %dma_wait3A_408 = tpu.memref_slice %arg6[%dma_wait3A_406, %dma_wait3A_407] : memref<327680x64xf32, #tpu.memory_space<hbm>> -> memref<128x64xf32, #tpu.memory_space<hbm>>
      tpu.wait_dma2 semaphore(%dma_wait3A_401 : memref<!tpu.dma_semaphore, #tpu.memory_space<semaphore_mem>>) src(%dma_wait3A_408 : memref<128x64xf32, #tpu.memory_space<hbm>>) dst(%dma_wait3A_405 : memref<128x64xf32, #tpu.memory_space<vmem>>)
      %mul3A_409 = arith.constant 128 : i32
      %mul3A_410 = arith.muli %add3A_390, %mul3A_409 : i32
      %add3A_411 = arith.addi %mul3A_4, %mul3A_410 : i32
      %dma_start3A_412 = arith.constant 2 : i32
      %dma_start3A_413 = arith.constant 2 : i32
      %dma_start3A_414 = arith.constant 0 : i32
      %dma_start3A_415 = arith.constant 0 : i32
      %dma_start3A_416 = tpu.memref_slice %arg9[%dma_start3A_412, %dma_start3A_414, %dma_start3A_415] : memref<4x128x64xf32, #tpu.memory_space<vmem>> -> memref<1x128x64xf32, #tpu.memory_space<vmem>>
      %dma_start3A_417 = tpu.memref_squeeze %dma_start3A_416 : memref<1x128x64xf32, #tpu.memory_space<vmem>> -> memref<128x64xf32, #tpu.memory_space<vmem>>
      %dma_start3A_418 = arith.constant 0 : i32
      %dma_start3A_419 = tpu.memref_slice %arg6[%add3A_411, %dma_start3A_418] : memref<327680x64xf32, #tpu.memory_space<hbm>> -> memref<128x64xf32, #tpu.memory_space<hbm>>
      %dma_start3A_420 = tpu.memref_slice %arg13[%dma_start3A_413] : memref<4x!tpu.dma_semaphore, #tpu.memory_space<semaphore_mem>> -> memref<1x!tpu.dma_semaphore, #tpu.memory_space<semaphore_mem>>
      %dma_start3A_421 = tpu.memref_squeeze %dma_start3A_420 : memref<1x!tpu.dma_semaphore, #tpu.memory_space<semaphore_mem>> -> memref<!tpu.dma_semaphore, #tpu.memory_space<semaphore_mem>>
      %dma_start3A_422 = arith.constant 0 : i32
      %dma_start3A_423 = tpu.memref_slice %arg6[%add3A_411, %dma_start3A_422] : memref<327680x64xf32, #tpu.memory_space<hbm>> -> memref<128x64xf32, #tpu.memory_space<hbm>>
      %dma_start3A_424 = arith.constant 0 : i32
      %dma_start3A_425 = arith.constant 0 : i32
      %dma_start3A_426 = tpu.memref_slice %arg9[%dma_start3A_412, %dma_start3A_424, %dma_start3A_425] : memref<4x128x64xf32, #tpu.memory_space<vmem>> -> memref<1x128x64xf32, #tpu.memory_space<vmem>>
      %dma_start3A_427 = tpu.memref_squeeze %dma_start3A_426 : memref<1x128x64xf32, #tpu.memory_space<vmem>> -> memref<128x64xf32, #tpu.memory_space<vmem>>
      tpu.enqueue_dma source(%dma_start3A_427 : memref<128x64xf32, #tpu.memory_space<vmem>>) target(%dma_start3A_423 : memref<128x64xf32, #tpu.memory_space<hbm>>) target_semaphore(%dma_start3A_421 : memref<!tpu.dma_semaphore, #tpu.memory_space<semaphore_mem>>)
      %sub3A_428 = arith.constant 1 : i32
      %sub3A_429 = arith.subi %add3A_390, %sub3A_428 : i32
      %ge3A_430 = arith.constant 0 : i32
      %ge3A_431 = arith.cmpi sge, %sub3A_429, %ge3A_430 : i32
      %add3A_432 = arith.constant 4 : i32
      %add3A_433 = arith.addi %sub3A_429, %add3A_432 : i32
      %lt3A_434 = arith.constant 80 : i32
      %lt3A_435 = arith.cmpi slt, %add3A_433, %lt3A_434 : i32
      %and3A_436 = arith.andi %ge3A_431, %lt3A_435 : i1
      %convert_element_type3A_437 = arith.extui %and3A_436 : i1 to i32
      %cond3A_438 = arith.constant 0 : i32
      %cond3A_439 = arith.cmpi ne, %convert_element_type3A_437, %cond3A_438 : i32
      scf.if %cond3A_439 {
        %dma_wait3A_493 = arith.constant 1 : i32
        %dma_wait3A_494 = arith.constant 1 : i32
        %dma_wait3A_495 = arith.constant 0 : i32
        %dma_wait3A_496 = arith.constant 0 : i32
        %dma_wait3A_497 = tpu.memref_slice %arg9[%dma_wait3A_493, %dma_wait3A_495, %dma_wait3A_496] : memref<4x128x64xf32, #tpu.memory_space<vmem>> -> memref<1x128x64xf32, #tpu.memory_space<vmem>>
        %dma_wait3A_498 = tpu.memref_squeeze %dma_wait3A_497 : memref<1x128x64xf32, #tpu.memory_space<vmem>> -> memref<128x64xf32, #tpu.memory_space<vmem>>
        %dma_wait3A_499 = arith.constant 0 : i32
        %dma_wait3A_500 = arith.constant 0 : i32
        %dma_wait3A_501 = tpu.memref_slice %arg6[%dma_wait3A_499, %dma_wait3A_500] : memref<327680x64xf32, #tpu.memory_space<hbm>> -> memref<128x64xf32, #tpu.memory_space<hbm>>
        %dma_wait3A_502 = tpu.memref_slice %arg13[%dma_wait3A_494] : memref<4x!tpu.dma_semaphore, #tpu.memory_space<semaphore_mem>> -> memref<1x!tpu.dma_semaphore, #tpu.memory_space<semaphore_mem>>
        %dma_wait3A_503 = tpu.memref_squeeze %dma_wait3A_502 : memref<1x!tpu.dma_semaphore, #tpu.memory_space<semaphore_mem>> -> memref<!tpu.dma_semaphore, #tpu.memory_space<semaphore_mem>>
        %dma_wait3A_504 = arith.constant 0 : i32
        %dma_wait3A_505 = arith.constant 0 : i32
        %dma_wait3A_506 = tpu.memref_slice %arg9[%dma_wait3A_493, %dma_wait3A_504, %dma_wait3A_505] : memref<4x128x64xf32, #tpu.memory_space<vmem>> -> memref<1x128x64xf32, #tpu.memory_space<vmem>>
        %dma_wait3A_507 = tpu.memref_squeeze %dma_wait3A_506 : memref<1x128x64xf32, #tpu.memory_space<vmem>> -> memref<128x64xf32, #tpu.memory_space<vmem>>
        %dma_wait3A_508 = arith.constant 0 : i32
        %dma_wait3A_509 = arith.constant 0 : i32
        %dma_wait3A_510 = tpu.memref_slice %arg6[%dma_wait3A_508, %dma_wait3A_509] : memref<327680x64xf32, #tpu.memory_space<hbm>> -> memref<128x64xf32, #tpu.memory_space<hbm>>
        tpu.wait_dma2 semaphore(%dma_wait3A_503 : memref<!tpu.dma_semaphore, #tpu.memory_space<semaphore_mem>>) src(%dma_wait3A_510 : memref<128x64xf32, #tpu.memory_space<hbm>>) dst(%dma_wait3A_507 : memref<128x64xf32, #tpu.memory_space<vmem>>)
        %add3A_511 = arith.constant 4 : i32
        %add3A_512 = arith.addi %sub3A_429, %add3A_511 : i32
        %dma_start3A_513 = arith.constant 1 : i32
        %dma_start3A_514 = arith.constant 1 : i32
        %dma_start3A_515 = arith.constant 0 : i32
        %dma_start3A_516 = arith.constant 0 : i32
        %dma_start3A_517 = tpu.memref_slice %arg9[%dma_start3A_513, %dma_start3A_515, %dma_start3A_516] : memref<4x128x64xf32, #tpu.memory_space<vmem>> -> memref<1x128x64xf32, #tpu.memory_space<vmem>>
        %dma_start3A_518 = tpu.memref_squeeze %dma_start3A_517 : memref<1x128x64xf32, #tpu.memory_space<vmem>> -> memref<128x64xf32, #tpu.memory_space<vmem>>
        %dma_start3A_519 = arith.constant 0 : i32
        %dma_start3A_520 = tpu.memref_slice %arg8[%add3A_512, %dma_start3A_519] : memref<80x128xi32, #tpu.memory_space<vmem>> -> memref<1x128xi32, #tpu.memory_space<vmem>>
        %dma_start3A_521 = tpu.memref_squeeze %dma_start3A_520 : memref<1x128xi32, #tpu.memory_space<vmem>> -> memref<128xi32, #tpu.memory_space<vmem>>
        %dma_start3A_522 = arith.constant 0 : i32
        %dma_start3A_523 = arith.constant 0 : i32
        %dma_start3A_524 = tpu.memref_slice %arg10[%dma_start3A_522, %dma_start3A_523] : memref<10000x64xf32, #tpu.memory_space<vmem_shared>> -> memref<10000x64xf32, #tpu.memory_space<vmem_shared>>
        %dma_start3A_525 = tpu.memref_slice %arg12[%dma_start3A_514] : memref<4x!tpu.dma_semaphore, #tpu.memory_space<semaphore_mem>> -> memref<1x!tpu.dma_semaphore, #tpu.memory_space<semaphore_mem>>
        %dma_start3A_526 = tpu.memref_squeeze %dma_start3A_525 : memref<1x!tpu.dma_semaphore, #tpu.memory_space<semaphore_mem>> -> memref<!tpu.dma_semaphore, #tpu.memory_space<semaphore_mem>>
        tpu.enqueue_indirect_dma source(%dma_start3A_524 : memref<10000x64xf32, #tpu.memory_space<vmem_shared>>) target(%dma_start3A_518 : memref<128x64xf32, #tpu.memory_space<vmem>>) offsets(%dma_start3A_521 : memref<128xi32, #tpu.memory_space<vmem>>) semaphore(%dma_start3A_526 : memref<!tpu.dma_semaphore, #tpu.memory_space<semaphore_mem>>)
      } else {
      }
      %mul3A_440 = arith.constant 4 : i32
      %mul3A_441 = arith.muli %scan3A_286, %mul3A_440 : i32
      %add3A_442 = arith.constant 3 : i32
      %add3A_443 = arith.addi %mul3A_441, %add3A_442 : i32
      %dma_wait3A_444 = arith.constant 3 : i32
      %dma_wait3A_445 = arith.constant 3 : i32
      %dma_wait3A_446 = arith.constant 0 : i32
      %dma_wait3A_447 = arith.constant 0 : i32
      %dma_wait3A_448 = tpu.memref_slice %arg9[%dma_wait3A_444, %dma_wait3A_446, %dma_wait3A_447] : memref<4x128x64xf32, #tpu.memory_space<vmem>> -> memref<1x128x64xf32, #tpu.memory_space<vmem>>
      %dma_wait3A_449 = tpu.memref_squeeze %dma_wait3A_448 : memref<1x128x64xf32, #tpu.memory_space<vmem>> -> memref<128x64xf32, #tpu.memory_space<vmem>>
      %dma_wait3A_450 = arith.constant 0 : i32
      %dma_wait3A_451 = arith.constant 0 : i32
      %dma_wait3A_452 = tpu.memref_slice %arg6[%dma_wait3A_450, %dma_wait3A_451] : memref<327680x64xf32, #tpu.memory_space<hbm>> -> memref<128x64xf32, #tpu.memory_space<hbm>>
      %dma_wait3A_453 = tpu.memref_slice %arg12[%dma_wait3A_445] : memref<4x!tpu.dma_semaphore, #tpu.memory_space<semaphore_mem>> -> memref<1x!tpu.dma_semaphore, #tpu.memory_space<semaphore_mem>>
      %dma_wait3A_454 = tpu.memref_squeeze %dma_wait3A_453 : memref<1x!tpu.dma_semaphore, #tpu.memory_space<semaphore_mem>> -> memref<!tpu.dma_semaphore, #tpu.memory_space<semaphore_mem>>
      %dma_wait3A_455 = arith.constant 0 : i32
      %dma_wait3A_456 = arith.constant 0 : i32
      %dma_wait3A_457 = tpu.memref_slice %arg9[%dma_wait3A_444, %dma_wait3A_455, %dma_wait3A_456] : memref<4x128x64xf32, #tpu.memory_space<vmem>> -> memref<1x128x64xf32, #tpu.memory_space<vmem>>
      %dma_wait3A_458 = tpu.memref_squeeze %dma_wait3A_457 : memref<1x128x64xf32, #tpu.memory_space<vmem>> -> memref<128x64xf32, #tpu.memory_space<vmem>>
      %dma_wait3A_459 = arith.constant 0 : i32
      %dma_wait3A_460 = arith.constant 0 : i32
      %dma_wait3A_461 = tpu.memref_slice %arg6[%dma_wait3A_459, %dma_wait3A_460] : memref<327680x64xf32, #tpu.memory_space<hbm>> -> memref<128x64xf32, #tpu.memory_space<hbm>>
      tpu.wait_dma2 semaphore(%dma_wait3A_454 : memref<!tpu.dma_semaphore, #tpu.memory_space<semaphore_mem>>) src(%dma_wait3A_461 : memref<128x64xf32, #tpu.memory_space<hbm>>) dst(%dma_wait3A_458 : memref<128x64xf32, #tpu.memory_space<vmem>>)
      %mul3A_462 = arith.constant 128 : i32
      %mul3A_463 = arith.muli %add3A_443, %mul3A_462 : i32
      %add3A_464 = arith.addi %mul3A_4, %mul3A_463 : i32
      %dma_start3A_465 = arith.constant 3 : i32
      %dma_start3A_466 = arith.constant 3 : i32
      %dma_start3A_467 = arith.constant 0 : i32
      %dma_start3A_468 = arith.constant 0 : i32
      %dma_start3A_469 = tpu.memref_slice %arg9[%dma_start3A_465, %dma_start3A_467, %dma_start3A_468] : memref<4x128x64xf32, #tpu.memory_space<vmem>> -> memref<1x128x64xf32, #tpu.memory_space<vmem>>
      %dma_start3A_470 = tpu.memref_squeeze %dma_start3A_469 : memref<1x128x64xf32, #tpu.memory_space<vmem>> -> memref<128x64xf32, #tpu.memory_space<vmem>>
      %dma_start3A_471 = arith.constant 0 : i32
      %dma_start3A_472 = tpu.memref_slice %arg6[%add3A_464, %dma_start3A_471] : memref<327680x64xf32, #tpu.memory_space<hbm>> -> memref<128x64xf32, #tpu.memory_space<hbm>>
      %dma_start3A_473 = tpu.memref_slice %arg13[%dma_start3A_466] : memref<4x!tpu.dma_semaphore, #tpu.memory_space<semaphore_mem>> -> memref<1x!tpu.dma_semaphore, #tpu.memory_space<semaphore_mem>>
      %dma_start3A_474 = tpu.memref_squeeze %dma_start3A_473 : memref<1x!tpu.dma_semaphore, #tpu.memory_space<semaphore_mem>> -> memref<!tpu.dma_semaphore, #tpu.memory_space<semaphore_mem>>
      %dma_start3A_475 = arith.constant 0 : i32
      %dma_start3A_476 = tpu.memref_slice %arg6[%add3A_464, %dma_start3A_475] : memref<327680x64xf32, #tpu.memory_space<hbm>> -> memref<128x64xf32, #tpu.memory_space<hbm>>
      %dma_start3A_477 = arith.constant 0 : i32
      %dma_start3A_478 = arith.constant 0 : i32
      %dma_start3A_479 = tpu.memref_slice %arg9[%dma_start3A_465, %dma_start3A_477, %dma_start3A_478] : memref<4x128x64xf32, #tpu.memory_space<vmem>> -> memref<1x128x64xf32, #tpu.memory_space<vmem>>
      %dma_start3A_480 = tpu.memref_squeeze %dma_start3A_479 : memref<1x128x64xf32, #tpu.memory_space<vmem>> -> memref<128x64xf32, #tpu.memory_space<vmem>>
      tpu.enqueue_dma source(%dma_start3A_480 : memref<128x64xf32, #tpu.memory_space<vmem>>) target(%dma_start3A_476 : memref<128x64xf32, #tpu.memory_space<hbm>>) target_semaphore(%dma_start3A_474 : memref<!tpu.dma_semaphore, #tpu.memory_space<semaphore_mem>>)
      %sub3A_481 = arith.constant 1 : i32
      %sub3A_482 = arith.subi %add3A_443, %sub3A_481 : i32
      %ge3A_483 = arith.constant 0 : i32
      %ge3A_484 = arith.cmpi sge, %sub3A_482, %ge3A_483 : i32
      %add3A_485 = arith.constant 4 : i32
      %add3A_486 = arith.addi %sub3A_482, %add3A_485 : i32
      %lt3A_487 = arith.constant 80 : i32
      %lt3A_488 = arith.cmpi slt, %add3A_486, %lt3A_487 : i32
      %and3A_489 = arith.andi %ge3A_484, %lt3A_488 : i1
      %convert_element_type3A_490 = arith.extui %and3A_489 : i1 to i32
      %cond3A_491 = arith.constant 0 : i32
      %cond3A_492 = arith.cmpi ne, %convert_element_type3A_490, %cond3A_491 : i32
      scf.if %cond3A_492 {
        %dma_wait3A_493 = arith.constant 2 : i32
        %dma_wait3A_494 = arith.constant 2 : i32
        %dma_wait3A_495 = arith.constant 0 : i32
        %dma_wait3A_496 = arith.constant 0 : i32
        %dma_wait3A_497 = tpu.memref_slice %arg9[%dma_wait3A_493, %dma_wait3A_495, %dma_wait3A_496] : memref<4x128x64xf32, #tpu.memory_space<vmem>> -> memref<1x128x64xf32, #tpu.memory_space<vmem>>
        %dma_wait3A_498 = tpu.memref_squeeze %dma_wait3A_497 : memref<1x128x64xf32, #tpu.memory_space<vmem>> -> memref<128x64xf32, #tpu.memory_space<vmem>>
        %dma_wait3A_499 = arith.constant 0 : i32
        %dma_wait3A_500 = arith.constant 0 : i32
        %dma_wait3A_501 = tpu.memref_slice %arg6[%dma_wait3A_499, %dma_wait3A_500] : memref<327680x64xf32, #tpu.memory_space<hbm>> -> memref<128x64xf32, #tpu.memory_space<hbm>>
        %dma_wait3A_502 = tpu.memref_slice %arg13[%dma_wait3A_494] : memref<4x!tpu.dma_semaphore, #tpu.memory_space<semaphore_mem>> -> memref<1x!tpu.dma_semaphore, #tpu.memory_space<semaphore_mem>>
        %dma_wait3A_503 = tpu.memref_squeeze %dma_wait3A_502 : memref<1x!tpu.dma_semaphore, #tpu.memory_space<semaphore_mem>> -> memref<!tpu.dma_semaphore, #tpu.memory_space<semaphore_mem>>
        %dma_wait3A_504 = arith.constant 0 : i32
        %dma_wait3A_505 = arith.constant 0 : i32
        %dma_wait3A_506 = tpu.memref_slice %arg9[%dma_wait3A_493, %dma_wait3A_504, %dma_wait3A_505] : memref<4x128x64xf32, #tpu.memory_space<vmem>> -> memref<1x128x64xf32, #tpu.memory_space<vmem>>
        %dma_wait3A_507 = tpu.memref_squeeze %dma_wait3A_506 : memref<1x128x64xf32, #tpu.memory_space<vmem>> -> memref<128x64xf32, #tpu.memory_space<vmem>>
        %dma_wait3A_508 = arith.constant 0 : i32
        %dma_wait3A_509 = arith.constant 0 : i32
        %dma_wait3A_510 = tpu.memref_slice %arg6[%dma_wait3A_508, %dma_wait3A_509] : memref<327680x64xf32, #tpu.memory_space<hbm>> -> memref<128x64xf32, #tpu.memory_space<hbm>>
        tpu.wait_dma2 semaphore(%dma_wait3A_503 : memref<!tpu.dma_semaphore, #tpu.memory_space<semaphore_mem>>) src(%dma_wait3A_510 : memref<128x64xf32, #tpu.memory_space<hbm>>) dst(%dma_wait3A_507 : memref<128x64xf32, #tpu.memory_space<vmem>>)
        %add3A_511 = arith.constant 4 : i32
        %add3A_512 = arith.addi %sub3A_482, %add3A_511 : i32
        %dma_start3A_513 = arith.constant 2 : i32
        %dma_start3A_514 = arith.constant 2 : i32
        %dma_start3A_515 = arith.constant 0 : i32
        %dma_start3A_516 = arith.constant 0 : i32
        %dma_start3A_517 = tpu.memref_slice %arg9[%dma_start3A_513, %dma_start3A_515, %dma_start3A_516] : memref<4x128x64xf32, #tpu.memory_space<vmem>> -> memref<1x128x64xf32, #tpu.memory_space<vmem>>
        %dma_start3A_518 = tpu.memref_squeeze %dma_start3A_517 : memref<1x128x64xf32, #tpu.memory_space<vmem>> -> memref<128x64xf32, #tpu.memory_space<vmem>>
        %dma_start3A_519 = arith.constant 0 : i32
        %dma_start3A_520 = tpu.memref_slice %arg8[%add3A_512, %dma_start3A_519] : memref<80x128xi32, #tpu.memory_space<vmem>> -> memref<1x128xi32, #tpu.memory_space<vmem>>
        %dma_start3A_521 = tpu.memref_squeeze %dma_start3A_520 : memref<1x128xi32, #tpu.memory_space<vmem>> -> memref<128xi32, #tpu.memory_space<vmem>>
        %dma_start3A_522 = arith.constant 0 : i32
        %dma_start3A_523 = arith.constant 0 : i32
        %dma_start3A_524 = tpu.memref_slice %arg10[%dma_start3A_522, %dma_start3A_523] : memref<10000x64xf32, #tpu.memory_space<vmem_shared>> -> memref<10000x64xf32, #tpu.memory_space<vmem_shared>>
        %dma_start3A_525 = tpu.memref_slice %arg12[%dma_start3A_514] : memref<4x!tpu.dma_semaphore, #tpu.memory_space<semaphore_mem>> -> memref<1x!tpu.dma_semaphore, #tpu.memory_space<semaphore_mem>>
        %dma_start3A_526 = tpu.memref_squeeze %dma_start3A_525 : memref<1x!tpu.dma_semaphore, #tpu.memory_space<semaphore_mem>> -> memref<!tpu.dma_semaphore, #tpu.memory_space<semaphore_mem>>
        tpu.enqueue_indirect_dma source(%dma_start3A_524 : memref<10000x64xf32, #tpu.memory_space<vmem_shared>>) target(%dma_start3A_518 : memref<128x64xf32, #tpu.memory_space<vmem>>) offsets(%dma_start3A_521 : memref<128xi32, #tpu.memory_space<vmem>>) semaphore(%dma_start3A_526 : memref<!tpu.dma_semaphore, #tpu.memory_space<semaphore_mem>>)
      } else {
      }
    }
    %scan3A_76 = arith.constant 20 : i32
    %dma_wait3A = arith.constant 0 : i32
    %dma_wait3A_77 = arith.constant 0 : i32
    %dma_wait3A_78 = arith.constant 0 : i32
    %dma_wait3A_79 = arith.constant 0 : i32
    %dma_wait3A_80 = tpu.memref_slice %arg9[%dma_wait3A, %dma_wait3A_78, %dma_wait3A_79] : memref<4x128x64xf32, #tpu.memory_space<vmem>> -> memref<1x128x64xf32, #tpu.memory_space<vmem>>
    %dma_wait3A_81 = tpu.memref_squeeze %dma_wait3A_80 : memref<1x128x64xf32, #tpu.memory_space<vmem>> -> memref<128x64xf32, #tpu.memory_space<vmem>>
    %dma_wait3A_82 = arith.constant 0 : i32
    %dma_wait3A_83 = arith.constant 0 : i32
    %dma_wait3A_84 = tpu.memref_slice %arg6[%dma_wait3A_82, %dma_wait3A_83] : memref<327680x64xf32, #tpu.memory_space<hbm>> -> memref<128x64xf32, #tpu.memory_space<hbm>>
    %dma_wait3A_85 = tpu.memref_slice %arg13[%dma_wait3A_77] : memref<4x!tpu.dma_semaphore, #tpu.memory_space<semaphore_mem>> -> memref<1x!tpu.dma_semaphore, #tpu.memory_space<semaphore_mem>>
    %dma_wait3A_86 = tpu.memref_squeeze %dma_wait3A_85 : memref<1x!tpu.dma_semaphore, #tpu.memory_space<semaphore_mem>> -> memref<!tpu.dma_semaphore, #tpu.memory_space<semaphore_mem>>
    %dma_wait3A_87 = arith.constant 0 : i32
    %dma_wait3A_88 = arith.constant 0 : i32
    %dma_wait3A_89 = tpu.memref_slice %arg9[%dma_wait3A, %dma_wait3A_87, %dma_wait3A_88] : memref<4x128x64xf32, #tpu.memory_space<vmem>> -> memref<1x128x64xf32, #tpu.memory_space<vmem>>
    %dma_wait3A_90 = tpu.memref_squeeze %dma_wait3A_89 : memref<1x128x64xf32, #tpu.memory_space<vmem>> -> memref<128x64xf32, #tpu.memory_space<vmem>>
    %dma_wait3A_91 = arith.constant 0 : i32
    %dma_wait3A_92 = arith.constant 0 : i32
    %dma_wait3A_93 = tpu.memref_slice %arg6[%dma_wait3A_91, %dma_wait3A_92] : memref<327680x64xf32, #tpu.memory_space<hbm>> -> memref<128x64xf32, #tpu.memory_space<hbm>>
    tpu.wait_dma2 semaphore(%dma_wait3A_86 : memref<!tpu.dma_semaphore, #tpu.memory_space<semaphore_mem>>) src(%dma_wait3A_93 : memref<128x64xf32, #tpu.memory_space<hbm>>) dst(%dma_wait3A_90 : memref<128x64xf32, #tpu.memory_space<vmem>>)
    %dma_wait3A_94 = arith.constant 1 : i32
    %dma_wait3A_95 = arith.constant 1 : i32
    %dma_wait3A_96 = arith.constant 0 : i32
    %dma_wait3A_97 = arith.constant 0 : i32
    %dma_wait3A_98 = tpu.memref_slice %arg9[%dma_wait3A_94, %dma_wait3A_96, %dma_wait3A_97] : memref<4x128x64xf32, #tpu.memory_space<vmem>> -> memref<1x128x64xf32, #tpu.memory_space<vmem>>
    %dma_wait3A_99 = tpu.memref_squeeze %dma_wait3A_98 : memref<1x128x64xf32, #tpu.memory_space<vmem>> -> memref<128x64xf32, #tpu.memory_space<vmem>>
    %dma_wait3A_100 = arith.constant 0 : i32
    %dma_wait3A_101 = arith.constant 0 : i32
    %dma_wait3A_102 = tpu.memref_slice %arg6[%dma_wait3A_100, %dma_wait3A_101] : memref<327680x64xf32, #tpu.memory_space<hbm>> -> memref<128x64xf32, #tpu.memory_space<hbm>>
    %dma_wait3A_103 = tpu.memref_slice %arg13[%dma_wait3A_95] : memref<4x!tpu.dma_semaphore, #tpu.memory_space<semaphore_mem>> -> memref<1x!tpu.dma_semaphore, #tpu.memory_space<semaphore_mem>>
    %dma_wait3A_104 = tpu.memref_squeeze %dma_wait3A_103 : memref<1x!tpu.dma_semaphore, #tpu.memory_space<semaphore_mem>> -> memref<!tpu.dma_semaphore, #tpu.memory_space<semaphore_mem>>
    %dma_wait3A_105 = arith.constant 0 : i32
    %dma_wait3A_106 = arith.constant 0 : i32
    %dma_wait3A_107 = tpu.memref_slice %arg9[%dma_wait3A_94, %dma_wait3A_105, %dma_wait3A_106] : memref<4x128x64xf32, #tpu.memory_space<vmem>> -> memref<1x128x64xf32, #tpu.memory_space<vmem>>
    %dma_wait3A_108 = tpu.memref_squeeze %dma_wait3A_107 : memref<1x128x64xf32, #tpu.memory_space<vmem>> -> memref<128x64xf32, #tpu.memory_space<vmem>>
    %dma_wait3A_109 = arith.constant 0 : i32
    %dma_wait3A_110 = arith.constant 0 : i32
    %dma_wait3A_111 = tpu.memref_slice %arg6[%dma_wait3A_109, %dma_wait3A_110] : memref<327680x64xf32, #tpu.memory_space<hbm>> -> memref<128x64xf32, #tpu.memory_space<hbm>>
    tpu.wait_dma2 semaphore(%dma_wait3A_104 : memref<!tpu.dma_semaphore, #tpu.memory_space<semaphore_mem>>) src(%dma_wait3A_111 : memref<128x64xf32, #tpu.memory_space<hbm>>) dst(%dma_wait3A_108 : memref<128x64xf32, #tpu.memory_space<vmem>>)
    %dma_wait3A_112 = arith.constant 2 : i32
    %dma_wait3A_113 = arith.constant 2 : i32
    %dma_wait3A_114 = arith.constant 0 : i32
    %dma_wait3A_115 = arith.constant 0 : i32
    %dma_wait3A_116 = tpu.memref_slice %arg9[%dma_wait3A_112, %dma_wait3A_114, %dma_wait3A_115] : memref<4x128x64xf32, #tpu.memory_space<vmem>> -> memref<1x128x64xf32, #tpu.memory_space<vmem>>
    %dma_wait3A_117 = tpu.memref_squeeze %dma_wait3A_116 : memref<1x128x64xf32, #tpu.memory_space<vmem>> -> memref<128x64xf32, #tpu.memory_space<vmem>>
    %dma_wait3A_118 = arith.constant 0 : i32
    %dma_wait3A_119 = arith.constant 0 : i32
    %dma_wait3A_120 = tpu.memref_slice %arg6[%dma_wait3A_118, %dma_wait3A_119] : memref<327680x64xf32, #tpu.memory_space<hbm>> -> memref<128x64xf32, #tpu.memory_space<hbm>>
    %dma_wait3A_121 = tpu.memref_slice %arg13[%dma_wait3A_113] : memref<4x!tpu.dma_semaphore, #tpu.memory_space<semaphore_mem>> -> memref<1x!tpu.dma_semaphore, #tpu.memory_space<semaphore_mem>>
    %dma_wait3A_122 = tpu.memref_squeeze %dma_wait3A_121 : memref<1x!tpu.dma_semaphore, #tpu.memory_space<semaphore_mem>> -> memref<!tpu.dma_semaphore, #tpu.memory_space<semaphore_mem>>
    %dma_wait3A_123 = arith.constant 0 : i32
    %dma_wait3A_124 = arith.constant 0 : i32
    %dma_wait3A_125 = tpu.memref_slice %arg9[%dma_wait3A_112, %dma_wait3A_123, %dma_wait3A_124] : memref<4x128x64xf32, #tpu.memory_space<vmem>> -> memref<1x128x64xf32, #tpu.memory_space<vmem>>
    %dma_wait3A_126 = tpu.memref_squeeze %dma_wait3A_125 : memref<1x128x64xf32, #tpu.memory_space<vmem>> -> memref<128x64xf32, #tpu.memory_space<vmem>>
    %dma_wait3A_127 = arith.constant 0 : i32
    %dma_wait3A_128 = arith.constant 0 : i32
    %dma_wait3A_129 = tpu.memref_slice %arg6[%dma_wait3A_127, %dma_wait3A_128] : memref<327680x64xf32, #tpu.memory_space<hbm>> -> memref<128x64xf32, #tpu.memory_space<hbm>>
    tpu.wait_dma2 semaphore(%dma_wait3A_122 : memref<!tpu.dma_semaphore, #tpu.memory_space<semaphore_mem>>) src(%dma_wait3A_129 : memref<128x64xf32, #tpu.memory_space<hbm>>) dst(%dma_wait3A_126 : memref<128x64xf32, #tpu.memory_space<vmem>>)
    %dma_wait3A_130 = arith.constant 3 : i32
    %dma_wait3A_131 = arith.constant 3 : i32
    %dma_wait3A_132 = arith.constant 0 : i32
    %dma_wait3A_133 = arith.constant 0 : i32
    %dma_wait3A_134 = tpu.memref_slice %arg9[%dma_wait3A_130, %dma_wait3A_132, %dma_wait3A_133] : memref<4x128x64xf32, #tpu.memory_space<vmem>> -> memref<1x128x64xf32, #tpu.memory_space<vmem>>
    %dma_wait3A_135 = tpu.memref_squeeze %dma_wait3A_134 : memref<1x128x64xf32, #tpu.memory_space<vmem>> -> memref<128x64xf32, #tpu.memory_space<vmem>>
    %dma_wait3A_136 = arith.constant 0 : i32
    %dma_wait3A_137 = arith.constant 0 : i32
    %dma_wait3A_138 = tpu.memref_slice %arg6[%dma_wait3A_136, %dma_wait3A_137] : memref<327680x64xf32, #tpu.memory_space<hbm>> -> memref<128x64xf32, #tpu.memory_space<hbm>>
    %dma_wait3A_139 = tpu.memref_slice %arg13[%dma_wait3A_131] : memref<4x!tpu.dma_semaphore, #tpu.memory_space<semaphore_mem>> -> memref<1x!tpu.dma_semaphore, #tpu.memory_space<semaphore_mem>>
    %dma_wait3A_140 = tpu.memref_squeeze %dma_wait3A_139 : memref<1x!tpu.dma_semaphore, #tpu.memory_space<semaphore_mem>> -> memref<!tpu.dma_semaphore, #tpu.memory_space<semaphore_mem>>
    %dma_wait3A_141 = arith.constant 0 : i32
    %dma_wait3A_142 = arith.constant 0 : i32
    %dma_wait3A_143 = tpu.memref_slice %arg9[%dma_wait3A_130, %dma_wait3A_141, %dma_wait3A_142] : memref<4x128x64xf32, #tpu.memory_space<vmem>> -> memref<1x128x64xf32, #tpu.memory_space<vmem>>
    %dma_wait3A_144 = tpu.memref_squeeze %dma_wait3A_143 : memref<1x128x64xf32, #tpu.memory_space<vmem>> -> memref<128x64xf32, #tpu.memory_space<vmem>>
    %dma_wait3A_145 = arith.constant 0 : i32
    %dma_wait3A_146 = arith.constant 0 : i32
    %dma_wait3A_147 = tpu.memref_slice %arg6[%dma_wait3A_145, %dma_wait3A_146] : memref<327680x64xf32, #tpu.memory_space<hbm>> -> memref<128x64xf32, #tpu.memory_space<hbm>>
    tpu.wait_dma2 semaphore(%dma_wait3A_140 : memref<!tpu.dma_semaphore, #tpu.memory_space<semaphore_mem>>) src(%dma_wait3A_147 : memref<128x64xf32, #tpu.memory_space<hbm>>) dst(%dma_wait3A_144 : memref<128x64xf32, #tpu.memory_space<vmem>>)
    "tpu.region"() ({
      %run_scoped3A = tpu.sem_alloc : memref<!tpu.dma_semaphore, #tpu.memory_space<semaphore_mem>>
      %dma_start3A_286 = arith.constant 0 : i32
      %dma_start3A_287 = tpu.memref_slice %arg5[%mul3A_2, %dma_start3A_286] : memref<2560x128xi32, #tpu.memory_space<hbm>> -> memref<80x128xi32, #tpu.memory_space<hbm>>
      %dma_start3A_288 = arith.constant 0 : i32
      %dma_start3A_289 = tpu.memref_slice %arg5[%mul3A_2, %dma_start3A_288] : memref<2560x128xi32, #tpu.memory_space<hbm>> -> memref<80x128xi32, #tpu.memory_space<hbm>>
      tpu.enqueue_dma source(%dma_start3A_289 : memref<80x128xi32, #tpu.memory_space<hbm>>) target(%arg8 : memref<80x128xi32, #tpu.memory_space<vmem>>) target_semaphore(%run_scoped3A : memref<!tpu.dma_semaphore, #tpu.memory_space<semaphore_mem>>)
      %dma_wait3A_290 = arith.constant 0 : i32
      %dma_wait3A_291 = tpu.memref_slice %arg5[%mul3A_2, %dma_wait3A_290] : memref<2560x128xi32, #tpu.memory_space<hbm>> -> memref<80x128xi32, #tpu.memory_space<hbm>>
      %dma_wait3A_292 = arith.constant 0 : i32
      %dma_wait3A_293 = tpu.memref_slice %arg5[%mul3A_2, %dma_wait3A_292] : memref<2560x128xi32, #tpu.memory_space<hbm>> -> memref<80x128xi32, #tpu.memory_space<hbm>>
      tpu.wait_dma2 semaphore(%run_scoped3A : memref<!tpu.dma_semaphore, #tpu.memory_space<semaphore_mem>>) src(%dma_wait3A_293 : memref<80x128xi32, #tpu.memory_space<hbm>>) dst(%arg8 : memref<80x128xi32, #tpu.memory_space<vmem>>)
      tpu.yield
    }) : () -> ()
    %dma_start3A_148 = arith.constant 0 : i32
    %dma_start3A_149 = arith.constant 0 : i32
    %dma_start3A_150 = arith.constant 0 : i32
    %dma_start3A_151 = arith.constant 0 : i32
    %dma_start3A_152 = arith.constant 0 : i32
    %dma_start3A_153 = tpu.memref_slice %arg9[%dma_start3A_149, %dma_start3A_151, %dma_start3A_152] : memref<4x128x64xf32, #tpu.memory_space<vmem>> -> memref<1x128x64xf32, #tpu.memory_space<vmem>>
    %dma_start3A_154 = tpu.memref_squeeze %dma_start3A_153 : memref<1x128x64xf32, #tpu.memory_space<vmem>> -> memref<128x64xf32, #tpu.memory_space<vmem>>
    %dma_start3A_155 = arith.constant 0 : i32
    %dma_start3A_156 = tpu.memref_slice %arg8[%dma_start3A_148, %dma_start3A_155] : memref<80x128xi32, #tpu.memory_space<vmem>> -> memref<1x128xi32, #tpu.memory_space<vmem>>
    %dma_start3A_157 = tpu.memref_squeeze %dma_start3A_156 : memref<1x128xi32, #tpu.memory_space<vmem>> -> memref<128xi32, #tpu.memory_space<vmem>>
    %dma_start3A_158 = arith.constant 0 : i32
    %dma_start3A_159 = arith.constant 0 : i32
    %dma_start3A_160 = tpu.memref_slice %arg11[%dma_start3A_158, %dma_start3A_159] : memref<10000x64xf32, #tpu.memory_space<vmem_shared>> -> memref<10000x64xf32, #tpu.memory_space<vmem_shared>>
    %dma_start3A_161 = tpu.memref_slice %arg12[%dma_start3A_150] : memref<4x!tpu.dma_semaphore, #tpu.memory_space<semaphore_mem>> -> memref<1x!tpu.dma_semaphore, #tpu.memory_space<semaphore_mem>>
    %dma_start3A_162 = tpu.memref_squeeze %dma_start3A_161 : memref<1x!tpu.dma_semaphore, #tpu.memory_space<semaphore_mem>> -> memref<!tpu.dma_semaphore, #tpu.memory_space<semaphore_mem>>
    tpu.enqueue_indirect_dma source(%dma_start3A_160 : memref<10000x64xf32, #tpu.memory_space<vmem_shared>>) target(%dma_start3A_154 : memref<128x64xf32, #tpu.memory_space<vmem>>) offsets(%dma_start3A_157 : memref<128xi32, #tpu.memory_space<vmem>>) semaphore(%dma_start3A_162 : memref<!tpu.dma_semaphore, #tpu.memory_space<semaphore_mem>>)
    %dma_start3A_163 = arith.constant 1 : i32
    %dma_start3A_164 = arith.constant 1 : i32
    %dma_start3A_165 = arith.constant 1 : i32
    %dma_start3A_166 = arith.constant 0 : i32
    %dma_start3A_167 = arith.constant 0 : i32
    %dma_start3A_168 = tpu.memref_slice %arg9[%dma_start3A_164, %dma_start3A_166, %dma_start3A_167] : memref<4x128x64xf32, #tpu.memory_space<vmem>> -> memref<1x128x64xf32, #tpu.memory_space<vmem>>
    %dma_start3A_169 = tpu.memref_squeeze %dma_start3A_168 : memref<1x128x64xf32, #tpu.memory_space<vmem>> -> memref<128x64xf32, #tpu.memory_space<vmem>>
    %dma_start3A_170 = arith.constant 0 : i32
    %dma_start3A_171 = tpu.memref_slice %arg8[%dma_start3A_163, %dma_start3A_170] : memref<80x128xi32, #tpu.memory_space<vmem>> -> memref<1x128xi32, #tpu.memory_space<vmem>>
    %dma_start3A_172 = tpu.memref_squeeze %dma_start3A_171 : memref<1x128xi32, #tpu.memory_space<vmem>> -> memref<128xi32, #tpu.memory_space<vmem>>
    %dma_start3A_173 = arith.constant 0 : i32
    %dma_start3A_174 = arith.constant 0 : i32
    %dma_start3A_175 = tpu.memref_slice %arg11[%dma_start3A_173, %dma_start3A_174] : memref<10000x64xf32, #tpu.memory_space<vmem_shared>> -> memref<10000x64xf32, #tpu.memory_space<vmem_shared>>
    %dma_start3A_176 = tpu.memref_slice %arg12[%dma_start3A_165] : memref<4x!tpu.dma_semaphore, #tpu.memory_space<semaphore_mem>> -> memref<1x!tpu.dma_semaphore, #tpu.memory_space<semaphore_mem>>
    %dma_start3A_177 = tpu.memref_squeeze %dma_start3A_176 : memref<1x!tpu.dma_semaphore, #tpu.memory_space<semaphore_mem>> -> memref<!tpu.dma_semaphore, #tpu.memory_space<semaphore_mem>>
    tpu.enqueue_indirect_dma source(%dma_start3A_175 : memref<10000x64xf32, #tpu.memory_space<vmem_shared>>) target(%dma_start3A_169 : memref<128x64xf32, #tpu.memory_space<vmem>>) offsets(%dma_start3A_172 : memref<128xi32, #tpu.memory_space<vmem>>) semaphore(%dma_start3A_177 : memref<!tpu.dma_semaphore, #tpu.memory_space<semaphore_mem>>)
    %dma_start3A_178 = arith.constant 2 : i32
    %dma_start3A_179 = arith.constant 2 : i32
    %dma_start3A_180 = arith.constant 2 : i32
    %dma_start3A_181 = arith.constant 0 : i32
    %dma_start3A_182 = arith.constant 0 : i32
    %dma_start3A_183 = tpu.memref_slice %arg9[%dma_start3A_179, %dma_start3A_181, %dma_start3A_182] : memref<4x128x64xf32, #tpu.memory_space<vmem>> -> memref<1x128x64xf32, #tpu.memory_space<vmem>>
    %dma_start3A_184 = tpu.memref_squeeze %dma_start3A_183 : memref<1x128x64xf32, #tpu.memory_space<vmem>> -> memref<128x64xf32, #tpu.memory_space<vmem>>
    %dma_start3A_185 = arith.constant 0 : i32
    %dma_start3A_186 = tpu.memref_slice %arg8[%dma_start3A_178, %dma_start3A_185] : memref<80x128xi32, #tpu.memory_space<vmem>> -> memref<1x128xi32, #tpu.memory_space<vmem>>
    %dma_start3A_187 = tpu.memref_squeeze %dma_start3A_186 : memref<1x128xi32, #tpu.memory_space<vmem>> -> memref<128xi32, #tpu.memory_space<vmem>>
    %dma_start3A_188 = arith.constant 0 : i32
    %dma_start3A_189 = arith.constant 0 : i32
    %dma_start3A_190 = tpu.memref_slice %arg11[%dma_start3A_188, %dma_start3A_189] : memref<10000x64xf32, #tpu.memory_space<vmem_shared>> -> memref<10000x64xf32, #tpu.memory_space<vmem_shared>>
    %dma_start3A_191 = tpu.memref_slice %arg12[%dma_start3A_180] : memref<4x!tpu.dma_semaphore, #tpu.memory_space<semaphore_mem>> -> memref<1x!tpu.dma_semaphore, #tpu.memory_space<semaphore_mem>>
    %dma_start3A_192 = tpu.memref_squeeze %dma_start3A_191 : memref<1x!tpu.dma_semaphore, #tpu.memory_space<semaphore_mem>> -> memref<!tpu.dma_semaphore, #tpu.memory_space<semaphore_mem>>
    tpu.enqueue_indirect_dma source(%dma_start3A_190 : memref<10000x64xf32, #tpu.memory_space<vmem_shared>>) target(%dma_start3A_184 : memref<128x64xf32, #tpu.memory_space<vmem>>) offsets(%dma_start3A_187 : memref<128xi32, #tpu.memory_space<vmem>>) semaphore(%dma_start3A_192 : memref<!tpu.dma_semaphore, #tpu.memory_space<semaphore_mem>>)
    %dma_start3A_193 = arith.constant 3 : i32
    %dma_start3A_194 = arith.constant 3 : i32
    %dma_start3A_195 = arith.constant 3 : i32
    %dma_start3A_196 = arith.constant 0 : i32
    %dma_start3A_197 = arith.constant 0 : i32
    %dma_start3A_198 = tpu.memref_slice %arg9[%dma_start3A_194, %dma_start3A_196, %dma_start3A_197] : memref<4x128x64xf32, #tpu.memory_space<vmem>> -> memref<1x128x64xf32, #tpu.memory_space<vmem>>
    %dma_start3A_199 = tpu.memref_squeeze %dma_start3A_198 : memref<1x128x64xf32, #tpu.memory_space<vmem>> -> memref<128x64xf32, #tpu.memory_space<vmem>>
    %dma_start3A_200 = arith.constant 0 : i32
    %dma_start3A_201 = tpu.memref_slice %arg8[%dma_start3A_193, %dma_start3A_200] : memref<80x128xi32, #tpu.memory_space<vmem>> -> memref<1x128xi32, #tpu.memory_space<vmem>>
    %dma_start3A_202 = tpu.memref_squeeze %dma_start3A_201 : memref<1x128xi32, #tpu.memory_space<vmem>> -> memref<128xi32, #tpu.memory_space<vmem>>
    %dma_start3A_203 = arith.constant 0 : i32
    %dma_start3A_204 = arith.constant 0 : i32
    %dma_start3A_205 = tpu.memref_slice %arg11[%dma_start3A_203, %dma_start3A_204] : memref<10000x64xf32, #tpu.memory_space<vmem_shared>> -> memref<10000x64xf32, #tpu.memory_space<vmem_shared>>
    %dma_start3A_206 = tpu.memref_slice %arg12[%dma_start3A_195] : memref<4x!tpu.dma_semaphore, #tpu.memory_space<semaphore_mem>> -> memref<1x!tpu.dma_semaphore, #tpu.memory_space<semaphore_mem>>
    %dma_start3A_207 = tpu.memref_squeeze %dma_start3A_206 : memref<1x!tpu.dma_semaphore, #tpu.memory_space<semaphore_mem>> -> memref<!tpu.dma_semaphore, #tpu.memory_space<semaphore_mem>>
    tpu.enqueue_indirect_dma source(%dma_start3A_205 : memref<10000x64xf32, #tpu.memory_space<vmem_shared>>) target(%dma_start3A_199 : memref<128x64xf32, #tpu.memory_space<vmem>>) offsets(%dma_start3A_202 : memref<128xi32, #tpu.memory_space<vmem>>) semaphore(%dma_start3A_207 : memref<!tpu.dma_semaphore, #tpu.memory_space<semaphore_mem>>)
    %scan3A_208 = arith.constant 0 : i32
    %scan3A_209 = arith.constant 0 : i32
    %scan3A_210 = arith.constant 20 : i32
    %scan3A_211 = arith.addi %scan3A_209, %scan3A_210 : i32
    %scan3A_212 = arith.constant 1 : i32
    scf.for %scan3A_286 = %scan3A_209 to %scan3A_211 step %scan3A_212  : i32 {
      %mul3A_287 = arith.constant 4 : i32
      %mul3A_288 = arith.muli %scan3A_286, %mul3A_287 : i32
      %add3A_289 = arith.constant 0 : i32
      %add3A_290 = arith.addi %mul3A_288, %add3A_289 : i32
      %dma_wait3A_291 = arith.constant 0 : i32
      %dma_wait3A_292 = arith.constant 0 : i32
      %dma_wait3A_293 = arith.constant 0 : i32
      %dma_wait3A_294 = arith.constant 0 : i32
      %dma_wait3A_295 = tpu.memref_slice %arg9[%dma_wait3A_291, %dma_wait3A_293, %dma_wait3A_294] : memref<4x128x64xf32, #tpu.memory_space<vmem>> -> memref<1x128x64xf32, #tpu.memory_space<vmem>>
      %dma_wait3A_296 = tpu.memref_squeeze %dma_wait3A_295 : memref<1x128x64xf32, #tpu.memory_space<vmem>> -> memref<128x64xf32, #tpu.memory_space<vmem>>
      %dma_wait3A_297 = arith.constant 0 : i32
      %dma_wait3A_298 = arith.constant 0 : i32
      %dma_wait3A_299 = tpu.memref_slice %arg6[%dma_wait3A_297, %dma_wait3A_298] : memref<327680x64xf32, #tpu.memory_space<hbm>> -> memref<128x64xf32, #tpu.memory_space<hbm>>
      %dma_wait3A_300 = tpu.memref_slice %arg12[%dma_wait3A_292] : memref<4x!tpu.dma_semaphore, #tpu.memory_space<semaphore_mem>> -> memref<1x!tpu.dma_semaphore, #tpu.memory_space<semaphore_mem>>
      %dma_wait3A_301 = tpu.memref_squeeze %dma_wait3A_300 : memref<1x!tpu.dma_semaphore, #tpu.memory_space<semaphore_mem>> -> memref<!tpu.dma_semaphore, #tpu.memory_space<semaphore_mem>>
      %dma_wait3A_302 = arith.constant 0 : i32
      %dma_wait3A_303 = arith.constant 0 : i32
      %dma_wait3A_304 = tpu.memref_slice %arg9[%dma_wait3A_291, %dma_wait3A_302, %dma_wait3A_303] : memref<4x128x64xf32, #tpu.memory_space<vmem>> -> memref<1x128x64xf32, #tpu.memory_space<vmem>>
      %dma_wait3A_305 = tpu.memref_squeeze %dma_wait3A_304 : memref<1x128x64xf32, #tpu.memory_space<vmem>> -> memref<128x64xf32, #tpu.memory_space<vmem>>
      %dma_wait3A_306 = arith.constant 0 : i32
      %dma_wait3A_307 = arith.constant 0 : i32
      %dma_wait3A_308 = tpu.memref_slice %arg6[%dma_wait3A_306, %dma_wait3A_307] : memref<327680x64xf32, #tpu.memory_space<hbm>> -> memref<128x64xf32, #tpu.memory_space<hbm>>
      tpu.wait_dma2 semaphore(%dma_wait3A_301 : memref<!tpu.dma_semaphore, #tpu.memory_space<semaphore_mem>>) src(%dma_wait3A_308 : memref<128x64xf32, #tpu.memory_space<hbm>>) dst(%dma_wait3A_305 : memref<128x64xf32, #tpu.memory_space<vmem>>)
      %mul3A_309 = arith.constant 128 : i32
      %mul3A_310 = arith.muli %add3A_290, %mul3A_309 : i32
      %add3A_311 = arith.addi %mul3A_4, %mul3A_310 : i32
      %dma_start3A_312 = arith.constant 0 : i32
      %dma_start3A_313 = arith.constant 0 : i32
      %dma_start3A_314 = arith.constant 0 : i32
      %dma_start3A_315 = arith.constant 0 : i32
      %dma_start3A_316 = tpu.memref_slice %arg9[%dma_start3A_312, %dma_start3A_314, %dma_start3A_315] : memref<4x128x64xf32, #tpu.memory_space<vmem>> -> memref<1x128x64xf32, #tpu.memory_space<vmem>>
      %dma_start3A_317 = tpu.memref_squeeze %dma_start3A_316 : memref<1x128x64xf32, #tpu.memory_space<vmem>> -> memref<128x64xf32, #tpu.memory_space<vmem>>
      %dma_start3A_318 = arith.constant 0 : i32
      %dma_start3A_319 = tpu.memref_slice %arg7[%add3A_311, %dma_start3A_318] : memref<327680x64xf32, #tpu.memory_space<hbm>> -> memref<128x64xf32, #tpu.memory_space<hbm>>
      %dma_start3A_320 = tpu.memref_slice %arg13[%dma_start3A_313] : memref<4x!tpu.dma_semaphore, #tpu.memory_space<semaphore_mem>> -> memref<1x!tpu.dma_semaphore, #tpu.memory_space<semaphore_mem>>
      %dma_start3A_321 = tpu.memref_squeeze %dma_start3A_320 : memref<1x!tpu.dma_semaphore, #tpu.memory_space<semaphore_mem>> -> memref<!tpu.dma_semaphore, #tpu.memory_space<semaphore_mem>>
      %dma_start3A_322 = arith.constant 0 : i32
      %dma_start3A_323 = tpu.memref_slice %arg7[%add3A_311, %dma_start3A_322] : memref<327680x64xf32, #tpu.memory_space<hbm>> -> memref<128x64xf32, #tpu.memory_space<hbm>>
      %dma_start3A_324 = arith.constant 0 : i32
      %dma_start3A_325 = arith.constant 0 : i32
      %dma_start3A_326 = tpu.memref_slice %arg9[%dma_start3A_312, %dma_start3A_324, %dma_start3A_325] : memref<4x128x64xf32, #tpu.memory_space<vmem>> -> memref<1x128x64xf32, #tpu.memory_space<vmem>>
      %dma_start3A_327 = tpu.memref_squeeze %dma_start3A_326 : memref<1x128x64xf32, #tpu.memory_space<vmem>> -> memref<128x64xf32, #tpu.memory_space<vmem>>
      tpu.enqueue_dma source(%dma_start3A_327 : memref<128x64xf32, #tpu.memory_space<vmem>>) target(%dma_start3A_323 : memref<128x64xf32, #tpu.memory_space<hbm>>) target_semaphore(%dma_start3A_321 : memref<!tpu.dma_semaphore, #tpu.memory_space<semaphore_mem>>)
      %sub3A = arith.constant 1 : i32
      %sub3A_328 = arith.subi %add3A_290, %sub3A : i32
      %ge3A = arith.constant 0 : i32
      %ge3A_329 = arith.cmpi sge, %sub3A_328, %ge3A : i32
      %add3A_330 = arith.constant 4 : i32
      %add3A_331 = arith.addi %sub3A_328, %add3A_330 : i32
      %lt3A = arith.constant 80 : i32
      %lt3A_332 = arith.cmpi slt, %add3A_331, %lt3A : i32
      %and3A = arith.andi %ge3A_329, %lt3A_332 : i1
      %convert_element_type3A = arith.extui %and3A : i1 to i32
      %cond3A = arith.constant 0 : i32
      %cond3A_333 = arith.cmpi ne, %convert_element_type3A, %cond3A : i32
      scf.if %cond3A_333 {
        %dma_wait3A_493 = arith.constant 3 : i32
        %dma_wait3A_494 = arith.constant 3 : i32
        %dma_wait3A_495 = arith.constant 0 : i32
        %dma_wait3A_496 = arith.constant 0 : i32
        %dma_wait3A_497 = tpu.memref_slice %arg9[%dma_wait3A_493, %dma_wait3A_495, %dma_wait3A_496] : memref<4x128x64xf32, #tpu.memory_space<vmem>> -> memref<1x128x64xf32, #tpu.memory_space<vmem>>
        %dma_wait3A_498 = tpu.memref_squeeze %dma_wait3A_497 : memref<1x128x64xf32, #tpu.memory_space<vmem>> -> memref<128x64xf32, #tpu.memory_space<vmem>>
        %dma_wait3A_499 = arith.constant 0 : i32
        %dma_wait3A_500 = arith.constant 0 : i32
        %dma_wait3A_501 = tpu.memref_slice %arg6[%dma_wait3A_499, %dma_wait3A_500] : memref<327680x64xf32, #tpu.memory_space<hbm>> -> memref<128x64xf32, #tpu.memory_space<hbm>>
        %dma_wait3A_502 = tpu.memref_slice %arg13[%dma_wait3A_494] : memref<4x!tpu.dma_semaphore, #tpu.memory_space<semaphore_mem>> -> memref<1x!tpu.dma_semaphore, #tpu.memory_space<semaphore_mem>>
        %dma_wait3A_503 = tpu.memref_squeeze %dma_wait3A_502 : memref<1x!tpu.dma_semaphore, #tpu.memory_space<semaphore_mem>> -> memref<!tpu.dma_semaphore, #tpu.memory_space<semaphore_mem>>
        %dma_wait3A_504 = arith.constant 0 : i32
        %dma_wait3A_505 = arith.constant 0 : i32
        %dma_wait3A_506 = tpu.memref_slice %arg9[%dma_wait3A_493, %dma_wait3A_504, %dma_wait3A_505] : memref<4x128x64xf32, #tpu.memory_space<vmem>> -> memref<1x128x64xf32, #tpu.memory_space<vmem>>
        %dma_wait3A_507 = tpu.memref_squeeze %dma_wait3A_506 : memref<1x128x64xf32, #tpu.memory_space<vmem>> -> memref<128x64xf32, #tpu.memory_space<vmem>>
        %dma_wait3A_508 = arith.constant 0 : i32
        %dma_wait3A_509 = arith.constant 0 : i32
        %dma_wait3A_510 = tpu.memref_slice %arg6[%dma_wait3A_508, %dma_wait3A_509] : memref<327680x64xf32, #tpu.memory_space<hbm>> -> memref<128x64xf32, #tpu.memory_space<hbm>>
        tpu.wait_dma2 semaphore(%dma_wait3A_503 : memref<!tpu.dma_semaphore, #tpu.memory_space<semaphore_mem>>) src(%dma_wait3A_510 : memref<128x64xf32, #tpu.memory_space<hbm>>) dst(%dma_wait3A_507 : memref<128x64xf32, #tpu.memory_space<vmem>>)
        %add3A_511 = arith.constant 4 : i32
        %add3A_512 = arith.addi %sub3A_328, %add3A_511 : i32
        %dma_start3A_513 = arith.constant 3 : i32
        %dma_start3A_514 = arith.constant 3 : i32
        %dma_start3A_515 = arith.constant 0 : i32
        %dma_start3A_516 = arith.constant 0 : i32
        %dma_start3A_517 = tpu.memref_slice %arg9[%dma_start3A_513, %dma_start3A_515, %dma_start3A_516] : memref<4x128x64xf32, #tpu.memory_space<vmem>> -> memref<1x128x64xf32, #tpu.memory_space<vmem>>
        %dma_start3A_518 = tpu.memref_squeeze %dma_start3A_517 : memref<1x128x64xf32, #tpu.memory_space<vmem>> -> memref<128x64xf32, #tpu.memory_space<vmem>>
        %dma_start3A_519 = arith.constant 0 : i32
        %dma_start3A_520 = tpu.memref_slice %arg8[%add3A_512, %dma_start3A_519] : memref<80x128xi32, #tpu.memory_space<vmem>> -> memref<1x128xi32, #tpu.memory_space<vmem>>
        %dma_start3A_521 = tpu.memref_squeeze %dma_start3A_520 : memref<1x128xi32, #tpu.memory_space<vmem>> -> memref<128xi32, #tpu.memory_space<vmem>>
        %dma_start3A_522 = arith.constant 0 : i32
        %dma_start3A_523 = arith.constant 0 : i32
        %dma_start3A_524 = tpu.memref_slice %arg11[%dma_start3A_522, %dma_start3A_523] : memref<10000x64xf32, #tpu.memory_space<vmem_shared>> -> memref<10000x64xf32, #tpu.memory_space<vmem_shared>>
        %dma_start3A_525 = tpu.memref_slice %arg12[%dma_start3A_514] : memref<4x!tpu.dma_semaphore, #tpu.memory_space<semaphore_mem>> -> memref<1x!tpu.dma_semaphore, #tpu.memory_space<semaphore_mem>>
        %dma_start3A_526 = tpu.memref_squeeze %dma_start3A_525 : memref<1x!tpu.dma_semaphore, #tpu.memory_space<semaphore_mem>> -> memref<!tpu.dma_semaphore, #tpu.memory_space<semaphore_mem>>
        tpu.enqueue_indirect_dma source(%dma_start3A_524 : memref<10000x64xf32, #tpu.memory_space<vmem_shared>>) target(%dma_start3A_518 : memref<128x64xf32, #tpu.memory_space<vmem>>) offsets(%dma_start3A_521 : memref<128xi32, #tpu.memory_space<vmem>>) semaphore(%dma_start3A_526 : memref<!tpu.dma_semaphore, #tpu.memory_space<semaphore_mem>>)
      } else {
      }
      %mul3A_334 = arith.constant 4 : i32
      %mul3A_335 = arith.muli %scan3A_286, %mul3A_334 : i32
      %add3A_336 = arith.constant 1 : i32
      %add3A_337 = arith.addi %mul3A_335, %add3A_336 : i32
      %dma_wait3A_338 = arith.constant 1 : i32
      %dma_wait3A_339 = arith.constant 1 : i32
      %dma_wait3A_340 = arith.constant 0 : i32
      %dma_wait3A_341 = arith.constant 0 : i32
      %dma_wait3A_342 = tpu.memref_slice %arg9[%dma_wait3A_338, %dma_wait3A_340, %dma_wait3A_341] : memref<4x128x64xf32, #tpu.memory_space<vmem>> -> memref<1x128x64xf32, #tpu.memory_space<vmem>>
      %dma_wait3A_343 = tpu.memref_squeeze %dma_wait3A_342 : memref<1x128x64xf32, #tpu.memory_space<vmem>> -> memref<128x64xf32, #tpu.memory_space<vmem>>
      %dma_wait3A_344 = arith.constant 0 : i32
      %dma_wait3A_345 = arith.constant 0 : i32
      %dma_wait3A_346 = tpu.memref_slice %arg6[%dma_wait3A_344, %dma_wait3A_345] : memref<327680x64xf32, #tpu.memory_space<hbm>> -> memref<128x64xf32, #tpu.memory_space<hbm>>
      %dma_wait3A_347 = tpu.memref_slice %arg12[%dma_wait3A_339] : memref<4x!tpu.dma_semaphore, #tpu.memory_space<semaphore_mem>> -> memref<1x!tpu.dma_semaphore, #tpu.memory_space<semaphore_mem>>
      %dma_wait3A_348 = tpu.memref_squeeze %dma_wait3A_347 : memref<1x!tpu.dma_semaphore, #tpu.memory_space<semaphore_mem>> -> memref<!tpu.dma_semaphore, #tpu.memory_space<semaphore_mem>>
      %dma_wait3A_349 = arith.constant 0 : i32
      %dma_wait3A_350 = arith.constant 0 : i32
      %dma_wait3A_351 = tpu.memref_slice %arg9[%dma_wait3A_338, %dma_wait3A_349, %dma_wait3A_350] : memref<4x128x64xf32, #tpu.memory_space<vmem>> -> memref<1x128x64xf32, #tpu.memory_space<vmem>>
      %dma_wait3A_352 = tpu.memref_squeeze %dma_wait3A_351 : memref<1x128x64xf32, #tpu.memory_space<vmem>> -> memref<128x64xf32, #tpu.memory_space<vmem>>
      %dma_wait3A_353 = arith.constant 0 : i32
      %dma_wait3A_354 = arith.constant 0 : i32
      %dma_wait3A_355 = tpu.memref_slice %arg6[%dma_wait3A_353, %dma_wait3A_354] : memref<327680x64xf32, #tpu.memory_space<hbm>> -> memref<128x64xf32, #tpu.memory_space<hbm>>
      tpu.wait_dma2 semaphore(%dma_wait3A_348 : memref<!tpu.dma_semaphore, #tpu.memory_space<semaphore_mem>>) src(%dma_wait3A_355 : memref<128x64xf32, #tpu.memory_space<hbm>>) dst(%dma_wait3A_352 : memref<128x64xf32, #tpu.memory_space<vmem>>)
      %mul3A_356 = arith.constant 128 : i32
      %mul3A_357 = arith.muli %add3A_337, %mul3A_356 : i32
      %add3A_358 = arith.addi %mul3A_4, %mul3A_357 : i32
      %dma_start3A_359 = arith.constant 1 : i32
      %dma_start3A_360 = arith.constant 1 : i32
      %dma_start3A_361 = arith.constant 0 : i32
      %dma_start3A_362 = arith.constant 0 : i32
      %dma_start3A_363 = tpu.memref_slice %arg9[%dma_start3A_359, %dma_start3A_361, %dma_start3A_362] : memref<4x128x64xf32, #tpu.memory_space<vmem>> -> memref<1x128x64xf32, #tpu.memory_space<vmem>>
      %dma_start3A_364 = tpu.memref_squeeze %dma_start3A_363 : memref<1x128x64xf32, #tpu.memory_space<vmem>> -> memref<128x64xf32, #tpu.memory_space<vmem>>
      %dma_start3A_365 = arith.constant 0 : i32
      %dma_start3A_366 = tpu.memref_slice %arg7[%add3A_358, %dma_start3A_365] : memref<327680x64xf32, #tpu.memory_space<hbm>> -> memref<128x64xf32, #tpu.memory_space<hbm>>
      %dma_start3A_367 = tpu.memref_slice %arg13[%dma_start3A_360] : memref<4x!tpu.dma_semaphore, #tpu.memory_space<semaphore_mem>> -> memref<1x!tpu.dma_semaphore, #tpu.memory_space<semaphore_mem>>
      %dma_start3A_368 = tpu.memref_squeeze %dma_start3A_367 : memref<1x!tpu.dma_semaphore, #tpu.memory_space<semaphore_mem>> -> memref<!tpu.dma_semaphore, #tpu.memory_space<semaphore_mem>>
      %dma_start3A_369 = arith.constant 0 : i32
      %dma_start3A_370 = tpu.memref_slice %arg7[%add3A_358, %dma_start3A_369] : memref<327680x64xf32, #tpu.memory_space<hbm>> -> memref<128x64xf32, #tpu.memory_space<hbm>>
      %dma_start3A_371 = arith.constant 0 : i32
      %dma_start3A_372 = arith.constant 0 : i32
      %dma_start3A_373 = tpu.memref_slice %arg9[%dma_start3A_359, %dma_start3A_371, %dma_start3A_372] : memref<4x128x64xf32, #tpu.memory_space<vmem>> -> memref<1x128x64xf32, #tpu.memory_space<vmem>>
      %dma_start3A_374 = tpu.memref_squeeze %dma_start3A_373 : memref<1x128x64xf32, #tpu.memory_space<vmem>> -> memref<128x64xf32, #tpu.memory_space<vmem>>
      tpu.enqueue_dma source(%dma_start3A_374 : memref<128x64xf32, #tpu.memory_space<vmem>>) target(%dma_start3A_370 : memref<128x64xf32, #tpu.memory_space<hbm>>) target_semaphore(%dma_start3A_368 : memref<!tpu.dma_semaphore, #tpu.memory_space<semaphore_mem>>)
      %sub3A_375 = arith.constant 1 : i32
      %sub3A_376 = arith.subi %add3A_337, %sub3A_375 : i32
      %ge3A_377 = arith.constant 0 : i32
      %ge3A_378 = arith.cmpi sge, %sub3A_376, %ge3A_377 : i32
      %add3A_379 = arith.constant 4 : i32
      %add3A_380 = arith.addi %sub3A_376, %add3A_379 : i32
      %lt3A_381 = arith.constant 80 : i32
      %lt3A_382 = arith.cmpi slt, %add3A_380, %lt3A_381 : i32
      %and3A_383 = arith.andi %ge3A_378, %lt3A_382 : i1
      %convert_element_type3A_384 = arith.extui %and3A_383 : i1 to i32
      %cond3A_385 = arith.constant 0 : i32
      %cond3A_386 = arith.cmpi ne, %convert_element_type3A_384, %cond3A_385 : i32
      scf.if %cond3A_386 {
        %dma_wait3A_493 = arith.constant 0 : i32
        %dma_wait3A_494 = arith.constant 0 : i32
        %dma_wait3A_495 = arith.constant 0 : i32
        %dma_wait3A_496 = arith.constant 0 : i32
        %dma_wait3A_497 = tpu.memref_slice %arg9[%dma_wait3A_493, %dma_wait3A_495, %dma_wait3A_496] : memref<4x128x64xf32, #tpu.memory_space<vmem>> -> memref<1x128x64xf32, #tpu.memory_space<vmem>>
        %dma_wait3A_498 = tpu.memref_squeeze %dma_wait3A_497 : memref<1x128x64xf32, #tpu.memory_space<vmem>> -> memref<128x64xf32, #tpu.memory_space<vmem>>
        %dma_wait3A_499 = arith.constant 0 : i32
        %dma_wait3A_500 = arith.constant 0 : i32
        %dma_wait3A_501 = tpu.memref_slice %arg6[%dma_wait3A_499, %dma_wait3A_500] : memref<327680x64xf32, #tpu.memory_space<hbm>> -> memref<128x64xf32, #tpu.memory_space<hbm>>
        %dma_wait3A_502 = tpu.memref_slice %arg13[%dma_wait3A_494] : memref<4x!tpu.dma_semaphore, #tpu.memory_space<semaphore_mem>> -> memref<1x!tpu.dma_semaphore, #tpu.memory_space<semaphore_mem>>
        %dma_wait3A_503 = tpu.memref_squeeze %dma_wait3A_502 : memref<1x!tpu.dma_semaphore, #tpu.memory_space<semaphore_mem>> -> memref<!tpu.dma_semaphore, #tpu.memory_space<semaphore_mem>>
        %dma_wait3A_504 = arith.constant 0 : i32
        %dma_wait3A_505 = arith.constant 0 : i32
        %dma_wait3A_506 = tpu.memref_slice %arg9[%dma_wait3A_493, %dma_wait3A_504, %dma_wait3A_505] : memref<4x128x64xf32, #tpu.memory_space<vmem>> -> memref<1x128x64xf32, #tpu.memory_space<vmem>>
        %dma_wait3A_507 = tpu.memref_squeeze %dma_wait3A_506 : memref<1x128x64xf32, #tpu.memory_space<vmem>> -> memref<128x64xf32, #tpu.memory_space<vmem>>
        %dma_wait3A_508 = arith.constant 0 : i32
        %dma_wait3A_509 = arith.constant 0 : i32
        %dma_wait3A_510 = tpu.memref_slice %arg6[%dma_wait3A_508, %dma_wait3A_509] : memref<327680x64xf32, #tpu.memory_space<hbm>> -> memref<128x64xf32, #tpu.memory_space<hbm>>
        tpu.wait_dma2 semaphore(%dma_wait3A_503 : memref<!tpu.dma_semaphore, #tpu.memory_space<semaphore_mem>>) src(%dma_wait3A_510 : memref<128x64xf32, #tpu.memory_space<hbm>>) dst(%dma_wait3A_507 : memref<128x64xf32, #tpu.memory_space<vmem>>)
        %add3A_511 = arith.constant 4 : i32
        %add3A_512 = arith.addi %sub3A_376, %add3A_511 : i32
        %dma_start3A_513 = arith.constant 0 : i32
        %dma_start3A_514 = arith.constant 0 : i32
        %dma_start3A_515 = arith.constant 0 : i32
        %dma_start3A_516 = arith.constant 0 : i32
        %dma_start3A_517 = tpu.memref_slice %arg9[%dma_start3A_513, %dma_start3A_515, %dma_start3A_516] : memref<4x128x64xf32, #tpu.memory_space<vmem>> -> memref<1x128x64xf32, #tpu.memory_space<vmem>>
        %dma_start3A_518 = tpu.memref_squeeze %dma_start3A_517 : memref<1x128x64xf32, #tpu.memory_space<vmem>> -> memref<128x64xf32, #tpu.memory_space<vmem>>
        %dma_start3A_519 = arith.constant 0 : i32
        %dma_start3A_520 = tpu.memref_slice %arg8[%add3A_512, %dma_start3A_519] : memref<80x128xi32, #tpu.memory_space<vmem>> -> memref<1x128xi32, #tpu.memory_space<vmem>>
        %dma_start3A_521 = tpu.memref_squeeze %dma_start3A_520 : memref<1x128xi32, #tpu.memory_space<vmem>> -> memref<128xi32, #tpu.memory_space<vmem>>
        %dma_start3A_522 = arith.constant 0 : i32
        %dma_start3A_523 = arith.constant 0 : i32
        %dma_start3A_524 = tpu.memref_slice %arg11[%dma_start3A_522, %dma_start3A_523] : memref<10000x64xf32, #tpu.memory_space<vmem_shared>> -> memref<10000x64xf32, #tpu.memory_space<vmem_shared>>
        %dma_start3A_525 = tpu.memref_slice %arg12[%dma_start3A_514] : memref<4x!tpu.dma_semaphore, #tpu.memory_space<semaphore_mem>> -> memref<1x!tpu.dma_semaphore, #tpu.memory_space<semaphore_mem>>
        %dma_start3A_526 = tpu.memref_squeeze %dma_start3A_525 : memref<1x!tpu.dma_semaphore, #tpu.memory_space<semaphore_mem>> -> memref<!tpu.dma_semaphore, #tpu.memory_space<semaphore_mem>>
        tpu.enqueue_indirect_dma source(%dma_start3A_524 : memref<10000x64xf32, #tpu.memory_space<vmem_shared>>) target(%dma_start3A_518 : memref<128x64xf32, #tpu.memory_space<vmem>>) offsets(%dma_start3A_521 : memref<128xi32, #tpu.memory_space<vmem>>) semaphore(%dma_start3A_526 : memref<!tpu.dma_semaphore, #tpu.memory_space<semaphore_mem>>)
      } else {
      }
      %mul3A_387 = arith.constant 4 : i32
      %mul3A_388 = arith.muli %scan3A_286, %mul3A_387 : i32
      %add3A_389 = arith.constant 2 : i32
      %add3A_390 = arith.addi %mul3A_388, %add3A_389 : i32
      %dma_wait3A_391 = arith.constant 2 : i32
      %dma_wait3A_392 = arith.constant 2 : i32
      %dma_wait3A_393 = arith.constant 0 : i32
      %dma_wait3A_394 = arith.constant 0 : i32
      %dma_wait3A_395 = tpu.memref_slice %arg9[%dma_wait3A_391, %dma_wait3A_393, %dma_wait3A_394] : memref<4x128x64xf32, #tpu.memory_space<vmem>> -> memref<1x128x64xf32, #tpu.memory_space<vmem>>
      %dma_wait3A_396 = tpu.memref_squeeze %dma_wait3A_395 : memref<1x128x64xf32, #tpu.memory_space<vmem>> -> memref<128x64xf32, #tpu.memory_space<vmem>>
      %dma_wait3A_397 = arith.constant 0 : i32
      %dma_wait3A_398 = arith.constant 0 : i32
      %dma_wait3A_399 = tpu.memref_slice %arg6[%dma_wait3A_397, %dma_wait3A_398] : memref<327680x64xf32, #tpu.memory_space<hbm>> -> memref<128x64xf32, #tpu.memory_space<hbm>>
      %dma_wait3A_400 = tpu.memref_slice %arg12[%dma_wait3A_392] : memref<4x!tpu.dma_semaphore, #tpu.memory_space<semaphore_mem>> -> memref<1x!tpu.dma_semaphore, #tpu.memory_space<semaphore_mem>>
      %dma_wait3A_401 = tpu.memref_squeeze %dma_wait3A_400 : memref<1x!tpu.dma_semaphore, #tpu.memory_space<semaphore_mem>> -> memref<!tpu.dma_semaphore, #tpu.memory_space<semaphore_mem>>
      %dma_wait3A_402 = arith.constant 0 : i32
      %dma_wait3A_403 = arith.constant 0 : i32
      %dma_wait3A_404 = tpu.memref_slice %arg9[%dma_wait3A_391, %dma_wait3A_402, %dma_wait3A_403] : memref<4x128x64xf32, #tpu.memory_space<vmem>> -> memref<1x128x64xf32, #tpu.memory_space<vmem>>
      %dma_wait3A_405 = tpu.memref_squeeze %dma_wait3A_404 : memref<1x128x64xf32, #tpu.memory_space<vmem>> -> memref<128x64xf32, #tpu.memory_space<vmem>>
      %dma_wait3A_406 = arith.constant 0 : i32
      %dma_wait3A_407 = arith.constant 0 : i32
      %dma_wait3A_408 = tpu.memref_slice %arg6[%dma_wait3A_406, %dma_wait3A_407] : memref<327680x64xf32, #tpu.memory_space<hbm>> -> memref<128x64xf32, #tpu.memory_space<hbm>>
      tpu.wait_dma2 semaphore(%dma_wait3A_401 : memref<!tpu.dma_semaphore, #tpu.memory_space<semaphore_mem>>) src(%dma_wait3A_408 : memref<128x64xf32, #tpu.memory_space<hbm>>) dst(%dma_wait3A_405 : memref<128x64xf32, #tpu.memory_space<vmem>>)
      %mul3A_409 = arith.constant 128 : i32
      %mul3A_410 = arith.muli %add3A_390, %mul3A_409 : i32
      %add3A_411 = arith.addi %mul3A_4, %mul3A_410 : i32
      %dma_start3A_412 = arith.constant 2 : i32
      %dma_start3A_413 = arith.constant 2 : i32
      %dma_start3A_414 = arith.constant 0 : i32
      %dma_start3A_415 = arith.constant 0 : i32
      %dma_start3A_416 = tpu.memref_slice %arg9[%dma_start3A_412, %dma_start3A_414, %dma_start3A_415] : memref<4x128x64xf32, #tpu.memory_space<vmem>> -> memref<1x128x64xf32, #tpu.memory_space<vmem>>
      %dma_start3A_417 = tpu.memref_squeeze %dma_start3A_416 : memref<1x128x64xf32, #tpu.memory_space<vmem>> -> memref<128x64xf32, #tpu.memory_space<vmem>>
      %dma_start3A_418 = arith.constant 0 : i32
      %dma_start3A_419 = tpu.memref_slice %arg7[%add3A_411, %dma_start3A_418] : memref<327680x64xf32, #tpu.memory_space<hbm>> -> memref<128x64xf32, #tpu.memory_space<hbm>>
      %dma_start3A_420 = tpu.memref_slice %arg13[%dma_start3A_413] : memref<4x!tpu.dma_semaphore, #tpu.memory_space<semaphore_mem>> -> memref<1x!tpu.dma_semaphore, #tpu.memory_space<semaphore_mem>>
      %dma_start3A_421 = tpu.memref_squeeze %dma_start3A_420 : memref<1x!tpu.dma_semaphore, #tpu.memory_space<semaphore_mem>> -> memref<!tpu.dma_semaphore, #tpu.memory_space<semaphore_mem>>
      %dma_start3A_422 = arith.constant 0 : i32
      %dma_start3A_423 = tpu.memref_slice %arg7[%add3A_411, %dma_start3A_422] : memref<327680x64xf32, #tpu.memory_space<hbm>> -> memref<128x64xf32, #tpu.memory_space<hbm>>
      %dma_start3A_424 = arith.constant 0 : i32
      %dma_start3A_425 = arith.constant 0 : i32
      %dma_start3A_426 = tpu.memref_slice %arg9[%dma_start3A_412, %dma_start3A_424, %dma_start3A_425] : memref<4x128x64xf32, #tpu.memory_space<vmem>> -> memref<1x128x64xf32, #tpu.memory_space<vmem>>
      %dma_start3A_427 = tpu.memref_squeeze %dma_start3A_426 : memref<1x128x64xf32, #tpu.memory_space<vmem>> -> memref<128x64xf32, #tpu.memory_space<vmem>>
      tpu.enqueue_dma source(%dma_start3A_427 : memref<128x64xf32, #tpu.memory_space<vmem>>) target(%dma_start3A_423 : memref<128x64xf32, #tpu.memory_space<hbm>>) target_semaphore(%dma_start3A_421 : memref<!tpu.dma_semaphore, #tpu.memory_space<semaphore_mem>>)
      %sub3A_428 = arith.constant 1 : i32
      %sub3A_429 = arith.subi %add3A_390, %sub3A_428 : i32
      %ge3A_430 = arith.constant 0 : i32
      %ge3A_431 = arith.cmpi sge, %sub3A_429, %ge3A_430 : i32
      %add3A_432 = arith.constant 4 : i32
      %add3A_433 = arith.addi %sub3A_429, %add3A_432 : i32
      %lt3A_434 = arith.constant 80 : i32
      %lt3A_435 = arith.cmpi slt, %add3A_433, %lt3A_434 : i32
      %and3A_436 = arith.andi %ge3A_431, %lt3A_435 : i1
      %convert_element_type3A_437 = arith.extui %and3A_436 : i1 to i32
      %cond3A_438 = arith.constant 0 : i32
      %cond3A_439 = arith.cmpi ne, %convert_element_type3A_437, %cond3A_438 : i32
      scf.if %cond3A_439 {
        %dma_wait3A_493 = arith.constant 1 : i32
        %dma_wait3A_494 = arith.constant 1 : i32
        %dma_wait3A_495 = arith.constant 0 : i32
        %dma_wait3A_496 = arith.constant 0 : i32
        %dma_wait3A_497 = tpu.memref_slice %arg9[%dma_wait3A_493, %dma_wait3A_495, %dma_wait3A_496] : memref<4x128x64xf32, #tpu.memory_space<vmem>> -> memref<1x128x64xf32, #tpu.memory_space<vmem>>
        %dma_wait3A_498 = tpu.memref_squeeze %dma_wait3A_497 : memref<1x128x64xf32, #tpu.memory_space<vmem>> -> memref<128x64xf32, #tpu.memory_space<vmem>>
        %dma_wait3A_499 = arith.constant 0 : i32
        %dma_wait3A_500 = arith.constant 0 : i32
        %dma_wait3A_501 = tpu.memref_slice %arg6[%dma_wait3A_499, %dma_wait3A_500] : memref<327680x64xf32, #tpu.memory_space<hbm>> -> memref<128x64xf32, #tpu.memory_space<hbm>>
        %dma_wait3A_502 = tpu.memref_slice %arg13[%dma_wait3A_494] : memref<4x!tpu.dma_semaphore, #tpu.memory_space<semaphore_mem>> -> memref<1x!tpu.dma_semaphore, #tpu.memory_space<semaphore_mem>>
        %dma_wait3A_503 = tpu.memref_squeeze %dma_wait3A_502 : memref<1x!tpu.dma_semaphore, #tpu.memory_space<semaphore_mem>> -> memref<!tpu.dma_semaphore, #tpu.memory_space<semaphore_mem>>
        %dma_wait3A_504 = arith.constant 0 : i32
        %dma_wait3A_505 = arith.constant 0 : i32
        %dma_wait3A_506 = tpu.memref_slice %arg9[%dma_wait3A_493, %dma_wait3A_504, %dma_wait3A_505] : memref<4x128x64xf32, #tpu.memory_space<vmem>> -> memref<1x128x64xf32, #tpu.memory_space<vmem>>
        %dma_wait3A_507 = tpu.memref_squeeze %dma_wait3A_506 : memref<1x128x64xf32, #tpu.memory_space<vmem>> -> memref<128x64xf32, #tpu.memory_space<vmem>>
        %dma_wait3A_508 = arith.constant 0 : i32
        %dma_wait3A_509 = arith.constant 0 : i32
        %dma_wait3A_510 = tpu.memref_slice %arg6[%dma_wait3A_508, %dma_wait3A_509] : memref<327680x64xf32, #tpu.memory_space<hbm>> -> memref<128x64xf32, #tpu.memory_space<hbm>>
        tpu.wait_dma2 semaphore(%dma_wait3A_503 : memref<!tpu.dma_semaphore, #tpu.memory_space<semaphore_mem>>) src(%dma_wait3A_510 : memref<128x64xf32, #tpu.memory_space<hbm>>) dst(%dma_wait3A_507 : memref<128x64xf32, #tpu.memory_space<vmem>>)
        %add3A_511 = arith.constant 4 : i32
        %add3A_512 = arith.addi %sub3A_429, %add3A_511 : i32
        %dma_start3A_513 = arith.constant 1 : i32
        %dma_start3A_514 = arith.constant 1 : i32
        %dma_start3A_515 = arith.constant 0 : i32
        %dma_start3A_516 = arith.constant 0 : i32
        %dma_start3A_517 = tpu.memref_slice %arg9[%dma_start3A_513, %dma_start3A_515, %dma_start3A_516] : memref<4x128x64xf32, #tpu.memory_space<vmem>> -> memref<1x128x64xf32, #tpu.memory_space<vmem>>
        %dma_start3A_518 = tpu.memref_squeeze %dma_start3A_517 : memref<1x128x64xf32, #tpu.memory_space<vmem>> -> memref<128x64xf32, #tpu.memory_space<vmem>>
        %dma_start3A_519 = arith.constant 0 : i32
        %dma_start3A_520 = tpu.memref_slice %arg8[%add3A_512, %dma_start3A_519] : memref<80x128xi32, #tpu.memory_space<vmem>> -> memref<1x128xi32, #tpu.memory_space<vmem>>
        %dma_start3A_521 = tpu.memref_squeeze %dma_start3A_520 : memref<1x128xi32, #tpu.memory_space<vmem>> -> memref<128xi32, #tpu.memory_space<vmem>>
        %dma_start3A_522 = arith.constant 0 : i32
        %dma_start3A_523 = arith.constant 0 : i32
        %dma_start3A_524 = tpu.memref_slice %arg11[%dma_start3A_522, %dma_start3A_523] : memref<10000x64xf32, #tpu.memory_space<vmem_shared>> -> memref<10000x64xf32, #tpu.memory_space<vmem_shared>>
        %dma_start3A_525 = tpu.memref_slice %arg12[%dma_start3A_514] : memref<4x!tpu.dma_semaphore, #tpu.memory_space<semaphore_mem>> -> memref<1x!tpu.dma_semaphore, #tpu.memory_space<semaphore_mem>>
        %dma_start3A_526 = tpu.memref_squeeze %dma_start3A_525 : memref<1x!tpu.dma_semaphore, #tpu.memory_space<semaphore_mem>> -> memref<!tpu.dma_semaphore, #tpu.memory_space<semaphore_mem>>
        tpu.enqueue_indirect_dma source(%dma_start3A_524 : memref<10000x64xf32, #tpu.memory_space<vmem_shared>>) target(%dma_start3A_518 : memref<128x64xf32, #tpu.memory_space<vmem>>) offsets(%dma_start3A_521 : memref<128xi32, #tpu.memory_space<vmem>>) semaphore(%dma_start3A_526 : memref<!tpu.dma_semaphore, #tpu.memory_space<semaphore_mem>>)
      } else {
      }
      %mul3A_440 = arith.constant 4 : i32
      %mul3A_441 = arith.muli %scan3A_286, %mul3A_440 : i32
      %add3A_442 = arith.constant 3 : i32
      %add3A_443 = arith.addi %mul3A_441, %add3A_442 : i32
      %dma_wait3A_444 = arith.constant 3 : i32
      %dma_wait3A_445 = arith.constant 3 : i32
      %dma_wait3A_446 = arith.constant 0 : i32
      %dma_wait3A_447 = arith.constant 0 : i32
      %dma_wait3A_448 = tpu.memref_slice %arg9[%dma_wait3A_444, %dma_wait3A_446, %dma_wait3A_447] : memref<4x128x64xf32, #tpu.memory_space<vmem>> -> memref<1x128x64xf32, #tpu.memory_space<vmem>>
      %dma_wait3A_449 = tpu.memref_squeeze %dma_wait3A_448 : memref<1x128x64xf32, #tpu.memory_space<vmem>> -> memref<128x64xf32, #tpu.memory_space<vmem>>
      %dma_wait3A_450 = arith.constant 0 : i32
      %dma_wait3A_451 = arith.constant 0 : i32
      %dma_wait3A_452 = tpu.memref_slice %arg6[%dma_wait3A_450, %dma_wait3A_451] : memref<327680x64xf32, #tpu.memory_space<hbm>> -> memref<128x64xf32, #tpu.memory_space<hbm>>
      %dma_wait3A_453 = tpu.memref_slice %arg12[%dma_wait3A_445] : memref<4x!tpu.dma_semaphore, #tpu.memory_space<semaphore_mem>> -> memref<1x!tpu.dma_semaphore, #tpu.memory_space<semaphore_mem>>
      %dma_wait3A_454 = tpu.memref_squeeze %dma_wait3A_453 : memref<1x!tpu.dma_semaphore, #tpu.memory_space<semaphore_mem>> -> memref<!tpu.dma_semaphore, #tpu.memory_space<semaphore_mem>>
      %dma_wait3A_455 = arith.constant 0 : i32
      %dma_wait3A_456 = arith.constant 0 : i32
      %dma_wait3A_457 = tpu.memref_slice %arg9[%dma_wait3A_444, %dma_wait3A_455, %dma_wait3A_456] : memref<4x128x64xf32, #tpu.memory_space<vmem>> -> memref<1x128x64xf32, #tpu.memory_space<vmem>>
      %dma_wait3A_458 = tpu.memref_squeeze %dma_wait3A_457 : memref<1x128x64xf32, #tpu.memory_space<vmem>> -> memref<128x64xf32, #tpu.memory_space<vmem>>
      %dma_wait3A_459 = arith.constant 0 : i32
      %dma_wait3A_460 = arith.constant 0 : i32
      %dma_wait3A_461 = tpu.memref_slice %arg6[%dma_wait3A_459, %dma_wait3A_460] : memref<327680x64xf32, #tpu.memory_space<hbm>> -> memref<128x64xf32, #tpu.memory_space<hbm>>
      tpu.wait_dma2 semaphore(%dma_wait3A_454 : memref<!tpu.dma_semaphore, #tpu.memory_space<semaphore_mem>>) src(%dma_wait3A_461 : memref<128x64xf32, #tpu.memory_space<hbm>>) dst(%dma_wait3A_458 : memref<128x64xf32, #tpu.memory_space<vmem>>)
      %mul3A_462 = arith.constant 128 : i32
      %mul3A_463 = arith.muli %add3A_443, %mul3A_462 : i32
      %add3A_464 = arith.addi %mul3A_4, %mul3A_463 : i32
      %dma_start3A_465 = arith.constant 3 : i32
      %dma_start3A_466 = arith.constant 3 : i32
      %dma_start3A_467 = arith.constant 0 : i32
      %dma_start3A_468 = arith.constant 0 : i32
      %dma_start3A_469 = tpu.memref_slice %arg9[%dma_start3A_465, %dma_start3A_467, %dma_start3A_468] : memref<4x128x64xf32, #tpu.memory_space<vmem>> -> memref<1x128x64xf32, #tpu.memory_space<vmem>>
      %dma_start3A_470 = tpu.memref_squeeze %dma_start3A_469 : memref<1x128x64xf32, #tpu.memory_space<vmem>> -> memref<128x64xf32, #tpu.memory_space<vmem>>
      %dma_start3A_471 = arith.constant 0 : i32
      %dma_start3A_472 = tpu.memref_slice %arg7[%add3A_464, %dma_start3A_471] : memref<327680x64xf32, #tpu.memory_space<hbm>> -> memref<128x64xf32, #tpu.memory_space<hbm>>
      %dma_start3A_473 = tpu.memref_slice %arg13[%dma_start3A_466] : memref<4x!tpu.dma_semaphore, #tpu.memory_space<semaphore_mem>> -> memref<1x!tpu.dma_semaphore, #tpu.memory_space<semaphore_mem>>
      %dma_start3A_474 = tpu.memref_squeeze %dma_start3A_473 : memref<1x!tpu.dma_semaphore, #tpu.memory_space<semaphore_mem>> -> memref<!tpu.dma_semaphore, #tpu.memory_space<semaphore_mem>>
      %dma_start3A_475 = arith.constant 0 : i32
      %dma_start3A_476 = tpu.memref_slice %arg7[%add3A_464, %dma_start3A_475] : memref<327680x64xf32, #tpu.memory_space<hbm>> -> memref<128x64xf32, #tpu.memory_space<hbm>>
      %dma_start3A_477 = arith.constant 0 : i32
      %dma_start3A_478 = arith.constant 0 : i32
      %dma_start3A_479 = tpu.memref_slice %arg9[%dma_start3A_465, %dma_start3A_477, %dma_start3A_478] : memref<4x128x64xf32, #tpu.memory_space<vmem>> -> memref<1x128x64xf32, #tpu.memory_space<vmem>>
      %dma_start3A_480 = tpu.memref_squeeze %dma_start3A_479 : memref<1x128x64xf32, #tpu.memory_space<vmem>> -> memref<128x64xf32, #tpu.memory_space<vmem>>
      tpu.enqueue_dma source(%dma_start3A_480 : memref<128x64xf32, #tpu.memory_space<vmem>>) target(%dma_start3A_476 : memref<128x64xf32, #tpu.memory_space<hbm>>) target_semaphore(%dma_start3A_474 : memref<!tpu.dma_semaphore, #tpu.memory_space<semaphore_mem>>)
      %sub3A_481 = arith.constant 1 : i32
      %sub3A_482 = arith.subi %add3A_443, %sub3A_481 : i32
      %ge3A_483 = arith.constant 0 : i32
      %ge3A_484 = arith.cmpi sge, %sub3A_482, %ge3A_483 : i32
      %add3A_485 = arith.constant 4 : i32
      %add3A_486 = arith.addi %sub3A_482, %add3A_485 : i32
      %lt3A_487 = arith.constant 80 : i32
      %lt3A_488 = arith.cmpi slt, %add3A_486, %lt3A_487 : i32
      %and3A_489 = arith.andi %ge3A_484, %lt3A_488 : i1
      %convert_element_type3A_490 = arith.extui %and3A_489 : i1 to i32
      %cond3A_491 = arith.constant 0 : i32
      %cond3A_492 = arith.cmpi ne, %convert_element_type3A_490, %cond3A_491 : i32
      scf.if %cond3A_492 {
        %dma_wait3A_493 = arith.constant 2 : i32
        %dma_wait3A_494 = arith.constant 2 : i32
        %dma_wait3A_495 = arith.constant 0 : i32
        %dma_wait3A_496 = arith.constant 0 : i32
        %dma_wait3A_497 = tpu.memref_slice %arg9[%dma_wait3A_493, %dma_wait3A_495, %dma_wait3A_496] : memref<4x128x64xf32, #tpu.memory_space<vmem>> -> memref<1x128x64xf32, #tpu.memory_space<vmem>>
        %dma_wait3A_498 = tpu.memref_squeeze %dma_wait3A_497 : memref<1x128x64xf32, #tpu.memory_space<vmem>> -> memref<128x64xf32, #tpu.memory_space<vmem>>
        %dma_wait3A_499 = arith.constant 0 : i32
        %dma_wait3A_500 = arith.constant 0 : i32
        %dma_wait3A_501 = tpu.memref_slice %arg6[%dma_wait3A_499, %dma_wait3A_500] : memref<327680x64xf32, #tpu.memory_space<hbm>> -> memref<128x64xf32, #tpu.memory_space<hbm>>
        %dma_wait3A_502 = tpu.memref_slice %arg13[%dma_wait3A_494] : memref<4x!tpu.dma_semaphore, #tpu.memory_space<semaphore_mem>> -> memref<1x!tpu.dma_semaphore, #tpu.memory_space<semaphore_mem>>
        %dma_wait3A_503 = tpu.memref_squeeze %dma_wait3A_502 : memref<1x!tpu.dma_semaphore, #tpu.memory_space<semaphore_mem>> -> memref<!tpu.dma_semaphore, #tpu.memory_space<semaphore_mem>>
        %dma_wait3A_504 = arith.constant 0 : i32
        %dma_wait3A_505 = arith.constant 0 : i32
        %dma_wait3A_506 = tpu.memref_slice %arg9[%dma_wait3A_493, %dma_wait3A_504, %dma_wait3A_505] : memref<4x128x64xf32, #tpu.memory_space<vmem>> -> memref<1x128x64xf32, #tpu.memory_space<vmem>>
        %dma_wait3A_507 = tpu.memref_squeeze %dma_wait3A_506 : memref<1x128x64xf32, #tpu.memory_space<vmem>> -> memref<128x64xf32, #tpu.memory_space<vmem>>
        %dma_wait3A_508 = arith.constant 0 : i32
        %dma_wait3A_509 = arith.constant 0 : i32
        %dma_wait3A_510 = tpu.memref_slice %arg6[%dma_wait3A_508, %dma_wait3A_509] : memref<327680x64xf32, #tpu.memory_space<hbm>> -> memref<128x64xf32, #tpu.memory_space<hbm>>
        tpu.wait_dma2 semaphore(%dma_wait3A_503 : memref<!tpu.dma_semaphore, #tpu.memory_space<semaphore_mem>>) src(%dma_wait3A_510 : memref<128x64xf32, #tpu.memory_space<hbm>>) dst(%dma_wait3A_507 : memref<128x64xf32, #tpu.memory_space<vmem>>)
        %add3A_511 = arith.constant 4 : i32
        %add3A_512 = arith.addi %sub3A_482, %add3A_511 : i32
        %dma_start3A_513 = arith.constant 2 : i32
        %dma_start3A_514 = arith.constant 2 : i32
        %dma_start3A_515 = arith.constant 0 : i32
        %dma_start3A_516 = arith.constant 0 : i32
        %dma_start3A_517 = tpu.memref_slice %arg9[%dma_start3A_513, %dma_start3A_515, %dma_start3A_516] : memref<4x128x64xf32, #tpu.memory_space<vmem>> -> memref<1x128x64xf32, #tpu.memory_space<vmem>>
        %dma_start3A_518 = tpu.memref_squeeze %dma_start3A_517 : memref<1x128x64xf32, #tpu.memory_space<vmem>> -> memref<128x64xf32, #tpu.memory_space<vmem>>
        %dma_start3A_519 = arith.constant 0 : i32
        %dma_start3A_520 = tpu.memref_slice %arg8[%add3A_512, %dma_start3A_519] : memref<80x128xi32, #tpu.memory_space<vmem>> -> memref<1x128xi32, #tpu.memory_space<vmem>>
        %dma_start3A_521 = tpu.memref_squeeze %dma_start3A_520 : memref<1x128xi32, #tpu.memory_space<vmem>> -> memref<128xi32, #tpu.memory_space<vmem>>
        %dma_start3A_522 = arith.constant 0 : i32
        %dma_start3A_523 = arith.constant 0 : i32
        %dma_start3A_524 = tpu.memref_slice %arg11[%dma_start3A_522, %dma_start3A_523] : memref<10000x64xf32, #tpu.memory_space<vmem_shared>> -> memref<10000x64xf32, #tpu.memory_space<vmem_shared>>
        %dma_start3A_525 = tpu.memref_slice %arg12[%dma_start3A_514] : memref<4x!tpu.dma_semaphore, #tpu.memory_space<semaphore_mem>> -> memref<1x!tpu.dma_semaphore, #tpu.memory_space<semaphore_mem>>
        %dma_start3A_526 = tpu.memref_squeeze %dma_start3A_525 : memref<1x!tpu.dma_semaphore, #tpu.memory_space<semaphore_mem>> -> memref<!tpu.dma_semaphore, #tpu.memory_space<semaphore_mem>>
        tpu.enqueue_indirect_dma source(%dma_start3A_524 : memref<10000x64xf32, #tpu.memory_space<vmem_shared>>) target(%dma_start3A_518 : memref<128x64xf32, #tpu.memory_space<vmem>>) offsets(%dma_start3A_521 : memref<128xi32, #tpu.memory_space<vmem>>) semaphore(%dma_start3A_526 : memref<!tpu.dma_semaphore, #tpu.memory_space<semaphore_mem>>)
      } else {
      }
    }
    %scan3A_213 = arith.constant 20 : i32
    %dma_wait3A_214 = arith.constant 0 : i32
    %dma_wait3A_215 = arith.constant 0 : i32
    %dma_wait3A_216 = arith.constant 0 : i32
    %dma_wait3A_217 = arith.constant 0 : i32
    %dma_wait3A_218 = tpu.memref_slice %arg9[%dma_wait3A_214, %dma_wait3A_216, %dma_wait3A_217] : memref<4x128x64xf32, #tpu.memory_space<vmem>> -> memref<1x128x64xf32, #tpu.memory_space<vmem>>
    %dma_wait3A_219 = tpu.memref_squeeze %dma_wait3A_218 : memref<1x128x64xf32, #tpu.memory_space<vmem>> -> memref<128x64xf32, #tpu.memory_space<vmem>>
    %dma_wait3A_220 = arith.constant 0 : i32
    %dma_wait3A_221 = arith.constant 0 : i32
    %dma_wait3A_222 = tpu.memref_slice %arg6[%dma_wait3A_220, %dma_wait3A_221] : memref<327680x64xf32, #tpu.memory_space<hbm>> -> memref<128x64xf32, #tpu.memory_space<hbm>>
    %dma_wait3A_223 = tpu.memref_slice %arg13[%dma_wait3A_215] : memref<4x!tpu.dma_semaphore, #tpu.memory_space<semaphore_mem>> -> memref<1x!tpu.dma_semaphore, #tpu.memory_space<semaphore_mem>>
    %dma_wait3A_224 = tpu.memref_squeeze %dma_wait3A_223 : memref<1x!tpu.dma_semaphore, #tpu.memory_space<semaphore_mem>> -> memref<!tpu.dma_semaphore, #tpu.memory_space<semaphore_mem>>
    %dma_wait3A_225 = arith.constant 0 : i32
    %dma_wait3A_226 = arith.constant 0 : i32
    %dma_wait3A_227 = tpu.memref_slice %arg9[%dma_wait3A_214, %dma_wait3A_225, %dma_wait3A_226] : memref<4x128x64xf32, #tpu.memory_space<vmem>> -> memref<1x128x64xf32, #tpu.memory_space<vmem>>
    %dma_wait3A_228 = tpu.memref_squeeze %dma_wait3A_227 : memref<1x128x64xf32, #tpu.memory_space<vmem>> -> memref<128x64xf32, #tpu.memory_space<vmem>>
    %dma_wait3A_229 = arith.constant 0 : i32
    %dma_wait3A_230 = arith.constant 0 : i32
    %dma_wait3A_231 = tpu.memref_slice %arg6[%dma_wait3A_229, %dma_wait3A_230] : memref<327680x64xf32, #tpu.memory_space<hbm>> -> memref<128x64xf32, #tpu.memory_space<hbm>>
    tpu.wait_dma2 semaphore(%dma_wait3A_224 : memref<!tpu.dma_semaphore, #tpu.memory_space<semaphore_mem>>) src(%dma_wait3A_231 : memref<128x64xf32, #tpu.memory_space<hbm>>) dst(%dma_wait3A_228 : memref<128x64xf32, #tpu.memory_space<vmem>>)
    %dma_wait3A_232 = arith.constant 1 : i32
    %dma_wait3A_233 = arith.constant 1 : i32
    %dma_wait3A_234 = arith.constant 0 : i32
    %dma_wait3A_235 = arith.constant 0 : i32
    %dma_wait3A_236 = tpu.memref_slice %arg9[%dma_wait3A_232, %dma_wait3A_234, %dma_wait3A_235] : memref<4x128x64xf32, #tpu.memory_space<vmem>> -> memref<1x128x64xf32, #tpu.memory_space<vmem>>
    %dma_wait3A_237 = tpu.memref_squeeze %dma_wait3A_236 : memref<1x128x64xf32, #tpu.memory_space<vmem>> -> memref<128x64xf32, #tpu.memory_space<vmem>>
    %dma_wait3A_238 = arith.constant 0 : i32
    %dma_wait3A_239 = arith.constant 0 : i32
    %dma_wait3A_240 = tpu.memref_slice %arg6[%dma_wait3A_238, %dma_wait3A_239] : memref<327680x64xf32, #tpu.memory_space<hbm>> -> memref<128x64xf32, #tpu.memory_space<hbm>>
    %dma_wait3A_241 = tpu.memref_slice %arg13[%dma_wait3A_233] : memref<4x!tpu.dma_semaphore, #tpu.memory_space<semaphore_mem>> -> memref<1x!tpu.dma_semaphore, #tpu.memory_space<semaphore_mem>>
    %dma_wait3A_242 = tpu.memref_squeeze %dma_wait3A_241 : memref<1x!tpu.dma_semaphore, #tpu.memory_space<semaphore_mem>> -> memref<!tpu.dma_semaphore, #tpu.memory_space<semaphore_mem>>
    %dma_wait3A_243 = arith.constant 0 : i32
    %dma_wait3A_244 = arith.constant 0 : i32
    %dma_wait3A_245 = tpu.memref_slice %arg9[%dma_wait3A_232, %dma_wait3A_243, %dma_wait3A_244] : memref<4x128x64xf32, #tpu.memory_space<vmem>> -> memref<1x128x64xf32, #tpu.memory_space<vmem>>
    %dma_wait3A_246 = tpu.memref_squeeze %dma_wait3A_245 : memref<1x128x64xf32, #tpu.memory_space<vmem>> -> memref<128x64xf32, #tpu.memory_space<vmem>>
    %dma_wait3A_247 = arith.constant 0 : i32
    %dma_wait3A_248 = arith.constant 0 : i32
    %dma_wait3A_249 = tpu.memref_slice %arg6[%dma_wait3A_247, %dma_wait3A_248] : memref<327680x64xf32, #tpu.memory_space<hbm>> -> memref<128x64xf32, #tpu.memory_space<hbm>>
    tpu.wait_dma2 semaphore(%dma_wait3A_242 : memref<!tpu.dma_semaphore, #tpu.memory_space<semaphore_mem>>) src(%dma_wait3A_249 : memref<128x64xf32, #tpu.memory_space<hbm>>) dst(%dma_wait3A_246 : memref<128x64xf32, #tpu.memory_space<vmem>>)
    %dma_wait3A_250 = arith.constant 2 : i32
    %dma_wait3A_251 = arith.constant 2 : i32
    %dma_wait3A_252 = arith.constant 0 : i32
    %dma_wait3A_253 = arith.constant 0 : i32
    %dma_wait3A_254 = tpu.memref_slice %arg9[%dma_wait3A_250, %dma_wait3A_252, %dma_wait3A_253] : memref<4x128x64xf32, #tpu.memory_space<vmem>> -> memref<1x128x64xf32, #tpu.memory_space<vmem>>
    %dma_wait3A_255 = tpu.memref_squeeze %dma_wait3A_254 : memref<1x128x64xf32, #tpu.memory_space<vmem>> -> memref<128x64xf32, #tpu.memory_space<vmem>>
    %dma_wait3A_256 = arith.constant 0 : i32
    %dma_wait3A_257 = arith.constant 0 : i32
    %dma_wait3A_258 = tpu.memref_slice %arg6[%dma_wait3A_256, %dma_wait3A_257] : memref<327680x64xf32, #tpu.memory_space<hbm>> -> memref<128x64xf32, #tpu.memory_space<hbm>>
    %dma_wait3A_259 = tpu.memref_slice %arg13[%dma_wait3A_251] : memref<4x!tpu.dma_semaphore, #tpu.memory_space<semaphore_mem>> -> memref<1x!tpu.dma_semaphore, #tpu.memory_space<semaphore_mem>>
    %dma_wait3A_260 = tpu.memref_squeeze %dma_wait3A_259 : memref<1x!tpu.dma_semaphore, #tpu.memory_space<semaphore_mem>> -> memref<!tpu.dma_semaphore, #tpu.memory_space<semaphore_mem>>
    %dma_wait3A_261 = arith.constant 0 : i32
    %dma_wait3A_262 = arith.constant 0 : i32
    %dma_wait3A_263 = tpu.memref_slice %arg9[%dma_wait3A_250, %dma_wait3A_261, %dma_wait3A_262] : memref<4x128x64xf32, #tpu.memory_space<vmem>> -> memref<1x128x64xf32, #tpu.memory_space<vmem>>
    %dma_wait3A_264 = tpu.memref_squeeze %dma_wait3A_263 : memref<1x128x64xf32, #tpu.memory_space<vmem>> -> memref<128x64xf32, #tpu.memory_space<vmem>>
    %dma_wait3A_265 = arith.constant 0 : i32
    %dma_wait3A_266 = arith.constant 0 : i32
    %dma_wait3A_267 = tpu.memref_slice %arg6[%dma_wait3A_265, %dma_wait3A_266] : memref<327680x64xf32, #tpu.memory_space<hbm>> -> memref<128x64xf32, #tpu.memory_space<hbm>>
    tpu.wait_dma2 semaphore(%dma_wait3A_260 : memref<!tpu.dma_semaphore, #tpu.memory_space<semaphore_mem>>) src(%dma_wait3A_267 : memref<128x64xf32, #tpu.memory_space<hbm>>) dst(%dma_wait3A_264 : memref<128x64xf32, #tpu.memory_space<vmem>>)
    %dma_wait3A_268 = arith.constant 3 : i32
    %dma_wait3A_269 = arith.constant 3 : i32
    %dma_wait3A_270 = arith.constant 0 : i32
    %dma_wait3A_271 = arith.constant 0 : i32
    %dma_wait3A_272 = tpu.memref_slice %arg9[%dma_wait3A_268, %dma_wait3A_270, %dma_wait3A_271] : memref<4x128x64xf32, #tpu.memory_space<vmem>> -> memref<1x128x64xf32, #tpu.memory_space<vmem>>
    %dma_wait3A_273 = tpu.memref_squeeze %dma_wait3A_272 : memref<1x128x64xf32, #tpu.memory_space<vmem>> -> memref<128x64xf32, #tpu.memory_space<vmem>>
    %dma_wait3A_274 = arith.constant 0 : i32
    %dma_wait3A_275 = arith.constant 0 : i32
    %dma_wait3A_276 = tpu.memref_slice %arg6[%dma_wait3A_274, %dma_wait3A_275] : memref<327680x64xf32, #tpu.memory_space<hbm>> -> memref<128x64xf32, #tpu.memory_space<hbm>>
    %dma_wait3A_277 = tpu.memref_slice %arg13[%dma_wait3A_269] : memref<4x!tpu.dma_semaphore, #tpu.memory_space<semaphore_mem>> -> memref<1x!tpu.dma_semaphore, #tpu.memory_space<semaphore_mem>>
    %dma_wait3A_278 = tpu.memref_squeeze %dma_wait3A_277 : memref<1x!tpu.dma_semaphore, #tpu.memory_space<semaphore_mem>> -> memref<!tpu.dma_semaphore, #tpu.memory_space<semaphore_mem>>
    %dma_wait3A_279 = arith.constant 0 : i32
    %dma_wait3A_280 = arith.constant 0 : i32
    %dma_wait3A_281 = tpu.memref_slice %arg9[%dma_wait3A_268, %dma_wait3A_279, %dma_wait3A_280] : memref<4x128x64xf32, #tpu.memory_space<vmem>> -> memref<1x128x64xf32, #tpu.memory_space<vmem>>
    %dma_wait3A_282 = tpu.memref_squeeze %dma_wait3A_281 : memref<1x128x64xf32, #tpu.memory_space<vmem>> -> memref<128x64xf32, #tpu.memory_space<vmem>>
    %dma_wait3A_283 = arith.constant 0 : i32
    %dma_wait3A_284 = arith.constant 0 : i32
    %dma_wait3A_285 = tpu.memref_slice %arg6[%dma_wait3A_283, %dma_wait3A_284] : memref<327680x64xf32, #tpu.memory_space<hbm>> -> memref<128x64xf32, #tpu.memory_space<hbm>>
    tpu.wait_dma2 semaphore(%dma_wait3A_278 : memref<!tpu.dma_semaphore, #tpu.memory_space<semaphore_mem>>) src(%dma_wait3A_285 : memref<128x64xf32, #tpu.memory_space<hbm>>) dst(%dma_wait3A_282 : memref<128x64xf32, #tpu.memory_space<vmem>>)
    return
  }
}

#map = affine_map<(d0, d1) -> (0, 0)>
module attributes {stable_mosaic.version = 14 : i64} {
  func.func @_scatter_kernel_body(%arg0: i32, %arg1: i32, %arg2: memref<327680x128xf32, #tpu.memory_space<hbm>>, %arg3: memref<2560x128xi32, #tpu.memory_space<hbm>>, %arg4: memref<10240x128xf32, #tpu.memory_space<hbm>>, %arg5: memref<10240x128xf32, #tpu.memory_space<hbm>>, %arg6: memref<80x128xi32, #tpu.memory_space<vmem>>, %arg7: memref<2x128x128xf32, #tpu.memory_space<vmem>>, %arg8: memref<32x128xf32, #tpu.memory_space<vmem>>, %arg9: memref<10240x128xf32, #tpu.memory_space<vmem_shared>>, %arg10: memref<2x!tpu.dma_semaphore, #tpu.memory_space<semaphore_mem>>) attributes {dimension_semantics = [#tpu.dimension_semantics<core_parallel>, #tpu.dimension_semantics<subcore_parallel>], iteration_bounds = array<i64: 2, 16>, scalar_prefetch = 0 : i64, scratch_operands = 5 : i64, tpu.core_type = #tpu.core_type<sc_vector_subcore>, window_params = [{transform_indices = #map}, {transform_indices = #map}, {transform_indices = #map}, {transform_indices = #map}]} {
    %mul3A = arith.constant 2 : i32
    %mul3A_0 = arith.muli %arg1, %mul3A : i32
    %add3A = arith.addi %mul3A_0, %arg0 : i32
    %mul3A_1 = arith.constant 80 : i32
    %mul3A_2 = arith.muli %add3A, %mul3A_1 : i32
    %mul3A_3 = arith.constant 10240 : i32
    %mul3A_4 = arith.muli %add3A, %mul3A_3 : i32
    %dma_start3A = arith.constant 0 : i32
    %dma_start3A_5 = arith.constant 0 : i32
    %dma_start3A_6 = tpu.memref_slice %arg3[%mul3A_2, %dma_start3A_5] : memref<2560x128xi32, #tpu.memory_space<hbm>> -> memref<80x128xi32, #tpu.memory_space<hbm>>
    %dma_start3A_7 = tpu.memref_slice %arg10[%dma_start3A] : memref<2x!tpu.dma_semaphore, #tpu.memory_space<semaphore_mem>> -> memref<1x!tpu.dma_semaphore, #tpu.memory_space<semaphore_mem>>
    %dma_start3A_8 = tpu.memref_squeeze %dma_start3A_7 : memref<1x!tpu.dma_semaphore, #tpu.memory_space<semaphore_mem>> -> memref<!tpu.dma_semaphore, #tpu.memory_space<semaphore_mem>>
    %dma_start3A_9 = arith.constant 0 : i32
    %dma_start3A_10 = tpu.memref_slice %arg3[%mul3A_2, %dma_start3A_9] : memref<2560x128xi32, #tpu.memory_space<hbm>> -> memref<80x128xi32, #tpu.memory_space<hbm>>
    tpu.enqueue_dma source(%dma_start3A_10 : memref<80x128xi32, #tpu.memory_space<hbm>>) target(%arg6 : memref<80x128xi32, #tpu.memory_space<vmem>>) target_semaphore(%dma_start3A_8 : memref<!tpu.dma_semaphore, #tpu.memory_space<semaphore_mem>>)
    %scan3A = arith.constant 0 : i32
    %scan3A_11 = arith.constant 0 : i32
    %scan3A_12 = arith.constant 32 : i32
    %scan3A_13 = arith.addi %scan3A_11, %scan3A_12 : i32
    %scan3A_14 = arith.constant 1 : i32
    scf.for %scan3A_154 = %scan3A_11 to %scan3A_13 step %scan3A_14  : i32 {
      %broadcast_in_dim3A = arith.constant 0.000000e+00 : f32
      %broadcast_in_dim3A_155 = vector.broadcast %broadcast_in_dim3A : f32 to vector<16xf32>
      %swap3A = arith.index_cast %scan3A_154 : i32 to index
      %swap3A_156 = arith.constant 0 : index
      %swap3A_157 = tpu.vector_load %arg8[%swap3A, %swap3A_156] {strides = array<i32>} : memref<32x128xf32, #tpu.memory_space<vmem>>, vector<1x16xf32>,
      %swap3A_158 = vector.shape_cast %swap3A_157 : vector<1x16xf32> to vector<16xf32>
      %swap3A_159 = vector.shape_cast %broadcast_in_dim3A_155 : vector<16xf32> to vector<1x16xf32>
      tpu.vector_store %arg8[%swap3A, %swap3A_156], %swap3A_159 {strides = array<i32>} : memref<32x128xf32, #tpu.memory_space<vmem>>, vector<1x16xf32>,
      %broadcast_in_dim3A_160 = arith.constant 0.000000e+00 : f32
      %broadcast_in_dim3A_161 = vector.broadcast %broadcast_in_dim3A_160 : f32 to vector<16xf32>
      %swap3A_162 = arith.index_cast %scan3A_154 : i32 to index
      %swap3A_163 = arith.constant 16 : index
      %swap3A_164 = tpu.vector_load %arg8[%swap3A_162, %swap3A_163] {strides = array<i32>} : memref<32x128xf32, #tpu.memory_space<vmem>>, vector<1x16xf32>,
      %swap3A_165 = vector.shape_cast %swap3A_164 : vector<1x16xf32> to vector<16xf32>
      %swap3A_166 = vector.shape_cast %broadcast_in_dim3A_161 : vector<16xf32> to vector<1x16xf32>
      tpu.vector_store %arg8[%swap3A_162, %swap3A_163], %swap3A_166 {strides = array<i32>} : memref<32x128xf32, #tpu.memory_space<vmem>>, vector<1x16xf32>,
      %broadcast_in_dim3A_167 = arith.constant 0.000000e+00 : f32
      %broadcast_in_dim3A_168 = vector.broadcast %broadcast_in_dim3A_167 : f32 to vector<16xf32>
      %swap3A_169 = arith.index_cast %scan3A_154 : i32 to index
      %swap3A_170 = arith.constant 32 : index
      %swap3A_171 = tpu.vector_load %arg8[%swap3A_169, %swap3A_170] {strides = array<i32>} : memref<32x128xf32, #tpu.memory_space<vmem>>, vector<1x16xf32>,
      %swap3A_172 = vector.shape_cast %swap3A_171 : vector<1x16xf32> to vector<16xf32>
      %swap3A_173 = vector.shape_cast %broadcast_in_dim3A_168 : vector<16xf32> to vector<1x16xf32>
      tpu.vector_store %arg8[%swap3A_169, %swap3A_170], %swap3A_173 {strides = array<i32>} : memref<32x128xf32, #tpu.memory_space<vmem>>, vector<1x16xf32>,
      %broadcast_in_dim3A_174 = arith.constant 0.000000e+00 : f32
      %broadcast_in_dim3A_175 = vector.broadcast %broadcast_in_dim3A_174 : f32 to vector<16xf32>
      %swap3A_176 = arith.index_cast %scan3A_154 : i32 to index
      %swap3A_177 = arith.constant 48 : index
      %swap3A_178 = tpu.vector_load %arg8[%swap3A_176, %swap3A_177] {strides = array<i32>} : memref<32x128xf32, #tpu.memory_space<vmem>>, vector<1x16xf32>,
      %swap3A_179 = vector.shape_cast %swap3A_178 : vector<1x16xf32> to vector<16xf32>
      %swap3A_180 = vector.shape_cast %broadcast_in_dim3A_175 : vector<16xf32> to vector<1x16xf32>
      tpu.vector_store %arg8[%swap3A_176, %swap3A_177], %swap3A_180 {strides = array<i32>} : memref<32x128xf32, #tpu.memory_space<vmem>>, vector<1x16xf32>,
      %broadcast_in_dim3A_181 = arith.constant 0.000000e+00 : f32
      %broadcast_in_dim3A_182 = vector.broadcast %broadcast_in_dim3A_181 : f32 to vector<16xf32>
      %swap3A_183 = arith.index_cast %scan3A_154 : i32 to index
      %swap3A_184 = arith.constant 64 : index
      %swap3A_185 = tpu.vector_load %arg8[%swap3A_183, %swap3A_184] {strides = array<i32>} : memref<32x128xf32, #tpu.memory_space<vmem>>, vector<1x16xf32>,
      %swap3A_186 = vector.shape_cast %swap3A_185 : vector<1x16xf32> to vector<16xf32>
      %swap3A_187 = vector.shape_cast %broadcast_in_dim3A_182 : vector<16xf32> to vector<1x16xf32>
      tpu.vector_store %arg8[%swap3A_183, %swap3A_184], %swap3A_187 {strides = array<i32>} : memref<32x128xf32, #tpu.memory_space<vmem>>, vector<1x16xf32>,
      %broadcast_in_dim3A_188 = arith.constant 0.000000e+00 : f32
      %broadcast_in_dim3A_189 = vector.broadcast %broadcast_in_dim3A_188 : f32 to vector<16xf32>
      %swap3A_190 = arith.index_cast %scan3A_154 : i32 to index
      %swap3A_191 = arith.constant 80 : index
      %swap3A_192 = tpu.vector_load %arg8[%swap3A_190, %swap3A_191] {strides = array<i32>} : memref<32x128xf32, #tpu.memory_space<vmem>>, vector<1x16xf32>,
      %swap3A_193 = vector.shape_cast %swap3A_192 : vector<1x16xf32> to vector<16xf32>
      %swap3A_194 = vector.shape_cast %broadcast_in_dim3A_189 : vector<16xf32> to vector<1x16xf32>
      tpu.vector_store %arg8[%swap3A_190, %swap3A_191], %swap3A_194 {strides = array<i32>} : memref<32x128xf32, #tpu.memory_space<vmem>>, vector<1x16xf32>,
      %broadcast_in_dim3A_195 = arith.constant 0.000000e+00 : f32
      %broadcast_in_dim3A_196 = vector.broadcast %broadcast_in_dim3A_195 : f32 to vector<16xf32>
      %swap3A_197 = arith.index_cast %scan3A_154 : i32 to index
      %swap3A_198 = arith.constant 96 : index
      %swap3A_199 = tpu.vector_load %arg8[%swap3A_197, %swap3A_198] {strides = array<i32>} : memref<32x128xf32, #tpu.memory_space<vmem>>, vector<1x16xf32>,
      %swap3A_200 = vector.shape_cast %swap3A_199 : vector<1x16xf32> to vector<16xf32>
      %swap3A_201 = vector.shape_cast %broadcast_in_dim3A_196 : vector<16xf32> to vector<1x16xf32>
      tpu.vector_store %arg8[%swap3A_197, %swap3A_198], %swap3A_201 {strides = array<i32>} : memref<32x128xf32, #tpu.memory_space<vmem>>, vector<1x16xf32>,
      %broadcast_in_dim3A_202 = arith.constant 0.000000e+00 : f32
      %broadcast_in_dim3A_203 = vector.broadcast %broadcast_in_dim3A_202 : f32 to vector<16xf32>
      %swap3A_204 = arith.index_cast %scan3A_154 : i32 to index
      %swap3A_205 = arith.constant 112 : index
      %swap3A_206 = tpu.vector_load %arg8[%swap3A_204, %swap3A_205] {strides = array<i32>} : memref<32x128xf32, #tpu.memory_space<vmem>>, vector<1x16xf32>,
      %swap3A_207 = vector.shape_cast %swap3A_206 : vector<1x16xf32> to vector<16xf32>
      %swap3A_208 = vector.shape_cast %broadcast_in_dim3A_203 : vector<16xf32> to vector<1x16xf32>
      tpu.vector_store %arg8[%swap3A_204, %swap3A_205], %swap3A_208 {strides = array<i32>} : memref<32x128xf32, #tpu.memory_space<vmem>>, vector<1x16xf32>,
    }
    %scan3A_15 = arith.constant 32 : i32
    %mul3A_16 = arith.constant 640 : i32
    %mul3A_17 = arith.muli %arg1, %mul3A_16 : i32
    %add3A_18 = arith.constant 0 : i32
    %add3A_19 = arith.addi %mul3A_17, %add3A_18 : i32
    "tpu.region"() ({
      %run_scoped3A = tpu.sem_alloc : memref<!tpu.dma_semaphore, #tpu.memory_space<semaphore_mem>>
      %dma_start3A_154 = arith.constant 0 : i32
      %dma_start3A_155 = tpu.memref_slice %arg9[%add3A_19, %dma_start3A_154] : memref<10240x128xf32, #tpu.memory_space<vmem_shared>> -> memref<32x128xf32, #tpu.memory_space<vmem_shared>>
      %dma_start3A_156 = arith.constant 0 : i32
      %dma_start3A_157 = tpu.memref_slice %arg9[%add3A_19, %dma_start3A_156] : memref<10240x128xf32, #tpu.memory_space<vmem_shared>> -> memref<32x128xf32, #tpu.memory_space<vmem_shared>>
      tpu.enqueue_dma source(%arg8 : memref<32x128xf32, #tpu.memory_space<vmem>>) target(%dma_start3A_157 : memref<32x128xf32, #tpu.memory_space<vmem_shared>>) target_semaphore(%run_scoped3A : memref<!tpu.dma_semaphore, #tpu.memory_space<semaphore_mem>>)
      %dma_wait3A_158 = arith.constant 0 : i32
      %dma_wait3A_159 = tpu.memref_slice %arg9[%add3A_19, %dma_wait3A_158] : memref<10240x128xf32, #tpu.memory_space<vmem_shared>> -> memref<32x128xf32, #tpu.memory_space<vmem_shared>>
      %dma_wait3A_160 = arith.constant 0 : i32
      %dma_wait3A_161 = tpu.memref_slice %arg9[%add3A_19, %dma_wait3A_160] : memref<10240x128xf32, #tpu.memory_space<vmem_shared>> -> memref<32x128xf32, #tpu.memory_space<vmem_shared>>
      tpu.wait_dma2 semaphore(%run_scoped3A : memref<!tpu.dma_semaphore, #tpu.memory_space<semaphore_mem>>) src(%arg8 : memref<32x128xf32, #tpu.memory_space<vmem>>) dst(%dma_wait3A_161 : memref<32x128xf32, #tpu.memory_space<vmem_shared>>)
      tpu.yield
    }) : () -> ()
    %mul3A_20 = arith.constant 640 : i32
    %mul3A_21 = arith.muli %arg1, %mul3A_20 : i32
    %add3A_22 = arith.constant 32 : i32
    %add3A_23 = arith.addi %mul3A_21, %add3A_22 : i32
    "tpu.region"() ({
      %run_scoped3A = tpu.sem_alloc : memref<!tpu.dma_semaphore, #tpu.memory_space<semaphore_mem>>
      %dma_start3A_154 = arith.constant 0 : i32
      %dma_start3A_155 = tpu.memref_slice %arg9[%add3A_23, %dma_start3A_154] : memref<10240x128xf32, #tpu.memory_space<vmem_shared>> -> memref<32x128xf32, #tpu.memory_space<vmem_shared>>
      %dma_start3A_156 = arith.constant 0 : i32
      %dma_start3A_157 = tpu.memref_slice %arg9[%add3A_23, %dma_start3A_156] : memref<10240x128xf32, #tpu.memory_space<vmem_shared>> -> memref<32x128xf32, #tpu.memory_space<vmem_shared>>
      tpu.enqueue_dma source(%arg8 : memref<32x128xf32, #tpu.memory_space<vmem>>) target(%dma_start3A_157 : memref<32x128xf32, #tpu.memory_space<vmem_shared>>) target_semaphore(%run_scoped3A : memref<!tpu.dma_semaphore, #tpu.memory_space<semaphore_mem>>)
      %dma_wait3A_158 = arith.constant 0 : i32
      %dma_wait3A_159 = tpu.memref_slice %arg9[%add3A_23, %dma_wait3A_158] : memref<10240x128xf32, #tpu.memory_space<vmem_shared>> -> memref<32x128xf32, #tpu.memory_space<vmem_shared>>
      %dma_wait3A_160 = arith.constant 0 : i32
      %dma_wait3A_161 = tpu.memref_slice %arg9[%add3A_23, %dma_wait3A_160] : memref<10240x128xf32, #tpu.memory_space<vmem_shared>> -> memref<32x128xf32, #tpu.memory_space<vmem_shared>>
      tpu.wait_dma2 semaphore(%run_scoped3A : memref<!tpu.dma_semaphore, #tpu.memory_space<semaphore_mem>>) src(%arg8 : memref<32x128xf32, #tpu.memory_space<vmem>>) dst(%dma_wait3A_161 : memref<32x128xf32, #tpu.memory_space<vmem_shared>>)
      tpu.yield
    }) : () -> ()
    %mul3A_24 = arith.constant 640 : i32
    %mul3A_25 = arith.muli %arg1, %mul3A_24 : i32
    %add3A_26 = arith.constant 64 : i32
    %add3A_27 = arith.addi %mul3A_25, %add3A_26 : i32
    "tpu.region"() ({
      %run_scoped3A = tpu.sem_alloc : memref<!tpu.dma_semaphore, #tpu.memory_space<semaphore_mem>>
      %dma_start3A_154 = arith.constant 0 : i32
      %dma_start3A_155 = tpu.memref_slice %arg9[%add3A_27, %dma_start3A_154] : memref<10240x128xf32, #tpu.memory_space<vmem_shared>> -> memref<32x128xf32, #tpu.memory_space<vmem_shared>>
      %dma_start3A_156 = arith.constant 0 : i32
      %dma_start3A_157 = tpu.memref_slice %arg9[%add3A_27, %dma_start3A_156] : memref<10240x128xf32, #tpu.memory_space<vmem_shared>> -> memref<32x128xf32, #tpu.memory_space<vmem_shared>>
      tpu.enqueue_dma source(%arg8 : memref<32x128xf32, #tpu.memory_space<vmem>>) target(%dma_start3A_157 : memref<32x128xf32, #tpu.memory_space<vmem_shared>>) target_semaphore(%run_scoped3A : memref<!tpu.dma_semaphore, #tpu.memory_space<semaphore_mem>>)
      %dma_wait3A_158 = arith.constant 0 : i32
      %dma_wait3A_159 = tpu.memref_slice %arg9[%add3A_27, %dma_wait3A_158] : memref<10240x128xf32, #tpu.memory_space<vmem_shared>> -> memref<32x128xf32, #tpu.memory_space<vmem_shared>>
      %dma_wait3A_160 = arith.constant 0 : i32
      %dma_wait3A_161 = tpu.memref_slice %arg9[%add3A_27, %dma_wait3A_160] : memref<10240x128xf32, #tpu.memory_space<vmem_shared>> -> memref<32x128xf32, #tpu.memory_space<vmem_shared>>
      tpu.wait_dma2 semaphore(%run_scoped3A : memref<!tpu.dma_semaphore, #tpu.memory_space<semaphore_mem>>) src(%arg8 : memref<32x128xf32, #tpu.memory_space<vmem>>) dst(%dma_wait3A_161 : memref<32x128xf32, #tpu.memory_space<vmem_shared>>)
      tpu.yield
    }) : () -> ()
    %mul3A_28 = arith.constant 640 : i32
    %mul3A_29 = arith.muli %arg1, %mul3A_28 : i32
    %add3A_30 = arith.constant 96 : i32
    %add3A_31 = arith.addi %mul3A_29, %add3A_30 : i32
    "tpu.region"() ({
      %run_scoped3A = tpu.sem_alloc : memref<!tpu.dma_semaphore, #tpu.memory_space<semaphore_mem>>
      %dma_start3A_154 = arith.constant 0 : i32
      %dma_start3A_155 = tpu.memref_slice %arg9[%add3A_31, %dma_start3A_154] : memref<10240x128xf32, #tpu.memory_space<vmem_shared>> -> memref<32x128xf32, #tpu.memory_space<vmem_shared>>
      %dma_start3A_156 = arith.constant 0 : i32
      %dma_start3A_157 = tpu.memref_slice %arg9[%add3A_31, %dma_start3A_156] : memref<10240x128xf32, #tpu.memory_space<vmem_shared>> -> memref<32x128xf32, #tpu.memory_space<vmem_shared>>
      tpu.enqueue_dma source(%arg8 : memref<32x128xf32, #tpu.memory_space<vmem>>) target(%dma_start3A_157 : memref<32x128xf32, #tpu.memory_space<vmem_shared>>) target_semaphore(%run_scoped3A : memref<!tpu.dma_semaphore, #tpu.memory_space<semaphore_mem>>)
      %dma_wait3A_158 = arith.constant 0 : i32
      %dma_wait3A_159 = tpu.memref_slice %arg9[%add3A_31, %dma_wait3A_158] : memref<10240x128xf32, #tpu.memory_space<vmem_shared>> -> memref<32x128xf32, #tpu.memory_space<vmem_shared>>
      %dma_wait3A_160 = arith.constant 0 : i32
      %dma_wait3A_161 = tpu.memref_slice %arg9[%add3A_31, %dma_wait3A_160] : memref<10240x128xf32, #tpu.memory_space<vmem_shared>> -> memref<32x128xf32, #tpu.memory_space<vmem_shared>>
      tpu.wait_dma2 semaphore(%run_scoped3A : memref<!tpu.dma_semaphore, #tpu.memory_space<semaphore_mem>>) src(%arg8 : memref<32x128xf32, #tpu.memory_space<vmem>>) dst(%dma_wait3A_161 : memref<32x128xf32, #tpu.memory_space<vmem_shared>>)
      tpu.yield
    }) : () -> ()
    %mul3A_32 = arith.constant 640 : i32
    %mul3A_33 = arith.muli %arg1, %mul3A_32 : i32
    %add3A_34 = arith.constant 128 : i32
    %add3A_35 = arith.addi %mul3A_33, %add3A_34 : i32
    "tpu.region"() ({
      %run_scoped3A = tpu.sem_alloc : memref<!tpu.dma_semaphore, #tpu.memory_space<semaphore_mem>>
      %dma_start3A_154 = arith.constant 0 : i32
      %dma_start3A_155 = tpu.memref_slice %arg9[%add3A_35, %dma_start3A_154] : memref<10240x128xf32, #tpu.memory_space<vmem_shared>> -> memref<32x128xf32, #tpu.memory_space<vmem_shared>>
      %dma_start3A_156 = arith.constant 0 : i32
      %dma_start3A_157 = tpu.memref_slice %arg9[%add3A_35, %dma_start3A_156] : memref<10240x128xf32, #tpu.memory_space<vmem_shared>> -> memref<32x128xf32, #tpu.memory_space<vmem_shared>>
      tpu.enqueue_dma source(%arg8 : memref<32x128xf32, #tpu.memory_space<vmem>>) target(%dma_start3A_157 : memref<32x128xf32, #tpu.memory_space<vmem_shared>>) target_semaphore(%run_scoped3A : memref<!tpu.dma_semaphore, #tpu.memory_space<semaphore_mem>>)
      %dma_wait3A_158 = arith.constant 0 : i32
      %dma_wait3A_159 = tpu.memref_slice %arg9[%add3A_35, %dma_wait3A_158] : memref<10240x128xf32, #tpu.memory_space<vmem_shared>> -> memref<32x128xf32, #tpu.memory_space<vmem_shared>>
      %dma_wait3A_160 = arith.constant 0 : i32
      %dma_wait3A_161 = tpu.memref_slice %arg9[%add3A_35, %dma_wait3A_160] : memref<10240x128xf32, #tpu.memory_space<vmem_shared>> -> memref<32x128xf32, #tpu.memory_space<vmem_shared>>
      tpu.wait_dma2 semaphore(%run_scoped3A : memref<!tpu.dma_semaphore, #tpu.memory_space<semaphore_mem>>) src(%arg8 : memref<32x128xf32, #tpu.memory_space<vmem>>) dst(%dma_wait3A_161 : memref<32x128xf32, #tpu.memory_space<vmem_shared>>)
      tpu.yield
    }) : () -> ()
    %mul3A_36 = arith.constant 640 : i32
    %mul3A_37 = arith.muli %arg1, %mul3A_36 : i32
    %add3A_38 = arith.constant 160 : i32
    %add3A_39 = arith.addi %mul3A_37, %add3A_38 : i32
    "tpu.region"() ({
      %run_scoped3A = tpu.sem_alloc : memref<!tpu.dma_semaphore, #tpu.memory_space<semaphore_mem>>
      %dma_start3A_154 = arith.constant 0 : i32
      %dma_start3A_155 = tpu.memref_slice %arg9[%add3A_39, %dma_start3A_154] : memref<10240x128xf32, #tpu.memory_space<vmem_shared>> -> memref<32x128xf32, #tpu.memory_space<vmem_shared>>
      %dma_start3A_156 = arith.constant 0 : i32
      %dma_start3A_157 = tpu.memref_slice %arg9[%add3A_39, %dma_start3A_156] : memref<10240x128xf32, #tpu.memory_space<vmem_shared>> -> memref<32x128xf32, #tpu.memory_space<vmem_shared>>
      tpu.enqueue_dma source(%arg8 : memref<32x128xf32, #tpu.memory_space<vmem>>) target(%dma_start3A_157 : memref<32x128xf32, #tpu.memory_space<vmem_shared>>) target_semaphore(%run_scoped3A : memref<!tpu.dma_semaphore, #tpu.memory_space<semaphore_mem>>)
      %dma_wait3A_158 = arith.constant 0 : i32
      %dma_wait3A_159 = tpu.memref_slice %arg9[%add3A_39, %dma_wait3A_158] : memref<10240x128xf32, #tpu.memory_space<vmem_shared>> -> memref<32x128xf32, #tpu.memory_space<vmem_shared>>
      %dma_wait3A_160 = arith.constant 0 : i32
      %dma_wait3A_161 = tpu.memref_slice %arg9[%add3A_39, %dma_wait3A_160] : memref<10240x128xf32, #tpu.memory_space<vmem_shared>> -> memref<32x128xf32, #tpu.memory_space<vmem_shared>>
      tpu.wait_dma2 semaphore(%run_scoped3A : memref<!tpu.dma_semaphore, #tpu.memory_space<semaphore_mem>>) src(%arg8 : memref<32x128xf32, #tpu.memory_space<vmem>>) dst(%dma_wait3A_161 : memref<32x128xf32, #tpu.memory_space<vmem_shared>>)
      tpu.yield
    }) : () -> ()
    %mul3A_40 = arith.constant 640 : i32
    %mul3A_41 = arith.muli %arg1, %mul3A_40 : i32
    %add3A_42 = arith.constant 192 : i32
    %add3A_43 = arith.addi %mul3A_41, %add3A_42 : i32
    "tpu.region"() ({
      %run_scoped3A = tpu.sem_alloc : memref<!tpu.dma_semaphore, #tpu.memory_space<semaphore_mem>>
      %dma_start3A_154 = arith.constant 0 : i32
      %dma_start3A_155 = tpu.memref_slice %arg9[%add3A_43, %dma_start3A_154] : memref<10240x128xf32, #tpu.memory_space<vmem_shared>> -> memref<32x128xf32, #tpu.memory_space<vmem_shared>>
      %dma_start3A_156 = arith.constant 0 : i32
      %dma_start3A_157 = tpu.memref_slice %arg9[%add3A_43, %dma_start3A_156] : memref<10240x128xf32, #tpu.memory_space<vmem_shared>> -> memref<32x128xf32, #tpu.memory_space<vmem_shared>>
      tpu.enqueue_dma source(%arg8 : memref<32x128xf32, #tpu.memory_space<vmem>>) target(%dma_start3A_157 : memref<32x128xf32, #tpu.memory_space<vmem_shared>>) target_semaphore(%run_scoped3A : memref<!tpu.dma_semaphore, #tpu.memory_space<semaphore_mem>>)
      %dma_wait3A_158 = arith.constant 0 : i32
      %dma_wait3A_159 = tpu.memref_slice %arg9[%add3A_43, %dma_wait3A_158] : memref<10240x128xf32, #tpu.memory_space<vmem_shared>> -> memref<32x128xf32, #tpu.memory_space<vmem_shared>>
      %dma_wait3A_160 = arith.constant 0 : i32
      %dma_wait3A_161 = tpu.memref_slice %arg9[%add3A_43, %dma_wait3A_160] : memref<10240x128xf32, #tpu.memory_space<vmem_shared>> -> memref<32x128xf32, #tpu.memory_space<vmem_shared>>
      tpu.wait_dma2 semaphore(%run_scoped3A : memref<!tpu.dma_semaphore, #tpu.memory_space<semaphore_mem>>) src(%arg8 : memref<32x128xf32, #tpu.memory_space<vmem>>) dst(%dma_wait3A_161 : memref<32x128xf32, #tpu.memory_space<vmem_shared>>)
      tpu.yield
    }) : () -> ()
    %mul3A_44 = arith.constant 640 : i32
    %mul3A_45 = arith.muli %arg1, %mul3A_44 : i32
    %add3A_46 = arith.constant 224 : i32
    %add3A_47 = arith.addi %mul3A_45, %add3A_46 : i32
    "tpu.region"() ({
      %run_scoped3A = tpu.sem_alloc : memref<!tpu.dma_semaphore, #tpu.memory_space<semaphore_mem>>
      %dma_start3A_154 = arith.constant 0 : i32
      %dma_start3A_155 = tpu.memref_slice %arg9[%add3A_47, %dma_start3A_154] : memref<10240x128xf32, #tpu.memory_space<vmem_shared>> -> memref<32x128xf32, #tpu.memory_space<vmem_shared>>
      %dma_start3A_156 = arith.constant 0 : i32
      %dma_start3A_157 = tpu.memref_slice %arg9[%add3A_47, %dma_start3A_156] : memref<10240x128xf32, #tpu.memory_space<vmem_shared>> -> memref<32x128xf32, #tpu.memory_space<vmem_shared>>
      tpu.enqueue_dma source(%arg8 : memref<32x128xf32, #tpu.memory_space<vmem>>) target(%dma_start3A_157 : memref<32x128xf32, #tpu.memory_space<vmem_shared>>) target_semaphore(%run_scoped3A : memref<!tpu.dma_semaphore, #tpu.memory_space<semaphore_mem>>)
      %dma_wait3A_158 = arith.constant 0 : i32
      %dma_wait3A_159 = tpu.memref_slice %arg9[%add3A_47, %dma_wait3A_158] : memref<10240x128xf32, #tpu.memory_space<vmem_shared>> -> memref<32x128xf32, #tpu.memory_space<vmem_shared>>
      %dma_wait3A_160 = arith.constant 0 : i32
      %dma_wait3A_161 = tpu.memref_slice %arg9[%add3A_47, %dma_wait3A_160] : memref<10240x128xf32, #tpu.memory_space<vmem_shared>> -> memref<32x128xf32, #tpu.memory_space<vmem_shared>>
      tpu.wait_dma2 semaphore(%run_scoped3A : memref<!tpu.dma_semaphore, #tpu.memory_space<semaphore_mem>>) src(%arg8 : memref<32x128xf32, #tpu.memory_space<vmem>>) dst(%dma_wait3A_161 : memref<32x128xf32, #tpu.memory_space<vmem_shared>>)
      tpu.yield
    }) : () -> ()
    %mul3A_48 = arith.constant 640 : i32
    %mul3A_49 = arith.muli %arg1, %mul3A_48 : i32
    %add3A_50 = arith.constant 256 : i32
    %add3A_51 = arith.addi %mul3A_49, %add3A_50 : i32
    "tpu.region"() ({
      %run_scoped3A = tpu.sem_alloc : memref<!tpu.dma_semaphore, #tpu.memory_space<semaphore_mem>>
      %dma_start3A_154 = arith.constant 0 : i32
      %dma_start3A_155 = tpu.memref_slice %arg9[%add3A_51, %dma_start3A_154] : memref<10240x128xf32, #tpu.memory_space<vmem_shared>> -> memref<32x128xf32, #tpu.memory_space<vmem_shared>>
      %dma_start3A_156 = arith.constant 0 : i32
      %dma_start3A_157 = tpu.memref_slice %arg9[%add3A_51, %dma_start3A_156] : memref<10240x128xf32, #tpu.memory_space<vmem_shared>> -> memref<32x128xf32, #tpu.memory_space<vmem_shared>>
      tpu.enqueue_dma source(%arg8 : memref<32x128xf32, #tpu.memory_space<vmem>>) target(%dma_start3A_157 : memref<32x128xf32, #tpu.memory_space<vmem_shared>>) target_semaphore(%run_scoped3A : memref<!tpu.dma_semaphore, #tpu.memory_space<semaphore_mem>>)
      %dma_wait3A_158 = arith.constant 0 : i32
      %dma_wait3A_159 = tpu.memref_slice %arg9[%add3A_51, %dma_wait3A_158] : memref<10240x128xf32, #tpu.memory_space<vmem_shared>> -> memref<32x128xf32, #tpu.memory_space<vmem_shared>>
      %dma_wait3A_160 = arith.constant 0 : i32
      %dma_wait3A_161 = tpu.memref_slice %arg9[%add3A_51, %dma_wait3A_160] : memref<10240x128xf32, #tpu.memory_space<vmem_shared>> -> memref<32x128xf32, #tpu.memory_space<vmem_shared>>
      tpu.wait_dma2 semaphore(%run_scoped3A : memref<!tpu.dma_semaphore, #tpu.memory_space<semaphore_mem>>) src(%arg8 : memref<32x128xf32, #tpu.memory_space<vmem>>) dst(%dma_wait3A_161 : memref<32x128xf32, #tpu.memory_space<vmem_shared>>)
      tpu.yield
    }) : () -> ()
    %mul3A_52 = arith.constant 640 : i32
    %mul3A_53 = arith.muli %arg1, %mul3A_52 : i32
    %add3A_54 = arith.constant 288 : i32
    %add3A_55 = arith.addi %mul3A_53, %add3A_54 : i32
    "tpu.region"() ({
      %run_scoped3A = tpu.sem_alloc : memref<!tpu.dma_semaphore, #tpu.memory_space<semaphore_mem>>
      %dma_start3A_154 = arith.constant 0 : i32
      %dma_start3A_155 = tpu.memref_slice %arg9[%add3A_55, %dma_start3A_154] : memref<10240x128xf32, #tpu.memory_space<vmem_shared>> -> memref<32x128xf32, #tpu.memory_space<vmem_shared>>
      %dma_start3A_156 = arith.constant 0 : i32
      %dma_start3A_157 = tpu.memref_slice %arg9[%add3A_55, %dma_start3A_156] : memref<10240x128xf32, #tpu.memory_space<vmem_shared>> -> memref<32x128xf32, #tpu.memory_space<vmem_shared>>
      tpu.enqueue_dma source(%arg8 : memref<32x128xf32, #tpu.memory_space<vmem>>) target(%dma_start3A_157 : memref<32x128xf32, #tpu.memory_space<vmem_shared>>) target_semaphore(%run_scoped3A : memref<!tpu.dma_semaphore, #tpu.memory_space<semaphore_mem>>)
      %dma_wait3A_158 = arith.constant 0 : i32
      %dma_wait3A_159 = tpu.memref_slice %arg9[%add3A_55, %dma_wait3A_158] : memref<10240x128xf32, #tpu.memory_space<vmem_shared>> -> memref<32x128xf32, #tpu.memory_space<vmem_shared>>
      %dma_wait3A_160 = arith.constant 0 : i32
      %dma_wait3A_161 = tpu.memref_slice %arg9[%add3A_55, %dma_wait3A_160] : memref<10240x128xf32, #tpu.memory_space<vmem_shared>> -> memref<32x128xf32, #tpu.memory_space<vmem_shared>>
      tpu.wait_dma2 semaphore(%run_scoped3A : memref<!tpu.dma_semaphore, #tpu.memory_space<semaphore_mem>>) src(%arg8 : memref<32x128xf32, #tpu.memory_space<vmem>>) dst(%dma_wait3A_161 : memref<32x128xf32, #tpu.memory_space<vmem_shared>>)
      tpu.yield
    }) : () -> ()
    %mul3A_56 = arith.constant 640 : i32
    %mul3A_57 = arith.muli %arg1, %mul3A_56 : i32
    %add3A_58 = arith.constant 320 : i32
    %add3A_59 = arith.addi %mul3A_57, %add3A_58 : i32
    "tpu.region"() ({
      %run_scoped3A = tpu.sem_alloc : memref<!tpu.dma_semaphore, #tpu.memory_space<semaphore_mem>>
      %dma_start3A_154 = arith.constant 0 : i32
      %dma_start3A_155 = tpu.memref_slice %arg9[%add3A_59, %dma_start3A_154] : memref<10240x128xf32, #tpu.memory_space<vmem_shared>> -> memref<32x128xf32, #tpu.memory_space<vmem_shared>>
      %dma_start3A_156 = arith.constant 0 : i32
      %dma_start3A_157 = tpu.memref_slice %arg9[%add3A_59, %dma_start3A_156] : memref<10240x128xf32, #tpu.memory_space<vmem_shared>> -> memref<32x128xf32, #tpu.memory_space<vmem_shared>>
      tpu.enqueue_dma source(%arg8 : memref<32x128xf32, #tpu.memory_space<vmem>>) target(%dma_start3A_157 : memref<32x128xf32, #tpu.memory_space<vmem_shared>>) target_semaphore(%run_scoped3A : memref<!tpu.dma_semaphore, #tpu.memory_space<semaphore_mem>>)
      %dma_wait3A_158 = arith.constant 0 : i32
      %dma_wait3A_159 = tpu.memref_slice %arg9[%add3A_59, %dma_wait3A_158] : memref<10240x128xf32, #tpu.memory_space<vmem_shared>> -> memref<32x128xf32, #tpu.memory_space<vmem_shared>>
      %dma_wait3A_160 = arith.constant 0 : i32
      %dma_wait3A_161 = tpu.memref_slice %arg9[%add3A_59, %dma_wait3A_160] : memref<10240x128xf32, #tpu.memory_space<vmem_shared>> -> memref<32x128xf32, #tpu.memory_space<vmem_shared>>
      tpu.wait_dma2 semaphore(%run_scoped3A : memref<!tpu.dma_semaphore, #tpu.memory_space<semaphore_mem>>) src(%arg8 : memref<32x128xf32, #tpu.memory_space<vmem>>) dst(%dma_wait3A_161 : memref<32x128xf32, #tpu.memory_space<vmem_shared>>)
      tpu.yield
    }) : () -> ()
    %mul3A_60 = arith.constant 640 : i32
    %mul3A_61 = arith.muli %arg1, %mul3A_60 : i32
    %add3A_62 = arith.constant 352 : i32
    %add3A_63 = arith.addi %mul3A_61, %add3A_62 : i32
    "tpu.region"() ({
      %run_scoped3A = tpu.sem_alloc : memref<!tpu.dma_semaphore, #tpu.memory_space<semaphore_mem>>
      %dma_start3A_154 = arith.constant 0 : i32
      %dma_start3A_155 = tpu.memref_slice %arg9[%add3A_63, %dma_start3A_154] : memref<10240x128xf32, #tpu.memory_space<vmem_shared>> -> memref<32x128xf32, #tpu.memory_space<vmem_shared>>
      %dma_start3A_156 = arith.constant 0 : i32
      %dma_start3A_157 = tpu.memref_slice %arg9[%add3A_63, %dma_start3A_156] : memref<10240x128xf32, #tpu.memory_space<vmem_shared>> -> memref<32x128xf32, #tpu.memory_space<vmem_shared>>
      tpu.enqueue_dma source(%arg8 : memref<32x128xf32, #tpu.memory_space<vmem>>) target(%dma_start3A_157 : memref<32x128xf32, #tpu.memory_space<vmem_shared>>) target_semaphore(%run_scoped3A : memref<!tpu.dma_semaphore, #tpu.memory_space<semaphore_mem>>)
      %dma_wait3A_158 = arith.constant 0 : i32
      %dma_wait3A_159 = tpu.memref_slice %arg9[%add3A_63, %dma_wait3A_158] : memref<10240x128xf32, #tpu.memory_space<vmem_shared>> -> memref<32x128xf32, #tpu.memory_space<vmem_shared>>
      %dma_wait3A_160 = arith.constant 0 : i32
      %dma_wait3A_161 = tpu.memref_slice %arg9[%add3A_63, %dma_wait3A_160] : memref<10240x128xf32, #tpu.memory_space<vmem_shared>> -> memref<32x128xf32, #tpu.memory_space<vmem_shared>>
      tpu.wait_dma2 semaphore(%run_scoped3A : memref<!tpu.dma_semaphore, #tpu.memory_space<semaphore_mem>>) src(%arg8 : memref<32x128xf32, #tpu.memory_space<vmem>>) dst(%dma_wait3A_161 : memref<32x128xf32, #tpu.memory_space<vmem_shared>>)
      tpu.yield
    }) : () -> ()
    %mul3A_64 = arith.constant 640 : i32
    %mul3A_65 = arith.muli %arg1, %mul3A_64 : i32
    %add3A_66 = arith.constant 384 : i32
    %add3A_67 = arith.addi %mul3A_65, %add3A_66 : i32
    "tpu.region"() ({
      %run_scoped3A = tpu.sem_alloc : memref<!tpu.dma_semaphore, #tpu.memory_space<semaphore_mem>>
      %dma_start3A_154 = arith.constant 0 : i32
      %dma_start3A_155 = tpu.memref_slice %arg9[%add3A_67, %dma_start3A_154] : memref<10240x128xf32, #tpu.memory_space<vmem_shared>> -> memref<32x128xf32, #tpu.memory_space<vmem_shared>>
      %dma_start3A_156 = arith.constant 0 : i32
      %dma_start3A_157 = tpu.memref_slice %arg9[%add3A_67, %dma_start3A_156] : memref<10240x128xf32, #tpu.memory_space<vmem_shared>> -> memref<32x128xf32, #tpu.memory_space<vmem_shared>>
      tpu.enqueue_dma source(%arg8 : memref<32x128xf32, #tpu.memory_space<vmem>>) target(%dma_start3A_157 : memref<32x128xf32, #tpu.memory_space<vmem_shared>>) target_semaphore(%run_scoped3A : memref<!tpu.dma_semaphore, #tpu.memory_space<semaphore_mem>>)
      %dma_wait3A_158 = arith.constant 0 : i32
      %dma_wait3A_159 = tpu.memref_slice %arg9[%add3A_67, %dma_wait3A_158] : memref<10240x128xf32, #tpu.memory_space<vmem_shared>> -> memref<32x128xf32, #tpu.memory_space<vmem_shared>>
      %dma_wait3A_160 = arith.constant 0 : i32
      %dma_wait3A_161 = tpu.memref_slice %arg9[%add3A_67, %dma_wait3A_160] : memref<10240x128xf32, #tpu.memory_space<vmem_shared>> -> memref<32x128xf32, #tpu.memory_space<vmem_shared>>
      tpu.wait_dma2 semaphore(%run_scoped3A : memref<!tpu.dma_semaphore, #tpu.memory_space<semaphore_mem>>) src(%arg8 : memref<32x128xf32, #tpu.memory_space<vmem>>) dst(%dma_wait3A_161 : memref<32x128xf32, #tpu.memory_space<vmem_shared>>)
      tpu.yield
    }) : () -> ()
    %mul3A_68 = arith.constant 640 : i32
    %mul3A_69 = arith.muli %arg1, %mul3A_68 : i32
    %add3A_70 = arith.constant 416 : i32
    %add3A_71 = arith.addi %mul3A_69, %add3A_70 : i32
    "tpu.region"() ({
      %run_scoped3A = tpu.sem_alloc : memref<!tpu.dma_semaphore, #tpu.memory_space<semaphore_mem>>
      %dma_start3A_154 = arith.constant 0 : i32
      %dma_start3A_155 = tpu.memref_slice %arg9[%add3A_71, %dma_start3A_154] : memref<10240x128xf32, #tpu.memory_space<vmem_shared>> -> memref<32x128xf32, #tpu.memory_space<vmem_shared>>
      %dma_start3A_156 = arith.constant 0 : i32
      %dma_start3A_157 = tpu.memref_slice %arg9[%add3A_71, %dma_start3A_156] : memref<10240x128xf32, #tpu.memory_space<vmem_shared>> -> memref<32x128xf32, #tpu.memory_space<vmem_shared>>
      tpu.enqueue_dma source(%arg8 : memref<32x128xf32, #tpu.memory_space<vmem>>) target(%dma_start3A_157 : memref<32x128xf32, #tpu.memory_space<vmem_shared>>) target_semaphore(%run_scoped3A : memref<!tpu.dma_semaphore, #tpu.memory_space<semaphore_mem>>)
      %dma_wait3A_158 = arith.constant 0 : i32
      %dma_wait3A_159 = tpu.memref_slice %arg9[%add3A_71, %dma_wait3A_158] : memref<10240x128xf32, #tpu.memory_space<vmem_shared>> -> memref<32x128xf32, #tpu.memory_space<vmem_shared>>
      %dma_wait3A_160 = arith.constant 0 : i32
      %dma_wait3A_161 = tpu.memref_slice %arg9[%add3A_71, %dma_wait3A_160] : memref<10240x128xf32, #tpu.memory_space<vmem_shared>> -> memref<32x128xf32, #tpu.memory_space<vmem_shared>>
      tpu.wait_dma2 semaphore(%run_scoped3A : memref<!tpu.dma_semaphore, #tpu.memory_space<semaphore_mem>>) src(%arg8 : memref<32x128xf32, #tpu.memory_space<vmem>>) dst(%dma_wait3A_161 : memref<32x128xf32, #tpu.memory_space<vmem_shared>>)
      tpu.yield
    }) : () -> ()
    %mul3A_72 = arith.constant 640 : i32
    %mul3A_73 = arith.muli %arg1, %mul3A_72 : i32
    %add3A_74 = arith.constant 448 : i32
    %add3A_75 = arith.addi %mul3A_73, %add3A_74 : i32
    "tpu.region"() ({
      %run_scoped3A = tpu.sem_alloc : memref<!tpu.dma_semaphore, #tpu.memory_space<semaphore_mem>>
      %dma_start3A_154 = arith.constant 0 : i32
      %dma_start3A_155 = tpu.memref_slice %arg9[%add3A_75, %dma_start3A_154] : memref<10240x128xf32, #tpu.memory_space<vmem_shared>> -> memref<32x128xf32, #tpu.memory_space<vmem_shared>>
      %dma_start3A_156 = arith.constant 0 : i32
      %dma_start3A_157 = tpu.memref_slice %arg9[%add3A_75, %dma_start3A_156] : memref<10240x128xf32, #tpu.memory_space<vmem_shared>> -> memref<32x128xf32, #tpu.memory_space<vmem_shared>>
      tpu.enqueue_dma source(%arg8 : memref<32x128xf32, #tpu.memory_space<vmem>>) target(%dma_start3A_157 : memref<32x128xf32, #tpu.memory_space<vmem_shared>>) target_semaphore(%run_scoped3A : memref<!tpu.dma_semaphore, #tpu.memory_space<semaphore_mem>>)
      %dma_wait3A_158 = arith.constant 0 : i32
      %dma_wait3A_159 = tpu.memref_slice %arg9[%add3A_75, %dma_wait3A_158] : memref<10240x128xf32, #tpu.memory_space<vmem_shared>> -> memref<32x128xf32, #tpu.memory_space<vmem_shared>>
      %dma_wait3A_160 = arith.constant 0 : i32
      %dma_wait3A_161 = tpu.memref_slice %arg9[%add3A_75, %dma_wait3A_160] : memref<10240x128xf32, #tpu.memory_space<vmem_shared>> -> memref<32x128xf32, #tpu.memory_space<vmem_shared>>
      tpu.wait_dma2 semaphore(%run_scoped3A : memref<!tpu.dma_semaphore, #tpu.memory_space<semaphore_mem>>) src(%arg8 : memref<32x128xf32, #tpu.memory_space<vmem>>) dst(%dma_wait3A_161 : memref<32x128xf32, #tpu.memory_space<vmem_shared>>)
      tpu.yield
    }) : () -> ()
    %mul3A_76 = arith.constant 640 : i32
    %mul3A_77 = arith.muli %arg1, %mul3A_76 : i32
    %add3A_78 = arith.constant 480 : i32
    %add3A_79 = arith.addi %mul3A_77, %add3A_78 : i32
    "tpu.region"() ({
      %run_scoped3A = tpu.sem_alloc : memref<!tpu.dma_semaphore, #tpu.memory_space<semaphore_mem>>
      %dma_start3A_154 = arith.constant 0 : i32
      %dma_start3A_155 = tpu.memref_slice %arg9[%add3A_79, %dma_start3A_154] : memref<10240x128xf32, #tpu.memory_space<vmem_shared>> -> memref<32x128xf32, #tpu.memory_space<vmem_shared>>
      %dma_start3A_156 = arith.constant 0 : i32
      %dma_start3A_157 = tpu.memref_slice %arg9[%add3A_79, %dma_start3A_156] : memref<10240x128xf32, #tpu.memory_space<vmem_shared>> -> memref<32x128xf32, #tpu.memory_space<vmem_shared>>
      tpu.enqueue_dma source(%arg8 : memref<32x128xf32, #tpu.memory_space<vmem>>) target(%dma_start3A_157 : memref<32x128xf32, #tpu.memory_space<vmem_shared>>) target_semaphore(%run_scoped3A : memref<!tpu.dma_semaphore, #tpu.memory_space<semaphore_mem>>)
      %dma_wait3A_158 = arith.constant 0 : i32
      %dma_wait3A_159 = tpu.memref_slice %arg9[%add3A_79, %dma_wait3A_158] : memref<10240x128xf32, #tpu.memory_space<vmem_shared>> -> memref<32x128xf32, #tpu.memory_space<vmem_shared>>
      %dma_wait3A_160 = arith.constant 0 : i32
      %dma_wait3A_161 = tpu.memref_slice %arg9[%add3A_79, %dma_wait3A_160] : memref<10240x128xf32, #tpu.memory_space<vmem_shared>> -> memref<32x128xf32, #tpu.memory_space<vmem_shared>>
      tpu.wait_dma2 semaphore(%run_scoped3A : memref<!tpu.dma_semaphore, #tpu.memory_space<semaphore_mem>>) src(%arg8 : memref<32x128xf32, #tpu.memory_space<vmem>>) dst(%dma_wait3A_161 : memref<32x128xf32, #tpu.memory_space<vmem_shared>>)
      tpu.yield
    }) : () -> ()
    %mul3A_80 = arith.constant 640 : i32
    %mul3A_81 = arith.muli %arg1, %mul3A_80 : i32
    %add3A_82 = arith.constant 512 : i32
    %add3A_83 = arith.addi %mul3A_81, %add3A_82 : i32
    "tpu.region"() ({
      %run_scoped3A = tpu.sem_alloc : memref<!tpu.dma_semaphore, #tpu.memory_space<semaphore_mem>>
      %dma_start3A_154 = arith.constant 0 : i32
      %dma_start3A_155 = tpu.memref_slice %arg9[%add3A_83, %dma_start3A_154] : memref<10240x128xf32, #tpu.memory_space<vmem_shared>> -> memref<32x128xf32, #tpu.memory_space<vmem_shared>>
      %dma_start3A_156 = arith.constant 0 : i32
      %dma_start3A_157 = tpu.memref_slice %arg9[%add3A_83, %dma_start3A_156] : memref<10240x128xf32, #tpu.memory_space<vmem_shared>> -> memref<32x128xf32, #tpu.memory_space<vmem_shared>>
      tpu.enqueue_dma source(%arg8 : memref<32x128xf32, #tpu.memory_space<vmem>>) target(%dma_start3A_157 : memref<32x128xf32, #tpu.memory_space<vmem_shared>>) target_semaphore(%run_scoped3A : memref<!tpu.dma_semaphore, #tpu.memory_space<semaphore_mem>>)
      %dma_wait3A_158 = arith.constant 0 : i32
      %dma_wait3A_159 = tpu.memref_slice %arg9[%add3A_83, %dma_wait3A_158] : memref<10240x128xf32, #tpu.memory_space<vmem_shared>> -> memref<32x128xf32, #tpu.memory_space<vmem_shared>>
      %dma_wait3A_160 = arith.constant 0 : i32
      %dma_wait3A_161 = tpu.memref_slice %arg9[%add3A_83, %dma_wait3A_160] : memref<10240x128xf32, #tpu.memory_space<vmem_shared>> -> memref<32x128xf32, #tpu.memory_space<vmem_shared>>
      tpu.wait_dma2 semaphore(%run_scoped3A : memref<!tpu.dma_semaphore, #tpu.memory_space<semaphore_mem>>) src(%arg8 : memref<32x128xf32, #tpu.memory_space<vmem>>) dst(%dma_wait3A_161 : memref<32x128xf32, #tpu.memory_space<vmem_shared>>)
      tpu.yield
    }) : () -> ()
    %mul3A_84 = arith.constant 640 : i32
    %mul3A_85 = arith.muli %arg1, %mul3A_84 : i32
    %add3A_86 = arith.constant 544 : i32
    %add3A_87 = arith.addi %mul3A_85, %add3A_86 : i32
    "tpu.region"() ({
      %run_scoped3A = tpu.sem_alloc : memref<!tpu.dma_semaphore, #tpu.memory_space<semaphore_mem>>
      %dma_start3A_154 = arith.constant 0 : i32
      %dma_start3A_155 = tpu.memref_slice %arg9[%add3A_87, %dma_start3A_154] : memref<10240x128xf32, #tpu.memory_space<vmem_shared>> -> memref<32x128xf32, #tpu.memory_space<vmem_shared>>
      %dma_start3A_156 = arith.constant 0 : i32
      %dma_start3A_157 = tpu.memref_slice %arg9[%add3A_87, %dma_start3A_156] : memref<10240x128xf32, #tpu.memory_space<vmem_shared>> -> memref<32x128xf32, #tpu.memory_space<vmem_shared>>
      tpu.enqueue_dma source(%arg8 : memref<32x128xf32, #tpu.memory_space<vmem>>) target(%dma_start3A_157 : memref<32x128xf32, #tpu.memory_space<vmem_shared>>) target_semaphore(%run_scoped3A : memref<!tpu.dma_semaphore, #tpu.memory_space<semaphore_mem>>)
      %dma_wait3A_158 = arith.constant 0 : i32
      %dma_wait3A_159 = tpu.memref_slice %arg9[%add3A_87, %dma_wait3A_158] : memref<10240x128xf32, #tpu.memory_space<vmem_shared>> -> memref<32x128xf32, #tpu.memory_space<vmem_shared>>
      %dma_wait3A_160 = arith.constant 0 : i32
      %dma_wait3A_161 = tpu.memref_slice %arg9[%add3A_87, %dma_wait3A_160] : memref<10240x128xf32, #tpu.memory_space<vmem_shared>> -> memref<32x128xf32, #tpu.memory_space<vmem_shared>>
      tpu.wait_dma2 semaphore(%run_scoped3A : memref<!tpu.dma_semaphore, #tpu.memory_space<semaphore_mem>>) src(%arg8 : memref<32x128xf32, #tpu.memory_space<vmem>>) dst(%dma_wait3A_161 : memref<32x128xf32, #tpu.memory_space<vmem_shared>>)
      tpu.yield
    }) : () -> ()
    %mul3A_88 = arith.constant 640 : i32
    %mul3A_89 = arith.muli %arg1, %mul3A_88 : i32
    %add3A_90 = arith.constant 576 : i32
    %add3A_91 = arith.addi %mul3A_89, %add3A_90 : i32
    "tpu.region"() ({
      %run_scoped3A = tpu.sem_alloc : memref<!tpu.dma_semaphore, #tpu.memory_space<semaphore_mem>>
      %dma_start3A_154 = arith.constant 0 : i32
      %dma_start3A_155 = tpu.memref_slice %arg9[%add3A_91, %dma_start3A_154] : memref<10240x128xf32, #tpu.memory_space<vmem_shared>> -> memref<32x128xf32, #tpu.memory_space<vmem_shared>>
      %dma_start3A_156 = arith.constant 0 : i32
      %dma_start3A_157 = tpu.memref_slice %arg9[%add3A_91, %dma_start3A_156] : memref<10240x128xf32, #tpu.memory_space<vmem_shared>> -> memref<32x128xf32, #tpu.memory_space<vmem_shared>>
      tpu.enqueue_dma source(%arg8 : memref<32x128xf32, #tpu.memory_space<vmem>>) target(%dma_start3A_157 : memref<32x128xf32, #tpu.memory_space<vmem_shared>>) target_semaphore(%run_scoped3A : memref<!tpu.dma_semaphore, #tpu.memory_space<semaphore_mem>>)
      %dma_wait3A_158 = arith.constant 0 : i32
      %dma_wait3A_159 = tpu.memref_slice %arg9[%add3A_91, %dma_wait3A_158] : memref<10240x128xf32, #tpu.memory_space<vmem_shared>> -> memref<32x128xf32, #tpu.memory_space<vmem_shared>>
      %dma_wait3A_160 = arith.constant 0 : i32
      %dma_wait3A_161 = tpu.memref_slice %arg9[%add3A_91, %dma_wait3A_160] : memref<10240x128xf32, #tpu.memory_space<vmem_shared>> -> memref<32x128xf32, #tpu.memory_space<vmem_shared>>
      tpu.wait_dma2 semaphore(%run_scoped3A : memref<!tpu.dma_semaphore, #tpu.memory_space<semaphore_mem>>) src(%arg8 : memref<32x128xf32, #tpu.memory_space<vmem>>) dst(%dma_wait3A_161 : memref<32x128xf32, #tpu.memory_space<vmem_shared>>)
      tpu.yield
    }) : () -> ()
    %mul3A_92 = arith.constant 640 : i32
    %mul3A_93 = arith.muli %arg1, %mul3A_92 : i32
    %add3A_94 = arith.constant 608 : i32
    %add3A_95 = arith.addi %mul3A_93, %add3A_94 : i32
    "tpu.region"() ({
      %run_scoped3A = tpu.sem_alloc : memref<!tpu.dma_semaphore, #tpu.memory_space<semaphore_mem>>
      %dma_start3A_154 = arith.constant 0 : i32
      %dma_start3A_155 = tpu.memref_slice %arg9[%add3A_95, %dma_start3A_154] : memref<10240x128xf32, #tpu.memory_space<vmem_shared>> -> memref<32x128xf32, #tpu.memory_space<vmem_shared>>
      %dma_start3A_156 = arith.constant 0 : i32
      %dma_start3A_157 = tpu.memref_slice %arg9[%add3A_95, %dma_start3A_156] : memref<10240x128xf32, #tpu.memory_space<vmem_shared>> -> memref<32x128xf32, #tpu.memory_space<vmem_shared>>
      tpu.enqueue_dma source(%arg8 : memref<32x128xf32, #tpu.memory_space<vmem>>) target(%dma_start3A_157 : memref<32x128xf32, #tpu.memory_space<vmem_shared>>) target_semaphore(%run_scoped3A : memref<!tpu.dma_semaphore, #tpu.memory_space<semaphore_mem>>)
      %dma_wait3A_158 = arith.constant 0 : i32
      %dma_wait3A_159 = tpu.memref_slice %arg9[%add3A_95, %dma_wait3A_158] : memref<10240x128xf32, #tpu.memory_space<vmem_shared>> -> memref<32x128xf32, #tpu.memory_space<vmem_shared>>
      %dma_wait3A_160 = arith.constant 0 : i32
      %dma_wait3A_161 = tpu.memref_slice %arg9[%add3A_95, %dma_wait3A_160] : memref<10240x128xf32, #tpu.memory_space<vmem_shared>> -> memref<32x128xf32, #tpu.memory_space<vmem_shared>>
      tpu.wait_dma2 semaphore(%run_scoped3A : memref<!tpu.dma_semaphore, #tpu.memory_space<semaphore_mem>>) src(%arg8 : memref<32x128xf32, #tpu.memory_space<vmem>>) dst(%dma_wait3A_161 : memref<32x128xf32, #tpu.memory_space<vmem_shared>>)
      tpu.yield
    }) : () -> ()
    %dma_wait3A = arith.constant 0 : i32
    %dma_wait3A_96 = arith.constant 0 : i32
    %dma_wait3A_97 = arith.constant 0 : i32
    %dma_wait3A_98 = tpu.memref_slice %arg3[%dma_wait3A_96, %dma_wait3A_97] : memref<2560x128xi32, #tpu.memory_space<hbm>> -> memref<80x128xi32, #tpu.memory_space<hbm>>
    %dma_wait3A_99 = tpu.memref_slice %arg10[%dma_wait3A] : memref<2x!tpu.dma_semaphore, #tpu.memory_space<semaphore_mem>> -> memref<1x!tpu.dma_semaphore, #tpu.memory_space<semaphore_mem>>
    %dma_wait3A_100 = tpu.memref_squeeze %dma_wait3A_99 : memref<1x!tpu.dma_semaphore, #tpu.memory_space<semaphore_mem>> -> memref<!tpu.dma_semaphore, #tpu.memory_space<semaphore_mem>>
    %dma_wait3A_101 = arith.constant 0 : i32
    %dma_wait3A_102 = arith.constant 0 : i32
    %dma_wait3A_103 = tpu.memref_slice %arg3[%dma_wait3A_101, %dma_wait3A_102] : memref<2560x128xi32, #tpu.memory_space<hbm>> -> memref<80x128xi32, #tpu.memory_space<hbm>>
    tpu.wait_dma2 semaphore(%dma_wait3A_100 : memref<!tpu.dma_semaphore, #tpu.memory_space<semaphore_mem>>) src(%dma_wait3A_103 : memref<80x128xi32, #tpu.memory_space<hbm>>) dst(%arg6 : memref<80x128xi32, #tpu.memory_space<vmem>>)
    %barrier3A = arith.constant 0 : index
    tpu.barrier barrier_id(%barrier3A)
    %add3A_104 = arith.constant 0 : i32
    %add3A_105 = arith.addi %mul3A_4, %add3A_104 : i32
    %dma_start3A_106 = arith.constant 0 : i32
    %dma_start3A_107 = arith.constant 0 : i32
    %dma_start3A_108 = arith.constant 0 : i32
    %dma_start3A_109 = arith.constant 0 : i32
    %dma_start3A_110 = tpu.memref_slice %arg7[%dma_start3A_106, %dma_start3A_108, %dma_start3A_109] : memref<2x128x128xf32, #tpu.memory_space<vmem>> -> memref<1x128x128xf32, #tpu.memory_space<vmem>>
    %dma_start3A_111 = tpu.memref_squeeze %dma_start3A_110 : memref<1x128x128xf32, #tpu.memory_space<vmem>> -> memref<128x128xf32, #tpu.memory_space<vmem>>
    %dma_start3A_112 = arith.constant 0 : i32
    %dma_start3A_113 = tpu.memref_slice %arg2[%add3A_105, %dma_start3A_112] : memref<327680x128xf32, #tpu.memory_space<hbm>> -> memref<128x128xf32, #tpu.memory_space<hbm>>
    %dma_start3A_114 = tpu.memref_slice %arg10[%dma_start3A_107] : memref<2x!tpu.dma_semaphore, #tpu.memory_space<semaphore_mem>> -> memref<1x!tpu.dma_semaphore, #tpu.memory_space<semaphore_mem>>
    %dma_start3A_115 = tpu.memref_squeeze %dma_start3A_114 : memref<1x!tpu.dma_semaphore, #tpu.memory_space<semaphore_mem>> -> memref<!tpu.dma_semaphore, #tpu.memory_space<semaphore_mem>>
    %dma_start3A_116 = arith.constant 0 : i32
    %dma_start3A_117 = arith.constant 0 : i32
    %dma_start3A_118 = tpu.memref_slice %arg7[%dma_start3A_106, %dma_start3A_116, %dma_start3A_117] : memref<2x128x128xf32, #tpu.memory_space<vmem>> -> memref<1x128x128xf32, #tpu.memory_space<vmem>>
    %dma_start3A_119 = tpu.memref_squeeze %dma_start3A_118 : memref<1x128x128xf32, #tpu.memory_space<vmem>> -> memref<128x128xf32, #tpu.memory_space<vmem>>
    %dma_start3A_120 = arith.constant 0 : i32
    %dma_start3A_121 = tpu.memref_slice %arg2[%add3A_105, %dma_start3A_120] : memref<327680x128xf32, #tpu.memory_space<hbm>> -> memref<128x128xf32, #tpu.memory_space<hbm>>
    tpu.enqueue_dma source(%dma_start3A_121 : memref<128x128xf32, #tpu.memory_space<hbm>>) target(%dma_start3A_119 : memref<128x128xf32, #tpu.memory_space<vmem>>) target_semaphore(%dma_start3A_115 : memref<!tpu.dma_semaphore, #tpu.memory_space<semaphore_mem>>)
    %add3A_122 = arith.constant 128 : i32
    %add3A_123 = arith.addi %mul3A_4, %add3A_122 : i32
    %dma_start3A_124 = arith.constant 1 : i32
    %dma_start3A_125 = arith.constant 1 : i32
    %dma_start3A_126 = arith.constant 0 : i32
    %dma_start3A_127 = arith.constant 0 : i32
    %dma_start3A_128 = tpu.memref_slice %arg7[%dma_start3A_124, %dma_start3A_126, %dma_start3A_127] : memref<2x128x128xf32, #tpu.memory_space<vmem>> -> memref<1x128x128xf32, #tpu.memory_space<vmem>>
    %dma_start3A_129 = tpu.memref_squeeze %dma_start3A_128 : memref<1x128x128xf32, #tpu.memory_space<vmem>> -> memref<128x128xf32, #tpu.memory_space<vmem>>
    %dma_start3A_130 = arith.constant 0 : i32
    %dma_start3A_131 = tpu.memref_slice %arg2[%add3A_123, %dma_start3A_130] : memref<327680x128xf32, #tpu.memory_space<hbm>> -> memref<128x128xf32, #tpu.memory_space<hbm>>
    %dma_start3A_132 = tpu.memref_slice %arg10[%dma_start3A_125] : memref<2x!tpu.dma_semaphore, #tpu.memory_space<semaphore_mem>> -> memref<1x!tpu.dma_semaphore, #tpu.memory_space<semaphore_mem>>
    %dma_start3A_133 = tpu.memref_squeeze %dma_start3A_132 : memref<1x!tpu.dma_semaphore, #tpu.memory_space<semaphore_mem>> -> memref<!tpu.dma_semaphore, #tpu.memory_space<semaphore_mem>>
    %dma_start3A_134 = arith.constant 0 : i32
    %dma_start3A_135 = arith.constant 0 : i32
    %dma_start3A_136 = tpu.memref_slice %arg7[%dma_start3A_124, %dma_start3A_134, %dma_start3A_135] : memref<2x128x128xf32, #tpu.memory_space<vmem>> -> memref<1x128x128xf32, #tpu.memory_space<vmem>>
    %dma_start3A_137 = tpu.memref_squeeze %dma_start3A_136 : memref<1x128x128xf32, #tpu.memory_space<vmem>> -> memref<128x128xf32, #tpu.memory_space<vmem>>
    %dma_start3A_138 = arith.constant 0 : i32
    %dma_start3A_139 = tpu.memref_slice %arg2[%add3A_123, %dma_start3A_138] : memref<327680x128xf32, #tpu.memory_space<hbm>> -> memref<128x128xf32, #tpu.memory_space<hbm>>
    tpu.enqueue_dma source(%dma_start3A_139 : memref<128x128xf32, #tpu.memory_space<hbm>>) target(%dma_start3A_137 : memref<128x128xf32, #tpu.memory_space<vmem>>) target_semaphore(%dma_start3A_133 : memref<!tpu.dma_semaphore, #tpu.memory_space<semaphore_mem>>)
    %scan3A_140 = arith.constant 0 : i32
    %scan3A_141 = arith.constant 0 : i32
    %scan3A_142 = arith.constant 40 : i32
    %scan3A_143 = arith.addi %scan3A_141, %scan3A_142 : i32
    %scan3A_144 = arith.constant 1 : i32
    scf.for %scan3A_154 = %scan3A_141 to %scan3A_143 step %scan3A_144  : i32 {
      %mul3A_155 = arith.constant 2 : i32
      %mul3A_156 = arith.muli %mul3A_155, %scan3A_154 : i32
      %add3A_157 = arith.constant 0 : i32
      %add3A_158 = arith.addi %mul3A_156, %add3A_157 : i32
      %dma_wait3A_159 = arith.constant 0 : i32
      %dma_wait3A_160 = arith.constant 0 : i32
      %dma_wait3A_161 = arith.constant 0 : i32
      %dma_wait3A_162 = arith.constant 0 : i32
      %dma_wait3A_163 = tpu.memref_slice %arg7[%dma_wait3A_159, %dma_wait3A_161, %dma_wait3A_162] : memref<2x128x128xf32, #tpu.memory_space<vmem>> -> memref<1x128x128xf32, #tpu.memory_space<vmem>>
      %dma_wait3A_164 = tpu.memref_squeeze %dma_wait3A_163 : memref<1x128x128xf32, #tpu.memory_space<vmem>> -> memref<128x128xf32, #tpu.memory_space<vmem>>
      %dma_wait3A_165 = arith.constant 0 : i32
      %dma_wait3A_166 = arith.constant 0 : i32
      %dma_wait3A_167 = tpu.memref_slice %arg2[%dma_wait3A_165, %dma_wait3A_166] : memref<327680x128xf32, #tpu.memory_space<hbm>> -> memref<128x128xf32, #tpu.memory_space<hbm>>
      %dma_wait3A_168 = tpu.memref_slice %arg10[%dma_wait3A_160] : memref<2x!tpu.dma_semaphore, #tpu.memory_space<semaphore_mem>> -> memref<1x!tpu.dma_semaphore, #tpu.memory_space<semaphore_mem>>
      %dma_wait3A_169 = tpu.memref_squeeze %dma_wait3A_168 : memref<1x!tpu.dma_semaphore, #tpu.memory_space<semaphore_mem>> -> memref<!tpu.dma_semaphore, #tpu.memory_space<semaphore_mem>>
      %dma_wait3A_170 = arith.constant 0 : i32
      %dma_wait3A_171 = arith.constant 0 : i32
      %dma_wait3A_172 = tpu.memref_slice %arg7[%dma_wait3A_159, %dma_wait3A_170, %dma_wait3A_171] : memref<2x128x128xf32, #tpu.memory_space<vmem>> -> memref<1x128x128xf32, #tpu.memory_space<vmem>>
      %dma_wait3A_173 = tpu.memref_squeeze %dma_wait3A_172 : memref<1x128x128xf32, #tpu.memory_space<vmem>> -> memref<128x128xf32, #tpu.memory_space<vmem>>
      %dma_wait3A_174 = arith.constant 0 : i32
      %dma_wait3A_175 = arith.constant 0 : i32
      %dma_wait3A_176 = tpu.memref_slice %arg2[%dma_wait3A_174, %dma_wait3A_175] : memref<327680x128xf32, #tpu.memory_space<hbm>> -> memref<128x128xf32, #tpu.memory_space<hbm>>
      tpu.wait_dma2 semaphore(%dma_wait3A_169 : memref<!tpu.dma_semaphore, #tpu.memory_space<semaphore_mem>>) src(%dma_wait3A_176 : memref<128x128xf32, #tpu.memory_space<hbm>>) dst(%dma_wait3A_173 : memref<128x128xf32, #tpu.memory_space<vmem>>)
      %run_scoped3A = arith.constant 0 : i32
      "tpu.region"() ({
        %run_scoped3A_213 = tpu.sem_alloc : memref<!tpu.dma_semaphore, #tpu.memory_space<semaphore_mem>>
        %dma_start3A_214 = arith.constant 0 : i32
        %dma_start3A_215 = arith.constant 0 : i32
        %dma_start3A_216 = tpu.memref_slice %arg7[%run_scoped3A, %dma_start3A_214, %dma_start3A_215] : memref<2x128x128xf32, #tpu.memory_space<vmem>> -> memref<1x128x128xf32, #tpu.memory_space<vmem>>
        %dma_start3A_217 = tpu.memref_squeeze %dma_start3A_216 : memref<1x128x128xf32, #tpu.memory_space<vmem>> -> memref<128x128xf32, #tpu.memory_space<vmem>>
        %dma_start3A_218 = arith.constant 0 : i32
        %dma_start3A_219 = tpu.memref_slice %arg6[%add3A_158, %dma_start3A_218] : memref<80x128xi32, #tpu.memory_space<vmem>> -> memref<1x128xi32, #tpu.memory_space<vmem>>
        %dma_start3A_220 = tpu.memref_squeeze %dma_start3A_219 : memref<1x128xi32, #tpu.memory_space<vmem>> -> memref<128xi32, #tpu.memory_space<vmem>>
        %dma_start3A_221 = arith.constant 0 : i32
        %dma_start3A_222 = arith.constant 0 : i32
        %dma_start3A_223 = tpu.memref_slice %arg9[%dma_start3A_221, %dma_start3A_222] : memref<10240x128xf32, #tpu.memory_space<vmem_shared>> -> memref<10240x128xf32, #tpu.memory_space<vmem_shared>>
        tpu.enqueue_indirect_dma source(%dma_start3A_217 : memref<128x128xf32, #tpu.memory_space<vmem>>) target(%dma_start3A_223 : memref<10240x128xf32, #tpu.memory_space<vmem_shared>>) offsets(%dma_start3A_220 : memref<128xi32, #tpu.memory_space<vmem>>) semaphore(%run_scoped3A_213 : memref<!tpu.dma_semaphore, #tpu.memory_space<semaphore_mem>>) {add = true}
        %dma_wait3A_224 = arith.constant 0 : i32
        %dma_wait3A_225 = arith.constant 0 : i32
        %dma_wait3A_226 = tpu.memref_slice %arg7[%run_scoped3A, %dma_wait3A_224, %dma_wait3A_225] : memref<2x128x128xf32, #tpu.memory_space<vmem>> -> memref<1x128x128xf32, #tpu.memory_space<vmem>>
        %dma_wait3A_227 = tpu.memref_squeeze %dma_wait3A_226 : memref<1x128x128xf32, #tpu.memory_space<vmem>> -> memref<128x128xf32, #tpu.memory_space<vmem>>
        %dma_wait3A_228 = arith.constant 0 : i32
        %dma_wait3A_229 = tpu.memref_slice %arg6[%add3A_158, %dma_wait3A_228] : memref<80x128xi32, #tpu.memory_space<vmem>> -> memref<1x128xi32, #tpu.memory_space<vmem>>
        %dma_wait3A_230 = tpu.memref_squeeze %dma_wait3A_229 : memref<1x128xi32, #tpu.memory_space<vmem>> -> memref<128xi32, #tpu.memory_space<vmem>>
        %dma_wait3A_231 = arith.constant 0 : i32
        %dma_wait3A_232 = arith.constant 0 : i32
        %dma_wait3A_233 = tpu.memref_slice %arg9[%dma_wait3A_231, %dma_wait3A_232] : memref<10240x128xf32, #tpu.memory_space<vmem_shared>> -> memref<10240x128xf32, #tpu.memory_space<vmem_shared>>
        tpu.wait_indirect_dma semaphore(%run_scoped3A_213 : memref<!tpu.dma_semaphore, #tpu.memory_space<semaphore_mem>>) src(%dma_wait3A_227 : memref<128x128xf32, #tpu.memory_space<vmem>>) dst(%dma_wait3A_233 : memref<10240x128xf32, #tpu.memory_space<vmem_shared>>)
        tpu.yield
      }) : () -> ()
      %add3A_177 = arith.constant 2 : i32
      %add3A_178 = arith.addi %add3A_158, %add3A_177 : i32
      %lt3A = arith.constant 80 : i32
      %lt3A_179 = arith.cmpi slt, %add3A_178, %lt3A : i32
      %convert_element_type3A_180 = arith.extui %lt3A_179 : i1 to i32
      %cond3A_181 = arith.constant 0 : i32
      %cond3A_182 = arith.cmpi ne, %convert_element_type3A_180, %cond3A_181 : i32
      scf.if %cond3A_182 {
        %add3A_213 = arith.constant 2 : i32
        %add3A_214 = arith.addi %add3A_158, %add3A_213 : i32
        %mul3A_215 = arith.constant 128 : i32
        %mul3A_216 = arith.muli %add3A_214, %mul3A_215 : i32
        %add3A_217 = arith.addi %mul3A_4, %mul3A_216 : i32
        %dma_start3A_218 = arith.constant 0 : i32
        %dma_start3A_219 = arith.constant 0 : i32
        %dma_start3A_220 = arith.constant 0 : i32
        %dma_start3A_221 = arith.constant 0 : i32
        %dma_start3A_222 = tpu.memref_slice %arg7[%dma_start3A_218, %dma_start3A_220, %dma_start3A_221] : memref<2x128x128xf32, #tpu.memory_space<vmem>> -> memref<1x128x128xf32, #tpu.memory_space<vmem>>
        %dma_start3A_223 = tpu.memref_squeeze %dma_start3A_222 : memref<1x128x128xf32, #tpu.memory_space<vmem>> -> memref<128x128xf32, #tpu.memory_space<vmem>>
        %dma_start3A_224 = arith.constant 0 : i32
        %dma_start3A_225 = tpu.memref_slice %arg2[%add3A_217, %dma_start3A_224] : memref<327680x128xf32, #tpu.memory_space<hbm>> -> memref<128x128xf32, #tpu.memory_space<hbm>>
        %dma_start3A_226 = tpu.memref_slice %arg10[%dma_start3A_219] : memref<2x!tpu.dma_semaphore, #tpu.memory_space<semaphore_mem>> -> memref<1x!tpu.dma_semaphore, #tpu.memory_space<semaphore_mem>>
        %dma_start3A_227 = tpu.memref_squeeze %dma_start3A_226 : memref<1x!tpu.dma_semaphore, #tpu.memory_space<semaphore_mem>> -> memref<!tpu.dma_semaphore, #tpu.memory_space<semaphore_mem>>
        %dma_start3A_228 = arith.constant 0 : i32
        %dma_start3A_229 = arith.constant 0 : i32
        %dma_start3A_230 = tpu.memref_slice %arg7[%dma_start3A_218, %dma_start3A_228, %dma_start3A_229] : memref<2x128x128xf32, #tpu.memory_space<vmem>> -> memref<1x128x128xf32, #tpu.memory_space<vmem>>
        %dma_start3A_231 = tpu.memref_squeeze %dma_start3A_230 : memref<1x128x128xf32, #tpu.memory_space<vmem>> -> memref<128x128xf32, #tpu.memory_space<vmem>>
        %dma_start3A_232 = arith.constant 0 : i32
        %dma_start3A_233 = tpu.memref_slice %arg2[%add3A_217, %dma_start3A_232] : memref<327680x128xf32, #tpu.memory_space<hbm>> -> memref<128x128xf32, #tpu.memory_space<hbm>>
        tpu.enqueue_dma source(%dma_start3A_233 : memref<128x128xf32, #tpu.memory_space<hbm>>) target(%dma_start3A_231 : memref<128x128xf32, #tpu.memory_space<vmem>>) target_semaphore(%dma_start3A_227 : memref<!tpu.dma_semaphore, #tpu.memory_space<semaphore_mem>>)
      } else {
      }
      %mul3A_183 = arith.constant 2 : i32
      %mul3A_184 = arith.muli %mul3A_183, %scan3A_154 : i32
      %add3A_185 = arith.constant 1 : i32
      %add3A_186 = arith.addi %mul3A_184, %add3A_185 : i32
      %dma_wait3A_187 = arith.constant 1 : i32
      %dma_wait3A_188 = arith.constant 1 : i32
      %dma_wait3A_189 = arith.constant 0 : i32
      %dma_wait3A_190 = arith.constant 0 : i32
      %dma_wait3A_191 = tpu.memref_slice %arg7[%dma_wait3A_187, %dma_wait3A_189, %dma_wait3A_190] : memref<2x128x128xf32, #tpu.memory_space<vmem>> -> memref<1x128x128xf32, #tpu.memory_space<vmem>>
      %dma_wait3A_192 = tpu.memref_squeeze %dma_wait3A_191 : memref<1x128x128xf32, #tpu.memory_space<vmem>> -> memref<128x128xf32, #tpu.memory_space<vmem>>
      %dma_wait3A_193 = arith.constant 0 : i32
      %dma_wait3A_194 = arith.constant 0 : i32
      %dma_wait3A_195 = tpu.memref_slice %arg2[%dma_wait3A_193, %dma_wait3A_194] : memref<327680x128xf32, #tpu.memory_space<hbm>> -> memref<128x128xf32, #tpu.memory_space<hbm>>
      %dma_wait3A_196 = tpu.memref_slice %arg10[%dma_wait3A_188] : memref<2x!tpu.dma_semaphore, #tpu.memory_space<semaphore_mem>> -> memref<1x!tpu.dma_semaphore, #tpu.memory_space<semaphore_mem>>
      %dma_wait3A_197 = tpu.memref_squeeze %dma_wait3A_196 : memref<1x!tpu.dma_semaphore, #tpu.memory_space<semaphore_mem>> -> memref<!tpu.dma_semaphore, #tpu.memory_space<semaphore_mem>>
      %dma_wait3A_198 = arith.constant 0 : i32
      %dma_wait3A_199 = arith.constant 0 : i32
      %dma_wait3A_200 = tpu.memref_slice %arg7[%dma_wait3A_187, %dma_wait3A_198, %dma_wait3A_199] : memref<2x128x128xf32, #tpu.memory_space<vmem>> -> memref<1x128x128xf32, #tpu.memory_space<vmem>>
      %dma_wait3A_201 = tpu.memref_squeeze %dma_wait3A_200 : memref<1x128x128xf32, #tpu.memory_space<vmem>> -> memref<128x128xf32, #tpu.memory_space<vmem>>
      %dma_wait3A_202 = arith.constant 0 : i32
      %dma_wait3A_203 = arith.constant 0 : i32
      %dma_wait3A_204 = tpu.memref_slice %arg2[%dma_wait3A_202, %dma_wait3A_203] : memref<327680x128xf32, #tpu.memory_space<hbm>> -> memref<128x128xf32, #tpu.memory_space<hbm>>
      tpu.wait_dma2 semaphore(%dma_wait3A_197 : memref<!tpu.dma_semaphore, #tpu.memory_space<semaphore_mem>>) src(%dma_wait3A_204 : memref<128x128xf32, #tpu.memory_space<hbm>>) dst(%dma_wait3A_201 : memref<128x128xf32, #tpu.memory_space<vmem>>)
      %run_scoped3A_205 = arith.constant 1 : i32
      "tpu.region"() ({
        %run_scoped3A_213 = tpu.sem_alloc : memref<!tpu.dma_semaphore, #tpu.memory_space<semaphore_mem>>
        %dma_start3A_214 = arith.constant 0 : i32
        %dma_start3A_215 = arith.constant 0 : i32
        %dma_start3A_216 = tpu.memref_slice %arg7[%run_scoped3A_205, %dma_start3A_214, %dma_start3A_215] : memref<2x128x128xf32, #tpu.memory_space<vmem>> -> memref<1x128x128xf32, #tpu.memory_space<vmem>>
        %dma_start3A_217 = tpu.memref_squeeze %dma_start3A_216 : memref<1x128x128xf32, #tpu.memory_space<vmem>> -> memref<128x128xf32, #tpu.memory_space<vmem>>
        %dma_start3A_218 = arith.constant 0 : i32
        %dma_start3A_219 = tpu.memref_slice %arg6[%add3A_186, %dma_start3A_218] : memref<80x128xi32, #tpu.memory_space<vmem>> -> memref<1x128xi32, #tpu.memory_space<vmem>>
        %dma_start3A_220 = tpu.memref_squeeze %dma_start3A_219 : memref<1x128xi32, #tpu.memory_space<vmem>> -> memref<128xi32, #tpu.memory_space<vmem>>
        %dma_start3A_221 = arith.constant 0 : i32
        %dma_start3A_222 = arith.constant 0 : i32
        %dma_start3A_223 = tpu.memref_slice %arg9[%dma_start3A_221, %dma_start3A_222] : memref<10240x128xf32, #tpu.memory_space<vmem_shared>> -> memref<10240x128xf32, #tpu.memory_space<vmem_shared>>
        tpu.enqueue_indirect_dma source(%dma_start3A_217 : memref<128x128xf32, #tpu.memory_space<vmem>>) target(%dma_start3A_223 : memref<10240x128xf32, #tpu.memory_space<vmem_shared>>) offsets(%dma_start3A_220 : memref<128xi32, #tpu.memory_space<vmem>>) semaphore(%run_scoped3A_213 : memref<!tpu.dma_semaphore, #tpu.memory_space<semaphore_mem>>) {add = true}
        %dma_wait3A_224 = arith.constant 0 : i32
        %dma_wait3A_225 = arith.constant 0 : i32
        %dma_wait3A_226 = tpu.memref_slice %arg7[%run_scoped3A_205, %dma_wait3A_224, %dma_wait3A_225] : memref<2x128x128xf32, #tpu.memory_space<vmem>> -> memref<1x128x128xf32, #tpu.memory_space<vmem>>
        %dma_wait3A_227 = tpu.memref_squeeze %dma_wait3A_226 : memref<1x128x128xf32, #tpu.memory_space<vmem>> -> memref<128x128xf32, #tpu.memory_space<vmem>>
        %dma_wait3A_228 = arith.constant 0 : i32
        %dma_wait3A_229 = tpu.memref_slice %arg6[%add3A_186, %dma_wait3A_228] : memref<80x128xi32, #tpu.memory_space<vmem>> -> memref<1x128xi32, #tpu.memory_space<vmem>>
        %dma_wait3A_230 = tpu.memref_squeeze %dma_wait3A_229 : memref<1x128xi32, #tpu.memory_space<vmem>> -> memref<128xi32, #tpu.memory_space<vmem>>
        %dma_wait3A_231 = arith.constant 0 : i32
        %dma_wait3A_232 = arith.constant 0 : i32
        %dma_wait3A_233 = tpu.memref_slice %arg9[%dma_wait3A_231, %dma_wait3A_232] : memref<10240x128xf32, #tpu.memory_space<vmem_shared>> -> memref<10240x128xf32, #tpu.memory_space<vmem_shared>>
        tpu.wait_indirect_dma semaphore(%run_scoped3A_213 : memref<!tpu.dma_semaphore, #tpu.memory_space<semaphore_mem>>) src(%dma_wait3A_227 : memref<128x128xf32, #tpu.memory_space<vmem>>) dst(%dma_wait3A_233 : memref<10240x128xf32, #tpu.memory_space<vmem_shared>>)
        tpu.yield
      }) : () -> ()
      %add3A_206 = arith.constant 2 : i32
      %add3A_207 = arith.addi %add3A_186, %add3A_206 : i32
      %lt3A_208 = arith.constant 80 : i32
      %lt3A_209 = arith.cmpi slt, %add3A_207, %lt3A_208 : i32
      %convert_element_type3A_210 = arith.extui %lt3A_209 : i1 to i32
      %cond3A_211 = arith.constant 0 : i32
      %cond3A_212 = arith.cmpi ne, %convert_element_type3A_210, %cond3A_211 : i32
      scf.if %cond3A_212 {
        %add3A_213 = arith.constant 2 : i32
        %add3A_214 = arith.addi %add3A_186, %add3A_213 : i32
        %mul3A_215 = arith.constant 128 : i32
        %mul3A_216 = arith.muli %add3A_214, %mul3A_215 : i32
        %add3A_217 = arith.addi %mul3A_4, %mul3A_216 : i32
        %dma_start3A_218 = arith.constant 1 : i32
        %dma_start3A_219 = arith.constant 1 : i32
        %dma_start3A_220 = arith.constant 0 : i32
        %dma_start3A_221 = arith.constant 0 : i32
        %dma_start3A_222 = tpu.memref_slice %arg7[%dma_start3A_218, %dma_start3A_220, %dma_start3A_221] : memref<2x128x128xf32, #tpu.memory_space<vmem>> -> memref<1x128x128xf32, #tpu.memory_space<vmem>>
        %dma_start3A_223 = tpu.memref_squeeze %dma_start3A_222 : memref<1x128x128xf32, #tpu.memory_space<vmem>> -> memref<128x128xf32, #tpu.memory_space<vmem>>
        %dma_start3A_224 = arith.constant 0 : i32
        %dma_start3A_225 = tpu.memref_slice %arg2[%add3A_217, %dma_start3A_224] : memref<327680x128xf32, #tpu.memory_space<hbm>> -> memref<128x128xf32, #tpu.memory_space<hbm>>
        %dma_start3A_226 = tpu.memref_slice %arg10[%dma_start3A_219] : memref<2x!tpu.dma_semaphore, #tpu.memory_space<semaphore_mem>> -> memref<1x!tpu.dma_semaphore, #tpu.memory_space<semaphore_mem>>
        %dma_start3A_227 = tpu.memref_squeeze %dma_start3A_226 : memref<1x!tpu.dma_semaphore, #tpu.memory_space<semaphore_mem>> -> memref<!tpu.dma_semaphore, #tpu.memory_space<semaphore_mem>>
        %dma_start3A_228 = arith.constant 0 : i32
        %dma_start3A_229 = arith.constant 0 : i32
        %dma_start3A_230 = tpu.memref_slice %arg7[%dma_start3A_218, %dma_start3A_228, %dma_start3A_229] : memref<2x128x128xf32, #tpu.memory_space<vmem>> -> memref<1x128x128xf32, #tpu.memory_space<vmem>>
        %dma_start3A_231 = tpu.memref_squeeze %dma_start3A_230 : memref<1x128x128xf32, #tpu.memory_space<vmem>> -> memref<128x128xf32, #tpu.memory_space<vmem>>
        %dma_start3A_232 = arith.constant 0 : i32
        %dma_start3A_233 = tpu.memref_slice %arg2[%add3A_217, %dma_start3A_232] : memref<327680x128xf32, #tpu.memory_space<hbm>> -> memref<128x128xf32, #tpu.memory_space<hbm>>
        tpu.enqueue_dma source(%dma_start3A_233 : memref<128x128xf32, #tpu.memory_space<hbm>>) target(%dma_start3A_231 : memref<128x128xf32, #tpu.memory_space<vmem>>) target_semaphore(%dma_start3A_227 : memref<!tpu.dma_semaphore, #tpu.memory_space<semaphore_mem>>)
      } else {
      }
    }
    %scan3A_145 = arith.constant 40 : i32
    %barrier3A_146 = arith.constant 0 : index
    tpu.barrier barrier_id(%barrier3A_146)
    %eq3A = arith.constant 0 : i32
    %eq3A_147 = arith.cmpi eq, %arg0, %eq3A : i32
    %convert_element_type3A = arith.extui %eq3A_147 : i1 to i32
    %cond3A = arith.constant 0 : i32
    %cond3A_148 = arith.cmpi ne, %convert_element_type3A, %cond3A : i32
    scf.if %cond3A_148 {
      %mul3A_154 = arith.constant 640 : i32
      %mul3A_155 = arith.muli %arg1, %mul3A_154 : i32
      %mul3A_156 = arith.constant 640 : i32
      %mul3A_157 = arith.muli %arg1, %mul3A_156 : i32
      "tpu.region"() ({
        %run_scoped3A = tpu.sem_alloc : memref<!tpu.dma_semaphore, #tpu.memory_space<semaphore_mem>>
        %dma_start3A_158 = arith.constant 0 : i32
        %dma_start3A_159 = tpu.memref_slice %arg4[%mul3A_157, %dma_start3A_158] : memref<10240x128xf32, #tpu.memory_space<hbm>> -> memref<640x128xf32, #tpu.memory_space<hbm>>
        %dma_start3A_160 = arith.constant 0 : i32
        %dma_start3A_161 = tpu.memref_slice %arg9[%mul3A_155, %dma_start3A_160] : memref<10240x128xf32, #tpu.memory_space<vmem_shared>> -> memref<640x128xf32, #tpu.memory_space<vmem_shared>>
        tpu.enqueue_dma source(%dma_start3A_161 : memref<640x128xf32, #tpu.memory_space<vmem_shared>>) target(%dma_start3A_159 : memref<640x128xf32, #tpu.memory_space<hbm>>) target_semaphore(%run_scoped3A : memref<!tpu.dma_semaphore, #tpu.memory_space<semaphore_mem>>)
        %dma_wait3A_162 = arith.constant 0 : i32
        %dma_wait3A_163 = tpu.memref_slice %arg4[%mul3A_157, %dma_wait3A_162] : memref<10240x128xf32, #tpu.memory_space<hbm>> -> memref<640x128xf32, #tpu.memory_space<hbm>>
        %dma_wait3A_164 = arith.constant 0 : i32
        %dma_wait3A_165 = tpu.memref_slice %arg9[%mul3A_155, %dma_wait3A_164] : memref<10240x128xf32, #tpu.memory_space<vmem_shared>> -> memref<640x128xf32, #tpu.memory_space<vmem_shared>>
        tpu.wait_dma2 semaphore(%run_scoped3A : memref<!tpu.dma_semaphore, #tpu.memory_space<semaphore_mem>>) src(%dma_wait3A_165 : memref<640x128xf32, #tpu.memory_space<vmem_shared>>) dst(%dma_wait3A_163 : memref<640x128xf32, #tpu.memory_space<hbm>>)
        tpu.yield
      }) : () -> ()
    } else {
    }
    %eq3A_149 = arith.constant 1 : i32
    %eq3A_150 = arith.cmpi eq, %arg0, %eq3A_149 : i32
    %convert_element_type3A_151 = arith.extui %eq3A_150 : i1 to i32
    %cond3A_152 = arith.constant 0 : i32
    %cond3A_153 = arith.cmpi ne, %convert_element_type3A_151, %cond3A_152 : i32
    scf.if %cond3A_153 {
      %mul3A_154 = arith.constant 640 : i32
      %mul3A_155 = arith.muli %arg1, %mul3A_154 : i32
      %mul3A_156 = arith.constant 640 : i32
      %mul3A_157 = arith.muli %arg1, %mul3A_156 : i32
      "tpu.region"() ({
        %run_scoped3A = tpu.sem_alloc : memref<!tpu.dma_semaphore, #tpu.memory_space<semaphore_mem>>
        %dma_start3A_158 = arith.constant 0 : i32
        %dma_start3A_159 = tpu.memref_slice %arg5[%mul3A_157, %dma_start3A_158] : memref<10240x128xf32, #tpu.memory_space<hbm>> -> memref<640x128xf32, #tpu.memory_space<hbm>>
        %dma_start3A_160 = arith.constant 0 : i32
        %dma_start3A_161 = tpu.memref_slice %arg9[%mul3A_155, %dma_start3A_160] : memref<10240x128xf32, #tpu.memory_space<vmem_shared>> -> memref<640x128xf32, #tpu.memory_space<vmem_shared>>
        tpu.enqueue_dma source(%dma_start3A_161 : memref<640x128xf32, #tpu.memory_space<vmem_shared>>) target(%dma_start3A_159 : memref<640x128xf32, #tpu.memory_space<hbm>>) target_semaphore(%run_scoped3A : memref<!tpu.dma_semaphore, #tpu.memory_space<semaphore_mem>>)
        %dma_wait3A_162 = arith.constant 0 : i32
        %dma_wait3A_163 = tpu.memref_slice %arg5[%mul3A_157, %dma_wait3A_162] : memref<10240x128xf32, #tpu.memory_space<hbm>> -> memref<640x128xf32, #tpu.memory_space<hbm>>
        %dma_wait3A_164 = arith.constant 0 : i32
        %dma_wait3A_165 = tpu.memref_slice %arg9[%mul3A_155, %dma_wait3A_164] : memref<10240x128xf32, #tpu.memory_space<vmem_shared>> -> memref<640x128xf32, #tpu.memory_space<vmem_shared>>
        tpu.wait_dma2 semaphore(%run_scoped3A : memref<!tpu.dma_semaphore, #tpu.memory_space<semaphore_mem>>) src(%dma_wait3A_165 : memref<640x128xf32, #tpu.memory_space<vmem_shared>>) dst(%dma_wait3A_163 : memref<640x128xf32, #tpu.memory_space<hbm>>)
        tpu.yield
      }) : () -> ()
    } else {
    }
    return
  }
}

module attributes {stable_mosaic.version = 14 : i64} {
  func.func @_node_transform_body(%arg0: i32, %arg1: memref<2000x128xf32, #tpu.memory_space<vmem>>, %arg2: memref<128x128xf32, #tpu.memory_space<vmem>>, %arg3: memref<128x128xf32, #tpu.memory_space<vmem>>, %arg4: memref<2000x64xf32, #tpu.memory_space<vmem>>, %arg5: memref<2000x64xf32, #tpu.memory_space<vmem>>) attributes {dimension_semantics = [#tpu.dimension_semantics<arbitrary>], iteration_bounds = array<i64: 5>, scalar_prefetch = 0 : i64, scratch_operands = 0 : i64, tpu.core_type = #tpu.core_type<tc>, window_params = [{transform_indices = @transform_0, window_bounds = array<i64: 2000, 128>}, {pipeline_mode = #tpu.pipeline_mode<synchronous>, transform_indices = @transform_1, window_bounds = array<i64: 128, 128>}, {pipeline_mode = #tpu.pipeline_mode<synchronous>, transform_indices = @transform_2, window_bounds = array<i64: 128, 128>}, {transform_indices = @transform_3, window_bounds = array<i64: 2000, 64>}, {transform_indices = @transform_4, window_bounds = array<i64: 2000, 64>}]} {
    %get3A = arith.constant 0 : index
    %get3A_0 = arith.constant 0 : index
    %get3A_1 = vector.load %arg1[%get3A, %get3A_0] : memref<2000x128xf32, #tpu.memory_space<vmem>>, vector<2000x128xf32>
    %get3A_2 = arith.constant 0 : index
    %get3A_3 = arith.constant 0 : index
    %get3A_4 = vector.load %arg2[%get3A_2, %get3A_3] : memref<128x128xf32, #tpu.memory_space<vmem>>, vector<128x128xf32>
    %dot_general3A = arith.constant dense<0.000000e+00> : vector<2000x128xf32>
    %dot_general3A_5 = tpu.matmul %get3A_1, %get3A_4, %dot_general3A {dimension_numbers = #tpu.dot_dimension_numbers<[1], [0], [0], [1], [0, 0, 1, 1], [], []>, transpose_lhs_hint = false} : vector<2000x128xf32>, vector<128x128xf32>, vector<2000x128xf32> -> vector<2000x128xf32>
    %convert_element_type3A = arith.truncf %dot_general3A_5 : vector<2000x128xf32> to vector<2000x128xbf16>
    %bitcast_convert_type3A = tpu.bitcast %convert_element_type3A : vector<2000x128xbf16> -> vector<2000x128xi16>
    %convert_element_type3A_6 = arith.extui %bitcast_convert_type3A : vector<2000x128xi16> to vector<2000x128xi32>
    %slice3A = vector.extract_strided_slice %convert_element_type3A_6 {offsets = [0, 0], sizes = [2000, 64], strides = [1, 1]} : vector<2000x128xi32> to vector<2000x64xi32>
    %slice3A_7 = vector.extract_strided_slice %convert_element_type3A_6 {offsets = [0, 64], sizes = [2000, 64], strides = [1, 1]} : vector<2000x128xi32> to vector<2000x64xi32>
    %shift_left3A = arith.constant 16 : i32
    %shift_left3A_8 = vector.broadcast %shift_left3A : i32 to vector<2000x64xi32>
    %shift_left3A_9 = arith.shli %slice3A_7, %shift_left3A_8 : vector<2000x64xi32>
    %or3A = arith.ori %slice3A, %shift_left3A_9 : vector<2000x64xi32>
    %bitcast_convert_type3A_10 = tpu.bitcast %or3A : vector<2000x64xi32> -> vector<2000x64xf32>
    %swap3A = arith.constant 0 : index
    %swap3A_11 = arith.constant 0 : index
    %swap3A_12 = vector.load %arg4[%swap3A, %swap3A_11] : memref<2000x64xf32, #tpu.memory_space<vmem>>, vector<2000x64xf32>
    tpu.vector_store %arg4[%swap3A, %swap3A_11], %bitcast_convert_type3A_10 {strides = array<i32>} : memref<2000x64xf32, #tpu.memory_space<vmem>>, vector<2000x64xf32>,
    %get3A_13 = arith.constant 0 : index
    %get3A_14 = arith.constant 0 : index
    %get3A_15 = vector.load %arg3[%get3A_13, %get3A_14] : memref<128x128xf32, #tpu.memory_space<vmem>>, vector<128x128xf32>
    %dot_general3A_16 = arith.constant dense<0.000000e+00> : vector<2000x128xf32>
    %dot_general3A_17 = tpu.matmul %get3A_1, %get3A_15, %dot_general3A_16 {dimension_numbers = #tpu.dot_dimension_numbers<[1], [0], [0], [1], [0, 0, 1, 1], [], []>, transpose_lhs_hint = false} : vector<2000x128xf32>, vector<128x128xf32>, vector<2000x128xf32> -> vector<2000x128xf32>
    %convert_element_type3A_18 = arith.truncf %dot_general3A_17 : vector<2000x128xf32> to vector<2000x128xbf16>
    %bitcast_convert_type3A_19 = tpu.bitcast %convert_element_type3A_18 : vector<2000x128xbf16> -> vector<2000x128xi16>
    %convert_element_type3A_20 = arith.extui %bitcast_convert_type3A_19 : vector<2000x128xi16> to vector<2000x128xi32>
    %slice3A_21 = vector.extract_strided_slice %convert_element_type3A_20 {offsets = [0, 0], sizes = [2000, 64], strides = [1, 1]} : vector<2000x128xi32> to vector<2000x64xi32>
    %slice3A_22 = vector.extract_strided_slice %convert_element_type3A_20 {offsets = [0, 64], sizes = [2000, 64], strides = [1, 1]} : vector<2000x128xi32> to vector<2000x64xi32>
    %shift_left3A_23 = arith.constant 16 : i32
    %shift_left3A_24 = vector.broadcast %shift_left3A_23 : i32 to vector<2000x64xi32>
    %shift_left3A_25 = arith.shli %slice3A_22, %shift_left3A_24 : vector<2000x64xi32>
    %or3A_26 = arith.ori %slice3A_21, %shift_left3A_25 : vector<2000x64xi32>
    %bitcast_convert_type3A_27 = tpu.bitcast %or3A_26 : vector<2000x64xi32> -> vector<2000x64xf32>
    %swap3A_28 = arith.constant 0 : index
    %swap3A_29 = arith.constant 0 : index
    %swap3A_30 = vector.load %arg5[%swap3A_28, %swap3A_29] : memref<2000x64xf32, #tpu.memory_space<vmem>>, vector<2000x64xf32>
    tpu.vector_store %arg5[%swap3A_28, %swap3A_29], %bitcast_convert_type3A_27 {strides = array<i32>} : memref<2000x64xf32, #tpu.memory_space<vmem>>, vector<2000x64xf32>,
    return
  }
  func.func @transform_0(%arg0: i32) -> (i32, i32) {
    %c0_i32 = arith.constant 0 : i32
    %c0_i32_0 = arith.constant 0 : i32
    return %arg0, %c0_i32 : i32, i32
  }
  func.func @transform_1(%arg0: i32) -> (i32, i32) {
    %c0_i32 = arith.constant 0 : i32
    %c0_i32_0 = arith.constant 0 : i32
    %c0_i32_1 = arith.constant 0 : i32
    return %c0_i32, %c0_i32_0 : i32, i32
  }
  func.func @transform_2(%arg0: i32) -> (i32, i32) {
    %c0_i32 = arith.constant 0 : i32
    %c0_i32_0 = arith.constant 0 : i32
    %c0_i32_1 = arith.constant 0 : i32
    return %c0_i32, %c0_i32_0 : i32, i32
  }
  func.func @transform_3(%arg0: i32) -> (i32, i32) {
    %c0_i32 = arith.constant 0 : i32
    %c0_i32_0 = arith.constant 0 : i32
    return %arg0, %c0_i32 : i32, i32
  }
  func.func @transform_4(%arg0: i32) -> (i32, i32) {
    %c0_i32 = arith.constant 0 : i32
    %c0_i32_0 = arith.constant 0 : i32
    return %arg0, %c0_i32 : i32, i32
  }
}

module attributes {stable_mosaic.version = 14 : i64} {
  func.func @_ln_body(%arg0: i32, %arg1: memref<2000x128xf32, #tpu.memory_space<vmem>>, %arg2: memref<2000x128xf32, #tpu.memory_space<vmem>>, %arg3: memref<2000x128xf32, #tpu.memory_space<vmem>>, %arg4: memref<1x128xf32, #tpu.memory_space<vmem>>, %arg5: memref<1x128xf32, #tpu.memory_space<vmem>>, %arg6: memref<2000x128xf32, #tpu.memory_space<vmem>>) attributes {dimension_semantics = [#tpu.dimension_semantics<arbitrary>], iteration_bounds = array<i64: 5>, scalar_prefetch = 0 : i64, scratch_operands = 0 : i64, tpu.core_type = #tpu.core_type<tc>, window_params = [{transform_indices = @transform_0, window_bounds = array<i64: 2000, 128>}, {transform_indices = @transform_1, window_bounds = array<i64: 2000, 128>}, {transform_indices = @transform_2, window_bounds = array<i64: 2000, 128>}, {pipeline_mode = #tpu.pipeline_mode<synchronous>, transform_indices = @transform_3, window_bounds = array<i64: 1, 128>}, {pipeline_mode = #tpu.pipeline_mode<synchronous>, transform_indices = @transform_4, window_bounds = array<i64: 1, 128>}, {transform_indices = @transform_5, window_bounds = array<i64: 2000, 128>}]} {
    %get3A = arith.constant 0 : index
    %get3A_0 = arith.constant 0 : index
    %get3A_1 = vector.load %arg1[%get3A, %get3A_0] : memref<2000x128xf32, #tpu.memory_space<vmem>>, vector<2000x128xf32>
    %get3A_2 = arith.constant 0 : index
    %get3A_3 = arith.constant 0 : index
    %get3A_4 = vector.load %arg2[%get3A_2, %get3A_3] : memref<2000x128xf32, #tpu.memory_space<vmem>>, vector<2000x128xf32>
    %add3A = arith.addf %get3A_1, %get3A_4 : vector<2000x128xf32>
    %get3A_5 = arith.constant 0 : index
    %get3A_6 = arith.constant 0 : index
    %get3A_7 = vector.load %arg3[%get3A_5, %get3A_6] : memref<2000x128xf32, #tpu.memory_space<vmem>>, vector<2000x128xf32>
    %add3A_8 = arith.addf %add3A, %get3A_7 : vector<2000x128xf32>
    %reduce_sum3A = arith.constant dense<0.000000e+00> : vector<2000xf32>
    %reduce_sum3A_9 = vector.multi_reduction <add>, %add3A_8, %reduce_sum3A [1] : vector<2000x128xf32> to vector<2000xf32>
    %broadcast_in_dim3A = vector.shape_cast %reduce_sum3A_9 : vector<2000xf32> to vector<2000x1xf32>
    %div3A = arith.constant 1.280000e+02 : f32
    %div3A_10 = vector.broadcast %div3A : f32 to vector<2000x1xf32>
    %div3A_11 = arith.divf %broadcast_in_dim3A, %div3A_10 : vector<2000x1xf32>
    %sub3A = vector.broadcast %div3A_11 : vector<2000x1xf32> to vector<2000x128xf32>
    %sub3A_12 = arith.subf %add3A_8, %sub3A : vector<2000x128xf32>
    %mul3A = arith.mulf %sub3A_12, %sub3A_12 : vector<2000x128xf32>
    %reduce_sum3A_13 = arith.constant dense<0.000000e+00> : vector<2000xf32>
    %reduce_sum3A_14 = vector.multi_reduction <add>, %mul3A, %reduce_sum3A_13 [1] : vector<2000x128xf32> to vector<2000xf32>
    %broadcast_in_dim3A_15 = vector.shape_cast %reduce_sum3A_14 : vector<2000xf32> to vector<2000x1xf32>
    %div3A_16 = arith.constant 1.280000e+02 : f32
    %div3A_17 = vector.broadcast %div3A_16 : f32 to vector<2000x1xf32>
    %div3A_18 = arith.divf %broadcast_in_dim3A_15, %div3A_17 : vector<2000x1xf32>
    %add3A_19 = arith.constant 9.99999974E-6 : f32
    %add3A_20 = vector.broadcast %add3A_19 : f32 to vector<2000x1xf32>
    %add3A_21 = arith.addf %div3A_18, %add3A_20 : vector<2000x1xf32>
    %rsqrt3A = math.rsqrt %add3A_21 : vector<2000x1xf32>
    %mul3A_22 = vector.broadcast %rsqrt3A : vector<2000x1xf32> to vector<2000x128xf32>
    %mul3A_23 = arith.mulf %sub3A_12, %mul3A_22 : vector<2000x128xf32>
    %get3A_24 = arith.constant 0 : index
    %get3A_25 = arith.constant 0 : index
    %get3A_26 = vector.load %arg4[%get3A_24, %get3A_25] : memref<1x128xf32, #tpu.memory_space<vmem>>, vector<1x128xf32>
    %mul3A_27 = vector.broadcast %get3A_26 : vector<1x128xf32> to vector<2000x128xf32>
    %mul3A_28 = arith.mulf %mul3A_23, %mul3A_27 : vector<2000x128xf32>
    %get3A_29 = arith.constant 0 : index
    %get3A_30 = arith.constant 0 : index
    %get3A_31 = vector.load %arg5[%get3A_29, %get3A_30] : memref<1x128xf32, #tpu.memory_space<vmem>>, vector<1x128xf32>
    %add3A_32 = vector.broadcast %get3A_31 : vector<1x128xf32> to vector<2000x128xf32>
    %add3A_33 = arith.addf %mul3A_28, %add3A_32 : vector<2000x128xf32>
    %swap3A = arith.constant 0 : index
    %swap3A_34 = arith.constant 0 : index
    %swap3A_35 = vector.load %arg6[%swap3A, %swap3A_34] : memref<2000x128xf32, #tpu.memory_space<vmem>>, vector<2000x128xf32>
    tpu.vector_store %arg6[%swap3A, %swap3A_34], %add3A_33 {strides = array<i32>} : memref<2000x128xf32, #tpu.memory_space<vmem>>, vector<2000x128xf32>,
    return
  }
  func.func @transform_0(%arg0: i32) -> (i32, i32) {
    %c0_i32 = arith.constant 0 : i32
    %c0_i32_0 = arith.constant 0 : i32
    return %arg0, %c0_i32 : i32, i32
  }
  func.func @transform_1(%arg0: i32) -> (i32, i32) {
    %c0_i32 = arith.constant 0 : i32
    %c0_i32_0 = arith.constant 0 : i32
    return %arg0, %c0_i32 : i32, i32
  }
  func.func @transform_2(%arg0: i32) -> (i32, i32) {
    %c0_i32 = arith.constant 0 : i32
    %c0_i32_0 = arith.constant 0 : i32
    return %arg0, %c0_i32 : i32, i32
  }
  func.func @transform_3(%arg0: i32) -> (i32, i32) {
    %c0_i32 = arith.constant 0 : i32
    %c0_i32_0 = arith.constant 0 : i32
    %c0_i32_1 = arith.constant 0 : i32
    return %c0_i32, %c0_i32_0 : i32, i32
  }
  func.func @transform_4(%arg0: i32) -> (i32, i32) {
    %c0_i32 = arith.constant 0 : i32
    %c0_i32_0 = arith.constant 0 : i32
    %c0_i32_1 = arith.constant 0 : i32
    return %c0_i32, %c0_i32_0 : i32, i32
  }
  func.func @transform_5(%arg0: i32) -> (i32, i32) {
    %c0_i32 = arith.constant 0 : i32
    %c0_i32_0 = arith.constant 0 : i32
    return %arg0, %c0_i32 : i32, i32
  }
}

module attributes {stable_mosaic.version = 14 : i64} {
  func.func @_edge_mlp_body(%arg0: i32, %arg1: memref<327680x64xf32, #tpu.memory_space<any>>, %arg2: memref<327680x64xf32, #tpu.memory_space<any>>, %arg3: memref<1x1x2048xi32, #tpu.memory_space<vmem>>, %arg4: memref<8x256xf32, #tpu.memory_space<vmem>>, %arg5: memref<128x128xf32, #tpu.memory_space<vmem>>, %arg6: memref<1x128xf32, #tpu.memory_space<vmem>>, %arg7: memref<128x128xf32, #tpu.memory_space<vmem>>, %arg8: memref<1x128xf32, #tpu.memory_space<vmem>>, %arg9: memref<1x1xf32, #tpu.memory_space<smem>>, %arg10: memref<2048x128xf32, #tpu.memory_space<vmem>>, %arg11: memref<2x2048x64xf32, #tpu.memory_space<vmem>>, %arg12: memref<2x2048x64xf32, #tpu.memory_space<vmem>>, %arg13: memref<2x!tpu.dma_semaphore, #tpu.memory_space<semaphore_mem>>, %arg14: memref<2x!tpu.dma_semaphore, #tpu.memory_space<semaphore_mem>>) attributes {dimension_semantics = [#tpu.dimension_semantics<arbitrary>], iteration_bounds = array<i64: 160>, scalar_prefetch = 0 : i64, scratch_operands = 4 : i64, tpu.core_type = #tpu.core_type<tc>, window_params = [{}, {}, {transform_indices = @transform_2, window_bounds = array<i64: 1, 1, 2048>}, {pipeline_mode = #tpu.pipeline_mode<synchronous>, transform_indices = @transform_3, window_bounds = array<i64: 8, 256>}, {pipeline_mode = #tpu.pipeline_mode<synchronous>, transform_indices = @transform_4, window_bounds = array<i64: 128, 128>}, {pipeline_mode = #tpu.pipeline_mode<synchronous>, transform_indices = @transform_5, window_bounds = array<i64: 1, 128>}, {pipeline_mode = #tpu.pipeline_mode<synchronous>, transform_indices = @transform_6, window_bounds = array<i64: 128, 128>}, {pipeline_mode = #tpu.pipeline_mode<synchronous>, transform_indices = @transform_7, window_bounds = array<i64: 1, 128>}, {transform_indices = @transform_8, window_bounds = array<i64: 1, 1>}, {transform_indices = @transform_9, window_bounds = array<i64: 2048, 128>}]} {
    %eq3A = arith.constant 0 : i32
    %eq3A_0 = arith.cmpi eq, %arg0, %eq3A : i32
    %convert_element_type3A = arith.extui %eq3A_0 : i1 to i32
    %cond3A = arith.constant 0 : i32
    %cond3A_1 = arith.cmpi ne, %convert_element_type3A, %cond3A : i32
    scf.if %cond3A_1 {
      %dma_start3A = arith.constant 0 : i32
      %dma_start3A_158 = arith.constant 0 : i32
      %dma_start3A_159 = tpu.memref_slice %arg13[%dma_start3A_158] : memref<2x!tpu.dma_semaphore, #tpu.memory_space<semaphore_mem>> -> memref<1x!tpu.dma_semaphore, #tpu.memory_space<semaphore_mem>>
      %dma_start3A_160 = tpu.memref_squeeze %dma_start3A_159 : memref<1x!tpu.dma_semaphore, #tpu.memory_space<semaphore_mem>> -> memref<!tpu.dma_semaphore, #tpu.memory_space<semaphore_mem>>
      %dma_start3A_161 = arith.constant 0 : i32
      %dma_start3A_162 = arith.constant 0 : i32
      %dma_start3A_163 = tpu.memref_slice %arg11[%dma_start3A, %dma_start3A_161, %dma_start3A_162] : memref<2x2048x64xf32, #tpu.memory_space<vmem>> -> memref<1x2048x64xf32, #tpu.memory_space<vmem>>
      %dma_start3A_164 = tpu.memref_squeeze %dma_start3A_163 : memref<1x2048x64xf32, #tpu.memory_space<vmem>> -> memref<2048x64xf32, #tpu.memory_space<vmem>>
      %dma_start3A_165 = arith.constant 0 : i32
      %dma_start3A_166 = arith.constant 0 : i32
      %dma_start3A_167 = tpu.memref_slice %arg1[%dma_start3A_165, %dma_start3A_166] : memref<327680x64xf32, #tpu.memory_space<any>> -> memref<2048x64xf32, #tpu.memory_space<any>>
      tpu.enqueue_dma source(%dma_start3A_167 : memref<2048x64xf32, #tpu.memory_space<any>>) target(%dma_start3A_164 : memref<2048x64xf32, #tpu.memory_space<vmem>>) target_semaphore(%dma_start3A_160 : memref<!tpu.dma_semaphore, #tpu.memory_space<semaphore_mem>>)
      %dma_start3A_168 = arith.constant 0 : i32
      %dma_start3A_169 = arith.constant 0 : i32
      %dma_start3A_170 = tpu.memref_slice %arg14[%dma_start3A_169] : memref<2x!tpu.dma_semaphore, #tpu.memory_space<semaphore_mem>> -> memref<1x!tpu.dma_semaphore, #tpu.memory_space<semaphore_mem>>
      %dma_start3A_171 = tpu.memref_squeeze %dma_start3A_170 : memref<1x!tpu.dma_semaphore, #tpu.memory_space<semaphore_mem>> -> memref<!tpu.dma_semaphore, #tpu.memory_space<semaphore_mem>>
      %dma_start3A_172 = arith.constant 0 : i32
      %dma_start3A_173 = arith.constant 0 : i32
      %dma_start3A_174 = tpu.memref_slice %arg12[%dma_start3A_168, %dma_start3A_172, %dma_start3A_173] : memref<2x2048x64xf32, #tpu.memory_space<vmem>> -> memref<1x2048x64xf32, #tpu.memory_space<vmem>>
      %dma_start3A_175 = tpu.memref_squeeze %dma_start3A_174 : memref<1x2048x64xf32, #tpu.memory_space<vmem>> -> memref<2048x64xf32, #tpu.memory_space<vmem>>
      %dma_start3A_176 = arith.constant 0 : i32
      %dma_start3A_177 = arith.constant 0 : i32
      %dma_start3A_178 = tpu.memref_slice %arg2[%dma_start3A_176, %dma_start3A_177] : memref<327680x64xf32, #tpu.memory_space<any>> -> memref<2048x64xf32, #tpu.memory_space<any>>
      tpu.enqueue_dma source(%dma_start3A_178 : memref<2048x64xf32, #tpu.memory_space<any>>) target(%dma_start3A_175 : memref<2048x64xf32, #tpu.memory_space<vmem>>) target_semaphore(%dma_start3A_171 : memref<!tpu.dma_semaphore, #tpu.memory_space<semaphore_mem>>)
    } else {
    }
    %add3A = arith.constant 1 : i32
    %add3A_2 = arith.addi %arg0, %add3A : i32
    %lt3A = arith.constant 160 : i32
    %lt3A_3 = arith.cmpi slt, %add3A_2, %lt3A : i32
    %convert_element_type3A_4 = arith.extui %lt3A_3 : i1 to i32
    %cond3A_5 = arith.constant 0 : i32
    %cond3A_6 = arith.cmpi ne, %convert_element_type3A_4, %cond3A_5 : i32
    scf.if %cond3A_6 {
      %add3A_158 = arith.constant 1 : i32
      %add3A_159 = arith.addi %arg0, %add3A_158 : i32
      %add3A_160 = arith.constant 1 : i32
      %add3A_161 = arith.addi %arg0, %add3A_160 : i32
      %jit3A_162 = arith.constant 2 : i32
      %eq3A_163 = arith.constant 0 : i32
      %eq3A_164 = arith.cmpi eq, %jit3A_162, %eq3A_163 : i32
      %jit3A_165 = arith.constant 1 : i32
      %select_n3A_166 = arith.select %eq3A_164, %jit3A_165, %jit3A_162 : i32
      %rem3A_167 = arith.remsi %add3A_161, %select_n3A_166 : i32
      %ne3A_168 = arith.constant 0 : i32
      %ne3A_169 = arith.cmpi ne, %rem3A_167, %ne3A_168 : i32
      %lt3A_170 = arith.constant 0 : i32
      %lt3A_171 = arith.cmpi slt, %rem3A_167, %lt3A_170 : i32
      %lt3A_172 = arith.constant 0 : i32
      %lt3A_173 = arith.cmpi slt, %select_n3A_166, %lt3A_172 : i32
      %ne3A_174 = arith.xori %lt3A_171, %lt3A_173 : i1
      %and3A_175 = arith.andi %ne3A_174, %ne3A_169 : i1
      %add3A_176 = arith.addi %rem3A_167, %select_n3A_166 : i32
      %select_n3A_177 = arith.select %and3A_175, %add3A_176, %rem3A_167 : i32
      %mul3A_178 = arith.constant 2048 : i32
      %mul3A_179 = arith.muli %add3A_159, %mul3A_178 : i32
      %dma_start3A = tpu.memref_slice %arg13[%select_n3A_177] : memref<2x!tpu.dma_semaphore, #tpu.memory_space<semaphore_mem>> -> memref<1x!tpu.dma_semaphore, #tpu.memory_space<semaphore_mem>>
      %dma_start3A_180 = tpu.memref_squeeze %dma_start3A : memref<1x!tpu.dma_semaphore, #tpu.memory_space<semaphore_mem>> -> memref<!tpu.dma_semaphore, #tpu.memory_space<semaphore_mem>>
      %dma_start3A_181 = arith.constant 0 : i32
      %dma_start3A_182 = arith.constant 0 : i32
      %dma_start3A_183 = tpu.memref_slice %arg11[%select_n3A_177, %dma_start3A_181, %dma_start3A_182] : memref<2x2048x64xf32, #tpu.memory_space<vmem>> -> memref<1x2048x64xf32, #tpu.memory_space<vmem>>
      %dma_start3A_184 = tpu.memref_squeeze %dma_start3A_183 : memref<1x2048x64xf32, #tpu.memory_space<vmem>> -> memref<2048x64xf32, #tpu.memory_space<vmem>>
      %dma_start3A_185 = arith.constant 0 : i32
      %dma_start3A_186 = tpu.memref_slice %arg1[%mul3A_179, %dma_start3A_185] : memref<327680x64xf32, #tpu.memory_space<any>> -> memref<2048x64xf32, #tpu.memory_space<any>>
      tpu.enqueue_dma source(%dma_start3A_186 : memref<2048x64xf32, #tpu.memory_space<any>>) target(%dma_start3A_184 : memref<2048x64xf32, #tpu.memory_space<vmem>>) target_semaphore(%dma_start3A_180 : memref<!tpu.dma_semaphore, #tpu.memory_space<semaphore_mem>>)
      %mul3A_187 = arith.constant 2048 : i32
      %mul3A_188 = arith.muli %add3A_159, %mul3A_187 : i32
      %dma_start3A_189 = tpu.memref_slice %arg14[%select_n3A_177] : memref<2x!tpu.dma_semaphore, #tpu.memory_space<semaphore_mem>> -> memref<1x!tpu.dma_semaphore, #tpu.memory_space<semaphore_mem>>
      %dma_start3A_190 = tpu.memref_squeeze %dma_start3A_189 : memref<1x!tpu.dma_semaphore, #tpu.memory_space<semaphore_mem>> -> memref<!tpu.dma_semaphore, #tpu.memory_space<semaphore_mem>>
      %dma_start3A_191 = arith.constant 0 : i32
      %dma_start3A_192 = arith.constant 0 : i32
      %dma_start3A_193 = tpu.memref_slice %arg12[%select_n3A_177, %dma_start3A_191, %dma_start3A_192] : memref<2x2048x64xf32, #tpu.memory_space<vmem>> -> memref<1x2048x64xf32, #tpu.memory_space<vmem>>
      %dma_start3A_194 = tpu.memref_squeeze %dma_start3A_193 : memref<1x2048x64xf32, #tpu.memory_space<vmem>> -> memref<2048x64xf32, #tpu.memory_space<vmem>>
      %dma_start3A_195 = arith.constant 0 : i32
      %dma_start3A_196 = tpu.memref_slice %arg2[%mul3A_188, %dma_start3A_195] : memref<327680x64xf32, #tpu.memory_space<any>> -> memref<2048x64xf32, #tpu.memory_space<any>>
      tpu.enqueue_dma source(%dma_start3A_196 : memref<2048x64xf32, #tpu.memory_space<any>>) target(%dma_start3A_194 : memref<2048x64xf32, #tpu.memory_space<vmem>>) target_semaphore(%dma_start3A_190 : memref<!tpu.dma_semaphore, #tpu.memory_space<semaphore_mem>>)
    } else {
    }
    %jit3A = arith.constant 2 : i32
    %eq3A_7 = arith.constant 0 : i32
    %eq3A_8 = arith.cmpi eq, %jit3A, %eq3A_7 : i32
    %jit3A_9 = arith.constant 1 : i32
    %select_n3A = arith.select %eq3A_8, %jit3A_9, %jit3A : i32
    %rem3A = arith.remsi %arg0, %select_n3A : i32
    %ne3A = arith.constant 0 : i32
    %ne3A_10 = arith.cmpi ne, %rem3A, %ne3A : i32
    %lt3A_11 = arith.constant 0 : i32
    %lt3A_12 = arith.cmpi slt, %rem3A, %lt3A_11 : i32
    %lt3A_13 = arith.constant 0 : i32
    %lt3A_14 = arith.cmpi slt, %select_n3A, %lt3A_13 : i32
    %ne3A_15 = arith.xori %lt3A_12, %lt3A_14 : i1
    %and3A = arith.andi %ne3A_15, %ne3A_10 : i1
    %add3A_16 = arith.addi %rem3A, %select_n3A : i32
    %select_n3A_17 = arith.select %and3A, %add3A_16, %rem3A : i32
    %dma_wait3A = tpu.memref_slice %arg13[%select_n3A_17] : memref<2x!tpu.dma_semaphore, #tpu.memory_space<semaphore_mem>> -> memref<1x!tpu.dma_semaphore, #tpu.memory_space<semaphore_mem>>
    %dma_wait3A_18 = tpu.memref_squeeze %dma_wait3A : memref<1x!tpu.dma_semaphore, #tpu.memory_space<semaphore_mem>> -> memref<!tpu.dma_semaphore, #tpu.memory_space<semaphore_mem>>
    %dma_wait3A_19 = arith.constant 0 : i32
    %dma_wait3A_20 = arith.constant 0 : i32
    %dma_wait3A_21 = tpu.memref_slice %arg11[%select_n3A_17, %dma_wait3A_19, %dma_wait3A_20] : memref<2x2048x64xf32, #tpu.memory_space<vmem>> -> memref<1x2048x64xf32, #tpu.memory_space<vmem>>
    %dma_wait3A_22 = tpu.memref_squeeze %dma_wait3A_21 : memref<1x2048x64xf32, #tpu.memory_space<vmem>> -> memref<2048x64xf32, #tpu.memory_space<vmem>>
    %dma_wait3A_23 = arith.constant 0 : i32
    %dma_wait3A_24 = arith.constant 0 : i32
    %dma_wait3A_25 = tpu.memref_slice %arg1[%dma_wait3A_23, %dma_wait3A_24] : memref<327680x64xf32, #tpu.memory_space<any>> -> memref<2048x64xf32, #tpu.memory_space<any>>
    tpu.wait_dma2 semaphore(%dma_wait3A_18 : memref<!tpu.dma_semaphore, #tpu.memory_space<semaphore_mem>>) src(%dma_wait3A_25 : memref<2048x64xf32, #tpu.memory_space<any>>) dst(%dma_wait3A_22 : memref<2048x64xf32, #tpu.memory_space<vmem>>)
    %dma_wait3A_26 = tpu.memref_slice %arg14[%select_n3A_17] : memref<2x!tpu.dma_semaphore, #tpu.memory_space<semaphore_mem>> -> memref<1x!tpu.dma_semaphore, #tpu.memory_space<semaphore_mem>>
    %dma_wait3A_27 = tpu.memref_squeeze %dma_wait3A_26 : memref<1x!tpu.dma_semaphore, #tpu.memory_space<semaphore_mem>> -> memref<!tpu.dma_semaphore, #tpu.memory_space<semaphore_mem>>
    %dma_wait3A_28 = arith.constant 0 : i32
    %dma_wait3A_29 = arith.constant 0 : i32
    %dma_wait3A_30 = tpu.memref_slice %arg12[%select_n3A_17, %dma_wait3A_28, %dma_wait3A_29] : memref<2x2048x64xf32, #tpu.memory_space<vmem>> -> memref<1x2048x64xf32, #tpu.memory_space<vmem>>
    %dma_wait3A_31 = tpu.memref_squeeze %dma_wait3A_30 : memref<1x2048x64xf32, #tpu.memory_space<vmem>> -> memref<2048x64xf32, #tpu.memory_space<vmem>>
    %dma_wait3A_32 = arith.constant 0 : i32
    %dma_wait3A_33 = arith.constant 0 : i32
    %dma_wait3A_34 = tpu.memref_slice %arg2[%dma_wait3A_32, %dma_wait3A_33] : memref<327680x64xf32, #tpu.memory_space<any>> -> memref<2048x64xf32, #tpu.memory_space<any>>
    tpu.wait_dma2 semaphore(%dma_wait3A_27 : memref<!tpu.dma_semaphore, #tpu.memory_space<semaphore_mem>>) src(%dma_wait3A_34 : memref<2048x64xf32, #tpu.memory_space<any>>) dst(%dma_wait3A_31 : memref<2048x64xf32, #tpu.memory_space<vmem>>)
    %get3A = arith.index_cast %select_n3A_17 : i32 to index
    %get3A_35 = arith.constant 0 : index
    %get3A_36 = arith.constant 0 : index
    %get3A_37 = vector.load %arg11[%get3A, %get3A_35, %get3A_36] : memref<2x2048x64xf32, #tpu.memory_space<vmem>>, vector<1x2048x64xf32>
    %get3A_38 = vector.shape_cast %get3A_37 : vector<1x2048x64xf32> to vector<2048x64xf32>
    %bitcast_convert_type3A = tpu.bitcast %get3A_38 : vector<2048x64xf32> -> vector<2048x64xi32>
    %and3A_39 = arith.constant 65535 : i32
    %and3A_40 = vector.broadcast %and3A_39 : i32 to vector<2048x64xi32>
    %and3A_41 = arith.andi %bitcast_convert_type3A, %and3A_40 : vector<2048x64xi32>
    %convert_element_type3A_42 = arith.trunci %and3A_41 : vector<2048x64xi32> to vector<2048x64xi16>
    %bitcast_convert_type3A_43 = tpu.bitcast %convert_element_type3A_42 : vector<2048x64xi16> -> vector<2048x64xbf16>
    %convert_element_type3A_44 = arith.extf %bitcast_convert_type3A_43 : vector<2048x64xbf16> to vector<2048x64xf32>
    %shift_right_logical3A = arith.constant 16 : i32
    %shift_right_logical3A_45 = vector.broadcast %shift_right_logical3A : i32 to vector<2048x64xi32>
    %shift_right_logical3A_46 = arith.shrui %bitcast_convert_type3A, %shift_right_logical3A_45 : vector<2048x64xi32>
    %convert_element_type3A_47 = arith.trunci %shift_right_logical3A_46 : vector<2048x64xi32> to vector<2048x64xi16>
    %bitcast_convert_type3A_48 = tpu.bitcast %convert_element_type3A_47 : vector<2048x64xi16> -> vector<2048x64xbf16>
    %convert_element_type3A_49 = arith.extf %bitcast_convert_type3A_48 : vector<2048x64xbf16> to vector<2048x64xf32>
    %concatenate3A = tpu.concatenate %convert_element_type3A_44, %convert_element_type3A_49 in 1 : vector<2048x64xf32>, vector<2048x64xf32> -> vector<2048x128xf32>
    %get3A_50 = arith.index_cast %select_n3A_17 : i32 to index
    %get3A_51 = arith.constant 0 : index
    %get3A_52 = arith.constant 0 : index
    %get3A_53 = vector.load %arg12[%get3A_50, %get3A_51, %get3A_52] : memref<2x2048x64xf32, #tpu.memory_space<vmem>>, vector<1x2048x64xf32>
    %get3A_54 = vector.shape_cast %get3A_53 : vector<1x2048x64xf32> to vector<2048x64xf32>
    %bitcast_convert_type3A_55 = tpu.bitcast %get3A_54 : vector<2048x64xf32> -> vector<2048x64xi32>
    %and3A_56 = arith.constant 65535 : i32
    %and3A_57 = vector.broadcast %and3A_56 : i32 to vector<2048x64xi32>
    %and3A_58 = arith.andi %bitcast_convert_type3A_55, %and3A_57 : vector<2048x64xi32>
    %convert_element_type3A_59 = arith.trunci %and3A_58 : vector<2048x64xi32> to vector<2048x64xi16>
    %bitcast_convert_type3A_60 = tpu.bitcast %convert_element_type3A_59 : vector<2048x64xi16> -> vector<2048x64xbf16>
    %convert_element_type3A_61 = arith.extf %bitcast_convert_type3A_60 : vector<2048x64xbf16> to vector<2048x64xf32>
    %shift_right_logical3A_62 = arith.constant 16 : i32
    %shift_right_logical3A_63 = vector.broadcast %shift_right_logical3A_62 : i32 to vector<2048x64xi32>
    %shift_right_logical3A_64 = arith.shrui %bitcast_convert_type3A_55, %shift_right_logical3A_63 : vector<2048x64xi32>
    %convert_element_type3A_65 = arith.trunci %shift_right_logical3A_64 : vector<2048x64xi32> to vector<2048x64xi16>
    %bitcast_convert_type3A_66 = tpu.bitcast %convert_element_type3A_65 : vector<2048x64xi16> -> vector<2048x64xbf16>
    %convert_element_type3A_67 = arith.extf %bitcast_convert_type3A_66 : vector<2048x64xbf16> to vector<2048x64xf32>
    %concatenate3A_68 = tpu.concatenate %convert_element_type3A_61, %convert_element_type3A_67 in 1 : vector<2048x64xf32>, vector<2048x64xf32> -> vector<2048x128xf32>
    %get3A_69 = arith.constant 0 : index
    %get3A_70 = arith.constant 0 : index
    %get3A_71 = arith.constant 0 : index
    %get3A_72 = vector.load %arg3[%get3A_69, %get3A_70, %get3A_71] : memref<1x1x2048xi32, #tpu.memory_space<vmem>>, vector<1x1x2048xi32>
    %get3A_73 = vector.shape_cast %get3A_72 : vector<1x1x2048xi32> to vector<2048xi32>
    %iota3A = tpu.iota {dimensions = array<i32: 1>} : vector<2048x8xi32>
    %broadcast_in_dim3A = vector.shape_cast %get3A_73 : vector<2048xi32> to vector<2048x1xi32>
    %eq3A_74 = vector.broadcast %broadcast_in_dim3A : vector<2048x1xi32> to vector<2048x8xi32>
    %eq3A_75 = arith.cmpi eq, %iota3A, %eq3A_74 : vector<2048x8xi32>
    %jit3A_76 = arith.constant 1.000000e+00 : f32
    %jit3A_77 = arith.constant 0.000000e+00 : f32
    %broadcast_in_dim3A_78 = vector.broadcast %jit3A_76 : f32 to vector<2048x8xf32>
    %broadcast_in_dim3A_79 = vector.broadcast %jit3A_77 : f32 to vector<2048x8xf32>
    %select_n3A_80 = arith.select %eq3A_75, %broadcast_in_dim3A_78, %broadcast_in_dim3A_79 : vector<2048x8xi1>, vector<2048x8xf32>
    %get3A_81 = arith.constant 0 : index
    %get3A_82 = arith.constant 0 : index
    %get3A_83 = vector.load %arg4[%get3A_81, %get3A_82] : memref<8x256xf32, #tpu.memory_space<vmem>>, vector<8x256xf32>
    %dot_general3A = arith.constant dense<0.000000e+00> : vector<2048x256xf32>
    %dot_general3A_84 = tpu.matmul %select_n3A_80, %get3A_83, %dot_general3A {dimension_numbers = #tpu.dot_dimension_numbers<[1], [0], [0], [1], [0, 0, 1, 1], [], []>, transpose_lhs_hint = false} : vector<2048x8xf32>, vector<8x256xf32>, vector<2048x256xf32> -> vector<2048x256xf32>
    %slice3A = vector.extract_strided_slice %dot_general3A_84 {offsets = [0, 0], sizes = [2048, 128], strides = [1, 1]} : vector<2048x256xf32> to vector<2048x128xf32>
    %add3A_85 = arith.addf %concatenate3A, %slice3A : vector<2048x128xf32>
    %mul3A = arith.constant 5.000000e-01 : f32
    %mul3A_86 = vector.broadcast %mul3A : f32 to vector<2048x128xf32>
    %mul3A_87 = arith.mulf %mul3A_86, %add3A_85 : vector<2048x128xf32>
    %mul3A_88 = arith.constant 0.707106769 : f32
    %mul3A_89 = vector.broadcast %mul3A_88 : f32 to vector<2048x128xf32>
    %mul3A_90 = arith.mulf %add3A_85, %mul3A_89 : vector<2048x128xf32>
    %erf3A = math.erf %mul3A_90 : vector<2048x128xf32>
    %add3A_91 = arith.constant 1.000000e+00 : f32
    %add3A_92 = vector.broadcast %add3A_91 : f32 to vector<2048x128xf32>
    %add3A_93 = arith.addf %add3A_92, %erf3A : vector<2048x128xf32>
    %mul3A_94 = arith.mulf %mul3A_87, %add3A_93 : vector<2048x128xf32>
    %get3A_95 = arith.constant 0 : index
    %get3A_96 = arith.constant 0 : index
    %get3A_97 = vector.load %arg5[%get3A_95, %get3A_96] : memref<128x128xf32, #tpu.memory_space<vmem>>, vector<128x128xf32>
    %dot_general3A_98 = arith.constant dense<0.000000e+00> : vector<2048x128xf32>
    %dot_general3A_99 = tpu.matmul %mul3A_94, %get3A_97, %dot_general3A_98 {dimension_numbers = #tpu.dot_dimension_numbers<[1], [0], [0], [1], [0, 0, 1, 1], [], []>, transpose_lhs_hint = false} : vector<2048x128xf32>, vector<128x128xf32>, vector<2048x128xf32> -> vector<2048x128xf32>
    %get3A_100 = arith.constant 0 : index
    %get3A_101 = arith.constant 0 : index
    %get3A_102 = vector.load %arg6[%get3A_100, %get3A_101] : memref<1x128xf32, #tpu.memory_space<vmem>>, vector<1x128xf32>
    %add3A_103 = vector.broadcast %get3A_102 : vector<1x128xf32> to vector<2048x128xf32>
    %add3A_104 = arith.addf %dot_general3A_99, %add3A_103 : vector<2048x128xf32>
    %get3A_105 = arith.constant 0 : index
    %get3A_106 = arith.constant 0 : index
    %get3A_107 = vector.load %arg7[%get3A_105, %get3A_106] : memref<128x128xf32, #tpu.memory_space<vmem>>, vector<128x128xf32>
    %dot_general3A_108 = arith.constant dense<0.000000e+00> : vector<2048x128xf32>
    %dot_general3A_109 = tpu.matmul %add3A_104, %get3A_107, %dot_general3A_108 {dimension_numbers = #tpu.dot_dimension_numbers<[1], [0], [0], [1], [0, 0, 1, 1], [], []>, transpose_lhs_hint = false} : vector<2048x128xf32>, vector<128x128xf32>, vector<2048x128xf32> -> vector<2048x128xf32>
    %add3A_110 = arith.addf %concatenate3A_68, %dot_general3A_109 : vector<2048x128xf32>
    %slice3A_111 = vector.extract_strided_slice %dot_general3A_84 {offsets = [0, 128], sizes = [2048, 128], strides = [1, 1]} : vector<2048x256xf32> to vector<2048x128xf32>
    %add3A_112 = arith.addf %add3A_110, %slice3A_111 : vector<2048x128xf32>
    %mul3A_113 = arith.constant 5.000000e-01 : f32
    %mul3A_114 = vector.broadcast %mul3A_113 : f32 to vector<2048x128xf32>
    %mul3A_115 = arith.mulf %mul3A_114, %add3A_112 : vector<2048x128xf32>
    %mul3A_116 = arith.constant 0.707106769 : f32
    %mul3A_117 = vector.broadcast %mul3A_116 : f32 to vector<2048x128xf32>
    %mul3A_118 = arith.mulf %add3A_112, %mul3A_117 : vector<2048x128xf32>
    %erf3A_119 = math.erf %mul3A_118 : vector<2048x128xf32>
    %add3A_120 = arith.constant 1.000000e+00 : f32
    %add3A_121 = vector.broadcast %add3A_120 : f32 to vector<2048x128xf32>
    %add3A_122 = arith.addf %add3A_121, %erf3A_119 : vector<2048x128xf32>
    %mul3A_123 = arith.mulf %mul3A_115, %add3A_122 : vector<2048x128xf32>
    %get3A_124 = arith.constant 0 : index
    %get3A_125 = arith.constant 0 : index
    %get3A_126 = vector.load %arg8[%get3A_124, %get3A_125] : memref<1x128xf32, #tpu.memory_space<vmem>>, vector<1x128xf32>
    %mul3A_127 = vector.broadcast %get3A_126 : vector<1x128xf32> to vector<2048x128xf32>
    %mul3A_128 = arith.mulf %mul3A_123, %mul3A_127 : vector<2048x128xf32>
    %reduce_sum3A = arith.constant dense<0.000000e+00> : vector<2048xf32>
    %reduce_sum3A_129 = vector.multi_reduction <add>, %mul3A_128, %reduce_sum3A [1] : vector<2048x128xf32> to vector<2048xf32>
    %broadcast_in_dim3A_130 = vector.shape_cast %reduce_sum3A_129 : vector<2048xf32> to vector<2048x1xf32>
    %get3A_131 = arith.constant 0 : index
    %get3A_132 = arith.constant 0 : index
    %get3A_133 = memref.load %arg9[%get3A_131, %get3A_132] : memref<1x1xf32, #tpu.memory_space<smem>>
    %add3A_134 = vector.broadcast %get3A_133 : f32 to vector<2048x1xf32>
    %add3A_135 = arith.addf %broadcast_in_dim3A_130, %add3A_134 : vector<2048x1xf32>
    %logistic3A = arith.negf %add3A_135 : vector<2048x1xf32>
    %logistic3A_136 = math.exp %logistic3A : vector<2048x1xf32>
    %logistic3A_137 = arith.constant 1.000000e+00 : f32
    %logistic3A_138 = vector.broadcast %logistic3A_137 : f32 to vector<2048x1xf32>
    %logistic3A_139 = arith.addf %logistic3A_138, %logistic3A_136 : vector<2048x1xf32>
    %logistic3A_140 = arith.divf %logistic3A_138, %logistic3A_139 : vector<2048x1xf32>
    %mul3A_141 = vector.broadcast %logistic3A_140 : vector<2048x1xf32> to vector<2048x128xf32>
    %mul3A_142 = arith.mulf %mul3A_141, %add3A_104 : vector<2048x128xf32>
    %mul3A_143 = arith.constant 2048 : i32
    %mul3A_144 = arith.muli %arg0, %mul3A_143 : i32
    %iota3A_145 = tpu.iota {dimensions = array<i32: 0>} : vector<2048x1xi32>
    %add3A_146 = vector.broadcast %mul3A_144 : i32 to vector<2048x1xi32>
    %add3A_147 = arith.addi %add3A_146, %iota3A_145 : vector<2048x1xi32>
    %lt3A_148 = arith.constant 320000 : i32
    %lt3A_149 = vector.broadcast %lt3A_148 : i32 to vector<2048x1xi32>
    %lt3A_150 = arith.cmpi slt, %add3A_147, %lt3A_149 : vector<2048x1xi32>
    %jit3A_151 = arith.constant 0.000000e+00 : f32
    %broadcast_in_dim3A_152 = vector.shape_cast %lt3A_150 : vector<2048x1xi1> to vector<2048x1xi1>
    %broadcast_in_dim3A_153 = vector.broadcast %broadcast_in_dim3A_152 : vector<2048x1xi1> to vector<2048x128xi1>
    %broadcast_in_dim3A_154 = vector.broadcast %jit3A_151 : f32 to vector<2048x128xf32>
    %select_n3A_155 = arith.select %broadcast_in_dim3A_153, %mul3A_142, %broadcast_in_dim3A_154 : vector<2048x128xi1>, vector<2048x128xf32>
    %swap3A = arith.constant 0 : index
    %swap3A_156 = arith.constant 0 : index
    %swap3A_157 = vector.load %arg10[%swap3A, %swap3A_156] : memref<2048x128xf32, #tpu.memory_space<vmem>>, vector<2048x128xf32>
    tpu.vector_store %arg10[%swap3A, %swap3A_156], %select_n3A_155 {strides = array<i32>} : memref<2048x128xf32, #tpu.memory_space<vmem>>, vector<2048x128xf32>,
    return
  }
  func.func @transform_2(%arg0: i32) -> (i32, i32, i32) {
    %c0_i32 = arith.constant 0 : i32
    %c0_i32_0 = arith.constant 0 : i32
    %c0_i32_1 = arith.constant 0 : i32
    return %arg0, %c0_i32, %c0_i32_0 : i32, i32, i32
  }
  func.func @transform_3(%arg0: i32) -> (i32, i32) {
    %c0_i32 = arith.constant 0 : i32
    %c0_i32_0 = arith.constant 0 : i32
    %c0_i32_1 = arith.constant 0 : i32
    return %c0_i32, %c0_i32_0 : i32, i32
  }
  func.func @transform_4(%arg0: i32) -> (i32, i32) {
    %c0_i32 = arith.constant 0 : i32
    %c0_i32_0 = arith.constant 0 : i32
    %c0_i32_1 = arith.constant 0 : i32
    return %c0_i32, %c0_i32_0 : i32, i32
  }
  func.func @transform_5(%arg0: i32) -> (i32, i32) {
    %c0_i32 = arith.constant 0 : i32
    %c0_i32_0 = arith.constant 0 : i32
    %c0_i32_1 = arith.constant 0 : i32
    return %c0_i32, %c0_i32_0 : i32, i32
  }
  func.func @transform_6(%arg0: i32) -> (i32, i32) {
    %c0_i32 = arith.constant 0 : i32
    %c0_i32_0 = arith.constant 0 : i32
    %c0_i32_1 = arith.constant 0 : i32
    return %c0_i32, %c0_i32_0 : i32, i32
  }
  func.func @transform_7(%arg0: i32) -> (i32, i32) {
    %c0_i32 = arith.constant 0 : i32
    %c0_i32_0 = arith.constant 0 : i32
    %c0_i32_1 = arith.constant 0 : i32
    return %c0_i32, %c0_i32_0 : i32, i32
  }
  func.func @transform_8(%arg0: i32) -> (i32, i32) {
    %c0_i32 = arith.constant 0 : i32
    %c0_i32_0 = arith.constant 0 : i32
    %c0_i32_1 = arith.constant 0 : i32
    return %c0_i32, %c0_i32_0 : i32, i32
  }
  func.func @transform_9(%arg0: i32) -> (i32, i32) {
    %c0_i32 = arith.constant 0 : i32
    %c0_i32_0 = arith.constant 0 : i32
    return %arg0, %c0_i32 : i32, i32
  }
}

module attributes {stable_mosaic.version = 14 : i64} {
  func.func @_ln_body(%arg0: i32, %arg1: memref<2000x128xf32, #tpu.memory_space<vmem>>, %arg2: memref<2000x128xf32, #tpu.memory_space<vmem>>, %arg3: memref<2000x128xf32, #tpu.memory_space<vmem>>, %arg4: memref<1x128xf32, #tpu.memory_space<vmem>>, %arg5: memref<1x128xf32, #tpu.memory_space<vmem>>, %arg6: memref<2000x128xf32, #tpu.memory_space<vmem>>) attributes {dimension_semantics = [#tpu.dimension_semantics<arbitrary>], iteration_bounds = array<i64: 5>, scalar_prefetch = 0 : i64, scratch_operands = 0 : i64, tpu.core_type = #tpu.core_type<tc>, window_params = [{transform_indices = @transform_0, window_bounds = array<i64: 2000, 128>}, {transform_indices = @transform_1, window_bounds = array<i64: 2000, 128>}, {transform_indices = @transform_2, window_bounds = array<i64: 2000, 128>}, {pipeline_mode = #tpu.pipeline_mode<synchronous>, transform_indices = @transform_3, window_bounds = array<i64: 1, 128>}, {pipeline_mode = #tpu.pipeline_mode<synchronous>, transform_indices = @transform_4, window_bounds = array<i64: 1, 128>}, {transform_indices = @transform_5, window_bounds = array<i64: 2000, 128>}]} {
    %get3A = arith.constant 0 : index
    %get3A_0 = arith.constant 0 : index
    %get3A_1 = vector.load %arg1[%get3A, %get3A_0] : memref<2000x128xf32, #tpu.memory_space<vmem>>, vector<2000x128xf32>
    %get3A_2 = arith.constant 0 : index
    %get3A_3 = arith.constant 0 : index
    %get3A_4 = vector.load %arg2[%get3A_2, %get3A_3] : memref<2000x128xf32, #tpu.memory_space<vmem>>, vector<2000x128xf32>
    %add3A = arith.addf %get3A_1, %get3A_4 : vector<2000x128xf32>
    %get3A_5 = arith.constant 0 : index
    %get3A_6 = arith.constant 0 : index
    %get3A_7 = vector.load %arg3[%get3A_5, %get3A_6] : memref<2000x128xf32, #tpu.memory_space<vmem>>, vector<2000x128xf32>
    %add3A_8 = arith.addf %add3A, %get3A_7 : vector<2000x128xf32>
    %reduce_sum3A = arith.constant dense<0.000000e+00> : vector<2000xf32>
    %reduce_sum3A_9 = vector.multi_reduction <add>, %add3A_8, %reduce_sum3A [1] : vector<2000x128xf32> to vector<2000xf32>
    %broadcast_in_dim3A = vector.shape_cast %reduce_sum3A_9 : vector<2000xf32> to vector<2000x1xf32>
    %div3A = arith.constant 1.280000e+02 : f32
    %div3A_10 = vector.broadcast %div3A : f32 to vector<2000x1xf32>
    %div3A_11 = arith.divf %broadcast_in_dim3A, %div3A_10 : vector<2000x1xf32>
    %sub3A = vector.broadcast %div3A_11 : vector<2000x1xf32> to vector<2000x128xf32>
    %sub3A_12 = arith.subf %add3A_8, %sub3A : vector<2000x128xf32>
    %mul3A = arith.mulf %sub3A_12, %sub3A_12 : vector<2000x128xf32>
    %reduce_sum3A_13 = arith.constant dense<0.000000e+00> : vector<2000xf32>
    %reduce_sum3A_14 = vector.multi_reduction <add>, %mul3A, %reduce_sum3A_13 [1] : vector<2000x128xf32> to vector<2000xf32>
    %broadcast_in_dim3A_15 = vector.shape_cast %reduce_sum3A_14 : vector<2000xf32> to vector<2000x1xf32>
    %div3A_16 = arith.constant 1.280000e+02 : f32
    %div3A_17 = vector.broadcast %div3A_16 : f32 to vector<2000x1xf32>
    %div3A_18 = arith.divf %broadcast_in_dim3A_15, %div3A_17 : vector<2000x1xf32>
    %add3A_19 = arith.constant 9.99999974E-6 : f32
    %add3A_20 = vector.broadcast %add3A_19 : f32 to vector<2000x1xf32>
    %add3A_21 = arith.addf %div3A_18, %add3A_20 : vector<2000x1xf32>
    %rsqrt3A = math.rsqrt %add3A_21 : vector<2000x1xf32>
    %mul3A_22 = vector.broadcast %rsqrt3A : vector<2000x1xf32> to vector<2000x128xf32>
    %mul3A_23 = arith.mulf %sub3A_12, %mul3A_22 : vector<2000x128xf32>
    %get3A_24 = arith.constant 0 : index
    %get3A_25 = arith.constant 0 : index
    %get3A_26 = vector.load %arg4[%get3A_24, %get3A_25] : memref<1x128xf32, #tpu.memory_space<vmem>>, vector<1x128xf32>
    %mul3A_27 = vector.broadcast %get3A_26 : vector<1x128xf32> to vector<2000x128xf32>
    %mul3A_28 = arith.mulf %mul3A_23, %mul3A_27 : vector<2000x128xf32>
    %get3A_29 = arith.constant 0 : index
    %get3A_30 = arith.constant 0 : index
    %get3A_31 = vector.load %arg5[%get3A_29, %get3A_30] : memref<1x128xf32, #tpu.memory_space<vmem>>, vector<1x128xf32>
    %add3A_32 = vector.broadcast %get3A_31 : vector<1x128xf32> to vector<2000x128xf32>
    %add3A_33 = arith.addf %mul3A_28, %add3A_32 : vector<2000x128xf32>
    %swap3A = arith.constant 0 : index
    %swap3A_34 = arith.constant 0 : index
    %swap3A_35 = vector.load %arg6[%swap3A, %swap3A_34] : memref<2000x128xf32, #tpu.memory_space<vmem>>, vector<2000x128xf32>
    tpu.vector_store %arg6[%swap3A, %swap3A_34], %add3A_33 {strides = array<i32>} : memref<2000x128xf32, #tpu.memory_space<vmem>>, vector<2000x128xf32>,
    return
  }
  func.func @transform_0(%arg0: i32) -> (i32, i32) {
    %c0_i32 = arith.constant 0 : i32
    %c0_i32_0 = arith.constant 0 : i32
    return %arg0, %c0_i32 : i32, i32
  }
  func.func @transform_1(%arg0: i32) -> (i32, i32) {
    %c0_i32 = arith.constant 0 : i32
    %c0_i32_0 = arith.constant 0 : i32
    return %arg0, %c0_i32 : i32, i32
  }
  func.func @transform_2(%arg0: i32) -> (i32, i32) {
    %c0_i32 = arith.constant 0 : i32
    %c0_i32_0 = arith.constant 0 : i32
    return %arg0, %c0_i32 : i32, i32
  }
  func.func @transform_3(%arg0: i32) -> (i32, i32) {
    %c0_i32 = arith.constant 0 : i32
    %c0_i32_0 = arith.constant 0 : i32
    %c0_i32_1 = arith.constant 0 : i32
    return %c0_i32, %c0_i32_0 : i32, i32
  }
  func.func @transform_4(%arg0: i32) -> (i32, i32) {
    %c0_i32 = arith.constant 0 : i32
    %c0_i32_0 = arith.constant 0 : i32
    %c0_i32_1 = arith.constant 0 : i32
    return %c0_i32, %c0_i32_0 : i32, i32
  }
  func.func @transform_5(%arg0: i32) -> (i32, i32) {
    %c0_i32 = arith.constant 0 : i32
    %c0_i32_0 = arith.constant 0 : i32
    return %arg0, %c0_i32 : i32, i32
  }
}

</mosaic_0001>

<sc_bundles>
// kernel: kernel.12.cloned.1.call-start
scs
__scs_entry_jumppad:
0x0: {  	(pc) =	sbr.rel $0x88, $3  }
0x1: {  	(tag) =	ssettag $0x0;
	lr =	simm.s32 $0x1  }
0x2: {  	[smem:$0x3F93] =	sst lr;
	_ =	strace $0xD0000000  }
0x3: {  	_ = 	snop  }
0x4: {  	_ = 	snop  }
0x5: {  	_ = 	snop  }
0x6: {  	_ = 	snop  }
0x7: {  	_ = 	snop  }
__scs_overlays_trampoline_lowered:
0x8: {  	[smem:$0x3FA2] =	sst s0  }
0x9: {  	[smem:$0x3FA3] =	sst s1  }
0xa: {  	[smem:$0x3FA4] =	sst s2  }
0xb: {  	[smem:$0x3FA5] =	sst s3  }
0xc: {  	[smem:$0x3FA6] =	sst s4  }
0xd: {  	[smem:$0x3FA7] =	sst s5  }
0xe: {  	[smem:$0x3FA8] =	sst s6  }
0xf: {  	[smem:$0x3FA9] =	sst s7  }
0x10: {  	[smem:$0x3FAA] =	sst s8  }
0x11: {  	[smem:$0x3FAB] =	sst s9;
	s0 =	simm.s32 @!p0 $0x0  }
0x12: {  	s1 =	sld [smem:$0x3F91];
	s0 =	simm.s32 @p0 $0x1  }
0x13: {  	[smem:$0x3FAC] =	sst s0;
	s0 =	simm.s32 @!p1 $0x0  }
0x14: {  	s2 =	sld [smem:$0x3F90];
	s0 =	simm.s32 @p1 $0x1  }
0x15: {  	[smem:$0x3FAD] =	sst s0;
	s0 =	simm.s32 @!p2 $0x0  }
0x16: {  	s3 =	sld [smem:$0x3FDB];
	s0 =	simm.s32 @p2 $0x1  }
0x17: {  	s4 =	simm.s32 $0x1BF5;
	[smem:$0x3FAF] =	sst s0  }
0x18: {  	s0 =	sld [smem:$0x3F92];
	_ =	swait.ge [sflag:s4], $0x0  }
0x19: {  	s7 =	sld [smem:$0x3F93]  }
0x1a: {  	s8 =	sadd.s32 $0xFFFFE003, lr  }
0x1b: {  	s9 =	sadd.s32 $0xFFFFFEF7, lr;
	s5 =	simm.s32 $0xFFFFFFFF;
	p2 =	slt.u32 s8, $0xFFFFF086  }
0x1c: {  	p1 =	slt.u32 s9, $0xF7A;
	s5 =	simm.s32 @!p2 $0x0  }
0x1d: {  	s5 =	simm.s32 @p1 $0x1;
	p0 =	seq.s32 s7, s2  }
0x1e: {  	s7 =	smul.u32 @!p0 $0xF7A, s2;
	p2 =	seq.s32 @!p0 s5, $0x0  }
0x1f: {  	s9 =	smul.u32 $0xF7A, s1;
	s8 =	simm.s32 @!p0 $0x1BF5;
	p2 =	por !p2, p0  }
0x20: {  	[sflag:s8] =	ssyncset.s32 @!p0 $0xFFFFF086;
	s6 =	sadd.s32 @!p0 s3, s7;
	s7 =	simm.s32 @!p0 $0x108  }
0x21: {  	s3 =	sadd.s32 s3, s9;
	s6 =	sadd.s32 @!p0 $0x88, s6;
	s7 =	simm.s32 @p2 $0x1082  }
0x22: {  	[simem:s7], [sflag:s8] =	dma.local @!p0 [hbm:s6], $0xF7A  }
0x23: {  	s9 =	sor.u32 $0xD0000000, s2;
	s6 =	simm.s32 $0x108;
	_ =	swait.ge @!p0 [sflag:s8], $0x0  }
0x24: {  	s3 =	sadd.s32 $0x88, s3;
	s6 =	simm.s32 @!p1 $0x1082;
	[sflag:s4] =	ssyncset.s32 $0xFFFFF086  }
0x25: {  	[simem:s6], [sflag:s4] =	dma.local [hbm:s3], $0xF7A  }
0x26: {  	[smem:$0x3F93] =	sst s1;
	(tag) =	ssettag s2;
	_ =	strace s9  }
0x27: {  	s1 =	sld [smem:$0x3FA3]  }
0x28: {  	s2 =	sld [smem:$0x3FA4]  }
0x29: {  	s4 =	sld [smem:$0x3FA6]  }
0x2a: {  	p0 =	seq.s32 s5, $0x0;
	s5 =	sld [smem:$0x3FA7]  }
0x2b: {  	s6 =	sld [smem:$0x3FA8]  }
0x2c: {  	s7 =	sld [smem:$0x3FA9]  }
0x2d: {  	s3 =	simm.s32 $0x108;
	s8 =	sld [smem:$0x3FAA]  }
0x2e: {  	s3 =	simm.s32 @!p0 $0x1082;
	s9 =	sld [smem:$0x3FAB]  }
0x2f: {  	lr =	sadd.s32 s0, s3;
	s0 =	sld [smem:$0x3FA2]  }
0x30: {  	s3 =	sld [smem:$0x3FA5]  }
0x31: {  	[smem:$0x3FAE] =	sst s10  }
0x32: {  	s10 =	sld [smem:$0x3FAC];
	_ =	sdelay $0x3  }
0x33: {  	p0 =	seq.s32 s10, $0x1;
	s10 =	sld [smem:$0x3FAE];
	_ =	sdelay $0x3  }
0x34: {  	[smem:$0x3FAE] =	sst s10  }
0x35: {  	s10 =	sld [smem:$0x3FAD];
	_ =	sdelay $0x3  }
0x36: {  	p1 =	seq.s32 s10, $0x1;
	s10 =	sld [smem:$0x3FAE];
	_ =	sdelay $0x3  }
0x37: {  	[smem:$0x3FAE] =	sst s10  }
0x38: {  	s10 =	sld [smem:$0x3FAF]  }
0x39: {  	_ = 	snop;
	(pc) =	sbr.ind lr, $3  }
0x3a: {  	_ = 	snop  }
0x3b: {  	_ = 	snop  }
0x3c: {  	p2 =	seq.s32 s10, $0x1;
	s10 =	sld [smem:$0x3FAE]  }
0x3d: {  	_ =	shalt  }
0x3e: {  	_ =	shalt  }
0x3f: {  	_ =	shalt  }
0x40: {  	_ =	shalt  }
0x41: {  	_ =	shalt  }
0x42: {  	_ =	shalt  }
0x43: {  	_ =	shalt  }
0x44: {  	_ =	shalt  }
0x45: {  	_ =	shalt  }
0x46: {  	_ =	shalt  }
0x47: {  	_ =	shalt  }
0x48: {  	_ =	shalt  }
0x49: {  	_ =	shalt  }
0x4a: {  	_ =	shalt  }
0x4b: {  	_ =	shalt  }
0x4c: {  	_ =	shalt  }
0x4d: {  	_ =	shalt  }
0x4e: {  	_ =	shalt  }
0x4f: {  	_ =	shalt  }
0x50: {  	_ =	shalt  }
0x51: {  	_ =	shalt  }
0x52: {  	_ =	shalt  }
0x53: {  	_ =	shalt  }
0x54: {  	_ =	shalt  }
0x55: {  	_ =	shalt  }
0x56: {  	_ =	shalt  }
0x57: {  	_ =	shalt  }
0x58: {  	_ =	shalt  }
0x59: {  	_ =	shalt  }
0x5a: {  	_ =	shalt  }
0x5b: {  	_ =	shalt  }
0x5c: {  	_ =	shalt  }
0x5d: {  	_ =	shalt  }
0x5e: {  	_ =	shalt  }
0x5f: {  	_ =	shalt  }
0x60: {  	_ =	shalt  }
0x61: {  	_ =	shalt  }
0x62: {  	_ =	shalt  }
0x63: {  	_ =	shalt  }
0x64: {  	_ =	shalt  }
0x65: {  	_ =	shalt  }
0x66: {  	_ =	shalt  }
0x67: {  	_ =	shalt  }
0x68: {  	_ =	shalt  }
0x69: {  	_ =	shalt  }
0x6a: {  	_ =	shalt  }
0x6b: {  	_ =	shalt  }
0x6c: {  	_ =	shalt  }
0x6d: {  	_ =	shalt  }
0x6e: {  	_ =	shalt  }
0x6f: {  	_ =	shalt  }
0x70: {  	_ =	shalt  }
0x71: {  	_ =	shalt  }
0x72: {  	_ =	shalt  }
0x73: {  	_ =	shalt  }
0x74: {  	_ =	shalt  }
0x75: {  	_ =	shalt  }
0x76: {  	_ =	shalt  }
0x77: {  	_ =	shalt  }
0x78: {  	_ =	shalt  }
0x79: {  	_ =	shalt  }
0x7a: {  	_ =	shalt  }
0x7b: {  	_ =	shalt  }
0x7c: {  	_ =	shalt  }
0x7d: {  	_ =	shalt  }
0x7e: {  	_ =	shalt  }
0x7f: {  	_ =	shalt  }
0x80: {  	_ =	shalt  }
0x81: {  	_ =	shalt  }
0x82: {  	_ =	shalt  }
0x83: {  	_ =	shalt  }
0x84: {  	_ =	shalt  }
0x85: {  	_ =	shalt  }
0x86: {  	_ =	shalt  }
0x87: {  	_ =	shalt  }
.Lfunc_end0:
.L_simem_size_0:
called_computation_lowered:
.L_overlay_start_0:
0x88: {  	s2 =	sld [smem:$0x3FD9]  }
0x89: {  	s3 =	sld [smem:$0x3FFE];
	_ =	sdelay $0x1  }
0x8a: {  	s1 =	srdreg.scid  }
0x8b: {  	s0 =	sand.u32 $0x1, s1  }
0x8c: {  	s17 =	sshll.u32 s0, $0xA;
	s2 =	sadd.s32 s3, s2  }
0x8d: {  	s2 =	sadd.s32 s2, s17  }
0x8e: {  	[smem:$0x3FBA] =	sst s2  }
0x8f: {  	_ = 	snop  }
0x90: {  	s2 =	sld [smem:$0x3FD0];
	(tm) =	ssettm $0x1  }
0x91: {  	s18 =	sld [smem:$0x3FFB];
	_ =	sdelay $0x3  }
0x92: {  	_ =	strace s18  }
0x93: {  	s3 =	sld [smem:$0x3FFC];
	_ =	sdelay $0x3  }
0x94: {  	_ =	strace s3  }
0x95: {  	s3 =	sld [smem:$0x3FFD];
	_ =	sdelay $0x3  }
0x96: {  	_ =	strace s3  }
0x97: {  	_ =	strace $0x8FFFFFFF  }
0x98: {  	s19 =	sld [smem:$0x3FDB];
	_ =	sdelay $0x1  }
0x99: {  	s4 =	simm.s32 $_scs_section_size  }
0x9a: {  	s5 =	simm.s32 $_size__tile_overlayer_lowered;
	s6 =	simm.s32 $_tile_overlayer_lowered  }
0x9b: {  	s22 =	simm.s32 $0x1BFF;
	s21 =	sshll.u32 s6, $0x1;
	s3 =	sadd.s32 s4, s19  }
0x9c: {  	s7 =	simm.s32 $0x0;
	s20 =	sshll.u32 s5, $0x1;
	s5 =	sadd.s32 s21, s3  }
0x9d: {  	[timem:s7], [sflag:s22] =	dma.local [hbm:s5], s20  }
0x9e: {  	_ =	swait.ge [sflag:s22], s20  }
0x9f: {  	s4 =	ssub.s32 $0x0, s20;
	[sflag:s22] =	ssyncset.done $0x0  }
0xa0: {  	[sflag:s22] =	ssyncadd.s32 s4;
	_ =	sdelay $0x1  }
0xa1: {  	s23 =	simm.s32 $0x1B8B  }
0xa2: {  	_ =	swait.ge [sflag:s23], $0x1  }
0xa3: {  	[sflag:s23] =	ssyncset.done $0x0  }
0xa4: {  	s25 =	simm.s32 $0x1B8E;
	s24 =	sld [smem:$0x3FFE];
	[sflag:s23] =	ssyncadd.s32 $0xFFFFFFFF  }
0xa5: {  	s26 =	simm.s32 $execute0_lowered;
	[smem:$0x3FD2] =	sst s25  }
0xa6: {  	s5 =	sshll.u32 s26, $0x1;
	_ =	strace $0x80000046;
	[dreg:$0x1] =	wrdreg $0xFFFFFFFF  }
0xa7: {  	s28 =	simm.s32 $_size_execute0_lowered;
	s3 =	sadd.s32 s3, s5;
	[dreg:$0x0] =	wrdreg $0x0  }
0xa8: {  	s5 =	sshll.u32 s28, $0x1;
	[dreg:$0x2] =	wrdreg s3  }
0xa9: {  	[dreg:$0x3] =	wrdreg s5  }
0xaa: {  	[dreg:$0x4] =	wrdreg $0xC0  }
0xab: {  	_ =	task [dreg:s7], $0x5FFFF  }
0xac: {  	[dreg:$0x1] =	wrdreg $0xFFFFFFFF  }
0xad: {  	[dreg:$0x0] =	wrdreg $0x60  }
0xae: {  	[dreg:$0x2] =	wrdreg s2  }
0xaf: {  	[dreg:$0x3] =	wrdreg s24  }
0xb0: {  	[dreg:$0x4] =	wrdreg $0xA8000  }
0xb1: {  	[dreg:$0x5] =	wrdreg $0x144400  }
0xb2: {  	[dreg:$0x6] =	wrdreg $0x9  }
0xb3: {  	_ =	task.clear_ibuf [dreg:s7], $0x7FFFF;
	_ =	strace $0x90000046  }
0xb4: {  	s29 =	simm.s32 $0x9;
	_ =	strace $0x80000048  }
0xb5: {  	_ =	swait.ge [sflag:s29], $0x1  }
0xb6: {  	[sflag:s29] =	ssyncadd.s32 $0xFFFFFFFF  }
0xb7: {  	_ =	strace $0x90000048  }
0xb8: {  	_ =	sfence  }
0xb9: {  	s30 =	sld [smem:$0x0];
	_ =	sdelay $0x2  }
0xba: {  	s31 =	sshll.u32 s1, $0xD;
	s1 =	sshrl.u32 s1, $0x2  }
0xbb: {  	s3 =	sand.u32 $0x4000, s31;
	s1 =	sadd.s32 s1, s30  }
0xbc: {  	s0 =	sor.u32 s3, s0;
	s1 =	sshll.u32 s1, $0x11  }
0xbd: {  	s0 =	sor.u32 s1, s0  }
0xbe: {  	s0 =	sadd.s32 $0x8F2B, s0  }
0xbf: {  	[sflag:s0] =	ssyncadd.remote.s32 $0x1  }
0xc0: {  	_ =	sfence.sel $0xFFFF  }
0xc1: {  	[dreg:$0x0] =	wrdreg $0xFFFFFFFF;
	(pc) =	sbr.abs _section_cstart, $3  }
0xc2: {  	[dreg:$0x1] =	wrdreg $0xFFFFFFFF  }
0xc3: {  	_ =	task.clear_ibuf [dreg:s7], $0x2FFFF;
	_ =	strace $0x9FFFFFFF  }
0xc4: {  	(tm) =	ssettm $0x7FFFFFFF  }
0xc5: {  	_ =	shalt  }
tec
execute0_lowered:
.L_overlay_start_1:
0x0: {  	(tag) =	ssettag $0x1  }
0x1: {  	s0 =	rddreg [dreg:$0x0]  }
0x2: {  	s2 =	rddreg [dreg:$0x1]  }
0x3: {  	s1 =	rddreg [dreg:$0x2];
	s4 =	srdreg.scid  }
0x4: {  	s3 =	rddreg [dreg:$0x3];
	s15 =	stileid.u32;
	s28 =	simm.s32 $0x100  }
0x5: {  	s29 =	simm.s32 $0x6800;
	s30 =	simm.s32 $0x180;
	s31 =	simm.s32 $0x8800  }
0x6: {  	s5 =	sand.u32 $0x1, s4;
	s4 =	simm.s32 $0x0;
	s7 =	smul.u32 $0x9C40, s15  }
0x7: {  	s13 =	sadd.s32 $0x2B0800, s2;
	s24 =	sshll.u32 s15, $0x6;
	s25 =	smul.u32 $0xA0000, s15  }
0x8: {  	s6 =	sshll.u32 s5, $0x4;
	[smem:$0x7FF] =	sst s4;
	s11 =	ssub.s32 $0x2, s5  }
0x9: {  	s5 =	smul.u32 $0xA00000, s5;
	s6 =	sor.u32 s15, s6;
	_ =	strace $0x80000047  }
0xa: {  	s9 =	sshrl.u32 s7, $0x3;
	s12 =	sshrl.u32 s11, $0x1;
	s14 =	sadd.s32 s7, s1  }
0xb: {  	s8 =	smul.u32 $0x500, s6;
	s10 =	sadd.s32 s9, s2;
	s11 =	ssub.s32 s11, s12  }
0xc: {  	s23 =	smul.u32 $0xA0000, s6;
	s0 =	sadd.s32 s0, s9;
	s6 =	sor.u32 $0x1C09, s24  }
0xd: {  	s5 =	sadd.s32 s25, s5;
	[dreg:$0x5] =	wrdreg s0;
	s0 =	sadd.s32 s7, s3  }
0xe: {  	s26 =	sadd.s32 $0x1CE00, s10;
	s17 =	smax.u32 s11, $0x1;
	s18 =	sor.u32 $0x4000, s5  }
0xf: {  	s19 =	sor.u32 $0x2000, s5;
	s21 =	sor.u32 $0x6000, s5;
	s5 =	sshrl.u32 s5, $0x3  }
0x10: {  	s8 =	sadd.s32 s8, s2;
	s2 =	sadd.s32 $0x30800, s2;
	[dreg:$0x6] =	wrdreg s26  }
0x11: {  	s15 =	sshrl.u32 s23, $0x3;
	[dreg:$0x9] =	wrdreg s17;
	s23 =	sadd.s32 s5, s13  }
0x12: {  	s7 =	sshrl.u32 s18, $0x3;
	s26 =	sshrl.u32 s14, $0x3;
	[dreg:$0xc] =	wrdreg s23  }
0x13: {  	s9 =	sshrl.u32 s21, $0x3;
	s0 =	sshrl.u32 s0, $0x3;
	[dreg:$0x12] =	wrdreg s26  }
0x14: {  	s10 =	sadd.s32 $0x10E00, s8;
	s8 =	sadd.s32 $0x6E00, s8;
	[dreg:$0x13] =	wrdreg s0  }
0x15: {  	s16 =	sadd.s32 $0x13800, s15;
	s20 =	sadd.s32 s7, s13;
	[dreg:$0x7] =	wrdreg s10  }
0x16: {  	s24 =	sadd.s32 s9, s13;
	s7 =	sadd.s32 s7, s2;
	[dreg:$0x8] =	wrdreg s8  }
0x17: {  	s5 =	sadd.s32 s5, s2;
	s26 =	simm.s32 $0x4800;
	[dreg:$0xa] =	wrdreg s20  }
0x18: {  	s0 =	simm.s32 $0x1;
	s11 =	sadd.s32 s13, s16;
	[dreg:$0xd] =	wrdreg s24  }
0x19: {  	s12 =	sadd.s32 s2, s16;
	s8 =	sshrl.u32 s19, $0x3;
	[dreg:$0xe] =	wrdreg s7  }
0x1a: {  	[dreg:$0x10] =	wrdreg s5;
	s24 =	simm.s32 $0x80;
	s5 =	simm.s32 $0x4  }
.Ltmp0:
0x1b: {  	s7 =	simm.s32 $0x5;
	s22 =	sadd.s32 s8, s13;
	(pc) =	sbr.rel .LBB2_1-.Ltmp0, $4  }
0x1c: {  	s10 =	simm.s32 $0x8;
	s25 =	sadd.s32 s8, s2;
	[dreg:$0xb] =	wrdreg s22  }
0x1d: {  	s2 =	sadd.s32 s9, s2;
	s8 =	simm.s32 $0x6;
	[dreg:$0xf] =	wrdreg s25  }
0x1e: {  	s9 =	simm.s32 $0x7;
	s13 =	simm.s32 $0x0;
	[dreg:$0x11] =	wrdreg s2  }
0x1f: {  	s22 =	simm.s32 $0x9;
	s25 =	simm.s32 $0x2800;
	s2 =	simm.s32 $0x2  }
.LBB2_7:
0x20: {  	_ =	swait.ge [sflag:s7], $0x2000  }
0x21: {  	[sflag:s7] =	ssyncset.done $0x0  }
0x22: {  	[sflag:s7] =	ssyncadd.s32 $0xFFFFE000  }
0x23: {  	_ =	swait.ge [sflag:s8], $0x2000  }
0x24: {  	[sflag:s8] =	ssyncset.done $0x0  }
0x25: {  	[sflag:s8] =	ssyncadd.s32 $0xFFFFE000  }
0x26: {  	_ =	swait.ge [sflag:s9], $0x2000  }
0x27: {  	[sflag:s9] =	ssyncset.done $0x0  }
0x28: {  	[sflag:s9] =	ssyncadd.s32 $0xFFFFE000  }
0x29: {  	_ =	swait.ge [sflag:s10], $0x2000  }
0x2a: {  	s13 =	sadd.s32 $0x1, s13;
	s14 =	rddreg [dreg:$0x9]  }
0x2b: {  	p0 =	sne.s32 s13, s14  }
.Ltmp1:
0x2c: {  	_ = 	snop;
	(pc) =	sbr.rel @!p0 .LBB2_8-.Ltmp1, $3  }
0x2d: {  	_ =	sdelay $0x1  }
0x2e: {  	[sflag:s10] =	ssyncset.done $0x0  }
0x2f: {  	[sflag:s10] =	ssyncadd.s32 $0xFFFFE000  }
.LBB2_1:
0x30: {  	s14 =	rddreg [dreg:$0x5]  }
0x31: {  	s15 =	rddreg [dreg:$0x12]  }
0x32: {  	[spmem:s15], [sflag:s6] =	dma.local [hbm:s14], $0x1388  }
0x33: {  	_ =	swait.ge [sflag:s22], $0x1388  }
0x34: {  	[sflag:s22] =	ssyncset.done $0x0;
	s20 =	rddreg [dreg:$0x6]  }
0x35: {  	s21 =	rddreg [dreg:$0x13];
	[sflag:s22] =	ssyncadd.s32 $0xFFFFEC78  }
0x36: {  	[spmem:s21], [sflag:s6] =	dma.local [hbm:s20], $0x1388  }
0x37: {  	_ =	swait.ge [sflag:s22], $0x1388  }
0x38: {  	[sflag:s22] =	ssyncset.done $0x0  }
0x39: {  	[sflag:s22] =	ssyncadd.s32 $0xFFFFEC78  }
0x3a: {  	[bflag:$0x0] =	sbarrier.arrive $0xFFFF  }
0x3b: {  	s23 =	rddreg [dreg:$0x7]  }
0x3c: {  	[tilespmem:s4], [sflag:$0x9] =	stream.linear.gather [hbm4b:s23+s4], $0x2800, $0x38;
	[tilespmem:$0x1E080] =	vst v63  }
0x3d: {  	_ =	swait.ge [sflag:s22], $0x2800  }
0x3e: {  	[sflag:s22] =	ssyncset.done $0x0  }
0x3f: {  	s14 =	rddreg [dreg:$0xd];
	[sflag:s22] =	ssyncadd.s32 $0xFFFFD800  }
0x40: {  	[tilespmem:s25], [sflag:$0x1] =	stream.indirect.gather [spmem:s1], $0x40, s4, s24, $0xb8;
	[tilespmem:$0x1E080] =	vst v63  }
0x41: {  	s15 =	rddreg [dreg:$0xc]  }
0x42: {  	[tilespmem:s26], [sflag:$0x2] =	stream.indirect.gather [spmem:s1], $0x40, s24, s24, $0xb8;
	[tilespmem:$0x1E080] =	vst v63  }
0x43: {  	s16 =	rddreg [dreg:$0xb]  }
0x44: {  	[tilespmem:s29], [sflag:$0x3] =	stream.indirect.gather [spmem:s1], $0x40, s28, s24, $0xb8;
	[tilespmem:$0x1E080] =	vst v63  }
0x45: {  	s18 =	simm.s32 $0x0;
	s17 =	rddreg [dreg:$0xa]  }
0x46: {  	[tilespmem:s31], [sflag:$0x4] =	stream.indirect.gather [spmem:s1], $0x40, s30, s24, $0xb8;
	[tilespmem:$0x1E080] =	vst v63  }
.LBB2_2:
0x47: {  	_ =	swait.ge [sflag:s0], $0x2000  }
0x48: {  	p0 =	seq.s32 s18, $0x0;
	[sflag:s0] =	ssyncset.done $0x0  }
0x49: {  	s21 =	simm.s32 @!p0 $0x8;
	[sflag:s0] =	ssyncadd.s32 $0xFFFFE000  }
0x4a: {  	[hbm4b:s15+s4] =	stream.linear.scatter [tilespmem:s25], [sflag:$0x5], $0x2000, $0x38;
	[tilespmem:$0x1E080] =	vst v63  }
0x4b: {  	_ =	swait.ge @!p0 [sflag:s21], $0x2000  }
0x4c: {  	[sflag:s21] =	ssyncset.done @!p0 $0x0  }
0x4d: {  	[sflag:s21] =	ssyncadd.s32 @!p0 $0xFFFFE000;
	s21 =	sshra.s32 @!p0 s18, $0x2  }
0x4e: {  	s19 =	simm.s32 @!p0 $0x80;
	s20 =	simm.s32 @!p0 $0x8800;
	s21 =	sadd.s32 @!p0 $0x180, s21  }
0x4f: {  	[tilespmem:s20], [sflag:$0x4] =	stream.indirect.gather @!p0 [spmem:s1], $0x40, s21, s19, $0xb8;
	[tilespmem:$0x1E080] =	vst v63  }
0x50: {  	_ =	swait.ge [sflag:s2], $0x2000  }
0x51: {  	p0 =	seq.s32 s18, $0x9800;
	[sflag:s2] =	ssyncset.done $0x0  }
0x52: {  	s19 =	simm.s32 @p0 $0x3;
	[sflag:s2] =	ssyncadd.s32 $0xFFFFE000  }
0x53: {  	[hbm4b:s16+s4] =	stream.linear.scatter [tilespmem:s26], [sflag:$0x6], $0x2000, $0x38;
	[tilespmem:$0x1E080] =	vst v63  }
0x54: {  	_ =	swait.ge @p0 [sflag:s19], $0x2000  }
0x55: {  	[sflag:s19] =	ssyncset.done @p0 $0x0  }
0x56: {  	s20 =	simm.s32 @p0 $0x6800;
	[sflag:s19] =	ssyncadd.s32 @p0 $0xFFFFE000;
	s19 =	simm.s32 @p0 $0x0  }
0x57: {  	[hbm4b:s11+s19] =	stream.linear.scatter @p0 [tilespmem:s20], [sflag:$0x7], $0x2000, $0x38;
	[tilespmem:$0x1E080] =	vst v63  }
0x58: {  	s19 =	simm.s32 @!p0 $0x5  }
0x59: {  	_ =	swait.ge @!p0 [sflag:s19], $0x2000  }
0x5a: {  	[sflag:s19] =	ssyncset.done @!p0 $0x0  }
0x5b: {  	[sflag:s19] =	ssyncadd.s32 @!p0 $0xFFFFE000;
	s19 =	sshra.s32 @!p0 s18, $0x2  }
0x5c: {  	s21 =	simm.s32 @!p0 $0x80;
	s23 =	simm.s32 @!p0 $0x2800;
	s20 =	sadd.s32 @!p0 $0x200, s19  }
0x5d: {  	[tilespmem:s23], [sflag:$0x1] =	stream.indirect.gather @!p0 [spmem:s1], $0x40, s20, s21, $0xb8;
	[tilespmem:$0x1E080] =	vst v63  }
0x5e: {  	s20 =	simm.s32 @!p0 $0x3  }
0x5f: {  	_ =	swait.ge @!p0 [sflag:s20], $0x2000  }
0x60: {  	[sflag:s20] =	ssyncset.done @!p0 $0x0  }
0x61: {  	s23 =	simm.s32 @!p0 $0x6800;
	[sflag:s20] =	ssyncadd.s32 @!p0 $0xFFFFE000;
	s20 =	simm.s32 @!p0 $0x0  }
0x62: {  	[hbm4b:s17+s20] =	stream.linear.scatter @!p0 [tilespmem:s23], [sflag:$0x7], $0x2000, $0x38;
	[tilespmem:$0x1E080] =	vst v63  }
0x63: {  	s20 =	simm.s32 @!p0 $0x6  }
0x64: {  	_ =	swait.ge @!p0 [sflag:s20], $0x2000  }
0x65: {  	[sflag:s20] =	ssyncset.done @!p0 $0x0  }
0x66: {  	s19 =	sadd.s32 @!p0 $0x280, s19;
	[sflag:s20] =	ssyncadd.s32 @!p0 $0xFFFFE000;
	s20 =	simm.s32 @!p0 $0x4800  }
0x67: {  	[tilespmem:s20], [sflag:$0x2] =	stream.indirect.gather @!p0 [spmem:s1], $0x40, s19, s21, $0xb8;
	[tilespmem:$0x1E080] =	vst v63  }
.Ltmp2:
0x68: {  	_ = 	snop;
	(pc) =	sbr.rel @p0 .LBB2_4-.Ltmp2, $4  }
0x69: {  	_ =	swait.ge [sflag:s5], $0x2000  }
0x6a: {  	[sflag:s5] =	ssyncset.done $0x0  }
0x6b: {  	[sflag:s5] =	ssyncadd.s32 $0xFFFFE000  }
0x6c: {  	[hbm4b:s14+s4] =	stream.linear.scatter [tilespmem:s31], [sflag:$0x8], $0x2000, $0x38;
	[tilespmem:$0x1E080] =	vst v63  }
.Ltmp3:
0x6d: {  	_ =	swait.ge [sflag:s9], $0x2000;
	(pc) =	sbr.rel .LBB2_2-.Ltmp3, $4  }
0x6e: {  	s19 =	sshra.s32 s18, $0x2;
	s18 =	sadd.s32 $0x800, s18;
	s17 =	sadd.s32 $0x1000, s17  }
0x6f: {  	s16 =	sadd.s32 $0x1000, s16;
	s15 =	sadd.s32 $0x1000, s15;
	[sflag:s9] =	ssyncset.done $0x0  }
0x70: {  	s14 =	sadd.s32 $0x1000, s14;
	s19 =	sadd.s32 $0x300, s19;
	[sflag:s9] =	ssyncadd.s32 $0xFFFFE000  }
0x71: {  	[tilespmem:s29], [sflag:$0x3] =	stream.indirect.gather [spmem:s1], $0x40, s19, s24, $0xb8;
	[tilespmem:$0x1E080] =	vst v63  }
.LBB2_4:
0x72: {  	_ =	swait.ge [sflag:s7], $0x2000  }
0x73: {  	[sflag:s7] =	ssyncset.done $0x0  }
0x74: {  	[sflag:s7] =	ssyncadd.s32 $0xFFFFE000  }
0x75: {  	_ =	swait.ge [sflag:s8], $0x2000  }
0x76: {  	[sflag:s8] =	ssyncset.done $0x0  }
0x77: {  	[sflag:s8] =	ssyncadd.s32 $0xFFFFE000  }
0x78: {  	_ =	swait.ge [sflag:s9], $0x2000  }
0x79: {  	[sflag:s9] =	ssyncset.done $0x0  }
0x7a: {  	[sflag:s9] =	ssyncadd.s32 $0xFFFFE000  }
0x7b: {  	_ =	swait.ge [sflag:s10], $0x2000  }
0x7c: {  	[sflag:s10] =	ssyncset.done $0x0  }
0x7d: {  	s14 =	simm.s32 $0x0;
	s15 =	rddreg [dreg:$0x8];
	[sflag:s10] =	ssyncadd.s32 $0xFFFFE000  }
0x7e: {  	[tilespmem:s14], [sflag:$0x9] =	stream.linear.gather [hbm4b:s15+s14], $0x2800, $0x38;
	[tilespmem:$0x1E080] =	vst v63  }
0x7f: {  	_ =	swait.ge [sflag:s22], $0x2800  }
0x80: {  	[sflag:s22] =	ssyncset.done $0x0  }
0x81: {  	s15 =	rddreg [dreg:$0x11];
	[sflag:s22] =	ssyncadd.s32 $0xFFFFD800  }
0x82: {  	[tilespmem:s25], [sflag:$0x1] =	stream.indirect.gather [spmem:s3], $0x40, s14, s24, $0xb8;
	[tilespmem:$0x1E080] =	vst v63  }
0x83: {  	s16 =	rddreg [dreg:$0x10]  }
0x84: {  	[tilespmem:s26], [sflag:$0x2] =	stream.indirect.gather [spmem:s3], $0x40, s24, s24, $0xb8;
	[tilespmem:$0x1E080] =	vst v63  }
0x85: {  	s17 =	rddreg [dreg:$0xf]  }
0x86: {  	[tilespmem:s29], [sflag:$0x3] =	stream.indirect.gather [spmem:s3], $0x40, s28, s24, $0xb8;
	[tilespmem:$0x1E080] =	vst v63  }
0x87: {  	s18 =	rddreg [dreg:$0xe]  }
0x88: {  	[tilespmem:s31], [sflag:$0x4] =	stream.indirect.gather [spmem:s3], $0x40, s30, s24, $0xb8;
	[tilespmem:$0x1E080] =	vst v63  }
.LBB2_5:
0x89: {  	_ =	swait.ge [sflag:s0], $0x2000  }
0x8a: {  	p0 =	seq.s32 s14, $0x0;
	[sflag:s0] =	ssyncset.done $0x0  }
0x8b: {  	s19 =	simm.s32 @!p0 $0x8;
	[sflag:s0] =	ssyncadd.s32 $0xFFFFE000  }
0x8c: {  	[hbm4b:s16+s4] =	stream.linear.scatter [tilespmem:s25], [sflag:$0x5], $0x2000, $0x38;
	[tilespmem:$0x1E080] =	vst v63  }
0x8d: {  	_ =	swait.ge @!p0 [sflag:s19], $0x2000  }
0x8e: {  	[sflag:s19] =	ssyncset.done @!p0 $0x0  }
0x8f: {  	[sflag:s19] =	ssyncadd.s32 @!p0 $0xFFFFE000;
	s19 =	sshra.s32 @!p0 s14, $0x2  }
0x90: {  	s20 =	simm.s32 @!p0 $0x80;
	s21 =	simm.s32 @!p0 $0x8800;
	s19 =	sadd.s32 @!p0 $0x180, s19  }
0x91: {  	[tilespmem:s21], [sflag:$0x4] =	stream.indirect.gather @!p0 [spmem:s3], $0x40, s19, s20, $0xb8;
	[tilespmem:$0x1E080] =	vst v63  }
0x92: {  	_ =	swait.ge [sflag:s2], $0x2000  }
0x93: {  	p0 =	seq.s32 s14, $0x9800;
	[sflag:s2] =	ssyncset.done $0x0  }
0x94: {  	s19 =	simm.s32 @p0 $0x3;
	[sflag:s2] =	ssyncadd.s32 $0xFFFFE000  }
0x95: {  	[hbm4b:s17+s4] =	stream.linear.scatter [tilespmem:s26], [sflag:$0x6], $0x2000, $0x38;
	[tilespmem:$0x1E080] =	vst v63  }
0x96: {  	_ =	swait.ge @p0 [sflag:s19], $0x2000  }
0x97: {  	[sflag:s19] =	ssyncset.done @p0 $0x0  }
0x98: {  	s20 =	simm.s32 @p0 $0x6800;
	[sflag:s19] =	ssyncadd.s32 @p0 $0xFFFFE000;
	s19 =	simm.s32 @p0 $0x0  }
0x99: {  	[hbm4b:s12+s19] =	stream.linear.scatter @p0 [tilespmem:s20], [sflag:$0x7], $0x2000, $0x38;
	[tilespmem:$0x1E080] =	vst v63  }
0x9a: {  	s19 =	simm.s32 @!p0 $0x5  }
0x9b: {  	_ =	swait.ge @!p0 [sflag:s19], $0x2000  }
0x9c: {  	[sflag:s19] =	ssyncset.done @!p0 $0x0  }
0x9d: {  	[sflag:s19] =	ssyncadd.s32 @!p0 $0xFFFFE000;
	s19 =	sshra.s32 @!p0 s14, $0x2  }
0x9e: {  	s21 =	simm.s32 @!p0 $0x80;
	s23 =	simm.s32 @!p0 $0x2800;
	s20 =	sadd.s32 @!p0 $0x200, s19  }
0x9f: {  	[tilespmem:s23], [sflag:$0x1] =	stream.indirect.gather @!p0 [spmem:s3], $0x40, s20, s21, $0xb8;
	[tilespmem:$0x1E080] =	vst v63  }
0xa0: {  	s20 =	simm.s32 @!p0 $0x3  }
0xa1: {  	_ =	swait.ge @!p0 [sflag:s20], $0x2000  }
0xa2: {  	[sflag:s20] =	ssyncset.done @!p0 $0x0  }
0xa3: {  	s23 =	simm.s32 @!p0 $0x6800;
	[sflag:s20] =	ssyncadd.s32 @!p0 $0xFFFFE000;
	s20 =	simm.s32 @!p0 $0x0  }
0xa4: {  	[hbm4b:s18+s20] =	stream.linear.scatter @!p0 [tilespmem:s23], [sflag:$0x7], $0x2000, $0x38;
	[tilespmem:$0x1E080] =	vst v63  }
0xa5: {  	s20 =	simm.s32 @!p0 $0x6  }
0xa6: {  	_ =	swait.ge @!p0 [sflag:s20], $0x2000  }
0xa7: {  	[sflag:s20] =	ssyncset.done @!p0 $0x0  }
0xa8: {  	s19 =	sadd.s32 @!p0 $0x280, s19;
	[sflag:s20] =	ssyncadd.s32 @!p0 $0xFFFFE000;
	s20 =	simm.s32 @!p0 $0x4800  }
0xa9: {  	[tilespmem:s20], [sflag:$0x2] =	stream.indirect.gather @!p0 [spmem:s3], $0x40, s19, s21, $0xb8;
	[tilespmem:$0x1E080] =	vst v63  }
.Ltmp4:
0xaa: {  	_ = 	snop;
	(pc) =	sbr.rel @p0 .LBB2_7-.Ltmp4, $4  }
0xab: {  	_ =	swait.ge [sflag:s5], $0x2000  }
0xac: {  	[sflag:s5] =	ssyncset.done $0x0  }
0xad: {  	[sflag:s5] =	ssyncadd.s32 $0xFFFFE000  }
0xae: {  	[hbm4b:s15+s4] =	stream.linear.scatter [tilespmem:s31], [sflag:$0x8], $0x2000, $0x38;
	[tilespmem:$0x1E080] =	vst v63  }
.Ltmp5:
0xaf: {  	_ =	swait.ge [sflag:s9], $0x2000;
	(pc) =	sbr.rel .LBB2_5-.Ltmp5, $4  }
0xb0: {  	s19 =	sshra.s32 s14, $0x2;
	s14 =	sadd.s32 $0x800, s14;
	s18 =	sadd.s32 $0x1000, s18  }
0xb1: {  	s17 =	sadd.s32 $0x1000, s17;
	s16 =	sadd.s32 $0x1000, s16;
	[sflag:s9] =	ssyncset.done $0x0  }
0xb2: {  	s15 =	sadd.s32 $0x1000, s15;
	s19 =	sadd.s32 $0x300, s19;
	[sflag:s9] =	ssyncadd.s32 $0xFFFFE000  }
0xb3: {  	[tilespmem:s29], [sflag:$0x3] =	stream.indirect.gather [spmem:s3], $0x40, s19, s24, $0xb8;
	[tilespmem:$0x1E080] =	vst v63  }
.LBB2_8:
0xb4: {  	_ =	sfence.sel $0x180000  }
0xb5: {  	[bflag:$0x0] =	sbarrier.arrive $0xFFFF  }
0xb6: {  	_ =	strace $0x90000047  }
0xb7: {  	s0 =	stileid.u32;
	[bflag:$0x2] =	sbarrier.arrive $0xFFFF  }
0xb8: {  	p0 =	sne.s32 s0, $0x0;
	s0 =	rddreg [dreg:$0x4]  }
0xb9: {  	s0 =	sadd.s32 @!p0 $0x100000, s0  }
0xba: {  	[sflag:s0] =	ssyncadd.tile.s32 @!p0 $0x1;
	_ =	shalt  }
.Lfunc_end2:
_tile_overlayer_lowered:
.L_overlay_start_2:
0xbb: {  	(tag) =	ssettag $0x2  }
0xbc: {  	s0 =	rddreg [dreg:$0x0];
	s2 =	stileid.u32  }
0xbd: {  	s1 =	rddreg [dreg:$0x1];
	p0 =	sne.s32 s2, $0x0  }
0xbe: {  	s3 =	rddreg [dreg:$0x2];
	[bflag:$0x3] =	sbarrier.arrive $0xFFFF;
	s2 =	simm.s32 @!p0 $0x1C09  }
0xbf: {  	[timem:s3], [sflag:s2] =	dma.local @!p0 [hbm:s0], s1  }
0xc0: {  	s0 =	simm.s32 @!p0 $0x9  }
0xc1: {  	_ =	swait.ge @!p0 [sflag:s0], s1  }
0xc2: {  	s1 =	ssub.s32 @!p0 $0x0, s1;
	[sflag:s0] =	ssyncset.done @!p0 $0x0  }
0xc3: {  	[sflag:s0] =	ssyncadd.s32 @!p0 s1  }
0xc4: {  	[bflag:$0x3] =	sbarrier.arrive $0xFFFF  }
0xc5: {  	_ =	shalt  }

// kernel: kernel.15.cloned.1.call-start
scs
__scs_entry_jumppad:
0x0: {  	(pc) =	sbr.rel $0x88, $3  }
0x1: {  	(tag) =	ssettag $0x0;
	lr =	simm.s32 $0x1  }
0x2: {  	[smem:$0x3F93] =	sst lr;
	_ =	strace $0xD0000000  }
0x3: {  	_ = 	snop  }
0x4: {  	_ = 	snop  }
0x5: {  	_ = 	snop  }
0x6: {  	_ = 	snop  }
0x7: {  	_ = 	snop  }
__scs_overlays_trampoline_lowered:
0x8: {  	[smem:$0x3FA2] =	sst s0  }
0x9: {  	[smem:$0x3FA3] =	sst s1  }
0xa: {  	[smem:$0x3FA4] =	sst s2  }
0xb: {  	[smem:$0x3FA5] =	sst s3  }
0xc: {  	[smem:$0x3FA6] =	sst s4  }
0xd: {  	[smem:$0x3FA7] =	sst s5  }
0xe: {  	[smem:$0x3FA8] =	sst s6  }
0xf: {  	[smem:$0x3FA9] =	sst s7  }
0x10: {  	[smem:$0x3FAA] =	sst s8  }
0x11: {  	[smem:$0x3FAB] =	sst s9;
	s0 =	simm.s32 @!p0 $0x0  }
0x12: {  	s1 =	sld [smem:$0x3F91];
	s0 =	simm.s32 @p0 $0x1  }
0x13: {  	[smem:$0x3FAC] =	sst s0;
	s0 =	simm.s32 @!p1 $0x0  }
0x14: {  	s2 =	sld [smem:$0x3F90];
	s0 =	simm.s32 @p1 $0x1  }
0x15: {  	[smem:$0x3FAD] =	sst s0;
	s0 =	simm.s32 @!p2 $0x0  }
0x16: {  	s3 =	sld [smem:$0x3FDB];
	s0 =	simm.s32 @p2 $0x1  }
0x17: {  	s4 =	simm.s32 $0x1BF5;
	[smem:$0x3FAF] =	sst s0  }
0x18: {  	s0 =	sld [smem:$0x3F92];
	_ =	swait.ge [sflag:s4], $0x0  }
0x19: {  	s7 =	sld [smem:$0x3F93]  }
0x1a: {  	s8 =	sadd.s32 $0xFFFFE003, lr  }
0x1b: {  	s9 =	sadd.s32 $0xFFFFFEF7, lr;
	s5 =	simm.s32 $0xFFFFFFFF;
	p2 =	slt.u32 s8, $0xFFFFF086  }
0x1c: {  	p1 =	slt.u32 s9, $0xF7A;
	s5 =	simm.s32 @!p2 $0x0  }
0x1d: {  	s5 =	simm.s32 @p1 $0x1;
	p0 =	seq.s32 s7, s2  }
0x1e: {  	s7 =	smul.u32 @!p0 $0xF7A, s2;
	p2 =	seq.s32 @!p0 s5, $0x0  }
0x1f: {  	s9 =	smul.u32 $0xF7A, s1;
	s8 =	simm.s32 @!p0 $0x1BF5;
	p2 =	por !p2, p0  }
0x20: {  	[sflag:s8] =	ssyncset.s32 @!p0 $0xFFFFF086;
	s6 =	sadd.s32 @!p0 s3, s7;
	s7 =	simm.s32 @!p0 $0x108  }
0x21: {  	s3 =	sadd.s32 s3, s9;
	s6 =	sadd.s32 @!p0 $0x88, s6;
	s7 =	simm.s32 @p2 $0x1082  }
0x22: {  	[simem:s7], [sflag:s8] =	dma.local @!p0 [hbm:s6], $0xF7A  }
0x23: {  	s9 =	sor.u32 $0xD0000000, s2;
	s6 =	simm.s32 $0x108;
	_ =	swait.ge @!p0 [sflag:s8], $0x0  }
0x24: {  	s3 =	sadd.s32 $0x88, s3;
	s6 =	simm.s32 @!p1 $0x1082;
	[sflag:s4] =	ssyncset.s32 $0xFFFFF086  }
0x25: {  	[simem:s6], [sflag:s4] =	dma.local [hbm:s3], $0xF7A  }
0x26: {  	[smem:$0x3F93] =	sst s1;
	(tag) =	ssettag s2;
	_ =	strace s9  }
0x27: {  	s1 =	sld [smem:$0x3FA3]  }
0x28: {  	s2 =	sld [smem:$0x3FA4]  }
0x29: {  	s4 =	sld [smem:$0x3FA6]  }
0x2a: {  	p0 =	seq.s32 s5, $0x0;
	s5 =	sld [smem:$0x3FA7]  }
0x2b: {  	s6 =	sld [smem:$0x3FA8]  }
0x2c: {  	s7 =	sld [smem:$0x3FA9]  }
0x2d: {  	s3 =	simm.s32 $0x108;
	s8 =	sld [smem:$0x3FAA]  }
0x2e: {  	s3 =	simm.s32 @!p0 $0x1082;
	s9 =	sld [smem:$0x3FAB]  }
0x2f: {  	lr =	sadd.s32 s0, s3;
	s0 =	sld [smem:$0x3FA2]  }
0x30: {  	s3 =	sld [smem:$0x3FA5]  }
0x31: {  	[smem:$0x3FAE] =	sst s10  }
0x32: {  	s10 =	sld [smem:$0x3FAC];
	_ =	sdelay $0x3  }
0x33: {  	p0 =	seq.s32 s10, $0x1;
	s10 =	sld [smem:$0x3FAE];
	_ =	sdelay $0x3  }
0x34: {  	[smem:$0x3FAE] =	sst s10  }
0x35: {  	s10 =	sld [smem:$0x3FAD];
	_ =	sdelay $0x3  }
0x36: {  	p1 =	seq.s32 s10, $0x1;
	s10 =	sld [smem:$0x3FAE];
	_ =	sdelay $0x3  }
0x37: {  	[smem:$0x3FAE] =	sst s10  }
0x38: {  	s10 =	sld [smem:$0x3FAF]  }
0x39: {  	_ = 	snop;
	(pc) =	sbr.ind lr, $3  }
0x3a: {  	_ = 	snop  }
0x3b: {  	_ = 	snop  }
0x3c: {  	p2 =	seq.s32 s10, $0x1;
	s10 =	sld [smem:$0x3FAE]  }
0x3d: {  	_ =	shalt  }
0x3e: {  	_ =	shalt  }
0x3f: {  	_ =	shalt  }
0x40: {  	_ =	shalt  }
0x41: {  	_ =	shalt  }
0x42: {  	_ =	shalt  }
0x43: {  	_ =	shalt  }
0x44: {  	_ =	shalt  }
0x45: {  	_ =	shalt  }
0x46: {  	_ =	shalt  }
0x47: {  	_ =	shalt  }
0x48: {  	_ =	shalt  }
0x49: {  	_ =	shalt  }
0x4a: {  	_ =	shalt  }
0x4b: {  	_ =	shalt  }
0x4c: {  	_ =	shalt  }
0x4d: {  	_ =	shalt  }
0x4e: {  	_ =	shalt  }
0x4f: {  	_ =	shalt  }
0x50: {  	_ =	shalt  }
0x51: {  	_ =	shalt  }
0x52: {  	_ =	shalt  }
0x53: {  	_ =	shalt  }
0x54: {  	_ =	shalt  }
0x55: {  	_ =	shalt  }
0x56: {  	_ =	shalt  }
0x57: {  	_ =	shalt  }
0x58: {  	_ =	shalt  }
0x59: {  	_ =	shalt  }
0x5a: {  	_ =	shalt  }
0x5b: {  	_ =	shalt  }
0x5c: {  	_ =	shalt  }
0x5d: {  	_ =	shalt  }
0x5e: {  	_ =	shalt  }
0x5f: {  	_ =	shalt  }
0x60: {  	_ =	shalt  }
0x61: {  	_ =	shalt  }
0x62: {  	_ =	shalt  }
0x63: {  	_ =	shalt  }
0x64: {  	_ =	shalt  }
0x65: {  	_ =	shalt  }
0x66: {  	_ =	shalt  }
0x67: {  	_ =	shalt  }
0x68: {  	_ =	shalt  }
0x69: {  	_ =	shalt  }
0x6a: {  	_ =	shalt  }
0x6b: {  	_ =	shalt  }
0x6c: {  	_ =	shalt  }
0x6d: {  	_ =	shalt  }
0x6e: {  	_ =	shalt  }
0x6f: {  	_ =	shalt  }
0x70: {  	_ =	shalt  }
0x71: {  	_ =	shalt  }
0x72: {  	_ =	shalt  }
0x73: {  	_ =	shalt  }
0x74: {  	_ =	shalt  }
0x75: {  	_ =	shalt  }
0x76: {  	_ =	shalt  }
0x77: {  	_ =	shalt  }
0x78: {  	_ =	shalt  }
0x79: {  	_ =	shalt  }
0x7a: {  	_ =	shalt  }
0x7b: {  	_ =	shalt  }
0x7c: {  	_ =	shalt  }
0x7d: {  	_ =	shalt  }
0x7e: {  	_ =	shalt  }
0x7f: {  	_ =	shalt  }
0x80: {  	_ =	shalt  }
0x81: {  	_ =	shalt  }
0x82: {  	_ =	shalt  }
0x83: {  	_ =	shalt  }
0x84: {  	_ =	shalt  }
0x85: {  	_ =	shalt  }
0x86: {  	_ =	shalt  }
0x87: {  	_ =	shalt  }
.Lfunc_end0:
.L_simem_size_0:
called_computation.1_lowered:
.L_overlay_start_0:
0x88: {  	s2 =	sld [smem:$0x3FD9]  }
0x89: {  	s3 =	sld [smem:$0x3FFE];
	_ =	sdelay $0x1  }
0x8a: {  	s1 =	srdreg.scid  }
0x8b: {  	s0 =	sand.u32 $0x1, s1  }
0x8c: {  	s16 =	sshll.u32 s0, $0xA;
	s2 =	sadd.s32 s3, s2  }
0x8d: {  	s2 =	sadd.s32 s2, s16  }
0x8e: {  	[smem:$0x3FBA] =	sst s2  }
0x8f: {  	_ = 	snop  }
0x90: {  	(tm) =	ssettm $0x1  }
0x91: {  	s17 =	sld [smem:$0x3FFB];
	_ =	sdelay $0x3  }
0x92: {  	_ =	strace s17  }
0x93: {  	s2 =	sld [smem:$0x3FFC];
	_ =	sdelay $0x3  }
0x94: {  	_ =	strace s2  }
0x95: {  	s2 =	sld [smem:$0x3FFD];
	_ =	sdelay $0x3  }
0x96: {  	_ =	strace s2  }
0x97: {  	_ =	strace $0x8FFFFFFF  }
0x98: {  	s18 =	sld [smem:$0x3FDB];
	_ =	sdelay $0x1  }
0x99: {  	s19 =	simm.s32 $_scs_section_size  }
0x9a: {  	s4 =	simm.s32 $_size__tile_overlayer_lowered;
	s5 =	simm.s32 $_tile_overlayer_lowered  }
0x9b: {  	s22 =	simm.s32 $0x1BFF;
	s21 =	sshll.u32 s5, $0x1;
	s2 =	sadd.s32 s19, s18  }
0x9c: {  	s6 =	simm.s32 $0x0;
	s20 =	sshll.u32 s4, $0x1;
	s4 =	sadd.s32 s21, s2  }
0x9d: {  	[timem:s6], [sflag:s22] =	dma.local [hbm:s4], s20  }
0x9e: {  	_ =	swait.ge [sflag:s22], s20  }
0x9f: {  	s3 =	ssub.s32 $0x0, s20;
	[sflag:s22] =	ssyncset.done $0x0  }
0xa0: {  	[sflag:s22] =	ssyncadd.s32 s3;
	_ =	sdelay $0x1  }
0xa1: {  	s23 =	simm.s32 $0x1B8B  }
0xa2: {  	_ =	swait.ge [sflag:s23], $0x1  }
0xa3: {  	[sflag:s23] =	ssyncset.done $0x0  }
0xa4: {  	s25 =	simm.s32 $0x1B8E;
	s24 =	sld [smem:$0x3FFE];
	[sflag:s23] =	ssyncadd.s32 $0xFFFFFFFF  }
0xa5: {  	s26 =	simm.s32 $execute0_lowered;
	[smem:$0x3FD2] =	sst s25  }
0xa6: {  	s4 =	sshll.u32 s26, $0x1;
	_ =	strace $0x80000049;
	[dreg:$0x1] =	wrdreg $0xFFFFFFFF  }
0xa7: {  	s28 =	simm.s32 $_size_execute0_lowered;
	s2 =	sadd.s32 s2, s4;
	[dreg:$0x0] =	wrdreg $0x0  }
0xa8: {  	s4 =	sshll.u32 s28, $0x1;
	[dreg:$0x2] =	wrdreg s2  }
0xa9: {  	[dreg:$0x3] =	wrdreg s4  }
0xaa: {  	[dreg:$0x4] =	wrdreg $0xC0  }
0xab: {  	_ =	task [dreg:s6], $0x5FFFF  }
0xac: {  	[dreg:$0x1] =	wrdreg $0xFFFFFFFF  }
0xad: {  	[dreg:$0x0] =	wrdreg $0x60  }
0xae: {  	[dreg:$0x2] =	wrdreg s24  }
0xaf: {  	[dreg:$0x3] =	wrdreg $0xB8000  }
0xb0: {  	[dreg:$0x4] =	wrdreg $0x9  }
0xb1: {  	_ =	task.clear_ibuf [dreg:s6], $0x5FFFF;
	_ =	strace $0x90000049  }
0xb2: {  	s29 =	simm.s32 $0x9;
	_ =	strace $0x8000004B  }
0xb3: {  	_ =	swait.ge [sflag:s29], $0x1  }
0xb4: {  	[sflag:s29] =	ssyncadd.s32 $0xFFFFFFFF  }
0xb5: {  	_ =	strace $0x9000004B  }
0xb6: {  	_ =	sfence  }
0xb7: {  	s30 =	sld [smem:$0x0];
	_ =	sdelay $0x2  }
0xb8: {  	s31 =	sshll.u32 s1, $0xD;
	s1 =	sshrl.u32 s1, $0x2  }
0xb9: {  	s3 =	sand.u32 $0x4000, s31;
	s1 =	sadd.s32 s1, s30  }
0xba: {  	s0 =	sor.u32 s3, s0;
	s1 =	sshll.u32 s1, $0x11  }
0xbb: {  	s0 =	sor.u32 s1, s0  }
0xbc: {  	s0 =	sadd.s32 $0x8F2B, s0  }
0xbd: {  	[sflag:s0] =	ssyncadd.remote.s32 $0x1  }
0xbe: {  	_ =	sfence.sel $0xFFFF  }
0xbf: {  	[dreg:$0x0] =	wrdreg $0xFFFFFFFF;
	(pc) =	sbr.abs _section_cstart, $3  }
0xc0: {  	[dreg:$0x1] =	wrdreg $0xFFFFFFFF  }
0xc1: {  	_ =	task.clear_ibuf [dreg:s6], $0x2FFFF;
	_ =	strace $0x9FFFFFFF  }
0xc2: {  	(tm) =	ssettm $0x7FFFFFFF  }
0xc3: {  	_ =	shalt  }
tec
execute0_lowered:
.L_overlay_start_1:
0x0: {  	(tag) =	ssettag $0x1  }
0x1: {  	s0 =	rddreg [dreg:$0x0]  }
0x2: {  	s1 =	srdreg.scid;
	s11 =	stileid.u32  }
0x3: {  	s2 =	rddreg [dreg:$0x1];
	s3 =	simm.s32 $0x0;
	s7 =	smul.u32 $0x50000, s11  }
0x4: {  	s1 =	sand.u32 $0x1, s1;
	s4 =	sshll.u32 s11, $0x1;
	s10 =	smul.u32 $0x14000, s11  }
0x5: {  	[smem:$0x7FF] =	sst s3;
	s11 =	smul.u32 $0x280000, s11;
	s4 =	sor.u32 s1, s4  }
0x6: {  	s6 =	ssub.s32 $0x2, s1;
	p0 =	seq.s32 s1, $0x1;
	s1 =	smul.u32 $0x140000, s1  }
0x7: {  	s8 =	sadd.s32 $0x1CE00, s0;
	_ =	strace $0x8000004A;
	s5 =	smul.u32 $0x500, s4  }
0x8: {  	s9 =	sshrl.u32 s6, $0x1;
	s7 =	sshrl.u32 s7, $0x2;
	s4 =	smul.u32 $0x28000, s4  }
0x9: {  	s25 =	sshrl.u32 s10, $0x3;
	s6 =	ssub.s32 s6, s9;
	s7 =	sadd.s32 s7, s2  }
0xa: {  	s9 =	simm.s32 $0x564200;
	s1 =	sadd.s32 s1, s11;
	s16 =	sadd.s32 $0x1000, s7  }
0xb: {  	s5 =	sadd.s32 s5, s0;
	s17 =	sadd.s32 $0x2000, s7;
	[dreg:$0x4] =	wrdreg s16  }
0xc: {  	s18 =	sadd.s32 $0x3000, s7;
	s19 =	sadd.s32 $0x4000, s7;
	[dreg:$0x5] =	wrdreg s17  }
0xd: {  	s20 =	sadd.s32 $0x5000, s7;
	s21 =	sadd.s32 $0x6000, s7;
	[dreg:$0x6] =	wrdreg s18  }
0xe: {  	s22 =	sadd.s32 $0x7000, s7;
	s23 =	sadd.s32 $0x8000, s7;
	[dreg:$0x7] =	wrdreg s19  }
0xf: {  	s24 =	sadd.s32 $0x9000, s7;
	s15 =	sadd.s32 $0xA000, s7;
	[dreg:$0x8] =	wrdreg s20  }
0x10: {  	s9 =	simm.s32 @!p0 $0x53C200;
	s26 =	sor.u32 $0xC000, s1;
	[dreg:$0x9] =	wrdreg s21  }
0x11: {  	s1 =	sor.u32 $0x8000, s1;
	s28 =	sadd.s32 $0x12000, s7;
	[dreg:$0xa] =	wrdreg s22  }
0x12: {  	s29 =	sadd.s32 $0x13000, s7;
	s30 =	smax.u32 s6, $0x1;
	[dreg:$0xb] =	wrdreg s23  }
0x13: {  	s6 =	simm.s32 $0x2800;
	s5 =	sadd.s32 $0x6E00, s5;
	[dreg:$0xc] =	wrdreg s24  }
0x14: {  	s16 =	sadd.s32 $0xB000, s7;
	s0 =	sadd.s32 s9, s0;
	s17 =	sadd.s32 $0xC000, s7  }
0x15: {  	s19 =	sadd.s32 $0xD000, s7;
	s1 =	sshrl.u32 s1, $0x3;
	s20 =	sadd.s32 s8, s4  }
0x16: {  	s23 =	sadd.s32 $0xE000, s7;
	s24 =	sadd.s32 $0xF000, s7;
	s4 =	simm.s32 $0x1  }
0x17: {  	s9 =	simm.s32 $0x2;
	[dreg:$0x3] =	wrdreg s5;
	s5 =	sadd.s32 s10, s2  }
0x18: {  	s18 =	sadd.s32 s0, s25;
	s0 =	sshrl.u32 s26, $0x3;
	s22 =	sadd.s32 s1, s8  }
0x19: {  	s25 =	sadd.s32 $0x10000, s7;
	s26 =	sadd.s32 $0x11000, s7;
	s31 =	sadd.s32 $0x800, s20  }
0x1a: {  	s1 =	simm.s32 $0xA800;
	s7 =	simm.s32 $0x6800;
	s10 =	simm.s32 $0x0  }
0x1b: {  	v0 =	vimm.f32 $0.0e+00;
	s21 =	sadd.s32 s0, s8;
	s0 =	simm.s32 $0x3;
	s8 =	simm.s32 $0x80  }
.LBB2_1:
0x1c: {  	s11 =	rddreg [dreg:$0x3]  }
0x1d: {  	[tilespmem:s3], [sflag:$0x1] =	stream.linear.gather [hbm4b:s11+s3], $0x2800, $0x38;
	[tilespmem:$0x1F800] =	vst v63  }
0x1e: {  	s12 =	simm.s32 $0x200;
	s11 =	simm.s32 $0x0  }
.LBB2_2:
0x1f: {  	p0 =	sne.s32 s12, $0x3E00;
	[tilespmem:s11+$0xA870] =	vst v0  }
0x20: {  	[tilespmem:s11+$0xA800] =	vst v0  }
0x21: {  	[tilespmem:s11+$0xA810] =	vst v0  }
.Ltmp0:
0x22: {  	[tilespmem:s11+$0xA820] =	vst v0;
	(pc) =	sbr.rel @p0 .LBB2_2-.Ltmp0, $4  }
0x23: {  	[tilespmem:s11+$0xA830] =	vst v0  }
0x24: {  	[tilespmem:s11+$0xA840] =	vst v0  }
0x25: {  	[tilespmem:s11+$0xA850] =	vst v0  }
0x26: {  	[tilespmem:s11+$0xA860] =	vst v0;
	s11 =	sshra.s32 s12, $0x2;
	s12 =	sadd.s32 $0x200, s12  }
0x27: {  	[tilespmem:s11+$0xA870] =	vst v0  }
0x28: {  	[tilespmem:s11+$0xA800] =	vst v0  }
0x29: {  	[tilespmem:s11+$0xA810] =	vst v0  }
0x2a: {  	[tilespmem:s11+$0xA820] =	vst v0  }
0x2b: {  	[tilespmem:s11+$0xA830] =	vst v0  }
0x2c: {  	[tilespmem:s11+$0xA840] =	vst v0  }
0x2d: {  	[tilespmem:s11+$0xA850] =	vst v0  }
0x2e: {  	[tilespmem:s11+$0xA860] =	vst v0  }
0x2f: {  	[spmem:s5] =	stream.linear.scatter [tilespmem:s1], [sflag:$0x3], $0x1000, $0x38;
	[tilespmem:$0x1F800] =	vst v63  }
0x30: {  	_ =	swait.ge [sflag:s0], $0x1000  }
0x31: {  	[sflag:s0] =	ssyncset.done $0x0  }
0x32: {  	s14 =	rddreg [dreg:$0x4];
	[sflag:s0] =	ssyncadd.s32 $0xFFFFF000  }
0x33: {  	[spmem:s14] =	stream.linear.scatter [tilespmem:s1], [sflag:$0x3], $0x1000, $0x38;
	[tilespmem:$0x1F800] =	vst v63  }
0x34: {  	_ =	swait.ge [sflag:s0], $0x1000  }
0x35: {  	[sflag:s0] =	ssyncset.done $0x0  }
0x36: {  	s12 =	rddreg [dreg:$0x5];
	[sflag:s0] =	ssyncadd.s32 $0xFFFFF000  }
0x37: {  	[spmem:s12] =	stream.linear.scatter [tilespmem:s1], [sflag:$0x3], $0x1000, $0x38;
	[tilespmem:$0x1F800] =	vst v63  }
0x38: {  	_ =	swait.ge [sflag:s0], $0x1000  }
0x39: {  	[sflag:s0] =	ssyncset.done $0x0  }
0x3a: {  	s13 =	rddreg [dreg:$0x6];
	[sflag:s0] =	ssyncadd.s32 $0xFFFFF000  }
0x3b: {  	[spmem:s13] =	stream.linear.scatter [tilespmem:s1], [sflag:$0x3], $0x1000, $0x38;
	[tilespmem:$0x1F800] =	vst v63  }
0x3c: {  	_ =	swait.ge [sflag:s0], $0x1000  }
0x3d: {  	[sflag:s0] =	ssyncset.done $0x0  }
0x3e: {  	s14 =	rddreg [dreg:$0x7];
	[sflag:s0] =	ssyncadd.s32 $0xFFFFF000  }
0x3f: {  	[spmem:s14] =	stream.linear.scatter [tilespmem:s1], [sflag:$0x3], $0x1000, $0x38;
	[tilespmem:$0x1F800] =	vst v63  }
0x40: {  	_ =	swait.ge [sflag:s0], $0x1000  }
0x41: {  	[sflag:s0] =	ssyncset.done $0x0  }
0x42: {  	s12 =	rddreg [dreg:$0x8];
	[sflag:s0] =	ssyncadd.s32 $0xFFFFF000  }
0x43: {  	[spmem:s12] =	stream.linear.scatter [tilespmem:s1], [sflag:$0x3], $0x1000, $0x38;
	[tilespmem:$0x1F800] =	vst v63  }
0x44: {  	_ =	swait.ge [sflag:s0], $0x1000  }
0x45: {  	[sflag:s0] =	ssyncset.done $0x0  }
0x46: {  	s13 =	rddreg [dreg:$0x9];
	[sflag:s0] =	ssyncadd.s32 $0xFFFFF000  }
0x47: {  	[spmem:s13] =	stream.linear.scatter [tilespmem:s1], [sflag:$0x3], $0x1000, $0x38;
	[tilespmem:$0x1F800] =	vst v63  }
0x48: {  	_ =	swait.ge [sflag:s0], $0x1000  }
0x49: {  	[sflag:s0] =	ssyncset.done $0x0  }
0x4a: {  	s14 =	rddreg [dreg:$0xa];
	[sflag:s0] =	ssyncadd.s32 $0xFFFFF000  }
0x4b: {  	[spmem:s14] =	stream.linear.scatter [tilespmem:s1], [sflag:$0x3], $0x1000, $0x38;
	[tilespmem:$0x1F800] =	vst v63  }
0x4c: {  	_ =	swait.ge [sflag:s0], $0x1000  }
0x4d: {  	[sflag:s0] =	ssyncset.done $0x0  }
0x4e: {  	s12 =	rddreg [dreg:$0xb];
	[sflag:s0] =	ssyncadd.s32 $0xFFFFF000  }
0x4f: {  	[spmem:s12] =	stream.linear.scatter [tilespmem:s1], [sflag:$0x3], $0x1000, $0x38;
	[tilespmem:$0x1F800] =	vst v63  }
0x50: {  	_ =	swait.ge [sflag:s0], $0x1000  }
0x51: {  	[sflag:s0] =	ssyncset.done $0x0  }
0x52: {  	s13 =	rddreg [dreg:$0xc];
	[sflag:s0] =	ssyncadd.s32 $0xFFFFF000  }
0x53: {  	[spmem:s13] =	stream.linear.scatter [tilespmem:s1], [sflag:$0x3], $0x1000, $0x38;
	[tilespmem:$0x1F800] =	vst v63  }
0x54: {  	_ =	swait.ge [sflag:s0], $0x1000  }
0x55: {  	[sflag:s0] =	ssyncset.done $0x0  }
0x56: {  	[sflag:s0] =	ssyncadd.s32 $0xFFFFF000  }
0x57: {  	[spmem:s15] =	stream.linear.scatter [tilespmem:s1], [sflag:$0x3], $0x1000, $0x38;
	[tilespmem:$0x1F800] =	vst v63  }
0x58: {  	_ =	swait.ge [sflag:s0], $0x1000  }
0x59: {  	[sflag:s0] =	ssyncset.done $0x0  }
0x5a: {  	[sflag:s0] =	ssyncadd.s32 $0xFFFFF000  }
0x5b: {  	[spmem:s16] =	stream.linear.scatter [tilespmem:s1], [sflag:$0x3], $0x1000, $0x38;
	[tilespmem:$0x1F800] =	vst v63  }
0x5c: {  	_ =	swait.ge [sflag:s0], $0x1000  }
0x5d: {  	[sflag:s0] =	ssyncset.done $0x0  }
0x5e: {  	[sflag:s0] =	ssyncadd.s32 $0xFFFFF000  }
0x5f: {  	[spmem:s17] =	stream.linear.scatter [tilespmem:s1], [sflag:$0x3], $0x1000, $0x38;
	[tilespmem:$0x1F800] =	vst v63  }
0x60: {  	_ =	swait.ge [sflag:s0], $0x1000  }
0x61: {  	[sflag:s0] =	ssyncset.done $0x0  }
0x62: {  	[sflag:s0] =	ssyncadd.s32 $0xFFFFF000  }
0x63: {  	[spmem:s19] =	stream.linear.scatter [tilespmem:s1], [sflag:$0x3], $0x1000, $0x38;
	[tilespmem:$0x1F800] =	vst v63  }
0x64: {  	_ =	swait.ge [sflag:s0], $0x1000  }
0x65: {  	[sflag:s0] =	ssyncset.done $0x0  }
0x66: {  	[sflag:s0] =	ssyncadd.s32 $0xFFFFF000  }
0x67: {  	[spmem:s23] =	stream.linear.scatter [tilespmem:s1], [sflag:$0x3], $0x1000, $0x38;
	[tilespmem:$0x1F800] =	vst v63  }
0x68: {  	_ =	swait.ge [sflag:s0], $0x1000  }
0x69: {  	[sflag:s0] =	ssyncset.done $0x0  }
0x6a: {  	[sflag:s0] =	ssyncadd.s32 $0xFFFFF000  }
0x6b: {  	[spmem:s24] =	stream.linear.scatter [tilespmem:s1], [sflag:$0x3], $0x1000, $0x38;
	[tilespmem:$0x1F800] =	vst v63  }
0x6c: {  	_ =	swait.ge [sflag:s0], $0x1000  }
0x6d: {  	[sflag:s0] =	ssyncset.done $0x0  }
0x6e: {  	[sflag:s0] =	ssyncadd.s32 $0xFFFFF000  }
0x6f: {  	[spmem:s25] =	stream.linear.scatter [tilespmem:s1], [sflag:$0x3], $0x1000, $0x38;
	[tilespmem:$0x1F800] =	vst v63  }
0x70: {  	_ =	swait.ge [sflag:s0], $0x1000  }
0x71: {  	[sflag:s0] =	ssyncset.done $0x0  }
0x72: {  	[sflag:s0] =	ssyncadd.s32 $0xFFFFF000  }
0x73: {  	[spmem:s26] =	stream.linear.scatter [tilespmem:s1], [sflag:$0x3], $0x1000, $0x38;
	[tilespmem:$0x1F800] =	vst v63  }
0x74: {  	_ =	swait.ge [sflag:s0], $0x1000  }
0x75: {  	[sflag:s0] =	ssyncset.done $0x0  }
0x76: {  	[sflag:s0] =	ssyncadd.s32 $0xFFFFF000  }
0x77: {  	[spmem:s28] =	stream.linear.scatter [tilespmem:s1], [sflag:$0x3], $0x1000, $0x38;
	[tilespmem:$0x1F800] =	vst v63  }
0x78: {  	_ =	swait.ge [sflag:s0], $0x1000  }
0x79: {  	[sflag:s0] =	ssyncset.done $0x0  }
0x7a: {  	[sflag:s0] =	ssyncadd.s32 $0xFFFFF000  }
0x7b: {  	[spmem:s29] =	stream.linear.scatter [tilespmem:s1], [sflag:$0x3], $0x1000, $0x38;
	[tilespmem:$0x1F800] =	vst v63  }
0x7c: {  	_ =	swait.ge [sflag:s0], $0x1000  }
0x7d: {  	[sflag:s0] =	ssyncset.done $0x0  }
0x7e: {  	[sflag:s0] =	ssyncadd.s32 $0xFFFFF000  }
0x7f: {  	_ =	swait.ge [sflag:s4], $0x2800  }
0x80: {  	[sflag:s4] =	ssyncset.done $0x0  }
0x81: {  	[sflag:s4] =	ssyncadd.s32 $0xFFFFD800  }
0x82: {  	s14 =	simm.s32 $0x0;
	[bflag:$0x0] =	sbarrier.arrive $0xFFFF  }
0x83: {  	[tilespmem:s6], [sflag:$0x1] =	stream.linear.gather [hbm4b:s20+s14], $0x4000, $0x38;
	[tilespmem:$0x1F800] =	vst v63  }
0x84: {  	_ = 	snop  }
0x85: {  	[tilespmem:s7], [sflag:$0x2] =	stream.linear.gather [hbm4b:s31+s14], $0x4000, $0x38;
	[tilespmem:$0x1F800] =	vst v63  }
0x86: {  	_ =	swait.ge [sflag:s4], $0x4000  }
0x87: {  	[sflag:s4] =	ssyncset.done $0x0  }
0x88: {  	s12 =	simm.s32 $0x0;
	[sflag:s4] =	ssyncadd.s32 $0xFFFFC000  }
0x89: {  	[spmem:s2] =	stream.indirect.scatter.add.f32 [tilespmem:s6], [sflag:$0x3], $0x80, s12, s8, $0xb8;
	[tilespmem:$0x1F800] =	vst v63  }
0x8a: {  	_ =	swait.ge [sflag:s0], $0x4000  }
0x8b: {  	[sflag:s0] =	ssyncset.done $0x0  }
0x8c: {  	s13 =	sadd.s32 $0x0, s22;
	[sflag:s0] =	ssyncadd.s32 $0xFFFFC000  }
0x8d: {  	[tilespmem:s6], [sflag:$0x1] =	stream.linear.gather [hbm4b:s13+s3], $0x4000, $0x38;
	[tilespmem:$0x1F800] =	vst v63  }
0x8e: {  	_ =	swait.ge [sflag:s9], $0x4000  }
0x8f: {  	[sflag:s9] =	ssyncset.done $0x0  }
0x90: {  	s14 =	simm.s32 $0x80;
	[sflag:s9] =	ssyncadd.s32 $0xFFFFC000  }
0x91: {  	[spmem:s2] =	stream.indirect.scatter.add.f32 [tilespmem:s7], [sflag:$0x3], $0x80, s14, s8, $0xb8;
	[tilespmem:$0x1F800] =	vst v63  }
0x92: {  	_ =	swait.ge [sflag:s0], $0x4000  }
0x93: {  	s11 =	simm.s32 $0x1000;
	[sflag:s0] =	ssyncset.done $0x0  }
0x94: {  	s12 =	simm.s32 $0x180;
	s13 =	sadd.s32 $0x0, s21;
	[sflag:s0] =	ssyncadd.s32 $0xFFFFC000  }
.LBB2_4:
0x95: {  	[tilespmem:s7], [sflag:$0x2] =	stream.linear.gather [hbm4b:s13+s3], $0x4000, $0x38;
	[tilespmem:$0x1F800] =	vst v63  }
0x96: {  	s13 =	smov.u32 s11  }
0x97: {  	p0 =	sne.s32 s11, $0x26000;
	s11 =	sadd.s32 $0x1000, s11;
	_ =	swait.ge [sflag:s4], $0x4000  }
0x98: {  	[sflag:s4] =	ssyncset.done $0x0  }
0x99: {  	s14 =	sadd.s32 $0xFFFFFF80, s12;
	[sflag:s4] =	ssyncadd.s32 $0xFFFFC000  }
0x9a: {  	[spmem:s2] =	stream.indirect.scatter.add.f32 [tilespmem:s6], [sflag:$0x3], $0x80, s14, s8, $0xb8;
	[tilespmem:$0x1F800] =	vst v63  }
0x9b: {  	_ =	swait.ge [sflag:s0], $0x4000  }
0x9c: {  	[sflag:s0] =	ssyncset.done $0x0  }
0x9d: {  	s14 =	sadd.s32 s13, s22;
	[sflag:s0] =	ssyncadd.s32 $0xFFFFC000  }
0x9e: {  	[tilespmem:s6], [sflag:$0x1] =	stream.linear.gather [hbm4b:s14+s3], $0x4000, $0x38;
	[tilespmem:$0x1F800] =	vst v63  }
0x9f: {  	_ =	swait.ge [sflag:s9], $0x4000  }
0xa0: {  	[sflag:s9] =	ssyncset.done $0x0  }
.Ltmp1:
0xa1: {  	[sflag:s9] =	ssyncadd.s32 $0xFFFFC000;
	(pc) =	sbr.rel @p0 .LBB2_4-.Ltmp1, $4  }
0xa2: {  	[spmem:s2] =	stream.indirect.scatter.add.f32 [tilespmem:s7], [sflag:$0x3], $0x80, s12, s8, $0xb8;
	[tilespmem:$0x1F800] =	vst v63  }
0xa3: {  	_ =	swait.ge [sflag:s0], $0x4000  }
0xa4: {  	[sflag:s0] =	ssyncset.done $0x0  }
0xa5: {  	s13 =	sadd.s32 s13, s21;
	s12 =	sadd.s32 $0x100, s12;
	[sflag:s0] =	ssyncadd.s32 $0xFFFFC000  }
0xa6: {  	[tilespmem:s7], [sflag:$0x2] =	stream.linear.gather [hbm4b:s13+s3], $0x4000, $0x38;
	[tilespmem:$0x1F800] =	vst v63  }
0xa7: {  	_ =	swait.ge [sflag:s4], $0x4000  }
0xa8: {  	[sflag:s4] =	ssyncset.done $0x0  }
0xa9: {  	s11 =	simm.s32 $0x2700;
	[sflag:s4] =	ssyncadd.s32 $0xFFFFC000  }
0xaa: {  	[spmem:s2] =	stream.indirect.scatter.add.f32 [tilespmem:s6], [sflag:$0x3], $0x80, s11, s8, $0xb8;
	[tilespmem:$0x1F800] =	vst v63  }
0xab: {  	_ =	swait.ge [sflag:s0], $0x4000  }
0xac: {  	[sflag:s0] =	ssyncset.done $0x0  }
0xad: {  	[sflag:s0] =	ssyncadd.s32 $0xFFFFC000  }
0xae: {  	_ =	swait.ge [sflag:s9], $0x4000  }
0xaf: {  	[sflag:s9] =	ssyncset.done $0x0  }
0xb0: {  	s13 =	simm.s32 $0x2780;
	[sflag:s9] =	ssyncadd.s32 $0xFFFFC000  }
0xb1: {  	[spmem:s2] =	stream.indirect.scatter.add.f32 [tilespmem:s7], [sflag:$0x3], $0x80, s13, s8, $0xb8;
	[tilespmem:$0x1F800] =	vst v63  }
0xb2: {  	s14 =	stileid.u32;
	_ =	swait.ge [sflag:s0], $0x4000  }
0xb3: {  	s12 =	sshrl.u32 s5, $0x3;
	s10 =	sadd.s32 $0x1, s10;
	[sflag:s0] =	ssyncset.done $0x0  }
0xb4: {  	p0 =	sne.s32 s10, s30;
	s11 =	sshll.u32 s14, $0x6;
	[sflag:s0] =	ssyncadd.s32 $0xFFFFC000  }
.Ltmp2:
0xb5: {  	s11 =	sor.u32 $0x1C03, s11;
	[bflag:$0x0] =	sbarrier.arrive $0xFFFF;
	(pc) =	sbr.rel @p0 .LBB2_1-.Ltmp2, $4  }
0xb6: {  	[hbm:s18], [sflag:s11] =	dma.local [spmem:s12], $0x2800  }
0xb7: {  	_ =	swait.ge [sflag:s0], $0x2800  }
0xb8: {  	[sflag:s0] =	ssyncset.done $0x0  }
0xb9: {  	[sflag:s0] =	ssyncadd.s32 $0xFFFFD800  }
0xba: {  	_ =	sfence.sel $0x180000  }
0xbb: {  	[bflag:$0x0] =	sbarrier.arrive $0xFFFF  }
0xbc: {  	_ =	strace $0x9000004A  }
0xbd: {  	s0 =	stileid.u32;
	[bflag:$0x2] =	sbarrier.arrive $0xFFFF  }
0xbe: {  	p0 =	sne.s32 s0, $0x0;
	s0 =	rddreg [dreg:$0x2]  }
0xbf: {  	s0 =	sadd.s32 @!p0 $0x100000, s0  }
0xc0: {  	[sflag:s0] =	ssyncadd.tile.s32 @!p0 $0x1;
	_ =	shalt  }
.Lfunc_end2:
_tile_overlayer_lowered:
.L_overlay_start_2:
0xc1: {  	(tag) =	ssettag $0x2  }
0xc2: {  	s0 =	rddreg [dreg:$0x0];
	s2 =	stileid.u32  }
0xc3: {  	s1 =	rddreg [dreg:$0x1];
	p0 =	sne.s32 s2, $0x0  }
0xc4: {  	s3 =	rddreg [dreg:$0x2];
	[bflag:$0x3] =	sbarrier.arrive $0xFFFF;
	s2 =	simm.s32 @!p0 $0x1C03  }
0xc5: {  	[timem:s3], [sflag:s2] =	dma.local @!p0 [hbm:s0], s1  }
0xc6: {  	s0 =	simm.s32 @!p0 $0x3  }
0xc7: {  	_ =	swait.ge @!p0 [sflag:s0], s1  }
0xc8: {  	s1 =	ssub.s32 @!p0 $0x0, s1;
	[sflag:s0] =	ssyncset.done @!p0 $0x0  }
0xc9: {  	[sflag:s0] =	ssyncadd.s32 @!p0 s1  }
0xca: {  	[bflag:$0x3] =	sbarrier.arrive $0xFFFF  }
0xcb: {  	_ =	shalt  }

// kernel: kernel.18.cloned.1.call-start
scs
__scs_entry_jumppad:
0x0: {  	(pc) =	sbr.rel $0x88, $3  }
0x1: {  	(tag) =	ssettag $0x0;
	lr =	simm.s32 $0x1  }
0x2: {  	[smem:$0x3F93] =	sst lr;
	_ =	strace $0xD0000000  }
0x3: {  	_ = 	snop  }
0x4: {  	_ = 	snop  }
0x5: {  	_ = 	snop  }
0x6: {  	_ = 	snop  }
0x7: {  	_ = 	snop  }
__scs_overlays_trampoline_lowered:
0x8: {  	[smem:$0x3FA2] =	sst s0  }
0x9: {  	[smem:$0x3FA3] =	sst s1  }
0xa: {  	[smem:$0x3FA4] =	sst s2  }
0xb: {  	[smem:$0x3FA5] =	sst s3  }
0xc: {  	[smem:$0x3FA6] =	sst s4  }
0xd: {  	[smem:$0x3FA7] =	sst s5  }
0xe: {  	[smem:$0x3FA8] =	sst s6  }
0xf: {  	[smem:$0x3FA9] =	sst s7  }
0x10: {  	[smem:$0x3FAA] =	sst s8  }
0x11: {  	[smem:$0x3FAB] =	sst s9;
	s0 =	simm.s32 @!p0 $0x0  }
0x12: {  	s1 =	sld [smem:$0x3F91];
	s0 =	simm.s32 @p0 $0x1  }
0x13: {  	[smem:$0x3FAC] =	sst s0;
	s0 =	simm.s32 @!p1 $0x0  }
0x14: {  	s2 =	sld [smem:$0x3F90];
	s0 =	simm.s32 @p1 $0x1  }
0x15: {  	[smem:$0x3FAD] =	sst s0;
	s0 =	simm.s32 @!p2 $0x0  }
0x16: {  	s3 =	sld [smem:$0x3FDB];
	s0 =	simm.s32 @p2 $0x1  }
0x17: {  	s4 =	simm.s32 $0x1BF5;
	[smem:$0x3FAF] =	sst s0  }
0x18: {  	s0 =	sld [smem:$0x3F92];
	_ =	swait.ge [sflag:s4], $0x0  }
0x19: {  	s7 =	sld [smem:$0x3F93]  }
0x1a: {  	s8 =	sadd.s32 $0xFFFFE003, lr  }
0x1b: {  	s9 =	sadd.s32 $0xFFFFFEF7, lr;
	s5 =	simm.s32 $0xFFFFFFFF;
	p2 =	slt.u32 s8, $0xFFFFF086  }
0x1c: {  	p1 =	slt.u32 s9, $0xF7A;
	s5 =	simm.s32 @!p2 $0x0  }
0x1d: {  	s5 =	simm.s32 @p1 $0x1;
	p0 =	seq.s32 s7, s2  }
0x1e: {  	s7 =	smul.u32 @!p0 $0xF7A, s2;
	p2 =	seq.s32 @!p0 s5, $0x0  }
0x1f: {  	s9 =	smul.u32 $0xF7A, s1;
	s8 =	simm.s32 @!p0 $0x1BF5;
	p2 =	por !p2, p0  }
0x20: {  	[sflag:s8] =	ssyncset.s32 @!p0 $0xFFFFF086;
	s6 =	sadd.s32 @!p0 s3, s7;
	s7 =	simm.s32 @!p0 $0x108  }
0x21: {  	s3 =	sadd.s32 s3, s9;
	s6 =	sadd.s32 @!p0 $0x88, s6;
	s7 =	simm.s32 @p2 $0x1082  }
0x22: {  	[simem:s7], [sflag:s8] =	dma.local @!p0 [hbm:s6], $0xF7A  }
0x23: {  	s9 =	sor.u32 $0xD0000000, s2;
	s6 =	simm.s32 $0x108;
	_ =	swait.ge @!p0 [sflag:s8], $0x0  }
0x24: {  	s3 =	sadd.s32 $0x88, s3;
	s6 =	simm.s32 @!p1 $0x1082;
	[sflag:s4] =	ssyncset.s32 $0xFFFFF086  }
0x25: {  	[simem:s6], [sflag:s4] =	dma.local [hbm:s3], $0xF7A  }
0x26: {  	[smem:$0x3F93] =	sst s1;
	(tag) =	ssettag s2;
	_ =	strace s9  }
0x27: {  	s1 =	sld [smem:$0x3FA3]  }
0x28: {  	s2 =	sld [smem:$0x3FA4]  }
0x29: {  	s4 =	sld [smem:$0x3FA6]  }
0x2a: {  	p0 =	seq.s32 s5, $0x0;
	s5 =	sld [smem:$0x3FA7]  }
0x2b: {  	s6 =	sld [smem:$0x3FA8]  }
0x2c: {  	s7 =	sld [smem:$0x3FA9]  }
0x2d: {  	s3 =	simm.s32 $0x108;
	s8 =	sld [smem:$0x3FAA]  }
0x2e: {  	s3 =	simm.s32 @!p0 $0x1082;
	s9 =	sld [smem:$0x3FAB]  }
0x2f: {  	lr =	sadd.s32 s0, s3;
	s0 =	sld [smem:$0x3FA2]  }
0x30: {  	s3 =	sld [smem:$0x3FA5]  }
0x31: {  	[smem:$0x3FAE] =	sst s10  }
0x32: {  	s10 =	sld [smem:$0x3FAC];
	_ =	sdelay $0x3  }
0x33: {  	p0 =	seq.s32 s10, $0x1;
	s10 =	sld [smem:$0x3FAE];
	_ =	sdelay $0x3  }
0x34: {  	[smem:$0x3FAE] =	sst s10  }
0x35: {  	s10 =	sld [smem:$0x3FAD];
	_ =	sdelay $0x3  }
0x36: {  	p1 =	seq.s32 s10, $0x1;
	s10 =	sld [smem:$0x3FAE];
	_ =	sdelay $0x3  }
0x37: {  	[smem:$0x3FAE] =	sst s10  }
0x38: {  	s10 =	sld [smem:$0x3FAF]  }
0x39: {  	_ = 	snop;
	(pc) =	sbr.ind lr, $3  }
0x3a: {  	_ = 	snop  }
0x3b: {  	_ = 	snop  }
0x3c: {  	p2 =	seq.s32 s10, $0x1;
	s10 =	sld [smem:$0x3FAE]  }
0x3d: {  	_ =	shalt  }
0x3e: {  	_ =	shalt  }
0x3f: {  	_ =	shalt  }
0x40: {  	_ =	shalt  }
0x41: {  	_ =	shalt  }
0x42: {  	_ =	shalt  }
0x43: {  	_ =	shalt  }
0x44: {  	_ =	shalt  }
0x45: {  	_ =	shalt  }
0x46: {  	_ =	shalt  }
0x47: {  	_ =	shalt  }
0x48: {  	_ =	shalt  }
0x49: {  	_ =	shalt  }
0x4a: {  	_ =	shalt  }
0x4b: {  	_ =	shalt  }
0x4c: {  	_ =	shalt  }
0x4d: {  	_ =	shalt  }
0x4e: {  	_ =	shalt  }
0x4f: {  	_ =	shalt  }
0x50: {  	_ =	shalt  }
0x51: {  	_ =	shalt  }
0x52: {  	_ =	shalt  }
0x53: {  	_ =	shalt  }
0x54: {  	_ =	shalt  }
0x55: {  	_ =	shalt  }
0x56: {  	_ =	shalt  }
0x57: {  	_ =	shalt  }
0x58: {  	_ =	shalt  }
0x59: {  	_ =	shalt  }
0x5a: {  	_ =	shalt  }
0x5b: {  	_ =	shalt  }
0x5c: {  	_ =	shalt  }
0x5d: {  	_ =	shalt  }
0x5e: {  	_ =	shalt  }
0x5f: {  	_ =	shalt  }
0x60: {  	_ =	shalt  }
0x61: {  	_ =	shalt  }
0x62: {  	_ =	shalt  }
0x63: {  	_ =	shalt  }
0x64: {  	_ =	shalt  }
0x65: {  	_ =	shalt  }
0x66: {  	_ =	shalt  }
0x67: {  	_ =	shalt  }
0x68: {  	_ =	shalt  }
0x69: {  	_ =	shalt  }
0x6a: {  	_ =	shalt  }
0x6b: {  	_ =	shalt  }
0x6c: {  	_ =	shalt  }
0x6d: {  	_ =	shalt  }
0x6e: {  	_ =	shalt  }
0x6f: {  	_ =	shalt  }
0x70: {  	_ =	shalt  }
0x71: {  	_ =	shalt  }
0x72: {  	_ =	shalt  }
0x73: {  	_ =	shalt  }
0x74: {  	_ =	shalt  }
0x75: {  	_ =	shalt  }
0x76: {  	_ =	shalt  }
0x77: {  	_ =	shalt  }
0x78: {  	_ =	shalt  }
0x79: {  	_ =	shalt  }
0x7a: {  	_ =	shalt  }
0x7b: {  	_ =	shalt  }
0x7c: {  	_ =	shalt  }
0x7d: {  	_ =	shalt  }
0x7e: {  	_ =	shalt  }
0x7f: {  	_ =	shalt  }
0x80: {  	_ =	shalt  }
0x81: {  	_ =	shalt  }
0x82: {  	_ =	shalt  }
0x83: {  	_ =	shalt  }
0x84: {  	_ =	shalt  }
0x85: {  	_ =	shalt  }
0x86: {  	_ =	shalt  }
0x87: {  	_ =	shalt  }
.Lfunc_end0:
.L_simem_size_0:
called_computation.2_lowered:
.L_overlay_start_0:
0x88: {  	s2 =	sld [smem:$0x3FD9]  }
0x89: {  	s3 =	sld [smem:$0x3FFE];
	_ =	sdelay $0x1  }
0x8a: {  	s1 =	srdreg.scid  }
0x8b: {  	s0 =	sand.u32 $0x1, s1  }
0x8c: {  	s16 =	sshll.u32 s0, $0xA;
	s2 =	sadd.s32 s3, s2  }
0x8d: {  	s2 =	sadd.s32 s2, s16  }
0x8e: {  	[smem:$0x3FBA] =	sst s2  }
0x8f: {  	_ = 	snop  }
0x90: {  	(tm) =	ssettm $0x1  }
0x91: {  	s17 =	sld [smem:$0x3FFB];
	_ =	sdelay $0x3  }
0x92: {  	_ =	strace s17  }
0x93: {  	s2 =	sld [smem:$0x3FFC];
	_ =	sdelay $0x3  }
0x94: {  	_ =	strace s2  }
0x95: {  	s2 =	sld [smem:$0x3FFD];
	_ =	sdelay $0x3  }
0x96: {  	_ =	strace s2  }
0x97: {  	_ =	strace $0x8FFFFFFF  }
0x98: {  	s18 =	sld [smem:$0x3FDB];
	_ =	sdelay $0x1  }
0x99: {  	s19 =	simm.s32 $_scs_section_size  }
0x9a: {  	s4 =	simm.s32 $_size__tile_overlayer_lowered;
	s5 =	simm.s32 $_tile_overlayer_lowered  }
0x9b: {  	s22 =	simm.s32 $0x1BFF;
	s21 =	sshll.u32 s5, $0x1;
	s2 =	sadd.s32 s19, s18  }
0x9c: {  	s6 =	simm.s32 $0x0;
	s20 =	sshll.u32 s4, $0x1;
	s4 =	sadd.s32 s21, s2  }
0x9d: {  	[timem:s6], [sflag:s22] =	dma.local [hbm:s4], s20  }
0x9e: {  	_ =	swait.ge [sflag:s22], s20  }
0x9f: {  	s3 =	ssub.s32 $0x0, s20;
	[sflag:s22] =	ssyncset.done $0x0  }
0xa0: {  	[sflag:s22] =	ssyncadd.s32 s3;
	_ =	sdelay $0x1  }
0xa1: {  	s23 =	simm.s32 $0x1B8B  }
0xa2: {  	_ =	swait.ge [sflag:s23], $0x1  }
0xa3: {  	[sflag:s23] =	ssyncset.done $0x0  }
0xa4: {  	s25 =	simm.s32 $0x1B8E;
	s24 =	sld [smem:$0x3FFE];
	[sflag:s23] =	ssyncadd.s32 $0xFFFFFFFF  }
0xa5: {  	s26 =	simm.s32 $execute0_lowered;
	[smem:$0x3FD2] =	sst s25  }
0xa6: {  	s4 =	sshll.u32 s26, $0x1;
	_ =	strace $0x8000004C;
	[dreg:$0x1] =	wrdreg $0xFFFFFFFF  }
0xa7: {  	s28 =	simm.s32 $_size_execute0_lowered;
	s2 =	sadd.s32 s2, s4;
	[dreg:$0x0] =	wrdreg $0x0  }
0xa8: {  	s4 =	sshll.u32 s28, $0x1;
	[dreg:$0x2] =	wrdreg s2  }
0xa9: {  	[dreg:$0x3] =	wrdreg s4  }
0xaa: {  	[dreg:$0x4] =	wrdreg $0xC0  }
0xab: {  	_ =	task [dreg:s6], $0x5FFFF  }
0xac: {  	[dreg:$0x1] =	wrdreg $0xFFFFFFFF  }
0xad: {  	[dreg:$0x0] =	wrdreg $0x60  }
0xae: {  	[dreg:$0x2] =	wrdreg s24  }
0xaf: {  	[dreg:$0x3] =	wrdreg $0xA8000  }
0xb0: {  	[dreg:$0x4] =	wrdreg $0x144400  }
0xb1: {  	[dreg:$0x5] =	wrdreg $0x9  }
0xb2: {  	_ =	task.clear_ibuf [dreg:s6], $0x6FFFF;
	_ =	strace $0x9000004C  }
0xb3: {  	s29 =	simm.s32 $0x9;
	_ =	strace $0x8000004E  }
0xb4: {  	_ =	swait.ge [sflag:s29], $0x1  }
0xb5: {  	[sflag:s29] =	ssyncadd.s32 $0xFFFFFFFF  }
0xb6: {  	_ =	strace $0x9000004E  }
0xb7: {  	_ =	sfence  }
0xb8: {  	s30 =	sld [smem:$0x0];
	_ =	sdelay $0x2  }
0xb9: {  	s31 =	sshll.u32 s1, $0xD;
	s1 =	sshrl.u32 s1, $0x2  }
0xba: {  	s3 =	sand.u32 $0x4000, s31;
	s1 =	sadd.s32 s1, s30  }
0xbb: {  	s0 =	sor.u32 s3, s0;
	s1 =	sshll.u32 s1, $0x11  }
0xbc: {  	s0 =	sor.u32 s1, s0  }
0xbd: {  	s0 =	sadd.s32 $0x8F2B, s0  }
0xbe: {  	[sflag:s0] =	ssyncadd.remote.s32 $0x1  }
0xbf: {  	_ =	sfence.sel $0xFFFF  }
0xc0: {  	[dreg:$0x0] =	wrdreg $0xFFFFFFFF;
	(pc) =	sbr.abs _section_cstart, $3  }
0xc1: {  	[dreg:$0x1] =	wrdreg $0xFFFFFFFF  }
0xc2: {  	_ =	task.clear_ibuf [dreg:s6], $0x2FFFF;
	_ =	strace $0x9FFFFFFF  }
0xc3: {  	(tm) =	ssettm $0x7FFFFFFF  }
tec
execute0_lowered:
.L_overlay_start_1:
0x0: {  	(tag) =	ssettag $0x1  }
0x1: {  	s0 =	rddreg [dreg:$0x0]  }
0x2: {  	s1 =	rddreg [dreg:$0x1];
	s2 =	srdreg.scid  }
0x3: {  	s3 =	rddreg [dreg:$0x2];
	s12 =	stileid.u32;
	s4 =	simm.s32 $0x0  }
0x4: {  	s28 =	simm.s32 $0x100;
	s29 =	simm.s32 $0x6800;
	s30 =	simm.s32 $0x180  }
0x5: {  	s31 =	simm.s32 $0x8800;
	s2 =	sand.u32 $0x1, s2;
	s7 =	smul.u32 $0x9C40, s12  }
0x6: {  	[smem:$0x7FF] =	sst s4;
	s10 =	sadd.s32 $0x53C200, s0;
	s14 =	sshll.u32 s12, $0x6  }
0x7: {  	s5 =	sshll.u32 s2, $0x4;
	_ =	strace $0x8000004D;
	s25 =	ssub.s32 $0x2, s2  }
0x8: {  	s2 =	smul.u32 $0xA00000, s2;
	s5 =	sor.u32 s12, s5;
	s8 =	sshrl.u32 s7, $0x3  }
0x9: {  	s11 =	sshrl.u32 s25, $0x1;
	s13 =	sadd.s32 s7, s1;
	s12 =	smul.u32 $0xA0000, s12  }
0xa: {  	s7 =	sadd.s32 s7, s3;
	s6 =	smul.u32 $0x500, s5;
	s8 =	sadd.s32 s8, s0  }
0xb: {  	s11 =	ssub.s32 s25, s11;
	s5 =	smul.u32 $0xA0000, s5;
	s25 =	sshrl.u32 s13, $0x3  }
0xc: {  	s13 =	simm.s32 $0x0;
	s26 =	sadd.s32 $0x1CE00, s8;
	s8 =	sadd.s32 $0x30800, s8  }
0xd: {  	s2 =	sadd.s32 s12, s2;
	s17 =	smax.u32 s11, $0x1;
	[dreg:$0x11] =	wrdreg s25  }
0xe: {  	s25 =	simm.s32 $0x2800;
	s9 =	sadd.s32 s6, s0;
	[dreg:$0x4] =	wrdreg s26  }
0xf: {  	s0 =	sadd.s32 $0x44200, s0;
	s6 =	sor.u32 $0x1C09, s14;
	[dreg:$0x5] =	wrdreg s8  }
0x10: {  	s5 =	sshrl.u32 s5, $0x3;
	[dreg:$0x8] =	wrdreg s17;
	s18 =	sor.u32 $0x4000, s2  }
0x11: {  	s20 =	sor.u32 $0x2000, s2;
	s22 =	sor.u32 $0x6000, s2;
	s2 =	sshrl.u32 s2, $0x3  }
0x12: {  	s26 =	sshrl.u32 s7, $0x3;
	s7 =	simm.s32 $0x5;
	s15 =	sadd.s32 $0x10E00, s9  }
0x13: {  	s16 =	sadd.s32 $0x6E00, s9;
	s5 =	sadd.s32 $0x13800, s5;
	[dreg:$0x12] =	wrdreg s26  }
0x14: {  	s19 =	sshrl.u32 s18, $0x3;
	s8 =	sshrl.u32 s20, $0x3;
	[dreg:$0x6] =	wrdreg s15  }
0x15: {  	s9 =	sshrl.u32 s22, $0x3;
	s23 =	sadd.s32 s2, s10;
	[dreg:$0x7] =	wrdreg s16  }
0x16: {  	s2 =	sadd.s32 s2, s0;
	s22 =	simm.s32 $0x9;
	[dreg:$0xb] =	wrdreg s23  }
0x17: {  	s26 =	simm.s32 $0x4800;
	s21 =	sadd.s32 s19, s10;
	[dreg:$0xf] =	wrdreg s2  }
0x18: {  	s11 =	sadd.s32 s10, s5;
	s14 =	sadd.s32 s8, s10;
	[dreg:$0x9] =	wrdreg s21  }
0x19: {  	s12 =	sadd.s32 s0, s5;
	s10 =	sadd.s32 s9, s10;
	[dreg:$0xa] =	wrdreg s14  }
.Ltmp0:
0x1a: {  	s5 =	sadd.s32 s19, s0;
	[dreg:$0xc] =	wrdreg s10;
	(pc) =	sbr.rel .LBB2_1-.Ltmp0, $4  }
0x1b: {  	s24 =	sadd.s32 s8, s0;
	s0 =	sadd.s32 s9, s0;
	[dreg:$0xd] =	wrdreg s5  }
0x1c: {  	s2 =	simm.s32 $0x2;
	s8 =	simm.s32 $0x6;
	[dreg:$0xe] =	wrdreg s24  }
0x1d: {  	s9 =	simm.s32 $0x7;
	[dreg:$0x10] =	wrdreg s0;
	s24 =	simm.s32 $0x80  }
0x1e: {  	s0 =	simm.s32 $0x1;
	s5 =	simm.s32 $0x4;
	s10 =	simm.s32 $0x8  }
.LBB2_7:
0x1f: {  	_ =	swait.ge [sflag:s7], $0x2000  }
0x20: {  	[sflag:s7] =	ssyncset.done $0x0  }
0x21: {  	[sflag:s7] =	ssyncadd.s32 $0xFFFFE000  }
0x22: {  	_ =	swait.ge [sflag:s8], $0x2000  }
0x23: {  	[sflag:s8] =	ssyncset.done $0x0  }
0x24: {  	[sflag:s8] =	ssyncadd.s32 $0xFFFFE000  }
0x25: {  	_ =	swait.ge [sflag:s9], $0x2000  }
0x26: {  	[sflag:s9] =	ssyncset.done $0x0  }
0x27: {  	[sflag:s9] =	ssyncadd.s32 $0xFFFFE000  }
0x28: {  	_ =	swait.ge [sflag:s10], $0x2000  }
0x29: {  	s13 =	sadd.s32 $0x1, s13;
	s14 =	rddreg [dreg:$0x8]  }
0x2a: {  	p0 =	sne.s32 s13, s14  }
.Ltmp1:
0x2b: {  	_ = 	snop;
	(pc) =	sbr.rel @!p0 .LBB2_8-.Ltmp1, $3  }
0x2c: {  	_ =	sdelay $0x1  }
0x2d: {  	[sflag:s10] =	ssyncset.done $0x0  }
0x2e: {  	[sflag:s10] =	ssyncadd.s32 $0xFFFFE000  }
.LBB2_1:
0x2f: {  	s14 =	rddreg [dreg:$0x4]  }
0x30: {  	s15 =	rddreg [dreg:$0x11]  }
0x31: {  	[spmem:s15], [sflag:s6] =	dma.local [hbm:s14], $0x1388  }
0x32: {  	_ =	swait.ge [sflag:s22], $0x1388  }
0x33: {  	[sflag:s22] =	ssyncset.done $0x0;
	s20 =	rddreg [dreg:$0x5]  }
0x34: {  	s21 =	rddreg [dreg:$0x12];
	[sflag:s22] =	ssyncadd.s32 $0xFFFFEC78  }
0x35: {  	[spmem:s21], [sflag:s6] =	dma.local [hbm:s20], $0x1388  }
0x36: {  	_ =	swait.ge [sflag:s22], $0x1388  }
0x37: {  	[sflag:s22] =	ssyncset.done $0x0  }
0x38: {  	[sflag:s22] =	ssyncadd.s32 $0xFFFFEC78  }
0x39: {  	[bflag:$0x0] =	sbarrier.arrive $0xFFFF  }
0x3a: {  	s23 =	rddreg [dreg:$0x6]  }
0x3b: {  	[tilespmem:s4], [sflag:$0x9] =	stream.linear.gather [hbm4b:s23+s4], $0x2800, $0x38;
	[tilespmem:$0x1E080] =	vst v63  }
0x3c: {  	_ =	swait.ge [sflag:s22], $0x2800  }
0x3d: {  	[sflag:s22] =	ssyncset.done $0x0  }
0x3e: {  	s14 =	rddreg [dreg:$0xc];
	[sflag:s22] =	ssyncadd.s32 $0xFFFFD800  }
0x3f: {  	[tilespmem:s25], [sflag:$0x1] =	stream.indirect.gather [spmem:s1], $0x40, s4, s24, $0xb8;
	[tilespmem:$0x1E080] =	vst v63  }
0x40: {  	s15 =	rddreg [dreg:$0xb]  }
0x41: {  	[tilespmem:s26], [sflag:$0x2] =	stream.indirect.gather [spmem:s1], $0x40, s24, s24, $0xb8;
	[tilespmem:$0x1E080] =	vst v63  }
0x42: {  	s16 =	rddreg [dreg:$0xa]  }
0x43: {  	[tilespmem:s29], [sflag:$0x3] =	stream.indirect.gather [spmem:s1], $0x40, s28, s24, $0xb8;
	[tilespmem:$0x1E080] =	vst v63  }
0x44: {  	s18 =	simm.s32 $0x0;
	s17 =	rddreg [dreg:$0x9]  }
0x45: {  	[tilespmem:s31], [sflag:$0x4] =	stream.indirect.gather [spmem:s1], $0x40, s30, s24, $0xb8;
	[tilespmem:$0x1E080] =	vst v63  }
.LBB2_2:
0x46: {  	_ =	swait.ge [sflag:s0], $0x2000  }
0x47: {  	p0 =	seq.s32 s18, $0x0;
	[sflag:s0] =	ssyncset.done $0x0  }
0x48: {  	s21 =	simm.s32 @!p0 $0x8;
	[sflag:s0] =	ssyncadd.s32 $0xFFFFE000  }
0x49: {  	[hbm4b:s15+s4] =	stream.linear.scatter [tilespmem:s25], [sflag:$0x5], $0x2000, $0x38;
	[tilespmem:$0x1E080] =	vst v63  }
0x4a: {  	_ =	swait.ge @!p0 [sflag:s21], $0x2000  }
0x4b: {  	[sflag:s21] =	ssyncset.done @!p0 $0x0  }
0x4c: {  	[sflag:s21] =	ssyncadd.s32 @!p0 $0xFFFFE000;
	s21 =	sshra.s32 @!p0 s18, $0x2  }
0x4d: {  	s19 =	simm.s32 @!p0 $0x80;
	s20 =	simm.s32 @!p0 $0x8800;
	s21 =	sadd.s32 @!p0 $0x180, s21  }
0x4e: {  	[tilespmem:s20], [sflag:$0x4] =	stream.indirect.gather @!p0 [spmem:s1], $0x40, s21, s19, $0xb8;
	[tilespmem:$0x1E080] =	vst v63  }
0x4f: {  	_ =	swait.ge [sflag:s2], $0x2000  }
0x50: {  	p0 =	seq.s32 s18, $0x9800;
	[sflag:s2] =	ssyncset.done $0x0  }
0x51: {  	s19 =	simm.s32 @p0 $0x3;
	[sflag:s2] =	ssyncadd.s32 $0xFFFFE000  }
0x52: {  	[hbm4b:s16+s4] =	stream.linear.scatter [tilespmem:s26], [sflag:$0x6], $0x2000, $0x38;
	[tilespmem:$0x1E080] =	vst v63  }
0x53: {  	_ =	swait.ge @p0 [sflag:s19], $0x2000  }
0x54: {  	[sflag:s19] =	ssyncset.done @p0 $0x0  }
0x55: {  	s20 =	simm.s32 @p0 $0x6800;
	[sflag:s19] =	ssyncadd.s32 @p0 $0xFFFFE000;
	s19 =	simm.s32 @p0 $0x0  }
0x56: {  	[hbm4b:s11+s19] =	stream.linear.scatter @p0 [tilespmem:s20], [sflag:$0x7], $0x2000, $0x38;
	[tilespmem:$0x1E080] =	vst v63  }
0x57: {  	s19 =	simm.s32 @!p0 $0x5  }
0x58: {  	_ =	swait.ge @!p0 [sflag:s19], $0x2000  }
0x59: {  	[sflag:s19] =	ssyncset.done @!p0 $0x0  }
0x5a: {  	[sflag:s19] =	ssyncadd.s32 @!p0 $0xFFFFE000;
	s19 =	sshra.s32 @!p0 s18, $0x2  }
0x5b: {  	s21 =	simm.s32 @!p0 $0x80;
	s23 =	simm.s32 @!p0 $0x2800;
	s20 =	sadd.s32 @!p0 $0x200, s19  }
0x5c: {  	[tilespmem:s23], [sflag:$0x1] =	stream.indirect.gather @!p0 [spmem:s1], $0x40, s20, s21, $0xb8;
	[tilespmem:$0x1E080] =	vst v63  }
0x5d: {  	s20 =	simm.s32 @!p0 $0x3  }
0x5e: {  	_ =	swait.ge @!p0 [sflag:s20], $0x2000  }
0x5f: {  	[sflag:s20] =	ssyncset.done @!p0 $0x0  }
0x60: {  	s23 =	simm.s32 @!p0 $0x6800;
	[sflag:s20] =	ssyncadd.s32 @!p0 $0xFFFFE000;
	s20 =	simm.s32 @!p0 $0x0  }
0x61: {  	[hbm4b:s17+s20] =	stream.linear.scatter @!p0 [tilespmem:s23], [sflag:$0x7], $0x2000, $0x38;
	[tilespmem:$0x1E080] =	vst v63  }
0x62: {  	s20 =	simm.s32 @!p0 $0x6  }
0x63: {  	_ =	swait.ge @!p0 [sflag:s20], $0x2000  }
0x64: {  	[sflag:s20] =	ssyncset.done @!p0 $0x0  }
0x65: {  	s19 =	sadd.s32 @!p0 $0x280, s19;
	[sflag:s20] =	ssyncadd.s32 @!p0 $0xFFFFE000;
	s20 =	simm.s32 @!p0 $0x4800  }
0x66: {  	[tilespmem:s20], [sflag:$0x2] =	stream.indirect.gather @!p0 [spmem:s1], $0x40, s19, s21, $0xb8;
	[tilespmem:$0x1E080] =	vst v63  }
.Ltmp2:
0x67: {  	_ = 	snop;
	(pc) =	sbr.rel @p0 .LBB2_4-.Ltmp2, $4  }
0x68: {  	_ =	swait.ge [sflag:s5], $0x2000  }
0x69: {  	[sflag:s5] =	ssyncset.done $0x0  }
0x6a: {  	[sflag:s5] =	ssyncadd.s32 $0xFFFFE000  }
0x6b: {  	[hbm4b:s14+s4] =	stream.linear.scatter [tilespmem:s31], [sflag:$0x8], $0x2000, $0x38;
	[tilespmem:$0x1E080] =	vst v63  }
.Ltmp3:
0x6c: {  	_ =	swait.ge [sflag:s9], $0x2000;
	(pc) =	sbr.rel .LBB2_2-.Ltmp3, $4  }
0x6d: {  	s19 =	sshra.s32 s18, $0x2;
	s18 =	sadd.s32 $0x800, s18;
	s17 =	sadd.s32 $0x1000, s17  }
0x6e: {  	s16 =	sadd.s32 $0x1000, s16;
	s15 =	sadd.s32 $0x1000, s15;
	[sflag:s9] =	ssyncset.done $0x0  }
0x6f: {  	s14 =	sadd.s32 $0x1000, s14;
	s19 =	sadd.s32 $0x300, s19;
	[sflag:s9] =	ssyncadd.s32 $0xFFFFE000  }
0x70: {  	[tilespmem:s29], [sflag:$0x3] =	stream.indirect.gather [spmem:s1], $0x40, s19, s24, $0xb8;
	[tilespmem:$0x1E080] =	vst v63  }
.LBB2_4:
0x71: {  	_ =	swait.ge [sflag:s7], $0x2000  }
0x72: {  	[sflag:s7] =	ssyncset.done $0x0  }
0x73: {  	[sflag:s7] =	ssyncadd.s32 $0xFFFFE000  }
0x74: {  	_ =	swait.ge [sflag:s8], $0x2000  }
0x75: {  	[sflag:s8] =	ssyncset.done $0x0  }
0x76: {  	[sflag:s8] =	ssyncadd.s32 $0xFFFFE000  }
0x77: {  	_ =	swait.ge [sflag:s9], $0x2000  }
0x78: {  	[sflag:s9] =	ssyncset.done $0x0  }
0x79: {  	[sflag:s9] =	ssyncadd.s32 $0xFFFFE000  }
0x7a: {  	_ =	swait.ge [sflag:s10], $0x2000  }
0x7b: {  	[sflag:s10] =	ssyncset.done $0x0  }
0x7c: {  	s14 =	simm.s32 $0x0;
	s15 =	rddreg [dreg:$0x7];
	[sflag:s10] =	ssyncadd.s32 $0xFFFFE000  }
0x7d: {  	[tilespmem:s14], [sflag:$0x9] =	stream.linear.gather [hbm4b:s15+s14], $0x2800, $0x38;
	[tilespmem:$0x1E080] =	vst v63  }
0x7e: {  	_ =	swait.ge [sflag:s22], $0x2800  }
0x7f: {  	[sflag:s22] =	ssyncset.done $0x0  }
0x80: {  	s15 =	rddreg [dreg:$0x10];
	[sflag:s22] =	ssyncadd.s32 $0xFFFFD800  }
0x81: {  	[tilespmem:s25], [sflag:$0x1] =	stream.indirect.gather [spmem:s3], $0x40, s14, s24, $0xb8;
	[tilespmem:$0x1E080] =	vst v63  }
0x82: {  	s16 =	rddreg [dreg:$0xf]  }
0x83: {  	[tilespmem:s26], [sflag:$0x2] =	stream.indirect.gather [spmem:s3], $0x40, s24, s24, $0xb8;
	[tilespmem:$0x1E080] =	vst v63  }
0x84: {  	s17 =	rddreg [dreg:$0xe]  }
0x85: {  	[tilespmem:s29], [sflag:$0x3] =	stream.indirect.gather [spmem:s3], $0x40, s28, s24, $0xb8;
	[tilespmem:$0x1E080] =	vst v63  }
0x86: {  	s18 =	rddreg [dreg:$0xd]  }
0x87: {  	[tilespmem:s31], [sflag:$0x4] =	stream.indirect.gather [spmem:s3], $0x40, s30, s24, $0xb8;
	[tilespmem:$0x1E080] =	vst v63  }
.LBB2_5:
0x88: {  	_ =	swait.ge [sflag:s0], $0x2000  }
0x89: {  	p0 =	seq.s32 s14, $0x0;
	[sflag:s0] =	ssyncset.done $0x0  }
0x8a: {  	s19 =	simm.s32 @!p0 $0x8;
	[sflag:s0] =	ssyncadd.s32 $0xFFFFE000  }
0x8b: {  	[hbm4b:s16+s4] =	stream.linear.scatter [tilespmem:s25], [sflag:$0x5], $0x2000, $0x38;
	[tilespmem:$0x1E080] =	vst v63  }
0x8c: {  	_ =	swait.ge @!p0 [sflag:s19], $0x2000  }
0x8d: {  	[sflag:s19] =	ssyncset.done @!p0 $0x0  }
0x8e: {  	[sflag:s19] =	ssyncadd.s32 @!p0 $0xFFFFE000;
	s19 =	sshra.s32 @!p0 s14, $0x2  }
0x8f: {  	s20 =	simm.s32 @!p0 $0x80;
	s21 =	simm.s32 @!p0 $0x8800;
	s19 =	sadd.s32 @!p0 $0x180, s19  }
0x90: {  	[tilespmem:s21], [sflag:$0x4] =	stream.indirect.gather @!p0 [spmem:s3], $0x40, s19, s20, $0xb8;
	[tilespmem:$0x1E080] =	vst v63  }
0x91: {  	_ =	swait.ge [sflag:s2], $0x2000  }
0x92: {  	p0 =	seq.s32 s14, $0x9800;
	[sflag:s2] =	ssyncset.done $0x0  }
0x93: {  	s19 =	simm.s32 @p0 $0x3;
	[sflag:s2] =	ssyncadd.s32 $0xFFFFE000  }
0x94: {  	[hbm4b:s17+s4] =	stream.linear.scatter [tilespmem:s26], [sflag:$0x6], $0x2000, $0x38;
	[tilespmem:$0x1E080] =	vst v63  }
0x95: {  	_ =	swait.ge @p0 [sflag:s19], $0x2000  }
0x96: {  	[sflag:s19] =	ssyncset.done @p0 $0x0  }
0x97: {  	s20 =	simm.s32 @p0 $0x6800;
	[sflag:s19] =	ssyncadd.s32 @p0 $0xFFFFE000;
	s19 =	simm.s32 @p0 $0x0  }
0x98: {  	[hbm4b:s12+s19] =	stream.linear.scatter @p0 [tilespmem:s20], [sflag:$0x7], $0x2000, $0x38;
	[tilespmem:$0x1E080] =	vst v63  }
0x99: {  	s19 =	simm.s32 @!p0 $0x5  }
0x9a: {  	_ =	swait.ge @!p0 [sflag:s19], $0x2000  }
0x9b: {  	[sflag:s19] =	ssyncset.done @!p0 $0x0  }
0x9c: {  	[sflag:s19] =	ssyncadd.s32 @!p0 $0xFFFFE000;
	s19 =	sshra.s32 @!p0 s14, $0x2  }
0x9d: {  	s21 =	simm.s32 @!p0 $0x80;
	s23 =	simm.s32 @!p0 $0x2800;
	s20 =	sadd.s32 @!p0 $0x200, s19  }
0x9e: {  	[tilespmem:s23], [sflag:$0x1] =	stream.indirect.gather @!p0 [spmem:s3], $0x40, s20, s21, $0xb8;
	[tilespmem:$0x1E080] =	vst v63  }
0x9f: {  	s20 =	simm.s32 @!p0 $0x3  }
0xa0: {  	_ =	swait.ge @!p0 [sflag:s20], $0x2000  }
0xa1: {  	[sflag:s20] =	ssyncset.done @!p0 $0x0  }
0xa2: {  	s23 =	simm.s32 @!p0 $0x6800;
	[sflag:s20] =	ssyncadd.s32 @!p0 $0xFFFFE000;
	s20 =	simm.s32 @!p0 $0x0  }
0xa3: {  	[hbm4b:s18+s20] =	stream.linear.scatter @!p0 [tilespmem:s23], [sflag:$0x7], $0x2000, $0x38;
	[tilespmem:$0x1E080] =	vst v63  }
0xa4: {  	s20 =	simm.s32 @!p0 $0x6  }
0xa5: {  	_ =	swait.ge @!p0 [sflag:s20], $0x2000  }
0xa6: {  	[sflag:s20] =	ssyncset.done @!p0 $0x0  }
0xa7: {  	s19 =	sadd.s32 @!p0 $0x280, s19;
	[sflag:s20] =	ssyncadd.s32 @!p0 $0xFFFFE000;
	s20 =	simm.s32 @!p0 $0x4800  }
0xa8: {  	[tilespmem:s20], [sflag:$0x2] =	stream.indirect.gather @!p0 [spmem:s3], $0x40, s19, s21, $0xb8;
	[tilespmem:$0x1E080] =	vst v63  }
.Ltmp4:
0xa9: {  	_ = 	snop;
	(pc) =	sbr.rel @p0 .LBB2_7-.Ltmp4, $4  }
0xaa: {  	_ =	swait.ge [sflag:s5], $0x2000  }
0xab: {  	[sflag:s5] =	ssyncset.done $0x0  }
0xac: {  	[sflag:s5] =	ssyncadd.s32 $0xFFFFE000  }
0xad: {  	[hbm4b:s15+s4] =	stream.linear.scatter [tilespmem:s31], [sflag:$0x8], $0x2000, $0x38;
	[tilespmem:$0x1E080] =	vst v63  }
.Ltmp5:
0xae: {  	_ =	swait.ge [sflag:s9], $0x2000;
	(pc) =	sbr.rel .LBB2_5-.Ltmp5, $4  }
0xaf: {  	s19 =	sshra.s32 s14, $0x2;
	s14 =	sadd.s32 $0x800, s14;
	s18 =	sadd.s32 $0x1000, s18  }
0xb0: {  	s17 =	sadd.s32 $0x1000, s17;
	s16 =	sadd.s32 $0x1000, s16;
	[sflag:s9] =	ssyncset.done $0x0  }
0xb1: {  	s15 =	sadd.s32 $0x1000, s15;
	s19 =	sadd.s32 $0x300, s19;
	[sflag:s9] =	ssyncadd.s32 $0xFFFFE000  }
0xb2: {  	[tilespmem:s29], [sflag:$0x3] =	stream.indirect.gather [spmem:s3], $0x40, s19, s24, $0xb8;
	[tilespmem:$0x1E080] =	vst v63  }
.LBB2_8:
0xb3: {  	_ =	sfence.sel $0x180000  }
0xb4: {  	[bflag:$0x0] =	sbarrier.arrive $0xFFFF  }
0xb5: {  	_ =	strace $0x9000004D  }
0xb6: {  	s0 =	stileid.u32;
	[bflag:$0x2] =	sbarrier.arrive $0xFFFF  }
0xb7: {  	p0 =	sne.s32 s0, $0x0;
	s0 =	rddreg [dreg:$0x3]  }
0xb8: {  	s0 =	sadd.s32 @!p0 $0x100000, s0  }
0xb9: {  	[sflag:s0] =	ssyncadd.tile.s32 @!p0 $0x1;
	_ =	shalt  }
.Lfunc_end2:
_tile_overlayer_lowered:
.L_overlay_start_2:
0xba: {  	(tag) =	ssettag $0x2  }
0xbb: {  	s0 =	rddreg [dreg:$0x0];
	s2 =	stileid.u32  }
0xbc: {  	s1 =	rddreg [dreg:$0x1];
	p0 =	sne.s32 s2, $0x0  }
0xbd: {  	s3 =	rddreg [dreg:$0x2];
	[bflag:$0x3] =	sbarrier.arrive $0xFFFF;
	s2 =	simm.s32 @!p0 $0x1C09  }
0xbe: {  	[timem:s3], [sflag:s2] =	dma.local @!p0 [hbm:s0], s1  }
0xbf: {  	s0 =	simm.s32 @!p0 $0x9  }
0xc0: {  	_ =	swait.ge @!p0 [sflag:s0], s1  }
0xc1: {  	s1 =	ssub.s32 @!p0 $0x0, s1;
	[sflag:s0] =	ssyncset.done @!p0 $0x0  }
0xc2: {  	[sflag:s0] =	ssyncadd.s32 @!p0 s1  }
0xc3: {  	[bflag:$0x3] =	sbarrier.arrive $0xFFFF  }
0xc4: {  	_ =	shalt  }

// kernel: kernel.21.cloned.1.call-start
scs
__scs_entry_jumppad:
0x0: {  	(pc) =	sbr.rel $0x88, $3  }
0x1: {  	(tag) =	ssettag $0x0;
	lr =	simm.s32 $0x1  }
0x2: {  	[smem:$0x3F93] =	sst lr;
	_ =	strace $0xD0000000  }
0x3: {  	_ = 	snop  }
0x4: {  	_ = 	snop  }
0x5: {  	_ = 	snop  }
0x6: {  	_ = 	snop  }
0x7: {  	_ = 	snop  }
__scs_overlays_trampoline_lowered:
0x8: {  	[smem:$0x3FA2] =	sst s0  }
0x9: {  	[smem:$0x3FA3] =	sst s1  }
0xa: {  	[smem:$0x3FA4] =	sst s2  }
0xb: {  	[smem:$0x3FA5] =	sst s3  }
0xc: {  	[smem:$0x3FA6] =	sst s4  }
0xd: {  	[smem:$0x3FA7] =	sst s5  }
0xe: {  	[smem:$0x3FA8] =	sst s6  }
0xf: {  	[smem:$0x3FA9] =	sst s7  }
0x10: {  	[smem:$0x3FAA] =	sst s8  }
0x11: {  	[smem:$0x3FAB] =	sst s9;
	s0 =	simm.s32 @!p0 $0x0  }
0x12: {  	s1 =	sld [smem:$0x3F91];
	s0 =	simm.s32 @p0 $0x1  }
0x13: {  	[smem:$0x3FAC] =	sst s0;
	s0 =	simm.s32 @!p1 $0x0  }
0x14: {  	s2 =	sld [smem:$0x3F90];
	s0 =	simm.s32 @p1 $0x1  }
0x15: {  	[smem:$0x3FAD] =	sst s0;
	s0 =	simm.s32 @!p2 $0x0  }
0x16: {  	s3 =	sld [smem:$0x3FDB];
	s0 =	simm.s32 @p2 $0x1  }
0x17: {  	s4 =	simm.s32 $0x1BF5;
	[smem:$0x3FAF] =	sst s0  }
0x18: {  	s0 =	sld [smem:$0x3F92];
	_ =	swait.ge [sflag:s4], $0x0  }
0x19: {  	s7 =	sld [smem:$0x3F93]  }
0x1a: {  	s8 =	sadd.s32 $0xFFFFE003, lr  }
0x1b: {  	s9 =	sadd.s32 $0xFFFFFEF7, lr;
	s5 =	simm.s32 $0xFFFFFFFF;
	p2 =	slt.u32 s8, $0xFFFFF086  }
0x1c: {  	p1 =	slt.u32 s9, $0xF7A;
	s5 =	simm.s32 @!p2 $0x0  }
0x1d: {  	s5 =	simm.s32 @p1 $0x1;
	p0 =	seq.s32 s7, s2  }
0x1e: {  	s7 =	smul.u32 @!p0 $0xF7A, s2;
	p2 =	seq.s32 @!p0 s5, $0x0  }
0x1f: {  	s9 =	smul.u32 $0xF7A, s1;
	s8 =	simm.s32 @!p0 $0x1BF5;
	p2 =	por !p2, p0  }
0x20: {  	[sflag:s8] =	ssyncset.s32 @!p0 $0xFFFFF086;
	s6 =	sadd.s32 @!p0 s3, s7;
	s7 =	simm.s32 @!p0 $0x108  }
0x21: {  	s3 =	sadd.s32 s3, s9;
	s6 =	sadd.s32 @!p0 $0x88, s6;
	s7 =	simm.s32 @p2 $0x1082  }
0x22: {  	[simem:s7], [sflag:s8] =	dma.local @!p0 [hbm:s6], $0xF7A  }
0x23: {  	s9 =	sor.u32 $0xD0000000, s2;
	s6 =	simm.s32 $0x108;
	_ =	swait.ge @!p0 [sflag:s8], $0x0  }
0x24: {  	s3 =	sadd.s32 $0x88, s3;
	s6 =	simm.s32 @!p1 $0x1082;
	[sflag:s4] =	ssyncset.s32 $0xFFFFF086  }
0x25: {  	[simem:s6], [sflag:s4] =	dma.local [hbm:s3], $0xF7A  }
0x26: {  	[smem:$0x3F93] =	sst s1;
	(tag) =	ssettag s2;
	_ =	strace s9  }
0x27: {  	s1 =	sld [smem:$0x3FA3]  }
0x28: {  	s2 =	sld [smem:$0x3FA4]  }
0x29: {  	s4 =	sld [smem:$0x3FA6]  }
0x2a: {  	p0 =	seq.s32 s5, $0x0;
	s5 =	sld [smem:$0x3FA7]  }
0x2b: {  	s6 =	sld [smem:$0x3FA8]  }
0x2c: {  	s7 =	sld [smem:$0x3FA9]  }
0x2d: {  	s3 =	simm.s32 $0x108;
	s8 =	sld [smem:$0x3FAA]  }
0x2e: {  	s3 =	simm.s32 @!p0 $0x1082;
	s9 =	sld [smem:$0x3FAB]  }
0x2f: {  	lr =	sadd.s32 s0, s3;
	s0 =	sld [smem:$0x3FA2]  }
0x30: {  	s3 =	sld [smem:$0x3FA5]  }
0x31: {  	[smem:$0x3FAE] =	sst s10  }
0x32: {  	s10 =	sld [smem:$0x3FAC];
	_ =	sdelay $0x3  }
0x33: {  	p0 =	seq.s32 s10, $0x1;
	s10 =	sld [smem:$0x3FAE];
	_ =	sdelay $0x3  }
0x34: {  	[smem:$0x3FAE] =	sst s10  }
0x35: {  	s10 =	sld [smem:$0x3FAD];
	_ =	sdelay $0x3  }
0x36: {  	p1 =	seq.s32 s10, $0x1;
	s10 =	sld [smem:$0x3FAE];
	_ =	sdelay $0x3  }
0x37: {  	[smem:$0x3FAE] =	sst s10  }
0x38: {  	s10 =	sld [smem:$0x3FAF]  }
0x39: {  	_ = 	snop;
	(pc) =	sbr.ind lr, $3  }
0x3a: {  	_ = 	snop  }
0x3b: {  	_ = 	snop  }
0x3c: {  	p2 =	seq.s32 s10, $0x1;
	s10 =	sld [smem:$0x3FAE]  }
0x3d: {  	_ =	shalt  }
0x3e: {  	_ =	shalt  }
0x3f: {  	_ =	shalt  }
0x40: {  	_ =	shalt  }
0x41: {  	_ =	shalt  }
0x42: {  	_ =	shalt  }
0x43: {  	_ =	shalt  }
0x44: {  	_ =	shalt  }
0x45: {  	_ =	shalt  }
0x46: {  	_ =	shalt  }
0x47: {  	_ =	shalt  }
0x48: {  	_ =	shalt  }
0x49: {  	_ =	shalt  }
0x4a: {  	_ =	shalt  }
0x4b: {  	_ =	shalt  }
0x4c: {  	_ =	shalt  }
0x4d: {  	_ =	shalt  }
0x4e: {  	_ =	shalt  }
0x4f: {  	_ =	shalt  }
0x50: {  	_ =	shalt  }
0x51: {  	_ =	shalt  }
0x52: {  	_ =	shalt  }
0x53: {  	_ =	shalt  }
0x54: {  	_ =	shalt  }
0x55: {  	_ =	shalt  }
0x56: {  	_ =	shalt  }
0x57: {  	_ =	shalt  }
0x58: {  	_ =	shalt  }
0x59: {  	_ =	shalt  }
0x5a: {  	_ =	shalt  }
0x5b: {  	_ =	shalt  }
0x5c: {  	_ =	shalt  }
0x5d: {  	_ =	shalt  }
0x5e: {  	_ =	shalt  }
0x5f: {  	_ =	shalt  }
0x60: {  	_ =	shalt  }
0x61: {  	_ =	shalt  }
0x62: {  	_ =	shalt  }
0x63: {  	_ =	shalt  }
0x64: {  	_ =	shalt  }
0x65: {  	_ =	shalt  }
0x66: {  	_ =	shalt  }
0x67: {  	_ =	shalt  }
0x68: {  	_ =	shalt  }
0x69: {  	_ =	shalt  }
0x6a: {  	_ =	shalt  }
0x6b: {  	_ =	shalt  }
0x6c: {  	_ =	shalt  }
0x6d: {  	_ =	shalt  }
0x6e: {  	_ =	shalt  }
0x6f: {  	_ =	shalt  }
0x70: {  	_ =	shalt  }
0x71: {  	_ =	shalt  }
0x72: {  	_ =	shalt  }
0x73: {  	_ =	shalt  }
0x74: {  	_ =	shalt  }
0x75: {  	_ =	shalt  }
0x76: {  	_ =	shalt  }
0x77: {  	_ =	shalt  }
0x78: {  	_ =	shalt  }
0x79: {  	_ =	shalt  }
0x7a: {  	_ =	shalt  }
0x7b: {  	_ =	shalt  }
0x7c: {  	_ =	shalt  }
0x7d: {  	_ =	shalt  }
0x7e: {  	_ =	shalt  }
0x7f: {  	_ =	shalt  }
0x80: {  	_ =	shalt  }
0x81: {  	_ =	shalt  }
0x82: {  	_ =	shalt  }
0x83: {  	_ =	shalt  }
0x84: {  	_ =	shalt  }
0x85: {  	_ =	shalt  }
0x86: {  	_ =	shalt  }
0x87: {  	_ =	shalt  }
.Lfunc_end0:
.L_simem_size_0:
called_computation.3_lowered:
.L_overlay_start_0:
0x88: {  	s2 =	sld [smem:$0x3FD9]  }
0x89: {  	s3 =	sld [smem:$0x3FFE];
	_ =	sdelay $0x1  }
0x8a: {  	s1 =	srdreg.scid  }
0x8b: {  	s0 =	sand.u32 $0x1, s1  }
0x8c: {  	s16 =	sshll.u32 s0, $0xA;
	s2 =	sadd.s32 s3, s2  }
0x8d: {  	s2 =	sadd.s32 s2, s16  }
0x8e: {  	[smem:$0x3FBA] =	sst s2  }
0x8f: {  	_ = 	snop  }
0x90: {  	(tm) =	ssettm $0x1  }
0x91: {  	s17 =	sld [smem:$0x3FFB];
	_ =	sdelay $0x3  }
0x92: {  	_ =	strace s17  }
0x93: {  	s2 =	sld [smem:$0x3FFC];
	_ =	sdelay $0x3  }
0x94: {  	_ =	strace s2  }
0x95: {  	s2 =	sld [smem:$0x3FFD];
	_ =	sdelay $0x3  }
0x96: {  	_ =	strace s2  }
0x97: {  	_ =	strace $0x8FFFFFFF  }
0x98: {  	s18 =	sld [smem:$0x3FDB];
	_ =	sdelay $0x1  }
0x99: {  	s19 =	simm.s32 $_scs_section_size  }
0x9a: {  	s4 =	simm.s32 $_size__tile_overlayer_lowered;
	s5 =	simm.s32 $_tile_overlayer_lowered  }
0x9b: {  	s22 =	simm.s32 $0x1BFF;
	s21 =	sshll.u32 s5, $0x1;
	s2 =	sadd.s32 s19, s18  }
0x9c: {  	s6 =	simm.s32 $0x0;
	s20 =	sshll.u32 s4, $0x1;
	s4 =	sadd.s32 s21, s2  }
0x9d: {  	[timem:s6], [sflag:s22] =	dma.local [hbm:s4], s20  }
0x9e: {  	_ =	swait.ge [sflag:s22], s20  }
0x9f: {  	s3 =	ssub.s32 $0x0, s20;
	[sflag:s22] =	ssyncset.done $0x0  }
0xa0: {  	[sflag:s22] =	ssyncadd.s32 s3;
	_ =	sdelay $0x1  }
0xa1: {  	s23 =	simm.s32 $0x1B8B  }
0xa2: {  	_ =	swait.ge [sflag:s23], $0x1  }
0xa3: {  	[sflag:s23] =	ssyncset.done $0x0  }
0xa4: {  	s25 =	simm.s32 $0x1B8E;
	s24 =	sld [smem:$0x3FFE];
	[sflag:s23] =	ssyncadd.s32 $0xFFFFFFFF  }
0xa5: {  	s26 =	simm.s32 $execute0_lowered;
	[smem:$0x3FD2] =	sst s25  }
0xa6: {  	s4 =	sshll.u32 s26, $0x1;
	_ =	strace $0x8000004F;
	[dreg:$0x1] =	wrdreg $0xFFFFFFFF  }
0xa7: {  	s28 =	simm.s32 $_size_execute0_lowered;
	s2 =	sadd.s32 s2, s4;
	[dreg:$0x0] =	wrdreg $0x0  }
0xa8: {  	s4 =	sshll.u32 s28, $0x1;
	[dreg:$0x2] =	wrdreg s2  }
0xa9: {  	[dreg:$0x3] =	wrdreg s4  }
0xaa: {  	[dreg:$0x4] =	wrdreg $0xC0  }
0xab: {  	_ =	task [dreg:s6], $0x5FFFF  }
0xac: {  	[dreg:$0x1] =	wrdreg $0xFFFFFFFF  }
0xad: {  	[dreg:$0x0] =	wrdreg $0x60  }
0xae: {  	[dreg:$0x2] =	wrdreg s24  }
0xaf: {  	[dreg:$0x3] =	wrdreg $0xB8000  }
0xb0: {  	[dreg:$0x4] =	wrdreg $0x9  }
0xb1: {  	_ =	task.clear_ibuf [dreg:s6], $0x5FFFF;
	_ =	strace $0x9000004F  }
0xb2: {  	s29 =	simm.s32 $0x9;
	_ =	strace $0x80000051  }
0xb3: {  	_ =	swait.ge [sflag:s29], $0x1  }
0xb4: {  	[sflag:s29] =	ssyncadd.s32 $0xFFFFFFFF  }
0xb5: {  	_ =	strace $0x90000051  }
0xb6: {  	_ =	sfence  }
0xb7: {  	s30 =	sld [smem:$0x0];
	_ =	sdelay $0x2  }
0xb8: {  	s31 =	sshll.u32 s1, $0xD;
	s1 =	sshrl.u32 s1, $0x2  }
0xb9: {  	s3 =	sand.u32 $0x4000, s31;
	s1 =	sadd.s32 s1, s30  }
0xba: {  	s0 =	sor.u32 s3, s0;
	s1 =	sshll.u32 s1, $0x11  }
0xbb: {  	s0 =	sor.u32 s1, s0  }
0xbc: {  	s0 =	sadd.s32 $0x8F2B, s0  }
0xbd: {  	[sflag:s0] =	ssyncadd.remote.s32 $0x1  }
0xbe: {  	_ =	sfence.sel $0xFFFF  }
0xbf: {  	[dreg:$0x0] =	wrdreg $0xFFFFFFFF;
	(pc) =	sbr.abs _section_cstart, $3  }
0xc0: {  	[dreg:$0x1] =	wrdreg $0xFFFFFFFF  }
0xc1: {  	_ =	task.clear_ibuf [dreg:s6], $0x2FFFF;
	_ =	strace $0x9FFFFFFF  }
0xc2: {  	(tm) =	ssettm $0x7FFFFFFF  }
0xc3: {  	_ =	shalt  }
tec
execute0_lowered:
.L_overlay_start_1:
0x0: {  	(tag) =	ssettag $0x1  }
0x1: {  	s0 =	rddreg [dreg:$0x0]  }
0x2: {  	s1 =	srdreg.scid;
	s11 =	stileid.u32  }
0x3: {  	s3 =	simm.s32 $0x0;
	s1 =	sand.u32 $0x1, s1;
	s7 =	smul.u32 $0x50000, s11  }
0x4: {  	s4 =	sshll.u32 s11, $0x1;
	[smem:$0x7FF] =	sst s3;
	s10 =	smul.u32 $0x14000, s11  }
0x5: {  	s8 =	sadd.s32 $0xCBC200, s0;
	s11 =	smul.u32 $0x280000, s11;
	s4 =	sor.u32 s1, s4  }
0x6: {  	s6 =	ssub.s32 $0x2, s1;
	p0 =	seq.s32 s1, $0x1;
	s1 =	smul.u32 $0x140000, s1  }
0x7: {  	s2 =	rddreg [dreg:$0x1];
	_ =	strace $0x80000050;
	s5 =	smul.u32 $0x500, s4  }
0x8: {  	s9 =	sshrl.u32 s6, $0x1;
	s7 =	sshrl.u32 s7, $0x2;
	s4 =	smul.u32 $0x28000, s4  }
0x9: {  	s25 =	sshrl.u32 s10, $0x3;
	s6 =	ssub.s32 s6, s9;
	s7 =	sadd.s32 s7, s2  }
0xa: {  	s9 =	simm.s32 $0x43000;
	s1 =	sadd.s32 s1, s11;
	s16 =	sadd.s32 $0x1000, s7  }
0xb: {  	s5 =	sadd.s32 s5, s0;
	s17 =	sadd.s32 $0x2000, s7;
	[dreg:$0x4] =	wrdreg s16  }
0xc: {  	s18 =	sadd.s32 $0x3000, s7;
	s19 =	sadd.s32 $0x4000, s7;
	[dreg:$0x5] =	wrdreg s17  }
0xd: {  	s20 =	sadd.s32 $0x5000, s7;
	s21 =	sadd.s32 $0x6000, s7;
	[dreg:$0x6] =	wrdreg s18  }
0xe: {  	s22 =	sadd.s32 $0x7000, s7;
	s23 =	sadd.s32 $0x8000, s7;
	[dreg:$0x7] =	wrdreg s19  }
0xf: {  	s24 =	sadd.s32 $0x9000, s7;
	s15 =	sadd.s32 $0xA000, s7;
	[dreg:$0x8] =	wrdreg s20  }
0x10: {  	s9 =	simm.s32 @!p0 $0x1B000;
	s26 =	sor.u32 $0xC000, s1;
	[dreg:$0x9] =	wrdreg s21  }
0x11: {  	s1 =	sor.u32 $0x8000, s1;
	s28 =	sadd.s32 $0x12000, s7;
	[dreg:$0xa] =	wrdreg s22  }
0x12: {  	s29 =	sadd.s32 $0x13000, s7;
	s30 =	smax.u32 s6, $0x1;
	[dreg:$0xb] =	wrdreg s23  }
0x13: {  	s6 =	simm.s32 $0x2800;
	s5 =	sadd.s32 $0x6E00, s5;
	[dreg:$0xc] =	wrdreg s24  }
0x14: {  	s16 =	sadd.s32 $0xB000, s7;
	s0 =	sadd.s32 s9, s0;
	s17 =	sadd.s32 $0xC000, s7  }
0x15: {  	s19 =	sadd.s32 $0xD000, s7;
	s1 =	sshrl.u32 s1, $0x3;
	s20 =	sadd.s32 s8, s4  }
0x16: {  	s23 =	sadd.s32 $0xE000, s7;
	s24 =	sadd.s32 $0xF000, s7;
	s4 =	simm.s32 $0x1  }
0x17: {  	s9 =	simm.s32 $0x2;
	[dreg:$0x3] =	wrdreg s5;
	s5 =	sadd.s32 s10, s2  }
0x18: {  	s18 =	sadd.s32 s0, s25;
	s0 =	sshrl.u32 s26, $0x3;
	s22 =	sadd.s32 s1, s8  }
0x19: {  	s25 =	sadd.s32 $0x10000, s7;
	s26 =	sadd.s32 $0x11000, s7;
	s31 =	sadd.s32 $0x800, s20  }
0x1a: {  	s1 =	simm.s32 $0xA800;
	s7 =	simm.s32 $0x6800;
	s10 =	simm.s32 $0x0  }
0x1b: {  	v0 =	vimm.f32 $0.0e+00;
	s21 =	sadd.s32 s0, s8;
	s0 =	simm.s32 $0x3;
	s8 =	simm.s32 $0x80  }
.LBB2_1:
0x1c: {  	s11 =	rddreg [dreg:$0x3]  }
0x1d: {  	[tilespmem:s3], [sflag:$0x1] =	stream.linear.gather [hbm4b:s11+s3], $0x2800, $0x38;
	[tilespmem:$0x1F800] =	vst v63  }
0x1e: {  	s12 =	simm.s32 $0x200;
	s11 =	simm.s32 $0x0  }
.LBB2_2:
0x1f: {  	p0 =	sne.s32 s12, $0x3E00;
	[tilespmem:s11+$0xA870] =	vst v0  }
0x20: {  	[tilespmem:s11+$0xA800] =	vst v0  }
0x21: {  	[tilespmem:s11+$0xA810] =	vst v0  }
.Ltmp0:
0x22: {  	[tilespmem:s11+$0xA820] =	vst v0;
	(pc) =	sbr.rel @p0 .LBB2_2-.Ltmp0, $4  }
0x23: {  	[tilespmem:s11+$0xA830] =	vst v0  }
0x24: {  	[tilespmem:s11+$0xA840] =	vst v0  }
0x25: {  	[tilespmem:s11+$0xA850] =	vst v0  }
0x26: {  	[tilespmem:s11+$0xA860] =	vst v0;
	s11 =	sshra.s32 s12, $0x2;
	s12 =	sadd.s32 $0x200, s12  }
0x27: {  	[tilespmem:s11+$0xA870] =	vst v0  }
0x28: {  	[tilespmem:s11+$0xA800] =	vst v0  }
0x29: {  	[tilespmem:s11+$0xA810] =	vst v0  }
0x2a: {  	[tilespmem:s11+$0xA820] =	vst v0  }
0x2b: {  	[tilespmem:s11+$0xA830] =	vst v0  }
0x2c: {  	[tilespmem:s11+$0xA840] =	vst v0  }
0x2d: {  	[tilespmem:s11+$0xA850] =	vst v0  }
0x2e: {  	[tilespmem:s11+$0xA860] =	vst v0  }
0x2f: {  	[spmem:s5] =	stream.linear.scatter [tilespmem:s1], [sflag:$0x3], $0x1000, $0x38;
	[tilespmem:$0x1F800] =	vst v63  }
0x30: {  	_ =	swait.ge [sflag:s0], $0x1000  }
0x31: {  	[sflag:s0] =	ssyncset.done $0x0  }
0x32: {  	s14 =	rddreg [dreg:$0x4];
	[sflag:s0] =	ssyncadd.s32 $0xFFFFF000  }
0x33: {  	[spmem:s14] =	stream.linear.scatter [tilespmem:s1], [sflag:$0x3], $0x1000, $0x38;
	[tilespmem:$0x1F800] =	vst v63  }
0x34: {  	_ =	swait.ge [sflag:s0], $0x1000  }
0x35: {  	[sflag:s0] =	ssyncset.done $0x0  }
0x36: {  	s12 =	rddreg [dreg:$0x5];
	[sflag:s0] =	ssyncadd.s32 $0xFFFFF000  }
0x37: {  	[spmem:s12] =	stream.linear.scatter [tilespmem:s1], [sflag:$0x3], $0x1000, $0x38;
	[tilespmem:$0x1F800] =	vst v63  }
0x38: {  	_ =	swait.ge [sflag:s0], $0x1000  }
0x39: {  	[sflag:s0] =	ssyncset.done $0x0  }
0x3a: {  	s13 =	rddreg [dreg:$0x6];
	[sflag:s0] =	ssyncadd.s32 $0xFFFFF000  }
0x3b: {  	[spmem:s13] =	stream.linear.scatter [tilespmem:s1], [sflag:$0x3], $0x1000, $0x38;
	[tilespmem:$0x1F800] =	vst v63  }
0x3c: {  	_ =	swait.ge [sflag:s0], $0x1000  }
0x3d: {  	[sflag:s0] =	ssyncset.done $0x0  }
0x3e: {  	s14 =	rddreg [dreg:$0x7];
	[sflag:s0] =	ssyncadd.s32 $0xFFFFF000  }
0x3f: {  	[spmem:s14] =	stream.linear.scatter [tilespmem:s1], [sflag:$0x3], $0x1000, $0x38;
	[tilespmem:$0x1F800] =	vst v63  }
0x40: {  	_ =	swait.ge [sflag:s0], $0x1000  }
0x41: {  	[sflag:s0] =	ssyncset.done $0x0  }
0x42: {  	s12 =	rddreg [dreg:$0x8];
	[sflag:s0] =	ssyncadd.s32 $0xFFFFF000  }
0x43: {  	[spmem:s12] =	stream.linear.scatter [tilespmem:s1], [sflag:$0x3], $0x1000, $0x38;
	[tilespmem:$0x1F800] =	vst v63  }
0x44: {  	_ =	swait.ge [sflag:s0], $0x1000  }
0x45: {  	[sflag:s0] =	ssyncset.done $0x0  }
0x46: {  	s13 =	rddreg [dreg:$0x9];
	[sflag:s0] =	ssyncadd.s32 $0xFFFFF000  }
0x47: {  	[spmem:s13] =	stream.linear.scatter [tilespmem:s1], [sflag:$0x3], $0x1000, $0x38;
	[tilespmem:$0x1F800] =	vst v63  }
0x48: {  	_ =	swait.ge [sflag:s0], $0x1000  }
0x49: {  	[sflag:s0] =	ssyncset.done $0x0  }
0x4a: {  	s14 =	rddreg [dreg:$0xa];
	[sflag:s0] =	ssyncadd.s32 $0xFFFFF000  }
0x4b: {  	[spmem:s14] =	stream.linear.scatter [tilespmem:s1], [sflag:$0x3], $0x1000, $0x38;
	[tilespmem:$0x1F800] =	vst v63  }
0x4c: {  	_ =	swait.ge [sflag:s0], $0x1000  }
0x4d: {  	[sflag:s0] =	ssyncset.done $0x0  }
0x4e: {  	s12 =	rddreg [dreg:$0xb];
	[sflag:s0] =	ssyncadd.s32 $0xFFFFF000  }
0x4f: {  	[spmem:s12] =	stream.linear.scatter [tilespmem:s1], [sflag:$0x3], $0x1000, $0x38;
	[tilespmem:$0x1F800] =	vst v63  }
0x50: {  	_ =	swait.ge [sflag:s0], $0x1000  }
0x51: {  	[sflag:s0] =	ssyncset.done $0x0  }
0x52: {  	s13 =	rddreg [dreg:$0xc];
	[sflag:s0] =	ssyncadd.s32 $0xFFFFF000  }
0x53: {  	[spmem:s13] =	stream.linear.scatter [tilespmem:s1], [sflag:$0x3], $0x1000, $0x38;
	[tilespmem:$0x1F800] =	vst v63  }
0x54: {  	_ =	swait.ge [sflag:s0], $0x1000  }
0x55: {  	[sflag:s0] =	ssyncset.done $0x0  }
0x56: {  	[sflag:s0] =	ssyncadd.s32 $0xFFFFF000  }
0x57: {  	[spmem:s15] =	stream.linear.scatter [tilespmem:s1], [sflag:$0x3], $0x1000, $0x38;
	[tilespmem:$0x1F800] =	vst v63  }
0x58: {  	_ =	swait.ge [sflag:s0], $0x1000  }
0x59: {  	[sflag:s0] =	ssyncset.done $0x0  }
0x5a: {  	[sflag:s0] =	ssyncadd.s32 $0xFFFFF000  }
0x5b: {  	[spmem:s16] =	stream.linear.scatter [tilespmem:s1], [sflag:$0x3], $0x1000, $0x38;
	[tilespmem:$0x1F800] =	vst v63  }
0x5c: {  	_ =	swait.ge [sflag:s0], $0x1000  }
0x5d: {  	[sflag:s0] =	ssyncset.done $0x0  }
0x5e: {  	[sflag:s0] =	ssyncadd.s32 $0xFFFFF000  }
0x5f: {  	[spmem:s17] =	stream.linear.scatter [tilespmem:s1], [sflag:$0x3], $0x1000, $0x38;
	[tilespmem:$0x1F800] =	vst v63  }
0x60: {  	_ =	swait.ge [sflag:s0], $0x1000  }
0x61: {  	[sflag:s0] =	ssyncset.done $0x0  }
0x62: {  	[sflag:s0] =	ssyncadd.s32 $0xFFFFF000  }
0x63: {  	[spmem:s19] =	stream.linear.scatter [tilespmem:s1], [sflag:$0x3], $0x1000, $0x38;
	[tilespmem:$0x1F800] =	vst v63  }
0x64: {  	_ =	swait.ge [sflag:s0], $0x1000  }
0x65: {  	[sflag:s0] =	ssyncset.done $0x0  }
0x66: {  	[sflag:s0] =	ssyncadd.s32 $0xFFFFF000  }
0x67: {  	[spmem:s23] =	stream.linear.scatter [tilespmem:s1], [sflag:$0x3], $0x1000, $0x38;
	[tilespmem:$0x1F800] =	vst v63  }
0x68: {  	_ =	swait.ge [sflag:s0], $0x1000  }
0x69: {  	[sflag:s0] =	ssyncset.done $0x0  }
0x6a: {  	[sflag:s0] =	ssyncadd.s32 $0xFFFFF000  }
0x6b: {  	[spmem:s24] =	stream.linear.scatter [tilespmem:s1], [sflag:$0x3], $0x1000, $0x38;
	[tilespmem:$0x1F800] =	vst v63  }
0x6c: {  	_ =	swait.ge [sflag:s0], $0x1000  }
0x6d: {  	[sflag:s0] =	ssyncset.done $0x0  }
0x6e: {  	[sflag:s0] =	ssyncadd.s32 $0xFFFFF000  }
0x6f: {  	[spmem:s25] =	stream.linear.scatter [tilespmem:s1], [sflag:$0x3], $0x1000, $0x38;
	[tilespmem:$0x1F800] =	vst v63  }
0x70: {  	_ =	swait.ge [sflag:s0], $0x1000  }
0x71: {  	[sflag:s0] =	ssyncset.done $0x0  }
0x72: {  	[sflag:s0] =	ssyncadd.s32 $0xFFFFF000  }
0x73: {  	[spmem:s26] =	stream.linear.scatter [tilespmem:s1], [sflag:$0x3], $0x1000, $0x38;
	[tilespmem:$0x1F800] =	vst v63  }
0x74: {  	_ =	swait.ge [sflag:s0], $0x1000  }
0x75: {  	[sflag:s0] =	ssyncset.done $0x0  }
0x76: {  	[sflag:s0] =	ssyncadd.s32 $0xFFFFF000  }
0x77: {  	[spmem:s28] =	stream.linear.scatter [tilespmem:s1], [sflag:$0x3], $0x1000, $0x38;
	[tilespmem:$0x1F800] =	vst v63  }
0x78: {  	_ =	swait.ge [sflag:s0], $0x1000  }
0x79: {  	[sflag:s0] =	ssyncset.done $0x0  }
0x7a: {  	[sflag:s0] =	ssyncadd.s32 $0xFFFFF000  }
0x7b: {  	[spmem:s29] =	stream.linear.scatter [tilespmem:s1], [sflag:$0x3], $0x1000, $0x38;
	[tilespmem:$0x1F800] =	vst v63  }
0x7c: {  	_ =	swait.ge [sflag:s0], $0x1000  }
0x7d: {  	[sflag:s0] =	ssyncset.done $0x0  }
0x7e: {  	[sflag:s0] =	ssyncadd.s32 $0xFFFFF000  }
0x7f: {  	_ =	swait.ge [sflag:s4], $0x2800  }
0x80: {  	[sflag:s4] =	ssyncset.done $0x0  }
0x81: {  	[sflag:s4] =	ssyncadd.s32 $0xFFFFD800  }
0x82: {  	s14 =	simm.s32 $0x0;
	[bflag:$0x0] =	sbarrier.arrive $0xFFFF  }
0x83: {  	[tilespmem:s6], [sflag:$0x1] =	stream.linear.gather [hbm4b:s20+s14], $0x4000, $0x38;
	[tilespmem:$0x1F800] =	vst v63  }
0x84: {  	_ = 	snop  }
0x85: {  	[tilespmem:s7], [sflag:$0x2] =	stream.linear.gather [hbm4b:s31+s14], $0x4000, $0x38;
	[tilespmem:$0x1F800] =	vst v63  }
0x86: {  	_ =	swait.ge [sflag:s4], $0x4000  }
0x87: {  	[sflag:s4] =	ssyncset.done $0x0  }
0x88: {  	s12 =	simm.s32 $0x0;
	[sflag:s4] =	ssyncadd.s32 $0xFFFFC000  }
0x89: {  	[spmem:s2] =	stream.indirect.scatter.add.f32 [tilespmem:s6], [sflag:$0x3], $0x80, s12, s8, $0xb8;
	[tilespmem:$0x1F800] =	vst v63  }
0x8a: {  	_ =	swait.ge [sflag:s0], $0x4000  }
0x8b: {  	[sflag:s0] =	ssyncset.done $0x0  }
0x8c: {  	s13 =	sadd.s32 $0x0, s22;
	[sflag:s0] =	ssyncadd.s32 $0xFFFFC000  }
0x8d: {  	[tilespmem:s6], [sflag:$0x1] =	stream.linear.gather [hbm4b:s13+s3], $0x4000, $0x38;
	[tilespmem:$0x1F800] =	vst v63  }
0x8e: {  	_ =	swait.ge [sflag:s9], $0x4000  }
0x8f: {  	[sflag:s9] =	ssyncset.done $0x0  }
0x90: {  	s14 =	simm.s32 $0x80;
	[sflag:s9] =	ssyncadd.s32 $0xFFFFC000  }
0x91: {  	[spmem:s2] =	stream.indirect.scatter.add.f32 [tilespmem:s7], [sflag:$0x3], $0x80, s14, s8, $0xb8;
	[tilespmem:$0x1F800] =	vst v63  }
0x92: {  	_ =	swait.ge [sflag:s0], $0x4000  }
0x93: {  	s11 =	simm.s32 $0x1000;
	[sflag:s0] =	ssyncset.done $0x0  }
0x94: {  	s12 =	simm.s32 $0x180;
	s13 =	sadd.s32 $0x0, s21;
	[sflag:s0] =	ssyncadd.s32 $0xFFFFC000  }
.LBB2_4:
0x95: {  	[tilespmem:s7], [sflag:$0x2] =	stream.linear.gather [hbm4b:s13+s3], $0x4000, $0x38;
	[tilespmem:$0x1F800] =	vst v63  }
0x96: {  	s13 =	smov.u32 s11  }
0x97: {  	p0 =	sne.s32 s11, $0x26000;
	s11 =	sadd.s32 $0x1000, s11;
	_ =	swait.ge [sflag:s4], $0x4000  }
0x98: {  	[sflag:s4] =	ssyncset.done $0x0  }
0x99: {  	s14 =	sadd.s32 $0xFFFFFF80, s12;
	[sflag:s4] =	ssyncadd.s32 $0xFFFFC000  }
0x9a: {  	[spmem:s2] =	stream.indirect.scatter.add.f32 [tilespmem:s6], [sflag:$0x3], $0x80, s14, s8, $0xb8;
	[tilespmem:$0x1F800] =	vst v63  }
0x9b: {  	_ =	swait.ge [sflag:s0], $0x4000  }
0x9c: {  	[sflag:s0] =	ssyncset.done $0x0  }
0x9d: {  	s14 =	sadd.s32 s13, s22;
	[sflag:s0] =	ssyncadd.s32 $0xFFFFC000  }
0x9e: {  	[tilespmem:s6], [sflag:$0x1] =	stream.linear.gather [hbm4b:s14+s3], $0x4000, $0x38;
	[tilespmem:$0x1F800] =	vst v63  }
0x9f: {  	_ =	swait.ge [sflag:s9], $0x4000  }
0xa0: {  	[sflag:s9] =	ssyncset.done $0x0  }
.Ltmp1:
0xa1: {  	[sflag:s9] =	ssyncadd.s32 $0xFFFFC000;
	(pc) =	sbr.rel @p0 .LBB2_4-.Ltmp1, $4  }
0xa2: {  	[spmem:s2] =	stream.indirect.scatter.add.f32 [tilespmem:s7], [sflag:$0x3], $0x80, s12, s8, $0xb8;
	[tilespmem:$0x1F800] =	vst v63  }
0xa3: {  	_ =	swait.ge [sflag:s0], $0x4000  }
0xa4: {  	[sflag:s0] =	ssyncset.done $0x0  }
0xa5: {  	s13 =	sadd.s32 s13, s21;
	s12 =	sadd.s32 $0x100, s12;
	[sflag:s0] =	ssyncadd.s32 $0xFFFFC000  }
0xa6: {  	[tilespmem:s7], [sflag:$0x2] =	stream.linear.gather [hbm4b:s13+s3], $0x4000, $0x38;
	[tilespmem:$0x1F800] =	vst v63  }
0xa7: {  	_ =	swait.ge [sflag:s4], $0x4000  }
0xa8: {  	[sflag:s4] =	ssyncset.done $0x0  }
0xa9: {  	s11 =	simm.s32 $0x2700;
	[sflag:s4] =	ssyncadd.s32 $0xFFFFC000  }
0xaa: {  	[spmem:s2] =	stream.indirect.scatter.add.f32 [tilespmem:s6], [sflag:$0x3], $0x80, s11, s8, $0xb8;
	[tilespmem:$0x1F800] =	vst v63  }
0xab: {  	_ =	swait.ge [sflag:s0], $0x4000  }
0xac: {  	[sflag:s0] =	ssyncset.done $0x0  }
0xad: {  	[sflag:s0] =	ssyncadd.s32 $0xFFFFC000  }
0xae: {  	_ =	swait.ge [sflag:s9], $0x4000  }
0xaf: {  	[sflag:s9] =	ssyncset.done $0x0  }
0xb0: {  	s13 =	simm.s32 $0x2780;
	[sflag:s9] =	ssyncadd.s32 $0xFFFFC000  }
0xb1: {  	[spmem:s2] =	stream.indirect.scatter.add.f32 [tilespmem:s7], [sflag:$0x3], $0x80, s13, s8, $0xb8;
	[tilespmem:$0x1F800] =	vst v63  }
0xb2: {  	s14 =	stileid.u32;
	_ =	swait.ge [sflag:s0], $0x4000  }
0xb3: {  	s12 =	sshrl.u32 s5, $0x3;
	s10 =	sadd.s32 $0x1, s10;
	[sflag:s0] =	ssyncset.done $0x0  }
0xb4: {  	p0 =	sne.s32 s10, s30;
	s11 =	sshll.u32 s14, $0x6;
	[sflag:s0] =	ssyncadd.s32 $0xFFFFC000  }
.Ltmp2:
0xb5: {  	s11 =	sor.u32 $0x1C03, s11;
	[bflag:$0x0] =	sbarrier.arrive $0xFFFF;
	(pc) =	sbr.rel @p0 .LBB2_1-.Ltmp2, $4  }
0xb6: {  	[hbm:s18], [sflag:s11] =	dma.local [spmem:s12], $0x2800  }
0xb7: {  	_ =	swait.ge [sflag:s0], $0x2800  }
0xb8: {  	[sflag:s0] =	ssyncset.done $0x0  }
0xb9: {  	[sflag:s0] =	ssyncadd.s32 $0xFFFFD800  }
0xba: {  	_ =	sfence.sel $0x180000  }
0xbb: {  	[bflag:$0x0] =	sbarrier.arrive $0xFFFF  }
0xbc: {  	_ =	strace $0x90000050  }
0xbd: {  	s0 =	stileid.u32;
	[bflag:$0x2] =	sbarrier.arrive $0xFFFF  }
0xbe: {  	p0 =	sne.s32 s0, $0x0;
	s0 =	rddreg [dreg:$0x2]  }
0xbf: {  	s0 =	sadd.s32 @!p0 $0x100000, s0  }
0xc0: {  	[sflag:s0] =	ssyncadd.tile.s32 @!p0 $0x1;
	_ =	shalt  }
.Lfunc_end2:
_tile_overlayer_lowered:
.L_overlay_start_2:
0xc1: {  	(tag) =	ssettag $0x2  }
0xc2: {  	s0 =	rddreg [dreg:$0x0];
	s2 =	stileid.u32  }
0xc3: {  	s1 =	rddreg [dreg:$0x1];
	p0 =	sne.s32 s2, $0x0  }
0xc4: {  	s3 =	rddreg [dreg:$0x2];
	[bflag:$0x3] =	sbarrier.arrive $0xFFFF;
	s2 =	simm.s32 @!p0 $0x1C03  }
0xc5: {  	[timem:s3], [sflag:s2] =	dma.local @!p0 [hbm:s0], s1  }
0xc6: {  	s0 =	simm.s32 @!p0 $0x3  }
0xc7: {  	_ =	swait.ge @!p0 [sflag:s0], s1  }
0xc8: {  	s1 =	ssub.s32 @!p0 $0x0, s1;
	[sflag:s0] =	ssyncset.done @!p0 $0x0  }
0xc9: {  	[sflag:s0] =	ssyncadd.s32 @!p0 s1  }
0xca: {  	[bflag:$0x3] =	sbarrier.arrive $0xFFFF  }
0xcb: {  	_ =	shalt  }

</sc_bundles>
